<compile_context>
chip_gen: v7x
topology: tpu7x:2x2x1
jax: 0.10.2.dev20260603
libtpu: 0.0.44.dev20260713+nightly
codegen_flags: <defaults>
</compile_context>

<pallas_src>
import jax
import jax.numpy as jnp
from jax.experimental import pallas as pl

N = 8
C_IN = 384
H = 56
W = 56
OUT = 384
N_HASHES = 4
CHUNK = 14
GROUPS = 8
KSIZE = 56
GP = OUT // GROUPS
F_GW = 0.1
F_GV1 = 0.1
F_GV2 = 1.0

B = N * W
COLS = B * H
QKV = OUT * 3 // 2
WM = OUT // 2
NB = 4
NEG = -1e30


def _qkv_kernel(w_ref, x_ref, o_ref, sum_ref, sq_ref):
    q = jnp.dot(w_ref[...], x_ref[...], preferred_element_type=jnp.float32)
    o_ref[...] = q
    s = jnp.sum(q, axis=1, keepdims=True)
    s2 = jnp.sum(q * q, axis=1, keepdims=True)

    @pl.when(pl.program_id(0) == 0)
    def _init():
        sum_ref[...] = s
        sq_ref[...] = s2

    @pl.when(pl.program_id(0) != 0)
    def _acc():
        sum_ref[...] += s
        sq_ref[...] += s2


def _qkv_bn(x, conv_w):
    xq = jnp.transpose(x, (1, 0, 3, 2)).reshape(C_IN, COLS)
    bw = 3584 if COLS % 3584 == 0 else COLS
    grid = COLS // bw
    qkv_all, ssum, ssq = pl.pallas_call(
        _qkv_kernel,
        grid=(grid,),
        in_specs=[
            pl.BlockSpec((QKV, C_IN), lambda i: (0, 0)),
            pl.BlockSpec((C_IN, bw), lambda i: (0, i)),
        ],
        out_specs=[
            pl.BlockSpec((QKV, bw), lambda i: (0, i)),
            pl.BlockSpec((QKV, 1), lambda i: (0, 0)),
            pl.BlockSpec((QKV, 1), lambda i: (0, 0)),
        ],
        out_shape=[
            jax.ShapeDtypeStruct((QKV, COLS), jnp.float32),
            jax.ShapeDtypeStruct((QKV, 1), jnp.float32),
            jax.ShapeDtypeStruct((QKV, 1), jnp.float32),
        ],
    )(conv_w, xq)
    mean = ssum[:, 0] / COLS
    var = ssq[:, 0] / COLS - mean * mean
    return qkv_all, mean, var


BBS = 4


def _sort_kernel(qkv_ref, sm_ref, sh_ref, rot_ref, sw_ref, sv_ref, pos_ref):
    bh = BBS * H
    rows = jax.lax.broadcasted_iota(jnp.int32, (bh, bh), 0)
    cols = jax.lax.broadcasted_iota(jnp.int32, (bh, bh), 1)
    lmat = ((rows >= cols) & (rows // H == cols // H)).astype(jnp.float32)
    emat = (cols == (rows // H) * H + (H - 1)).astype(jnp.float32)
    i16r = jax.lax.broadcasted_iota(jnp.int32, (4 * NB, 4 * NB), 0)
    i16c = jax.lax.broadcasted_iota(jnp.int32, (4 * NB, 4 * NB), 1)
    su16 = ((i16r // NB == i16c // NB) &
            (i16r % NB < i16c % NB)).astype(jnp.float32)
    fmat = (jax.lax.broadcasted_iota(jnp.int32, (4 * NB, N_HASHES), 0) // NB ==
            jax.lax.broadcasted_iota(jnp.int32, (4 * NB, N_HASHES), 1)
            ).astype(jnp.float32)
    lane16 = jax.lax.broadcasted_iota(jnp.int32, (bh, 4 * NB), 1)
    lane56 = jax.lax.broadcasted_iota(jnp.int32, (H, H), 1)
    sm = sm_ref[...]
    sh = sh_ref[...]
    rot = rot_ref[...]

    qns = [qkv_ref[lb] * sm + sh for lb in range(BBS)]
    wm = jnp.concatenate([qn[:, :WM] for qn in qns], axis=0)
    rotated = jnp.dot(wm, rot,
                      preferred_element_type=jnp.float32)
    oh_cols = []
    for h in range(N_HASHES):
        l0 = rotated[:, 2 * h:2 * h + 1]
        l1 = rotated[:, 2 * h + 1:2 * h + 2]
        best = l0
        bi = jnp.zeros((bh, 1), jnp.int32)
        for j, v in ((1, l1), (2, -l0), (3, -l1)):
            upd = v > best
            bi = jnp.where(upd, j, bi)
            best = jnp.maximum(best, v)
        oh_cols.append(bi)
    code16 = jnp.concatenate(
        [oh_cols[h] + NB * h for h in range(N_HASHES)], axis=1)
    onehot = jnp.zeros((bh, 4 * NB), jnp.float32)
    for h in range(N_HASHES):
        onehot += (code16[:, h:h + 1] == lane16).astype(jnp.float32)
    csum = jnp.dot(lmat, onehot,
                   preferred_element_type=jnp.float32)
    totals = jnp.dot(emat, csum,
                     preferred_element_type=jnp.float32)
    offs = jnp.dot(totals, su16,
                   preferred_element_type=jnp.float32)
    posall = jnp.dot(onehot * (offs + csum), fmat,
                     preferred_element_type=jnp.float32) - 1.0
    pos_i = posall.astype(jnp.int32)
    for lb in range(BBS):
        pos_ref[lb] = pos_i[lb * H:(lb + 1) * H, :]
        for h in range(N_HASHES):
            pc = pos_i[lb * H:(lb + 1) * H, h:h + 1]
            pt = (pc == lane56).astype(jnp.float32)
            sorted_h = jax.lax.dot_general(
                pt, qns[lb], (((0,), (0,)), ((), ())),
                preferred_element_type=jnp.float32)
            sw_ref[lb, h] = sorted_h[:, :WM]
            sv_ref[lb, h] = sorted_h[:, WM:]


def _sort_gather(qkv2, scale_map, shift_map, rotf):
    return pl.pallas_call(
        _sort_kernel,
        grid=(B // BBS,),
        in_specs=[
            pl.BlockSpec((BBS, H, QKV), lambda i: (i, 0, 0)),
            pl.BlockSpec((H, QKV), lambda i: (0, 0)),
            pl.BlockSpec((H, QKV), lambda i: (0, 0)),
            pl.BlockSpec((WM, 2 * N_HASHES), lambda i: (0, 0)),
        ],
        out_specs=[
            pl.BlockSpec((BBS, N_HASHES, H, WM), lambda i: (i, 0, 0, 0)),
            pl.BlockSpec((BBS, N_HASHES, H, OUT), lambda i: (i, 0, 0, 0)),
            pl.BlockSpec((BBS, H, N_HASHES), lambda i: (i, 0, 0)),
        ],
        out_shape=[
            jax.ShapeDtypeStruct((B, N_HASHES, H, WM), jnp.float32),
            jax.ShapeDtypeStruct((B, N_HASHES, H, OUT), jnp.float32),
            jax.ShapeDtypeStruct((B, H, N_HASHES), jnp.int32),
        ],
    )(qkv2, scale_map, shift_map, rotf)


def _attn_kernel(ws_ref, vs_ref, we_ref, ve_ref, m7_ref, gb_ref, gbt_ref,
                 out_ref, bsn_ref):
    wes = we_ref[...] * F_GW
    ves = ve_ref[...] * F_GV1
    ci = jax.lax.broadcasted_iota(jnp.int32, (H, H), 0) // CHUNK
    cj = jax.lax.broadcasted_iota(jnp.int32, (H, H), 1) // CHUNK
    allowed = cj != ((ci + 2) & 3)

    qstack = ws_ref[0].reshape(8 * N_HASHES * H, GP // 2)
    nrm = jnp.sqrt(jnp.sum(qstack * qstack, axis=1, keepdims=True))
    qn_stack = qstack / jnp.maximum(nrm, 5e-5)

    def _blk(arr, h, au):
        base = h * 8 * H + au * H
        return arr[base:base + H, :]

    sa_list = []
    for g in range(GROUPS):
        h, a = g // 2, g % 2
        for u in range(N_HASHES):
            au = a * 4 + u
            q = _blk(qstack, h, au)
            rhs = jnp.concatenate([_blk(qn_stack, h, au), wes], axis=0)
            sa_list.append(jax.lax.dot_general(
                q, rhs, (((1,), (1,)), ((), ())),
                preferred_element_type=jnp.float32))
    sa = jnp.concatenate(sa_list, axis=0).reshape(GROUPS, N_HASHES, H, 2 * H)
    ssq = jnp.sum(sa * sa, axis=0)
    den = jnp.maximum(jnp.sqrt(ssq[:, :, :H] + ssq[:, :, H:]), 5e-5)
    ss = (sa[..., :H] + sa[..., H:]) / den[None]
    ssm = jnp.where(allowed[None, None], ss, NEG)
    m = jnp.max(ssm, axis=-1, keepdims=True)
    e = jnp.exp(ssm - m)
    se = jnp.sum(e, axis=-1, keepdims=True)
    bs_all = m + jnp.log(se)
    p_all = e / se

    r96 = []
    for g in range(GROUPS):
        h, a = g // 2, g % 2
        for u in range(N_HASHES):
            au = a * 4 + u
            vcat = jnp.concatenate(
                [vs_ref[0, h][au * H:(au + 1) * H, :], ves], axis=1)
            r96.append(jnp.dot(p_all[g, u], vcat,
                               preferred_element_type=jnp.float32))
    rbig = jnp.concatenate(r96, axis=0)

    m7 = m7_ref[...]
    ssq = jnp.dot(m7, rbig * rbig,
                  preferred_element_type=jnp.float32)
    norms = jnp.zeros((1, 224), jnp.float32)
    for b in range(7):
        norms += jnp.dot(ssq[b:b + 1, :], gb_ref[b],
                         preferred_element_type=jnp.float32)
    recip = 1.0 / jnp.maximum(jnp.sqrt(norms), 5e-5)
    drows = []
    for b in range(7):
        drows.append(jnp.dot(recip, gbt_ref[b],
                             preferred_element_type=jnp.float32))
    drows.append(jnp.zeros((1, 2 * GP), jnp.float32))
    recip_block = jnp.concatenate(drows, axis=0)
    recip_full = jax.lax.dot_general(
        m7, recip_block, (((0,), (0,)), ((), ())),
        preferred_element_type=jnp.float32)
    out_ref[0] = rbig * recip_full

    sq = jnp.sum(bs_all * bs_all, axis=0)
    nb = jnp.maximum(jnp.sqrt(sq), 5e-5)
    acc = jnp.sum(bs_all, axis=0) / nb
    bsn_ref[0] = jnp.concatenate([acc[u] for u in range(N_HASHES)], axis=1)


def _attention(ws_r, vs_r, we_full, ve_full, m7, gb_all, gbt_all):
    return pl.pallas_call(
        _attn_kernel,
        grid=(B,),
        in_specs=[
            pl.BlockSpec((1, N_HASHES, 8 * H, GP // 2), lambda i: (i, 0, 0, 0)),
            pl.BlockSpec((1, N_HASHES, 8 * H, GP), lambda i: (i, 0, 0, 0)),
            pl.BlockSpec((KSIZE, GP // 2), lambda i: (0, 0)),
            pl.BlockSpec((KSIZE, GP), lambda i: (0, 0)),
            pl.BlockSpec((8, 32 * H), lambda i: (0, 0)),
            pl.BlockSpec((7, 2 * GP, N_HASHES * H), lambda i: (0, 0, 0)),
            pl.BlockSpec((7, N_HASHES * H, 2 * GP), lambda i: (0, 0, 0)),
        ],
        out_specs=[
            pl.BlockSpec((1, 32 * H, 2 * GP), lambda i: (i, 0, 0)),
            pl.BlockSpec((1, H, N_HASHES), lambda i: (i, 0, 0)),
        ],
        out_shape=[
            jax.ShapeDtypeStruct((B, 32 * H, 2 * GP), jnp.float32),
            jax.ShapeDtypeStruct((B, H, N_HASHES), jnp.float32),
        ],
    )(ws_r, vs_r, we_full, ve_full, m7, gb_all, gbt_all)


def _combine_kernel(y_ref, bsn_ref, pos_ref, out_ref):
    lane56 = jax.lax.broadcasted_iota(jnp.int32, (H, H), 1)
    for lb in range(BBS):
        ret_u = []
        bs_u = []
        for h in range(N_HASHES):
            pos_i = pos_ref[lb][:, h:h + 1]
            pt = (pos_i == lane56).astype(jnp.float32)
            ret_u.append(jnp.dot(pt, y_ref[lb][h * H:(h + 1) * H, :],
                                 preferred_element_type=jnp.float32))
            bs_u.append(jnp.dot(pt, bsn_ref[lb][:, h:h + 1],
                                preferred_element_type=jnp.float32))
        bsc = jnp.concatenate(bs_u, axis=1)
        m = jnp.max(bsc, axis=1, keepdims=True)
        e = jnp.exp(bsc - m)
        probs = e / jnp.sum(e, axis=1, keepdims=True)
        out = jnp.zeros((H, 2 * OUT), jnp.float32)
        for h in range(N_HASHES):
            out += probs[:, h:h + 1] * ret_u[h]
        out_ref[lb] = out + jnp.roll(out, -1, axis=1)


def _combine(y, bsn, pos):
    return pl.pallas_call(
        _combine_kernel,
        grid=(B // BBS,),
        in_specs=[
            pl.BlockSpec((BBS, N_HASHES * H, 2 * OUT), lambda i: (i, 0, 0)),
            pl.BlockSpec((BBS, H, N_HASHES), lambda i: (i, 0, 0)),
            pl.BlockSpec((BBS, H, N_HASHES), lambda i: (i, 0, 0)),
        ],
        out_specs=pl.BlockSpec((BBS, H, 2 * OUT), lambda i: (i, 0, 0)),
        out_shape=jax.ShapeDtypeStruct((B, H, 2 * OUT), jnp.float32),
    )(y, bsn, pos)


def kernel(x, conv_w, bn_gamma, bn_beta, relative):
    qkv_all, mean, var = _qkv_bn(x, conv_w)
    scale = bn_gamma / jnp.sqrt(var + 1e-5)
    shift = bn_beta - mean * scale

    qkv2 = jnp.transpose(qkv_all.reshape(QKV, B, H), (1, 0, 2)).reshape(
        B, H, QKV)
    scale_map = jnp.broadcast_to(scale[:, None], (QKV, H)).reshape(H, QKV)
    shift_map = jnp.broadcast_to(shift[:, None], (QKV, H)).reshape(H, QKV)
    rotf = jax.random.normal(jax.random.key(42),
                             (WM, N_HASHES, NB // 2),
                             dtype=x.dtype).reshape(WM, 2 * N_HASHES)

    sorted_w, sorted_v, pos = _sort_gather(qkv2, scale_map, shift_map, rotf)
    ws_r = sorted_w.reshape(B, N_HASHES, 8 * H, GP // 2)
    vs_r = sorted_v.reshape(B, N_HASHES, 8 * H, GP)
    we_full = relative[:, :GP // 2]
    ve_full = relative[:, GP // 2:]

    tl = jnp.arange(32 * H, dtype=jnp.int32)
    m7 = (tl[None, :] % 7 == jnp.arange(8, dtype=jnp.int32)[:, None]
          ).astype(jnp.float32)
    cl = jnp.arange(2 * GP, dtype=jnp.int32)
    rl = jnp.arange(N_HASHES * H, dtype=jnp.int32)
    bl = jnp.arange(7, dtype=jnp.int32)
    rmap = (96 * bl[:, None] + cl[None, :]) % 224
    gb_all = (rmap[:, :, None] == rl[None, None, :]).astype(jnp.float32)
    gbt_all = jnp.transpose(gb_all, (0, 2, 1))

    rbn, bsn = _attention(ws_r, vs_r, we_full, ve_full,
                          m7, gb_all, gbt_all)
    y = rbn.reshape(B, N_HASHES * H, 2 * OUT)
    s_out = _combine(y, bsn, pos)
    ret = s_out.reshape(B, H, OUT, 2)[..., 0]
    ret = ret.reshape(N, W, H, OUT)
    return jnp.transpose(ret, (0, 3, 2, 1))

# --- scband reference (transcript-rebuilt; emitter-appended) ---
"""Pipeline reference for scband-sparse-axial-attenion-5411658793657 (READ-ONLY COPY).

The authoritative reference and input builder live on the scoring server;
editing this copy changes nothing except your own understanding.
"""

import jax, jax.numpy as jnp
import numpy as np

N = 8; C_IN = 384; H = 56; W = 56
OUT = 384; N_HASHES = 4; CHUNK = 14; GROUPS = 8; KSIZE = 56
GP = OUT // GROUPS
F_GW = 0.1; F_GV1 = 0.1; F_GV2 = 1.0


def setup_inputs(seed: int = 0):
    key = jax.random.key(seed)
    ks = jax.random.split(key, 4)
    x = jax.random.normal(ks[0], (N, C_IN, H, W), dtype=jnp.float32)
    conv_w = jax.random.normal(ks[1], (OUT * 3 // 2, C_IN), dtype=jnp.float32) * np.sqrt(1.0 / C_IN)
    bn_gamma = jnp.ones((OUT * 3 // 2,), dtype=jnp.float32)
    bn_beta = jnp.zeros((OUT * 3 // 2,), dtype=jnp.float32)
    relative = jax.random.normal(ks[2], (KSIZE, GP * 3 // 2), dtype=jnp.float32) * np.sqrt(1.0 / GP)
    return {"x": x, "conv_w": conv_w, "bn_gamma": bn_gamma, "bn_beta": bn_beta, "relative": relative}


def _normalize(x, axis):
    n = jnp.sqrt(jnp.sum(x * x, axis=axis, keepdims=True))
    return x / jnp.maximum(n, 5e-05)


def _add_adjacent_buckets(x):
    back = jnp.roll(x, 1, axis=3)
    fwd = jnp.roll(x, -1, axis=3)
    return jnp.concatenate([x, back, fwd], axis=4)


def _add_adjacent_buckets_embed(x):
    back = jnp.roll(x, 1, axis=0)
    fwd = jnp.roll(x, -1, axis=0)
    return jnp.concatenate([x, back, fwd], axis=1)


def _forward(x, conv_w, bn_gamma, bn_beta, relative):
    # width=False branch: (N, C, H, W) -> (N, W, C, H)
    xp = jnp.transpose(x, (0, 3, 1, 2))
    Nb, Wd, Cd, Hd = xp.shape
    xf = xp.reshape(Nb * Wd, Cd, Hd)
    hash_buckets = min(Hd // CHUNK + (Hd // CHUNK) % 2, 10)
    # 1x1 conv (qkv_transform) + BatchNorm1d in training mode (batch stats)
    qkv = jnp.einsum('oc,bch->boh', conv_w, xf)
    mean = jnp.mean(qkv, axis=(0, 2), keepdims=True)
    var = jnp.var(qkv, axis=(0, 2), keepdims=True)
    qkv = (qkv - mean) / jnp.sqrt(var + 1e-05) * bn_gamma[None, :, None] + bn_beta[None, :, None]
    # faithful raw reshape as in the torch code (no transpose!)
    qkv = qkv.reshape(Nb * Wd, Hd, OUT * 3 // 2)
    w_match = qkv[:, :, :OUT // 2]
    v_match = qkv[:, :, OUT // 2:]
    # index_select with flatten_index == arange(KSIZE) is identity
    w_embedding = relative[:, :GP // 2]
    v_embedding = relative[:, GP // 2:]
    # LSH hashing (random rotations drawn at forward time)
    rot = jax.random.normal(jax.random.key(42), (OUT // 2, N_HASHES, hash_buckets // 2), dtype=x.dtype)
    rotated = jnp.einsum('btf,fhi->bhti', w_match, rot)
    rotated = jnp.concatenate([rotated, -rotated], axis=-1)
    hash_codes = jnp.argmax(rotated, axis=-1)
    offsets = (jnp.arange(N_HASHES) * hash_buckets).reshape(1, -1, 1)
    hash_codes = (hash_codes + offsets).reshape(Nb * Wd, -1)
    hash_codes = jax.lax.stop_gradient(hash_codes)
    indices = jnp.argsort(hash_codes, axis=-1)
    undo_sort = jnp.argsort(indices, axis=-1)
    mod_indices = indices % Hd
    w_sorted = jnp.take_along_axis(w_match, mod_indices[:, :, None], axis=1)
    v_sorted = jnp.take_along_axis(v_match, mod_indices[:, :, None], axis=1)
    padding = (CHUNK - Hd % CHUNK) if (Hd % CHUNK != 0) else 0
    w_b = w_sorted.reshape(Nb * Wd, N_HASHES, -1, OUT // 2)
    v_b = v_sorted.reshape(Nb * Wd, N_HASHES, -1, OUT)
    we = w_embedding
    ve = v_embedding
    if padding:
        w_b = jnp.concatenate([w_b, w_b[:, :, -padding:, :]], axis=2)
        v_b = jnp.concatenate([v_b, v_b[:, :, -padding:, :]], axis=2)
        we = jnp.concatenate([we, we[-padding:, :]], axis=0)
        ve = jnp.concatenate([ve, ve[-padding:, :]], axis=0)
    w_b = w_b.reshape(Nb * Wd, GROUPS, N_HASHES, -1, CHUNK, GP // 2)
    v_b = v_b.reshape(Nb * Wd, GROUPS, N_HASHES, -1, CHUNK, GP)
    we = we.reshape(-1, CHUNK, GP // 2)
    ve = ve.reshape(-1, CHUNK, GP)
    w_att_match = _normalize(w_b, -1)
    w_att_match = _add_adjacent_buckets(w_att_match)
    v_b3 = _add_adjacent_buckets(v_b)
    we3 = _add_adjacent_buckets_embed(we)
    ve3 = _add_adjacent_buckets_embed(ve)
    raw_score = jnp.einsum('bghkie,bghkje->bghkij', w_b, w_att_match)
    w_add = jnp.einsum('bghkie,kje->bghkij', w_b, we3) * F_GW
    ss = jnp.concatenate([raw_score, w_add], axis=1)
    ss = _normalize(ss, 1).reshape(Nb * Wd, 2, GROUPS, N_HASHES, -1, CHUNK, CHUNK * 3).sum(axis=1)
    bucket_score = jax.scipy.special.logsumexp(ss, axis=-1, keepdims=True)
    score = jnp.exp(ss - bucket_score)
    bucket_score = bucket_score.reshape(Nb * Wd, GROUPS, N_HASHES, -1)
    ret_out = jnp.einsum('bgukij,bgukje->bgukie', score, v_b3) * F_GV2
    ret_emb = jnp.einsum('bgukij,kje->bgukie', score, ve3) * F_GV1
    ret = jnp.concatenate([ret_out, ret_emb], axis=-1).reshape(Nb * Wd, N_HASHES, -1, CHUNK, OUT * 2)
    ret = ret.reshape(Nb * Wd, OUT * 2, N_HASHES, -1, CHUNK)
    ret = _normalize(ret, 1).reshape(Nb * Wd, N_HASHES, -1, CHUNK, OUT, 2).sum(axis=-1)
    bucket_score = _normalize(bucket_score, 1).sum(axis=1)
    ret = ret.reshape(Nb * Wd, N_HASHES, -1, OUT)
    if padding:
        ret = ret[:, :, :-padding, :]
        bucket_score = bucket_score[:, :, :-padding]
    ret = ret.reshape(Nb * Wd, -1, OUT)
    bucket_score = bucket_score.reshape(Nb * Wd, -1)
    ret = jnp.take_along_axis(ret, undo_sort[:, :, None], axis=1)
    bucket_score = jnp.take_along_axis(bucket_score, undo_sort, axis=1)
    ret = ret.reshape(Nb * Wd, N_HASHES, Hd, OUT)
    bucket_score = bucket_score.reshape(Nb * Wd, N_HASHES, Hd, 1)
    probs = jax.nn.softmax(bucket_score, axis=1)
    ret = jnp.sum(ret * probs, axis=1)
    ret = ret.reshape(Nb, Wd, Hd, OUT)
    # undo width=False permutation: (N, W, H, out) -> (N, out, H, W)
    ret = jnp.transpose(ret, (0, 3, 2, 1))
    return ret


def reference(x, conv_w, bn_gamma, bn_beta, relative):
    return _forward(x, conv_w, bn_gamma, bn_beta, relative)

if __name__ == "__main__":
    import jax
    _d = setup_inputs()
    print(jax.jit(kernel)(*tuple(_d.values())))

</pallas_src>

<mosaic_0001>
module attributes {stable_mosaic.version = 14 : i64} {
  func.func @_qkv_kernel(%arg0: i32, %arg1: memref<576x384xf32, #tpu.memory_space<vmem>>, %arg2: memref<384x3584xf32, #tpu.memory_space<vmem>>, %arg3: memref<576x3584xf32, #tpu.memory_space<vmem>>, %arg4: memref<576x1xf32, #tpu.memory_space<vmem>>, %arg5: memref<576x1xf32, #tpu.memory_space<vmem>>) attributes {dimension_semantics = [#tpu.dimension_semantics<arbitrary>], iteration_bounds = array<i64: 7>, scalar_prefetch = 0 : i64, scratch_operands = 0 : i64, tpu.core_type = #tpu.core_type<tc>, window_params = [{pipeline_mode = #tpu.pipeline_mode<synchronous>, transform_indices = @transform_0, window_bounds = array<i64: 576, 384>}, {transform_indices = @transform_1, window_bounds = array<i64: 384, 3584>}, {transform_indices = @transform_2, window_bounds = array<i64: 576, 3584>}, {pipeline_mode = #tpu.pipeline_mode<synchronous>, transform_indices = @transform_3, window_bounds = array<i64: 576, 1>}, {pipeline_mode = #tpu.pipeline_mode<synchronous>, transform_indices = @transform_4, window_bounds = array<i64: 576, 1>}]} {
    %get3A = arith.constant 0 : index
    %get3A_0 = arith.constant 0 : index
    %get3A_1 = vector.load %arg1[%get3A, %get3A_0] : memref<576x384xf32, #tpu.memory_space<vmem>>, vector<576x384xf32>
    %get3A_2 = arith.constant 0 : index
    %get3A_3 = arith.constant 0 : index
    %get3A_4 = vector.load %arg2[%get3A_2, %get3A_3] : memref<384x3584xf32, #tpu.memory_space<vmem>>, vector<384x3584xf32>
    %dot_general3A = arith.constant dense<0.000000e+00> : vector<576x3584xf32>
    %dot_general3A_5 = tpu.matmul %get3A_1, %get3A_4, %dot_general3A {dimension_numbers = #tpu.dot_dimension_numbers<[1], [0], [0], [1], [0, 0, 1, 1], [], []>, transpose_lhs_hint = false} : vector<576x384xf32>, vector<384x3584xf32>, vector<576x3584xf32> -> vector<576x3584xf32>
    %swap3A = arith.constant 0 : index
    %swap3A_6 = arith.constant 0 : index
    %swap3A_7 = vector.load %arg3[%swap3A, %swap3A_6] : memref<576x3584xf32, #tpu.memory_space<vmem>>, vector<576x3584xf32>
    tpu.vector_store %arg3[%swap3A, %swap3A_6], %dot_general3A_5 {strides = array<i32>} : memref<576x3584xf32, #tpu.memory_space<vmem>>, vector<576x3584xf32>,
    %reduce_sum3A = arith.constant dense<0.000000e+00> : vector<576xf32>
    %reduce_sum3A_8 = vector.multi_reduction <add>, %dot_general3A_5, %reduce_sum3A [1] : vector<576x3584xf32> to vector<576xf32>
    %broadcast_in_dim3A = vector.shape_cast %reduce_sum3A_8 : vector<576xf32> to vector<576x1xf32>
    %mul3A = arith.mulf %dot_general3A_5, %dot_general3A_5 : vector<576x3584xf32>
    %reduce_sum3A_9 = arith.constant dense<0.000000e+00> : vector<576xf32>
    %reduce_sum3A_10 = vector.multi_reduction <add>, %mul3A, %reduce_sum3A_9 [1] : vector<576x3584xf32> to vector<576xf32>
    %broadcast_in_dim3A_11 = vector.shape_cast %reduce_sum3A_10 : vector<576xf32> to vector<576x1xf32>
    %eq3A = arith.constant 0 : i32
    %eq3A_12 = arith.cmpi eq, %arg0, %eq3A : i32
    %convert_element_type3A = arith.extui %eq3A_12 : i1 to i32
    %cond3A = arith.constant 0 : i32
    %cond3A_13 = arith.cmpi ne, %convert_element_type3A, %cond3A : i32
    scf.if %cond3A_13 {
      %swap3A_18 = arith.constant 0 : index
      %swap3A_19 = arith.constant 0 : index
      %swap3A_20 = vector.load %arg4[%swap3A_18, %swap3A_19] : memref<576x1xf32, #tpu.memory_space<vmem>>, vector<576x1xf32>
      tpu.vector_store %arg4[%swap3A_18, %swap3A_19], %broadcast_in_dim3A {strides = array<i32>} : memref<576x1xf32, #tpu.memory_space<vmem>>, vector<576x1xf32>,
      %swap3A_21 = arith.constant 0 : index
      %swap3A_22 = arith.constant 0 : index
      %swap3A_23 = vector.load %arg5[%swap3A_21, %swap3A_22] : memref<576x1xf32, #tpu.memory_space<vmem>>, vector<576x1xf32>
      tpu.vector_store %arg5[%swap3A_21, %swap3A_22], %broadcast_in_dim3A_11 {strides = array<i32>} : memref<576x1xf32, #tpu.memory_space<vmem>>, vector<576x1xf32>,
    } else {
    }
    %ne3A = arith.constant 0 : i32
    %ne3A_14 = arith.cmpi ne, %arg0, %ne3A : i32
    %convert_element_type3A_15 = arith.extui %ne3A_14 : i1 to i32
    %cond3A_16 = arith.constant 0 : i32
    %cond3A_17 = arith.cmpi ne, %convert_element_type3A_15, %cond3A_16 : i32
    scf.if %cond3A_17 {
      %get3A_18 = arith.constant 0 : index
      %get3A_19 = arith.constant 0 : index
      %get3A_20 = vector.load %arg4[%get3A_18, %get3A_19] : memref<576x1xf32, #tpu.memory_space<vmem>>, vector<576x1xf32>
      %add3A = arith.addf %get3A_20, %broadcast_in_dim3A : vector<576x1xf32>
      %swap3A_21 = arith.constant 0 : index
      %swap3A_22 = arith.constant 0 : index
      %swap3A_23 = vector.load %arg4[%swap3A_21, %swap3A_22] : memref<576x1xf32, #tpu.memory_space<vmem>>, vector<576x1xf32>
      tpu.vector_store %arg4[%swap3A_21, %swap3A_22], %add3A {strides = array<i32>} : memref<576x1xf32, #tpu.memory_space<vmem>>, vector<576x1xf32>,
      %get3A_24 = arith.constant 0 : index
      %get3A_25 = arith.constant 0 : index
      %get3A_26 = vector.load %arg5[%get3A_24, %get3A_25] : memref<576x1xf32, #tpu.memory_space<vmem>>, vector<576x1xf32>
      %add3A_27 = arith.addf %get3A_26, %broadcast_in_dim3A_11 : vector<576x1xf32>
      %swap3A_28 = arith.constant 0 : index
      %swap3A_29 = arith.constant 0 : index
      %swap3A_30 = vector.load %arg5[%swap3A_28, %swap3A_29] : memref<576x1xf32, #tpu.memory_space<vmem>>, vector<576x1xf32>
      tpu.vector_store %arg5[%swap3A_28, %swap3A_29], %add3A_27 {strides = array<i32>} : memref<576x1xf32, #tpu.memory_space<vmem>>, vector<576x1xf32>,
    } else {
    }
    return
  }
  func.func @transform_0(%arg0: i32) -> (i32, i32) {
    %c0_i32 = arith.constant 0 : i32
    %c0_i32_0 = arith.constant 0 : i32
    %c0_i32_1 = arith.constant 0 : i32
    return %c0_i32, %c0_i32_0 : i32, i32
  }
  func.func @transform_1(%arg0: i32) -> (i32, i32) {
    %c0_i32 = arith.constant 0 : i32
    %c0_i32_0 = arith.constant 0 : i32
    return %c0_i32, %arg0 : i32, i32
  }
  func.func @transform_2(%arg0: i32) -> (i32, i32) {
    %c0_i32 = arith.constant 0 : i32
    %c0_i32_0 = arith.constant 0 : i32
    return %c0_i32, %arg0 : i32, i32
  }
  func.func @transform_3(%arg0: i32) -> (i32, i32) {
    %c0_i32 = arith.constant 0 : i32
    %c0_i32_0 = arith.constant 0 : i32
    %c0_i32_1 = arith.constant 0 : i32
    return %c0_i32, %c0_i32_0 : i32, i32
  }
  func.func @transform_4(%arg0: i32) -> (i32, i32) {
    %c0_i32 = arith.constant 0 : i32
    %c0_i32_0 = arith.constant 0 : i32
    %c0_i32_1 = arith.constant 0 : i32
    return %c0_i32, %c0_i32_0 : i32, i32
  }
}

module attributes {stable_mosaic.version = 14 : i64} {
  func.func @_sort_kernel(%arg0: i32, %arg1: memref<4x56x576xf32, #tpu.memory_space<vmem>>, %arg2: memref<56x576xf32, #tpu.memory_space<vmem>>, %arg3: memref<56x576xf32, #tpu.memory_space<vmem>>, %arg4: memref<192x8xf32, #tpu.memory_space<vmem>>, %arg5: memref<4x4x56x192xf32, #tpu.memory_space<vmem>>, %arg6: memref<4x4x56x384xf32, #tpu.memory_space<vmem>>, %arg7: memref<4x56x4xi32, #tpu.memory_space<vmem>>) attributes {dimension_semantics = [#tpu.dimension_semantics<arbitrary>], iteration_bounds = array<i64: 112>, scalar_prefetch = 0 : i64, scratch_operands = 0 : i64, tpu.core_type = #tpu.core_type<tc>, window_params = [{transform_indices = @transform_0, window_bounds = array<i64: 4, 56, 576>}, {pipeline_mode = #tpu.pipeline_mode<synchronous>, transform_indices = @transform_1, window_bounds = array<i64: 56, 576>}, {pipeline_mode = #tpu.pipeline_mode<synchronous>, transform_indices = @transform_2, window_bounds = array<i64: 56, 576>}, {pipeline_mode = #tpu.pipeline_mode<synchronous>, transform_indices = @transform_3, window_bounds = array<i64: 192, 8>}, {transform_indices = @transform_4, window_bounds = array<i64: 4, 4, 56, 192>}, {transform_indices = @transform_5, window_bounds = array<i64: 4, 4, 56, 384>}, {transform_indices = @transform_6, window_bounds = array<i64: 4, 56, 4>}]} {
    %iota3A = tpu.iota {dimensions = array<i32: 0>} : vector<224x224xi32>
    %iota3A_0 = tpu.iota {dimensions = array<i32: 1>} : vector<224x224xi32>
    %ge3A = arith.cmpi sge, %iota3A, %iota3A_0 : vector<224x224xi32>
    %jit3A = arith.constant 56 : i32
    %div3A = vector.broadcast %jit3A : i32 to vector<224x224xi32>
    %div3A_1 = arith.divsi %iota3A, %div3A : vector<224x224xi32>
    %sign3A = arith.constant 0 : i32
    %sign3A_2 = vector.broadcast %sign3A : i32 to vector<224x224xi32>
    %sign3A_3 = arith.cmpi sgt, %iota3A, %sign3A_2 : vector<224x224xi32>
    %sign3A_4 = arith.extui %sign3A_3 : vector<224x224xi1> to vector<224x224xi32>
    %sign3A_5 = arith.constant 0 : i32
    %sign3A_6 = vector.broadcast %sign3A_5 : i32 to vector<224x224xi32>
    %sign3A_7 = arith.cmpi slt, %iota3A, %sign3A_6 : vector<224x224xi32>
    %sign3A_8 = arith.extui %sign3A_7 : vector<224x224xi1> to vector<224x224xi32>
    %sign3A_9 = arith.subi %sign3A_4, %sign3A_8 : vector<224x224xi32>
    %sign3A_10 = arith.constant 0 : i32
    %sign3A_11 = arith.cmpi sgt, %jit3A, %sign3A_10 : i32
    %sign3A_12 = arith.extui %sign3A_11 : i1 to i32
    %sign3A_13 = arith.constant 0 : i32
    %sign3A_14 = arith.cmpi slt, %jit3A, %sign3A_13 : i32
    %sign3A_15 = arith.extui %sign3A_14 : i1 to i32
    %sign3A_16 = arith.subi %sign3A_12, %sign3A_15 : i32
    %ne3A = vector.broadcast %sign3A_16 : i32 to vector<224x224xi32>
    %ne3A_17 = arith.cmpi ne, %sign3A_9, %ne3A : vector<224x224xi32>
    %rem3A = vector.broadcast %jit3A : i32 to vector<224x224xi32>
    %rem3A_18 = arith.remsi %iota3A, %rem3A : vector<224x224xi32>
    %ne3A_19 = arith.constant 0 : i32
    %ne3A_20 = vector.broadcast %ne3A_19 : i32 to vector<224x224xi32>
    %ne3A_21 = arith.cmpi ne, %rem3A_18, %ne3A_20 : vector<224x224xi32>
    %and3A = arith.andi %ne3A_17, %ne3A_21 : vector<224x224xi1>
    %sub3A = arith.constant 1 : i32
    %sub3A_22 = vector.broadcast %sub3A : i32 to vector<224x224xi32>
    %sub3A_23 = arith.subi %div3A_1, %sub3A_22 : vector<224x224xi32>
    %select_n3A = arith.select %and3A, %sub3A_23, %div3A_1 : vector<224x224xi1>, vector<224x224xi32>
    %jit3A_24 = arith.constant 56 : i32
    %div3A_25 = vector.broadcast %jit3A_24 : i32 to vector<224x224xi32>
    %div3A_26 = arith.divsi %iota3A_0, %div3A_25 : vector<224x224xi32>
    %sign3A_27 = arith.constant 0 : i32
    %sign3A_28 = vector.broadcast %sign3A_27 : i32 to vector<224x224xi32>
    %sign3A_29 = arith.cmpi sgt, %iota3A_0, %sign3A_28 : vector<224x224xi32>
    %sign3A_30 = arith.extui %sign3A_29 : vector<224x224xi1> to vector<224x224xi32>
    %sign3A_31 = arith.constant 0 : i32
    %sign3A_32 = vector.broadcast %sign3A_31 : i32 to vector<224x224xi32>
    %sign3A_33 = arith.cmpi slt, %iota3A_0, %sign3A_32 : vector<224x224xi32>
    %sign3A_34 = arith.extui %sign3A_33 : vector<224x224xi1> to vector<224x224xi32>
    %sign3A_35 = arith.subi %sign3A_30, %sign3A_34 : vector<224x224xi32>
    %sign3A_36 = arith.constant 0 : i32
    %sign3A_37 = arith.cmpi sgt, %jit3A_24, %sign3A_36 : i32
    %sign3A_38 = arith.extui %sign3A_37 : i1 to i32
    %sign3A_39 = arith.constant 0 : i32
    %sign3A_40 = arith.cmpi slt, %jit3A_24, %sign3A_39 : i32
    %sign3A_41 = arith.extui %sign3A_40 : i1 to i32
    %sign3A_42 = arith.subi %sign3A_38, %sign3A_41 : i32
    %ne3A_43 = vector.broadcast %sign3A_42 : i32 to vector<224x224xi32>
    %ne3A_44 = arith.cmpi ne, %sign3A_35, %ne3A_43 : vector<224x224xi32>
    %rem3A_45 = vector.broadcast %jit3A_24 : i32 to vector<224x224xi32>
    %rem3A_46 = arith.remsi %iota3A_0, %rem3A_45 : vector<224x224xi32>
    %ne3A_47 = arith.constant 0 : i32
    %ne3A_48 = vector.broadcast %ne3A_47 : i32 to vector<224x224xi32>
    %ne3A_49 = arith.cmpi ne, %rem3A_46, %ne3A_48 : vector<224x224xi32>
    %and3A_50 = arith.andi %ne3A_44, %ne3A_49 : vector<224x224xi1>
    %sub3A_51 = arith.constant 1 : i32
    %sub3A_52 = vector.broadcast %sub3A_51 : i32 to vector<224x224xi32>
    %sub3A_53 = arith.subi %div3A_26, %sub3A_52 : vector<224x224xi32>
    %select_n3A_54 = arith.select %and3A_50, %sub3A_53, %div3A_26 : vector<224x224xi1>, vector<224x224xi32>
    %eq3A = arith.cmpi eq, %select_n3A, %select_n3A_54 : vector<224x224xi32>
    %and3A_55 = arith.andi %ge3A, %eq3A : vector<224x224xi1>
    %convert_element_type3A = arith.extui %and3A_55 : vector<224x224xi1> to vector<224x224xi32>
    %convert_element_type3A_56 = arith.sitofp %convert_element_type3A : vector<224x224xi32> to vector<224x224xf32>
    %jit3A_57 = arith.constant 56 : i32
    %div3A_58 = vector.broadcast %jit3A_57 : i32 to vector<224x224xi32>
    %div3A_59 = arith.divsi %iota3A, %div3A_58 : vector<224x224xi32>
    %sign3A_60 = arith.constant 0 : i32
    %sign3A_61 = vector.broadcast %sign3A_60 : i32 to vector<224x224xi32>
    %sign3A_62 = arith.cmpi sgt, %iota3A, %sign3A_61 : vector<224x224xi32>
    %sign3A_63 = arith.extui %sign3A_62 : vector<224x224xi1> to vector<224x224xi32>
    %sign3A_64 = arith.constant 0 : i32
    %sign3A_65 = vector.broadcast %sign3A_64 : i32 to vector<224x224xi32>
    %sign3A_66 = arith.cmpi slt, %iota3A, %sign3A_65 : vector<224x224xi32>
    %sign3A_67 = arith.extui %sign3A_66 : vector<224x224xi1> to vector<224x224xi32>
    %sign3A_68 = arith.subi %sign3A_63, %sign3A_67 : vector<224x224xi32>
    %sign3A_69 = arith.constant 0 : i32
    %sign3A_70 = arith.cmpi sgt, %jit3A_57, %sign3A_69 : i32
    %sign3A_71 = arith.extui %sign3A_70 : i1 to i32
    %sign3A_72 = arith.constant 0 : i32
    %sign3A_73 = arith.cmpi slt, %jit3A_57, %sign3A_72 : i32
    %sign3A_74 = arith.extui %sign3A_73 : i1 to i32
    %sign3A_75 = arith.subi %sign3A_71, %sign3A_74 : i32
    %ne3A_76 = vector.broadcast %sign3A_75 : i32 to vector<224x224xi32>
    %ne3A_77 = arith.cmpi ne, %sign3A_68, %ne3A_76 : vector<224x224xi32>
    %rem3A_78 = vector.broadcast %jit3A_57 : i32 to vector<224x224xi32>
    %rem3A_79 = arith.remsi %iota3A, %rem3A_78 : vector<224x224xi32>
    %ne3A_80 = arith.constant 0 : i32
    %ne3A_81 = vector.broadcast %ne3A_80 : i32 to vector<224x224xi32>
    %ne3A_82 = arith.cmpi ne, %rem3A_79, %ne3A_81 : vector<224x224xi32>
    %and3A_83 = arith.andi %ne3A_77, %ne3A_82 : vector<224x224xi1>
    %sub3A_84 = arith.constant 1 : i32
    %sub3A_85 = vector.broadcast %sub3A_84 : i32 to vector<224x224xi32>
    %sub3A_86 = arith.subi %div3A_59, %sub3A_85 : vector<224x224xi32>
    %select_n3A_87 = arith.select %and3A_83, %sub3A_86, %div3A_59 : vector<224x224xi1>, vector<224x224xi32>
    %mul3A = arith.constant 56 : i32
    %mul3A_88 = vector.broadcast %mul3A : i32 to vector<224x224xi32>
    %mul3A_89 = arith.muli %select_n3A_87, %mul3A_88 : vector<224x224xi32>
    %add3A = arith.constant 55 : i32
    %add3A_90 = vector.broadcast %add3A : i32 to vector<224x224xi32>
    %add3A_91 = arith.addi %mul3A_89, %add3A_90 : vector<224x224xi32>
    %eq3A_92 = arith.cmpi eq, %iota3A_0, %add3A_91 : vector<224x224xi32>
    %convert_element_type3A_93 = arith.extui %eq3A_92 : vector<224x224xi1> to vector<224x224xi32>
    %convert_element_type3A_94 = arith.sitofp %convert_element_type3A_93 : vector<224x224xi32> to vector<224x224xf32>
    %iota3A_95 = tpu.iota {dimensions = array<i32: 0>} : vector<16x16xi32>
    %iota3A_96 = tpu.iota {dimensions = array<i32: 1>} : vector<16x16xi32>
    %jit3A_97 = arith.constant 4 : i32
    %div3A_98 = vector.broadcast %jit3A_97 : i32 to vector<16x16xi32>
    %div3A_99 = arith.divsi %iota3A_95, %div3A_98 : vector<16x16xi32>
    %sign3A_100 = arith.constant 0 : i32
    %sign3A_101 = vector.broadcast %sign3A_100 : i32 to vector<16x16xi32>
    %sign3A_102 = arith.cmpi sgt, %iota3A_95, %sign3A_101 : vector<16x16xi32>
    %sign3A_103 = arith.extui %sign3A_102 : vector<16x16xi1> to vector<16x16xi32>
    %sign3A_104 = arith.constant 0 : i32
    %sign3A_105 = vector.broadcast %sign3A_104 : i32 to vector<16x16xi32>
    %sign3A_106 = arith.cmpi slt, %iota3A_95, %sign3A_105 : vector<16x16xi32>
    %sign3A_107 = arith.extui %sign3A_106 : vector<16x16xi1> to vector<16x16xi32>
    %sign3A_108 = arith.subi %sign3A_103, %sign3A_107 : vector<16x16xi32>
    %sign3A_109 = arith.constant 0 : i32
    %sign3A_110 = arith.cmpi sgt, %jit3A_97, %sign3A_109 : i32
    %sign3A_111 = arith.extui %sign3A_110 : i1 to i32
    %sign3A_112 = arith.constant 0 : i32
    %sign3A_113 = arith.cmpi slt, %jit3A_97, %sign3A_112 : i32
    %sign3A_114 = arith.extui %sign3A_113 : i1 to i32
    %sign3A_115 = arith.subi %sign3A_111, %sign3A_114 : i32
    %ne3A_116 = vector.broadcast %sign3A_115 : i32 to vector<16x16xi32>
    %ne3A_117 = arith.cmpi ne, %sign3A_108, %ne3A_116 : vector<16x16xi32>
    %rem3A_118 = vector.broadcast %jit3A_97 : i32 to vector<16x16xi32>
    %rem3A_119 = arith.remsi %iota3A_95, %rem3A_118 : vector<16x16xi32>
    %ne3A_120 = arith.constant 0 : i32
    %ne3A_121 = vector.broadcast %ne3A_120 : i32 to vector<16x16xi32>
    %ne3A_122 = arith.cmpi ne, %rem3A_119, %ne3A_121 : vector<16x16xi32>
    %and3A_123 = arith.andi %ne3A_117, %ne3A_122 : vector<16x16xi1>
    %sub3A_124 = arith.constant 1 : i32
    %sub3A_125 = vector.broadcast %sub3A_124 : i32 to vector<16x16xi32>
    %sub3A_126 = arith.subi %div3A_99, %sub3A_125 : vector<16x16xi32>
    %select_n3A_127 = arith.select %and3A_123, %sub3A_126, %div3A_99 : vector<16x16xi1>, vector<16x16xi32>
    %jit3A_128 = arith.constant 4 : i32
    %div3A_129 = vector.broadcast %jit3A_128 : i32 to vector<16x16xi32>
    %div3A_130 = arith.divsi %iota3A_96, %div3A_129 : vector<16x16xi32>
    %sign3A_131 = arith.constant 0 : i32
    %sign3A_132 = vector.broadcast %sign3A_131 : i32 to vector<16x16xi32>
    %sign3A_133 = arith.cmpi sgt, %iota3A_96, %sign3A_132 : vector<16x16xi32>
    %sign3A_134 = arith.extui %sign3A_133 : vector<16x16xi1> to vector<16x16xi32>
    %sign3A_135 = arith.constant 0 : i32
    %sign3A_136 = vector.broadcast %sign3A_135 : i32 to vector<16x16xi32>
    %sign3A_137 = arith.cmpi slt, %iota3A_96, %sign3A_136 : vector<16x16xi32>
    %sign3A_138 = arith.extui %sign3A_137 : vector<16x16xi1> to vector<16x16xi32>
    %sign3A_139 = arith.subi %sign3A_134, %sign3A_138 : vector<16x16xi32>
    %sign3A_140 = arith.constant 0 : i32
    %sign3A_141 = arith.cmpi sgt, %jit3A_128, %sign3A_140 : i32
    %sign3A_142 = arith.extui %sign3A_141 : i1 to i32
    %sign3A_143 = arith.constant 0 : i32
    %sign3A_144 = arith.cmpi slt, %jit3A_128, %sign3A_143 : i32
    %sign3A_145 = arith.extui %sign3A_144 : i1 to i32
    %sign3A_146 = arith.subi %sign3A_142, %sign3A_145 : i32
    %ne3A_147 = vector.broadcast %sign3A_146 : i32 to vector<16x16xi32>
    %ne3A_148 = arith.cmpi ne, %sign3A_139, %ne3A_147 : vector<16x16xi32>
    %rem3A_149 = vector.broadcast %jit3A_128 : i32 to vector<16x16xi32>
    %rem3A_150 = arith.remsi %iota3A_96, %rem3A_149 : vector<16x16xi32>
    %ne3A_151 = arith.constant 0 : i32
    %ne3A_152 = vector.broadcast %ne3A_151 : i32 to vector<16x16xi32>
    %ne3A_153 = arith.cmpi ne, %rem3A_150, %ne3A_152 : vector<16x16xi32>
    %and3A_154 = arith.andi %ne3A_148, %ne3A_153 : vector<16x16xi1>
    %sub3A_155 = arith.constant 1 : i32
    %sub3A_156 = vector.broadcast %sub3A_155 : i32 to vector<16x16xi32>
    %sub3A_157 = arith.subi %div3A_130, %sub3A_156 : vector<16x16xi32>
    %select_n3A_158 = arith.select %and3A_154, %sub3A_157, %div3A_130 : vector<16x16xi1>, vector<16x16xi32>
    %eq3A_159 = arith.cmpi eq, %select_n3A_127, %select_n3A_158 : vector<16x16xi32>
    %jit3A_160 = arith.constant 4 : i32
    %eq3A_161 = arith.constant 0 : i32
    %eq3A_162 = arith.cmpi eq, %jit3A_160, %eq3A_161 : i32
    %jit3A_163 = arith.constant 1 : i32
    %select_n3A_164 = arith.select %eq3A_162, %jit3A_163, %jit3A_160 : i32
    %rem3A_165 = vector.broadcast %select_n3A_164 : i32 to vector<16x16xi32>
    %rem3A_166 = arith.remsi %iota3A_95, %rem3A_165 : vector<16x16xi32>
    %ne3A_167 = arith.constant 0 : i32
    %ne3A_168 = vector.broadcast %ne3A_167 : i32 to vector<16x16xi32>
    %ne3A_169 = arith.cmpi ne, %rem3A_166, %ne3A_168 : vector<16x16xi32>
    %lt3A = arith.constant 0 : i32
    %lt3A_170 = vector.broadcast %lt3A : i32 to vector<16x16xi32>
    %lt3A_171 = arith.cmpi slt, %rem3A_166, %lt3A_170 : vector<16x16xi32>
    %lt3A_172 = arith.constant 0 : i32
    %lt3A_173 = arith.cmpi slt, %select_n3A_164, %lt3A_172 : i32
    %ne3A_174 = vector.broadcast %lt3A_173 : i1 to vector<16x16xi1>
    %ne3A_175 = vector.broadcast %ne3A_174 : vector<16x16xi1> to vector<16x16xi1>
    %ne3A_176 = arith.xori %lt3A_171, %ne3A_175 : vector<16x16xi1>
    %and3A_177 = arith.andi %ne3A_176, %ne3A_169 : vector<16x16xi1>
    %add3A_178 = vector.broadcast %select_n3A_164 : i32 to vector<16x16xi32>
    %add3A_179 = arith.addi %rem3A_166, %add3A_178 : vector<16x16xi32>
    %select_n3A_180 = arith.select %and3A_177, %add3A_179, %rem3A_166 : vector<16x16xi1>, vector<16x16xi32>
    %jit3A_181 = arith.constant 4 : i32
    %eq3A_182 = arith.constant 0 : i32
    %eq3A_183 = arith.cmpi eq, %jit3A_181, %eq3A_182 : i32
    %jit3A_184 = arith.constant 1 : i32
    %select_n3A_185 = arith.select %eq3A_183, %jit3A_184, %jit3A_181 : i32
    %rem3A_186 = vector.broadcast %select_n3A_185 : i32 to vector<16x16xi32>
    %rem3A_187 = arith.remsi %iota3A_96, %rem3A_186 : vector<16x16xi32>
    %ne3A_188 = arith.constant 0 : i32
    %ne3A_189 = vector.broadcast %ne3A_188 : i32 to vector<16x16xi32>
    %ne3A_190 = arith.cmpi ne, %rem3A_187, %ne3A_189 : vector<16x16xi32>
    %lt3A_191 = arith.constant 0 : i32
    %lt3A_192 = vector.broadcast %lt3A_191 : i32 to vector<16x16xi32>
    %lt3A_193 = arith.cmpi slt, %rem3A_187, %lt3A_192 : vector<16x16xi32>
    %lt3A_194 = arith.constant 0 : i32
    %lt3A_195 = arith.cmpi slt, %select_n3A_185, %lt3A_194 : i32
    %ne3A_196 = vector.broadcast %lt3A_195 : i1 to vector<16x16xi1>
    %ne3A_197 = vector.broadcast %ne3A_196 : vector<16x16xi1> to vector<16x16xi1>
    %ne3A_198 = arith.xori %lt3A_193, %ne3A_197 : vector<16x16xi1>
    %and3A_199 = arith.andi %ne3A_198, %ne3A_190 : vector<16x16xi1>
    %add3A_200 = vector.broadcast %select_n3A_185 : i32 to vector<16x16xi32>
    %add3A_201 = arith.addi %rem3A_187, %add3A_200 : vector<16x16xi32>
    %select_n3A_202 = arith.select %and3A_199, %add3A_201, %rem3A_187 : vector<16x16xi1>, vector<16x16xi32>
    %lt3A_203 = arith.cmpi slt, %select_n3A_180, %select_n3A_202 : vector<16x16xi32>
    %and3A_204 = arith.andi %eq3A_159, %lt3A_203 : vector<16x16xi1>
    %convert_element_type3A_205 = arith.extui %and3A_204 : vector<16x16xi1> to vector<16x16xi32>
    %convert_element_type3A_206 = arith.sitofp %convert_element_type3A_205 : vector<16x16xi32> to vector<16x16xf32>
    %iota3A_207 = tpu.iota {dimensions = array<i32: 0>} : vector<16x4xi32>
    %jit3A_208 = arith.constant 4 : i32
    %div3A_209 = vector.broadcast %jit3A_208 : i32 to vector<16x4xi32>
    %div3A_210 = arith.divsi %iota3A_207, %div3A_209 : vector<16x4xi32>
    %sign3A_211 = arith.constant 0 : i32
    %sign3A_212 = vector.broadcast %sign3A_211 : i32 to vector<16x4xi32>
    %sign3A_213 = arith.cmpi sgt, %iota3A_207, %sign3A_212 : vector<16x4xi32>
    %sign3A_214 = arith.extui %sign3A_213 : vector<16x4xi1> to vector<16x4xi32>
    %sign3A_215 = arith.constant 0 : i32
    %sign3A_216 = vector.broadcast %sign3A_215 : i32 to vector<16x4xi32>
    %sign3A_217 = arith.cmpi slt, %iota3A_207, %sign3A_216 : vector<16x4xi32>
    %sign3A_218 = arith.extui %sign3A_217 : vector<16x4xi1> to vector<16x4xi32>
    %sign3A_219 = arith.subi %sign3A_214, %sign3A_218 : vector<16x4xi32>
    %sign3A_220 = arith.constant 0 : i32
    %sign3A_221 = arith.cmpi sgt, %jit3A_208, %sign3A_220 : i32
    %sign3A_222 = arith.extui %sign3A_221 : i1 to i32
    %sign3A_223 = arith.constant 0 : i32
    %sign3A_224 = arith.cmpi slt, %jit3A_208, %sign3A_223 : i32
    %sign3A_225 = arith.extui %sign3A_224 : i1 to i32
    %sign3A_226 = arith.subi %sign3A_222, %sign3A_225 : i32
    %ne3A_227 = vector.broadcast %sign3A_226 : i32 to vector<16x4xi32>
    %ne3A_228 = arith.cmpi ne, %sign3A_219, %ne3A_227 : vector<16x4xi32>
    %rem3A_229 = vector.broadcast %jit3A_208 : i32 to vector<16x4xi32>
    %rem3A_230 = arith.remsi %iota3A_207, %rem3A_229 : vector<16x4xi32>
    %ne3A_231 = arith.constant 0 : i32
    %ne3A_232 = vector.broadcast %ne3A_231 : i32 to vector<16x4xi32>
    %ne3A_233 = arith.cmpi ne, %rem3A_230, %ne3A_232 : vector<16x4xi32>
    %and3A_234 = arith.andi %ne3A_228, %ne3A_233 : vector<16x4xi1>
    %sub3A_235 = arith.constant 1 : i32
    %sub3A_236 = vector.broadcast %sub3A_235 : i32 to vector<16x4xi32>
    %sub3A_237 = arith.subi %div3A_210, %sub3A_236 : vector<16x4xi32>
    %select_n3A_238 = arith.select %and3A_234, %sub3A_237, %div3A_210 : vector<16x4xi1>, vector<16x4xi32>
    %iota3A_239 = tpu.iota {dimensions = array<i32: 1>} : vector<16x4xi32>
    %eq3A_240 = arith.cmpi eq, %select_n3A_238, %iota3A_239 : vector<16x4xi32>
    %convert_element_type3A_241 = arith.extui %eq3A_240 : vector<16x4xi1> to vector<16x4xi32>
    %convert_element_type3A_242 = arith.sitofp %convert_element_type3A_241 : vector<16x4xi32> to vector<16x4xf32>
    %iota3A_243 = tpu.iota {dimensions = array<i32: 1>} : vector<224x16xi32>
    %iota3A_244 = tpu.iota {dimensions = array<i32: 1>} : vector<56x56xi32>
    %get3A = arith.constant 0 : index
    %get3A_245 = arith.constant 0 : index
    %get3A_246 = vector.load %arg2[%get3A, %get3A_245] : memref<56x576xf32, #tpu.memory_space<vmem>>, vector<56x576xf32>
    %get3A_247 = arith.constant 0 : index
    %get3A_248 = arith.constant 0 : index
    %get3A_249 = vector.load %arg3[%get3A_247, %get3A_248] : memref<56x576xf32, #tpu.memory_space<vmem>>, vector<56x576xf32>
    %get3A_250 = arith.constant 0 : index
    %get3A_251 = arith.constant 0 : index
    %get3A_252 = vector.load %arg4[%get3A_250, %get3A_251] : memref<192x8xf32, #tpu.memory_space<vmem>>, vector<192x8xf32>
    %get3A_253 = arith.constant 0 : index
    %get3A_254 = arith.constant 0 : index
    %get3A_255 = arith.constant 0 : index
    %get3A_256 = vector.load %arg1[%get3A_253, %get3A_254, %get3A_255] : memref<4x56x576xf32, #tpu.memory_space<vmem>>, vector<1x56x576xf32>
    %get3A_257 = vector.shape_cast %get3A_256 : vector<1x56x576xf32> to vector<56x576xf32>
    %mul3A_258 = arith.mulf %get3A_257, %get3A_246 : vector<56x576xf32>
    %add3A_259 = arith.addf %mul3A_258, %get3A_249 : vector<56x576xf32>
    %get3A_260 = arith.constant 1 : index
    %get3A_261 = arith.constant 0 : index
    %get3A_262 = arith.constant 0 : index
    %get3A_263 = vector.load %arg1[%get3A_260, %get3A_261, %get3A_262] : memref<4x56x576xf32, #tpu.memory_space<vmem>>, vector<1x56x576xf32>
    %get3A_264 = vector.shape_cast %get3A_263 : vector<1x56x576xf32> to vector<56x576xf32>
    %mul3A_265 = arith.mulf %get3A_264, %get3A_246 : vector<56x576xf32>
    %add3A_266 = arith.addf %mul3A_265, %get3A_249 : vector<56x576xf32>
    %get3A_267 = arith.constant 2 : index
    %get3A_268 = arith.constant 0 : index
    %get3A_269 = arith.constant 0 : index
    %get3A_270 = vector.load %arg1[%get3A_267, %get3A_268, %get3A_269] : memref<4x56x576xf32, #tpu.memory_space<vmem>>, vector<1x56x576xf32>
    %get3A_271 = vector.shape_cast %get3A_270 : vector<1x56x576xf32> to vector<56x576xf32>
    %mul3A_272 = arith.mulf %get3A_271, %get3A_246 : vector<56x576xf32>
    %add3A_273 = arith.addf %mul3A_272, %get3A_249 : vector<56x576xf32>
    %get3A_274 = arith.constant 3 : index
    %get3A_275 = arith.constant 0 : index
    %get3A_276 = arith.constant 0 : index
    %get3A_277 = vector.load %arg1[%get3A_274, %get3A_275, %get3A_276] : memref<4x56x576xf32, #tpu.memory_space<vmem>>, vector<1x56x576xf32>
    %get3A_278 = vector.shape_cast %get3A_277 : vector<1x56x576xf32> to vector<56x576xf32>
    %mul3A_279 = arith.mulf %get3A_278, %get3A_246 : vector<56x576xf32>
    %add3A_280 = arith.addf %mul3A_279, %get3A_249 : vector<56x576xf32>
    %slice3A = vector.extract_strided_slice %add3A_259 {offsets = [0, 0], sizes = [56, 192], strides = [1, 1]} : vector<56x576xf32> to vector<56x192xf32>
    %slice3A_281 = vector.extract_strided_slice %add3A_266 {offsets = [0, 0], sizes = [56, 192], strides = [1, 1]} : vector<56x576xf32> to vector<56x192xf32>
    %slice3A_282 = vector.extract_strided_slice %add3A_273 {offsets = [0, 0], sizes = [56, 192], strides = [1, 1]} : vector<56x576xf32> to vector<56x192xf32>
    %slice3A_283 = vector.extract_strided_slice %add3A_280 {offsets = [0, 0], sizes = [56, 192], strides = [1, 1]} : vector<56x576xf32> to vector<56x192xf32>
    %concatenate3A = tpu.concatenate %slice3A, %slice3A_281, %slice3A_282, %slice3A_283 in 0 : vector<56x192xf32>, vector<56x192xf32>, vector<56x192xf32>, vector<56x192xf32> -> vector<224x192xf32>
    %dot_general3A = arith.constant dense<0.000000e+00> : vector<224x8xf32>
    %dot_general3A_284 = tpu.matmul %concatenate3A, %get3A_252, %dot_general3A {dimension_numbers = #tpu.dot_dimension_numbers<[1], [0], [0], [1], [0, 0, 1, 1], [], []>, transpose_lhs_hint = false} : vector<224x192xf32>, vector<192x8xf32>, vector<224x8xf32> -> vector<224x8xf32>
    %slice3A_285 = vector.extract_strided_slice %dot_general3A_284 {offsets = [0, 0], sizes = [224, 1], strides = [1, 1]} : vector<224x8xf32> to vector<224x1xf32>
    %slice3A_286 = vector.extract_strided_slice %dot_general3A_284 {offsets = [0, 1], sizes = [224, 1], strides = [1, 1]} : vector<224x8xf32> to vector<224x1xf32>
    %broadcast_in_dim3A = arith.constant 0 : i32
    %broadcast_in_dim3A_287 = vector.broadcast %broadcast_in_dim3A : i32 to vector<224x1xi32>
    %neg3A = arith.constant 0.000000e+00 : f32
    %neg3A_288 = vector.broadcast %neg3A : f32 to vector<224x1xf32>
    %neg3A_289 = arith.subf %neg3A_288, %slice3A_285 : vector<224x1xf32>
    %neg3A_290 = arith.constant 0.000000e+00 : f32
    %neg3A_291 = vector.broadcast %neg3A_290 : f32 to vector<224x1xf32>
    %neg3A_292 = arith.subf %neg3A_291, %slice3A_286 : vector<224x1xf32>
    %gt3A = arith.cmpf ogt, %slice3A_286, %slice3A_285 : vector<224x1xf32>
    %jit3A_293 = arith.constant 1 : i32
    %broadcast_in_dim3A_294 = vector.broadcast %jit3A_293 : i32 to vector<224x1xi32>
    %select_n3A_295 = arith.select %gt3A, %broadcast_in_dim3A_294, %broadcast_in_dim3A_287 : vector<224x1xi1>, vector<224x1xi32>
    %max3A = arith.maximumf %slice3A_285, %slice3A_286 : vector<224x1xf32>
    %gt3A_296 = arith.cmpf ogt, %neg3A_289, %max3A : vector<224x1xf32>
    %jit3A_297 = arith.constant 2 : i32
    %broadcast_in_dim3A_298 = vector.broadcast %jit3A_297 : i32 to vector<224x1xi32>
    %select_n3A_299 = arith.select %gt3A_296, %broadcast_in_dim3A_298, %select_n3A_295 : vector<224x1xi1>, vector<224x1xi32>
    %max3A_300 = arith.maximumf %max3A, %neg3A_289 : vector<224x1xf32>
    %gt3A_301 = arith.cmpf ogt, %neg3A_292, %max3A_300 : vector<224x1xf32>
    %jit3A_302 = arith.constant 3 : i32
    %broadcast_in_dim3A_303 = vector.broadcast %jit3A_302 : i32 to vector<224x1xi32>
    %select_n3A_304 = arith.select %gt3A_301, %broadcast_in_dim3A_303, %select_n3A_299 : vector<224x1xi1>, vector<224x1xi32>
    %slice3A_305 = vector.extract_strided_slice %dot_general3A_284 {offsets = [0, 2], sizes = [224, 1], strides = [1, 1]} : vector<224x8xf32> to vector<224x1xf32>
    %slice3A_306 = vector.extract_strided_slice %dot_general3A_284 {offsets = [0, 3], sizes = [224, 1], strides = [1, 1]} : vector<224x8xf32> to vector<224x1xf32>
    %broadcast_in_dim3A_307 = arith.constant 0 : i32
    %broadcast_in_dim3A_308 = vector.broadcast %broadcast_in_dim3A_307 : i32 to vector<224x1xi32>
    %neg3A_309 = arith.constant 0.000000e+00 : f32
    %neg3A_310 = vector.broadcast %neg3A_309 : f32 to vector<224x1xf32>
    %neg3A_311 = arith.subf %neg3A_310, %slice3A_305 : vector<224x1xf32>
    %neg3A_312 = arith.constant 0.000000e+00 : f32
    %neg3A_313 = vector.broadcast %neg3A_312 : f32 to vector<224x1xf32>
    %neg3A_314 = arith.subf %neg3A_313, %slice3A_306 : vector<224x1xf32>
    %gt3A_315 = arith.cmpf ogt, %slice3A_306, %slice3A_305 : vector<224x1xf32>
    %jit3A_316 = arith.constant 1 : i32
    %broadcast_in_dim3A_317 = vector.broadcast %jit3A_316 : i32 to vector<224x1xi32>
    %select_n3A_318 = arith.select %gt3A_315, %broadcast_in_dim3A_317, %broadcast_in_dim3A_308 : vector<224x1xi1>, vector<224x1xi32>
    %max3A_319 = arith.maximumf %slice3A_305, %slice3A_306 : vector<224x1xf32>
    %gt3A_320 = arith.cmpf ogt, %neg3A_311, %max3A_319 : vector<224x1xf32>
    %jit3A_321 = arith.constant 2 : i32
    %broadcast_in_dim3A_322 = vector.broadcast %jit3A_321 : i32 to vector<224x1xi32>
    %select_n3A_323 = arith.select %gt3A_320, %broadcast_in_dim3A_322, %select_n3A_318 : vector<224x1xi1>, vector<224x1xi32>
    %max3A_324 = arith.maximumf %max3A_319, %neg3A_311 : vector<224x1xf32>
    %gt3A_325 = arith.cmpf ogt, %neg3A_314, %max3A_324 : vector<224x1xf32>
    %jit3A_326 = arith.constant 3 : i32
    %broadcast_in_dim3A_327 = vector.broadcast %jit3A_326 : i32 to vector<224x1xi32>
    %select_n3A_328 = arith.select %gt3A_325, %broadcast_in_dim3A_327, %select_n3A_323 : vector<224x1xi1>, vector<224x1xi32>
    %slice3A_329 = vector.extract_strided_slice %dot_general3A_284 {offsets = [0, 4], sizes = [224, 1], strides = [1, 1]} : vector<224x8xf32> to vector<224x1xf32>
    %slice3A_330 = vector.extract_strided_slice %dot_general3A_284 {offsets = [0, 5], sizes = [224, 1], strides = [1, 1]} : vector<224x8xf32> to vector<224x1xf32>
    %broadcast_in_dim3A_331 = arith.constant 0 : i32
    %broadcast_in_dim3A_332 = vector.broadcast %broadcast_in_dim3A_331 : i32 to vector<224x1xi32>
    %neg3A_333 = arith.constant 0.000000e+00 : f32
    %neg3A_334 = vector.broadcast %neg3A_333 : f32 to vector<224x1xf32>
    %neg3A_335 = arith.subf %neg3A_334, %slice3A_329 : vector<224x1xf32>
    %neg3A_336 = arith.constant 0.000000e+00 : f32
    %neg3A_337 = vector.broadcast %neg3A_336 : f32 to vector<224x1xf32>
    %neg3A_338 = arith.subf %neg3A_337, %slice3A_330 : vector<224x1xf32>
    %gt3A_339 = arith.cmpf ogt, %slice3A_330, %slice3A_329 : vector<224x1xf32>
    %jit3A_340 = arith.constant 1 : i32
    %broadcast_in_dim3A_341 = vector.broadcast %jit3A_340 : i32 to vector<224x1xi32>
    %select_n3A_342 = arith.select %gt3A_339, %broadcast_in_dim3A_341, %broadcast_in_dim3A_332 : vector<224x1xi1>, vector<224x1xi32>
    %max3A_343 = arith.maximumf %slice3A_329, %slice3A_330 : vector<224x1xf32>
    %gt3A_344 = arith.cmpf ogt, %neg3A_335, %max3A_343 : vector<224x1xf32>
    %jit3A_345 = arith.constant 2 : i32
    %broadcast_in_dim3A_346 = vector.broadcast %jit3A_345 : i32 to vector<224x1xi32>
    %select_n3A_347 = arith.select %gt3A_344, %broadcast_in_dim3A_346, %select_n3A_342 : vector<224x1xi1>, vector<224x1xi32>
    %max3A_348 = arith.maximumf %max3A_343, %neg3A_335 : vector<224x1xf32>
    %gt3A_349 = arith.cmpf ogt, %neg3A_338, %max3A_348 : vector<224x1xf32>
    %jit3A_350 = arith.constant 3 : i32
    %broadcast_in_dim3A_351 = vector.broadcast %jit3A_350 : i32 to vector<224x1xi32>
    %select_n3A_352 = arith.select %gt3A_349, %broadcast_in_dim3A_351, %select_n3A_347 : vector<224x1xi1>, vector<224x1xi32>
    %slice3A_353 = vector.extract_strided_slice %dot_general3A_284 {offsets = [0, 6], sizes = [224, 1], strides = [1, 1]} : vector<224x8xf32> to vector<224x1xf32>
    %slice3A_354 = vector.extract_strided_slice %dot_general3A_284 {offsets = [0, 7], sizes = [224, 1], strides = [1, 1]} : vector<224x8xf32> to vector<224x1xf32>
    %broadcast_in_dim3A_355 = arith.constant 0 : i32
    %broadcast_in_dim3A_356 = vector.broadcast %broadcast_in_dim3A_355 : i32 to vector<224x1xi32>
    %neg3A_357 = arith.constant 0.000000e+00 : f32
    %neg3A_358 = vector.broadcast %neg3A_357 : f32 to vector<224x1xf32>
    %neg3A_359 = arith.subf %neg3A_358, %slice3A_353 : vector<224x1xf32>
    %neg3A_360 = arith.constant 0.000000e+00 : f32
    %neg3A_361 = vector.broadcast %neg3A_360 : f32 to vector<224x1xf32>
    %neg3A_362 = arith.subf %neg3A_361, %slice3A_354 : vector<224x1xf32>
    %gt3A_363 = arith.cmpf ogt, %slice3A_354, %slice3A_353 : vector<224x1xf32>
    %jit3A_364 = arith.constant 1 : i32
    %broadcast_in_dim3A_365 = vector.broadcast %jit3A_364 : i32 to vector<224x1xi32>
    %select_n3A_366 = arith.select %gt3A_363, %broadcast_in_dim3A_365, %broadcast_in_dim3A_356 : vector<224x1xi1>, vector<224x1xi32>
    %max3A_367 = arith.maximumf %slice3A_353, %slice3A_354 : vector<224x1xf32>
    %gt3A_368 = arith.cmpf ogt, %neg3A_359, %max3A_367 : vector<224x1xf32>
    %jit3A_369 = arith.constant 2 : i32
    %broadcast_in_dim3A_370 = vector.broadcast %jit3A_369 : i32 to vector<224x1xi32>
    %select_n3A_371 = arith.select %gt3A_368, %broadcast_in_dim3A_370, %select_n3A_366 : vector<224x1xi1>, vector<224x1xi32>
    %max3A_372 = arith.maximumf %max3A_367, %neg3A_359 : vector<224x1xf32>
    %gt3A_373 = arith.cmpf ogt, %neg3A_362, %max3A_372 : vector<224x1xf32>
    %jit3A_374 = arith.constant 3 : i32
    %broadcast_in_dim3A_375 = vector.broadcast %jit3A_374 : i32 to vector<224x1xi32>
    %select_n3A_376 = arith.select %gt3A_373, %broadcast_in_dim3A_375, %select_n3A_371 : vector<224x1xi1>, vector<224x1xi32>
    %add3A_377 = arith.constant 0 : i32
    %add3A_378 = vector.broadcast %add3A_377 : i32 to vector<224x1xi32>
    %add3A_379 = arith.addi %select_n3A_304, %add3A_378 : vector<224x1xi32>
    %add3A_380 = arith.constant 4 : i32
    %add3A_381 = vector.broadcast %add3A_380 : i32 to vector<224x1xi32>
    %add3A_382 = arith.addi %select_n3A_328, %add3A_381 : vector<224x1xi32>
    %add3A_383 = arith.constant 8 : i32
    %add3A_384 = vector.broadcast %add3A_383 : i32 to vector<224x1xi32>
    %add3A_385 = arith.addi %select_n3A_352, %add3A_384 : vector<224x1xi32>
    %add3A_386 = arith.constant 12 : i32
    %add3A_387 = vector.broadcast %add3A_386 : i32 to vector<224x1xi32>
    %add3A_388 = arith.addi %select_n3A_376, %add3A_387 : vector<224x1xi32>
    %concatenate3A_389 = tpu.concatenate %add3A_379, %add3A_382, %add3A_385, %add3A_388 in 1 : vector<224x1xi32>, vector<224x1xi32>, vector<224x1xi32>, vector<224x1xi32> -> vector<224x4xi32>
    %broadcast_in_dim3A_390 = arith.constant 0.000000e+00 : f32
    %broadcast_in_dim3A_391 = vector.broadcast %broadcast_in_dim3A_390 : f32 to vector<224x16xf32>
    %slice3A_392 = vector.extract_strided_slice %concatenate3A_389 {offsets = [0, 0], sizes = [224, 1], strides = [1, 1]} : vector<224x4xi32> to vector<224x1xi32>
    %eq3A_393 = vector.broadcast %slice3A_392 : vector<224x1xi32> to vector<224x16xi32>
    %eq3A_394 = arith.cmpi eq, %eq3A_393, %iota3A_243 : vector<224x16xi32>
    %convert_element_type3A_395 = arith.extui %eq3A_394 : vector<224x16xi1> to vector<224x16xi32>
    %convert_element_type3A_396 = arith.sitofp %convert_element_type3A_395 : vector<224x16xi32> to vector<224x16xf32>
    %add3A_397 = arith.addf %broadcast_in_dim3A_391, %convert_element_type3A_396 : vector<224x16xf32>
    %slice3A_398 = vector.extract_strided_slice %concatenate3A_389 {offsets = [0, 1], sizes = [224, 1], strides = [1, 1]} : vector<224x4xi32> to vector<224x1xi32>
    %eq3A_399 = vector.broadcast %slice3A_398 : vector<224x1xi32> to vector<224x16xi32>
    %eq3A_400 = arith.cmpi eq, %eq3A_399, %iota3A_243 : vector<224x16xi32>
    %convert_element_type3A_401 = arith.extui %eq3A_400 : vector<224x16xi1> to vector<224x16xi32>
    %convert_element_type3A_402 = arith.sitofp %convert_element_type3A_401 : vector<224x16xi32> to vector<224x16xf32>
    %add3A_403 = arith.addf %add3A_397, %convert_element_type3A_402 : vector<224x16xf32>
    %slice3A_404 = vector.extract_strided_slice %concatenate3A_389 {offsets = [0, 2], sizes = [224, 1], strides = [1, 1]} : vector<224x4xi32> to vector<224x1xi32>
    %eq3A_405 = vector.broadcast %slice3A_404 : vector<224x1xi32> to vector<224x16xi32>
    %eq3A_406 = arith.cmpi eq, %eq3A_405, %iota3A_243 : vector<224x16xi32>
    %convert_element_type3A_407 = arith.extui %eq3A_406 : vector<224x16xi1> to vector<224x16xi32>
    %convert_element_type3A_408 = arith.sitofp %convert_element_type3A_407 : vector<224x16xi32> to vector<224x16xf32>
    %add3A_409 = arith.addf %add3A_403, %convert_element_type3A_408 : vector<224x16xf32>
    %slice3A_410 = vector.extract_strided_slice %concatenate3A_389 {offsets = [0, 3], sizes = [224, 1], strides = [1, 1]} : vector<224x4xi32> to vector<224x1xi32>
    %eq3A_411 = vector.broadcast %slice3A_410 : vector<224x1xi32> to vector<224x16xi32>
    %eq3A_412 = arith.cmpi eq, %eq3A_411, %iota3A_243 : vector<224x16xi32>
    %convert_element_type3A_413 = arith.extui %eq3A_412 : vector<224x16xi1> to vector<224x16xi32>
    %convert_element_type3A_414 = arith.sitofp %convert_element_type3A_413 : vector<224x16xi32> to vector<224x16xf32>
    %add3A_415 = arith.addf %add3A_409, %convert_element_type3A_414 : vector<224x16xf32>
    %dot_general3A_416 = arith.constant dense<0.000000e+00> : vector<224x16xf32>
    %dot_general3A_417 = tpu.matmul %convert_element_type3A_56, %add3A_415, %dot_general3A_416 {dimension_numbers = #tpu.dot_dimension_numbers<[1], [0], [0], [1], [0, 0, 1, 1], [], []>, transpose_lhs_hint = false} : vector<224x224xf32>, vector<224x16xf32>, vector<224x16xf32> -> vector<224x16xf32>
    %dot_general3A_418 = arith.constant dense<0.000000e+00> : vector<224x16xf32>
    %dot_general3A_419 = tpu.matmul %convert_element_type3A_94, %dot_general3A_417, %dot_general3A_418 {dimension_numbers = #tpu.dot_dimension_numbers<[1], [0], [0], [1], [0, 0, 1, 1], [], []>, transpose_lhs_hint = false} : vector<224x224xf32>, vector<224x16xf32>, vector<224x16xf32> -> vector<224x16xf32>
    %dot_general3A_420 = arith.constant dense<0.000000e+00> : vector<224x16xf32>
    %dot_general3A_421 = tpu.matmul %dot_general3A_419, %convert_element_type3A_206, %dot_general3A_420 {dimension_numbers = #tpu.dot_dimension_numbers<[1], [0], [0], [1], [0, 0, 1, 1], [], []>, transpose_lhs_hint = false} : vector<224x16xf32>, vector<16x16xf32>, vector<224x16xf32> -> vector<224x16xf32>
    %add3A_422 = arith.addf %dot_general3A_421, %dot_general3A_417 : vector<224x16xf32>
    %mul3A_423 = arith.mulf %add3A_415, %add3A_422 : vector<224x16xf32>
    %dot_general3A_424 = arith.constant dense<0.000000e+00> : vector<224x4xf32>
    %dot_general3A_425 = tpu.matmul %mul3A_423, %convert_element_type3A_242, %dot_general3A_424 {dimension_numbers = #tpu.dot_dimension_numbers<[1], [0], [0], [1], [0, 0, 1, 1], [], []>, transpose_lhs_hint = false} : vector<224x16xf32>, vector<16x4xf32>, vector<224x4xf32> -> vector<224x4xf32>
    %sub3A_426 = arith.constant 1.000000e+00 : f32
    %sub3A_427 = vector.broadcast %sub3A_426 : f32 to vector<224x4xf32>
    %sub3A_428 = arith.subf %dot_general3A_425, %sub3A_427 : vector<224x4xf32>
    %convert_element_type3A_429 = arith.fptosi %sub3A_428 : vector<224x4xf32> to vector<224x4xi32>
    %slice3A_430 = vector.extract_strided_slice %convert_element_type3A_429 {offsets = [0, 0], sizes = [56, 4], strides = [1, 1]} : vector<224x4xi32> to vector<56x4xi32>
    %swap3A = arith.constant 0 : index
    %swap3A_431 = arith.constant 0 : index
    %swap3A_432 = arith.constant 0 : index
    %swap3A_433 = vector.load %arg7[%swap3A, %swap3A_431, %swap3A_432] : memref<4x56x4xi32, #tpu.memory_space<vmem>>, vector<1x56x4xi32>
    %swap3A_434 = vector.shape_cast %swap3A_433 : vector<1x56x4xi32> to vector<56x4xi32>
    %swap3A_435 = vector.shape_cast %slice3A_430 : vector<56x4xi32> to vector<1x56x4xi32>
    tpu.vector_store %arg7[%swap3A, %swap3A_431, %swap3A_432], %swap3A_435 {strides = array<i32>} : memref<4x56x4xi32, #tpu.memory_space<vmem>>, vector<1x56x4xi32>,
    %slice3A_436 = vector.extract_strided_slice %convert_element_type3A_429 {offsets = [0, 0], sizes = [56, 1], strides = [1, 1]} : vector<224x4xi32> to vector<56x1xi32>
    %eq3A_437 = vector.broadcast %slice3A_436 : vector<56x1xi32> to vector<56x56xi32>
    %eq3A_438 = arith.cmpi eq, %eq3A_437, %iota3A_244 : vector<56x56xi32>
    %convert_element_type3A_439 = arith.extui %eq3A_438 : vector<56x56xi1> to vector<56x56xi32>
    %convert_element_type3A_440 = arith.sitofp %convert_element_type3A_439 : vector<56x56xi32> to vector<56x56xf32>
    %dot_general3A_441 = arith.constant dense<0.000000e+00> : vector<56x576xf32>
    %dot_general3A_442 = tpu.matmul %convert_element_type3A_440, %add3A_259, %dot_general3A_441 {dimension_numbers = #tpu.dot_dimension_numbers<[0], [0], [1], [1], [0, 1, 1, 1], [], []>, transpose_lhs_hint = false} : vector<56x56xf32>, vector<56x576xf32>, vector<56x576xf32> -> vector<56x576xf32>
    %slice3A_443 = vector.extract_strided_slice %dot_general3A_442 {offsets = [0, 0], sizes = [56, 192], strides = [1, 1]} : vector<56x576xf32> to vector<56x192xf32>
    %swap3A_444 = arith.constant 0 : index
    %swap3A_445 = arith.constant 0 : index
    %swap3A_446 = arith.constant 0 : index
    %swap3A_447 = arith.constant 0 : index
    %swap3A_448 = vector.load %arg5[%swap3A_444, %swap3A_445, %swap3A_446, %swap3A_447] : memref<4x4x56x192xf32, #tpu.memory_space<vmem>>, vector<1x1x56x192xf32>
    %swap3A_449 = vector.shape_cast %swap3A_448 : vector<1x1x56x192xf32> to vector<56x192xf32>
    %swap3A_450 = vector.shape_cast %slice3A_443 : vector<56x192xf32> to vector<1x1x56x192xf32>
    tpu.vector_store %arg5[%swap3A_444, %swap3A_445, %swap3A_446, %swap3A_447], %swap3A_450 {strides = array<i32>} : memref<4x4x56x192xf32, #tpu.memory_space<vmem>>, vector<1x1x56x192xf32>,
    %slice3A_451 = vector.extract_strided_slice %dot_general3A_442 {offsets = [0, 192], sizes = [56, 384], strides = [1, 1]} : vector<56x576xf32> to vector<56x384xf32>
    %swap3A_452 = arith.constant 0 : index
    %swap3A_453 = arith.constant 0 : index
    %swap3A_454 = arith.constant 0 : index
    %swap3A_455 = arith.constant 0 : index
    %swap3A_456 = vector.load %arg6[%swap3A_452, %swap3A_453, %swap3A_454, %swap3A_455] : memref<4x4x56x384xf32, #tpu.memory_space<vmem>>, vector<1x1x56x384xf32>
    %swap3A_457 = vector.shape_cast %swap3A_456 : vector<1x1x56x384xf32> to vector<56x384xf32>
    %swap3A_458 = vector.shape_cast %slice3A_451 : vector<56x384xf32> to vector<1x1x56x384xf32>
    tpu.vector_store %arg6[%swap3A_452, %swap3A_453, %swap3A_454, %swap3A_455], %swap3A_458 {strides = array<i32>} : memref<4x4x56x384xf32, #tpu.memory_space<vmem>>, vector<1x1x56x384xf32>,
    %slice3A_459 = vector.extract_strided_slice %convert_element_type3A_429 {offsets = [0, 1], sizes = [56, 1], strides = [1, 1]} : vector<224x4xi32> to vector<56x1xi32>
    %eq3A_460 = vector.broadcast %slice3A_459 : vector<56x1xi32> to vector<56x56xi32>
    %eq3A_461 = arith.cmpi eq, %eq3A_460, %iota3A_244 : vector<56x56xi32>
    %convert_element_type3A_462 = arith.extui %eq3A_461 : vector<56x56xi1> to vector<56x56xi32>
    %convert_element_type3A_463 = arith.sitofp %convert_element_type3A_462 : vector<56x56xi32> to vector<56x56xf32>
    %dot_general3A_464 = arith.constant dense<0.000000e+00> : vector<56x576xf32>
    %dot_general3A_465 = tpu.matmul %convert_element_type3A_463, %add3A_259, %dot_general3A_464 {dimension_numbers = #tpu.dot_dimension_numbers<[0], [0], [1], [1], [0, 1, 1, 1], [], []>, transpose_lhs_hint = false} : vector<56x56xf32>, vector<56x576xf32>, vector<56x576xf32> -> vector<56x576xf32>
    %slice3A_466 = vector.extract_strided_slice %dot_general3A_465 {offsets = [0, 0], sizes = [56, 192], strides = [1, 1]} : vector<56x576xf32> to vector<56x192xf32>
    %swap3A_467 = arith.constant 0 : index
    %swap3A_468 = arith.constant 1 : index
    %swap3A_469 = arith.constant 0 : index
    %swap3A_470 = arith.constant 0 : index
    %swap3A_471 = vector.load %arg5[%swap3A_467, %swap3A_468, %swap3A_469, %swap3A_470] : memref<4x4x56x192xf32, #tpu.memory_space<vmem>>, vector<1x1x56x192xf32>
    %swap3A_472 = vector.shape_cast %swap3A_471 : vector<1x1x56x192xf32> to vector<56x192xf32>
    %swap3A_473 = vector.shape_cast %slice3A_466 : vector<56x192xf32> to vector<1x1x56x192xf32>
    tpu.vector_store %arg5[%swap3A_467, %swap3A_468, %swap3A_469, %swap3A_470], %swap3A_473 {strides = array<i32>} : memref<4x4x56x192xf32, #tpu.memory_space<vmem>>, vector<1x1x56x192xf32>,
    %slice3A_474 = vector.extract_strided_slice %dot_general3A_465 {offsets = [0, 192], sizes = [56, 384], strides = [1, 1]} : vector<56x576xf32> to vector<56x384xf32>
    %swap3A_475 = arith.constant 0 : index
    %swap3A_476 = arith.constant 1 : index
    %swap3A_477 = arith.constant 0 : index
    %swap3A_478 = arith.constant 0 : index
    %swap3A_479 = vector.load %arg6[%swap3A_475, %swap3A_476, %swap3A_477, %swap3A_478] : memref<4x4x56x384xf32, #tpu.memory_space<vmem>>, vector<1x1x56x384xf32>
    %swap3A_480 = vector.shape_cast %swap3A_479 : vector<1x1x56x384xf32> to vector<56x384xf32>
    %swap3A_481 = vector.shape_cast %slice3A_474 : vector<56x384xf32> to vector<1x1x56x384xf32>
    tpu.vector_store %arg6[%swap3A_475, %swap3A_476, %swap3A_477, %swap3A_478], %swap3A_481 {strides = array<i32>} : memref<4x4x56x384xf32, #tpu.memory_space<vmem>>, vector<1x1x56x384xf32>,
    %slice3A_482 = vector.extract_strided_slice %convert_element_type3A_429 {offsets = [0, 2], sizes = [56, 1], strides = [1, 1]} : vector<224x4xi32> to vector<56x1xi32>
    %eq3A_483 = vector.broadcast %slice3A_482 : vector<56x1xi32> to vector<56x56xi32>
    %eq3A_484 = arith.cmpi eq, %eq3A_483, %iota3A_244 : vector<56x56xi32>
    %convert_element_type3A_485 = arith.extui %eq3A_484 : vector<56x56xi1> to vector<56x56xi32>
    %convert_element_type3A_486 = arith.sitofp %convert_element_type3A_485 : vector<56x56xi32> to vector<56x56xf32>
    %dot_general3A_487 = arith.constant dense<0.000000e+00> : vector<56x576xf32>
    %dot_general3A_488 = tpu.matmul %convert_element_type3A_486, %add3A_259, %dot_general3A_487 {dimension_numbers = #tpu.dot_dimension_numbers<[0], [0], [1], [1], [0, 1, 1, 1], [], []>, transpose_lhs_hint = false} : vector<56x56xf32>, vector<56x576xf32>, vector<56x576xf32> -> vector<56x576xf32>
    %slice3A_489 = vector.extract_strided_slice %dot_general3A_488 {offsets = [0, 0], sizes = [56, 192], strides = [1, 1]} : vector<56x576xf32> to vector<56x192xf32>
    %swap3A_490 = arith.constant 0 : index
    %swap3A_491 = arith.constant 2 : index
    %swap3A_492 = arith.constant 0 : index
    %swap3A_493 = arith.constant 0 : index
    %swap3A_494 = vector.load %arg5[%swap3A_490, %swap3A_491, %swap3A_492, %swap3A_493] : memref<4x4x56x192xf32, #tpu.memory_space<vmem>>, vector<1x1x56x192xf32>
    %swap3A_495 = vector.shape_cast %swap3A_494 : vector<1x1x56x192xf32> to vector<56x192xf32>
    %swap3A_496 = vector.shape_cast %slice3A_489 : vector<56x192xf32> to vector<1x1x56x192xf32>
    tpu.vector_store %arg5[%swap3A_490, %swap3A_491, %swap3A_492, %swap3A_493], %swap3A_496 {strides = array<i32>} : memref<4x4x56x192xf32, #tpu.memory_space<vmem>>, vector<1x1x56x192xf32>,
    %slice3A_497 = vector.extract_strided_slice %dot_general3A_488 {offsets = [0, 192], sizes = [56, 384], strides = [1, 1]} : vector<56x576xf32> to vector<56x384xf32>
    %swap3A_498 = arith.constant 0 : index
    %swap3A_499 = arith.constant 2 : index
    %swap3A_500 = arith.constant 0 : index
    %swap3A_501 = arith.constant 0 : index
    %swap3A_502 = vector.load %arg6[%swap3A_498, %swap3A_499, %swap3A_500, %swap3A_501] : memref<4x4x56x384xf32, #tpu.memory_space<vmem>>, vector<1x1x56x384xf32>
    %swap3A_503 = vector.shape_cast %swap3A_502 : vector<1x1x56x384xf32> to vector<56x384xf32>
    %swap3A_504 = vector.shape_cast %slice3A_497 : vector<56x384xf32> to vector<1x1x56x384xf32>
    tpu.vector_store %arg6[%swap3A_498, %swap3A_499, %swap3A_500, %swap3A_501], %swap3A_504 {strides = array<i32>} : memref<4x4x56x384xf32, #tpu.memory_space<vmem>>, vector<1x1x56x384xf32>,
    %slice3A_505 = vector.extract_strided_slice %convert_element_type3A_429 {offsets = [0, 3], sizes = [56, 1], strides = [1, 1]} : vector<224x4xi32> to vector<56x1xi32>
    %eq3A_506 = vector.broadcast %slice3A_505 : vector<56x1xi32> to vector<56x56xi32>
    %eq3A_507 = arith.cmpi eq, %eq3A_506, %iota3A_244 : vector<56x56xi32>
    %convert_element_type3A_508 = arith.extui %eq3A_507 : vector<56x56xi1> to vector<56x56xi32>
    %convert_element_type3A_509 = arith.sitofp %convert_element_type3A_508 : vector<56x56xi32> to vector<56x56xf32>
    %dot_general3A_510 = arith.constant dense<0.000000e+00> : vector<56x576xf32>
    %dot_general3A_511 = tpu.matmul %convert_element_type3A_509, %add3A_259, %dot_general3A_510 {dimension_numbers = #tpu.dot_dimension_numbers<[0], [0], [1], [1], [0, 1, 1, 1], [], []>, transpose_lhs_hint = false} : vector<56x56xf32>, vector<56x576xf32>, vector<56x576xf32> -> vector<56x576xf32>
    %slice3A_512 = vector.extract_strided_slice %dot_general3A_511 {offsets = [0, 0], sizes = [56, 192], strides = [1, 1]} : vector<56x576xf32> to vector<56x192xf32>
    %swap3A_513 = arith.constant 0 : index
    %swap3A_514 = arith.constant 3 : index
    %swap3A_515 = arith.constant 0 : index
    %swap3A_516 = arith.constant 0 : index
    %swap3A_517 = vector.load %arg5[%swap3A_513, %swap3A_514, %swap3A_515, %swap3A_516] : memref<4x4x56x192xf32, #tpu.memory_space<vmem>>, vector<1x1x56x192xf32>
    %swap3A_518 = vector.shape_cast %swap3A_517 : vector<1x1x56x192xf32> to vector<56x192xf32>
    %swap3A_519 = vector.shape_cast %slice3A_512 : vector<56x192xf32> to vector<1x1x56x192xf32>
    tpu.vector_store %arg5[%swap3A_513, %swap3A_514, %swap3A_515, %swap3A_516], %swap3A_519 {strides = array<i32>} : memref<4x4x56x192xf32, #tpu.memory_space<vmem>>, vector<1x1x56x192xf32>,
    %slice3A_520 = vector.extract_strided_slice %dot_general3A_511 {offsets = [0, 192], sizes = [56, 384], strides = [1, 1]} : vector<56x576xf32> to vector<56x384xf32>
    %swap3A_521 = arith.constant 0 : index
    %swap3A_522 = arith.constant 3 : index
    %swap3A_523 = arith.constant 0 : index
    %swap3A_524 = arith.constant 0 : index
    %swap3A_525 = vector.load %arg6[%swap3A_521, %swap3A_522, %swap3A_523, %swap3A_524] : memref<4x4x56x384xf32, #tpu.memory_space<vmem>>, vector<1x1x56x384xf32>
    %swap3A_526 = vector.shape_cast %swap3A_525 : vector<1x1x56x384xf32> to vector<56x384xf32>
    %swap3A_527 = vector.shape_cast %slice3A_520 : vector<56x384xf32> to vector<1x1x56x384xf32>
    tpu.vector_store %arg6[%swap3A_521, %swap3A_522, %swap3A_523, %swap3A_524], %swap3A_527 {strides = array<i32>} : memref<4x4x56x384xf32, #tpu.memory_space<vmem>>, vector<1x1x56x384xf32>,
    %slice3A_528 = vector.extract_strided_slice %convert_element_type3A_429 {offsets = [56, 0], sizes = [56, 4], strides = [1, 1]} : vector<224x4xi32> to vector<56x4xi32>
    %swap3A_529 = arith.constant 1 : index
    %swap3A_530 = arith.constant 0 : index
    %swap3A_531 = arith.constant 0 : index
    %swap3A_532 = vector.load %arg7[%swap3A_529, %swap3A_530, %swap3A_531] : memref<4x56x4xi32, #tpu.memory_space<vmem>>, vector<1x56x4xi32>
    %swap3A_533 = vector.shape_cast %swap3A_532 : vector<1x56x4xi32> to vector<56x4xi32>
    %swap3A_534 = vector.shape_cast %slice3A_528 : vector<56x4xi32> to vector<1x56x4xi32>
    tpu.vector_store %arg7[%swap3A_529, %swap3A_530, %swap3A_531], %swap3A_534 {strides = array<i32>} : memref<4x56x4xi32, #tpu.memory_space<vmem>>, vector<1x56x4xi32>,
    %slice3A_535 = vector.extract_strided_slice %convert_element_type3A_429 {offsets = [56, 0], sizes = [56, 1], strides = [1, 1]} : vector<224x4xi32> to vector<56x1xi32>
    %eq3A_536 = vector.broadcast %slice3A_535 : vector<56x1xi32> to vector<56x56xi32>
    %eq3A_537 = arith.cmpi eq, %eq3A_536, %iota3A_244 : vector<56x56xi32>
    %convert_element_type3A_538 = arith.extui %eq3A_537 : vector<56x56xi1> to vector<56x56xi32>
    %convert_element_type3A_539 = arith.sitofp %convert_element_type3A_538 : vector<56x56xi32> to vector<56x56xf32>
    %dot_general3A_540 = arith.constant dense<0.000000e+00> : vector<56x576xf32>
    %dot_general3A_541 = tpu.matmul %convert_element_type3A_539, %add3A_266, %dot_general3A_540 {dimension_numbers = #tpu.dot_dimension_numbers<[0], [0], [1], [1], [0, 1, 1, 1], [], []>, transpose_lhs_hint = false} : vector<56x56xf32>, vector<56x576xf32>, vector<56x576xf32> -> vector<56x576xf32>
    %slice3A_542 = vector.extract_strided_slice %dot_general3A_541 {offsets = [0, 0], sizes = [56, 192], strides = [1, 1]} : vector<56x576xf32> to vector<56x192xf32>
    %swap3A_543 = arith.constant 1 : index
    %swap3A_544 = arith.constant 0 : index
    %swap3A_545 = arith.constant 0 : index
    %swap3A_546 = arith.constant 0 : index
    %swap3A_547 = vector.load %arg5[%swap3A_543, %swap3A_544, %swap3A_545, %swap3A_546] : memref<4x4x56x192xf32, #tpu.memory_space<vmem>>, vector<1x1x56x192xf32>
    %swap3A_548 = vector.shape_cast %swap3A_547 : vector<1x1x56x192xf32> to vector<56x192xf32>
    %swap3A_549 = vector.shape_cast %slice3A_542 : vector<56x192xf32> to vector<1x1x56x192xf32>
    tpu.vector_store %arg5[%swap3A_543, %swap3A_544, %swap3A_545, %swap3A_546], %swap3A_549 {strides = array<i32>} : memref<4x4x56x192xf32, #tpu.memory_space<vmem>>, vector<1x1x56x192xf32>,
    %slice3A_550 = vector.extract_strided_slice %dot_general3A_541 {offsets = [0, 192], sizes = [56, 384], strides = [1, 1]} : vector<56x576xf32> to vector<56x384xf32>
    %swap3A_551 = arith.constant 1 : index
    %swap3A_552 = arith.constant 0 : index
    %swap3A_553 = arith.constant 0 : index
    %swap3A_554 = arith.constant 0 : index
    %swap3A_555 = vector.load %arg6[%swap3A_551, %swap3A_552, %swap3A_553, %swap3A_554] : memref<4x4x56x384xf32, #tpu.memory_space<vmem>>, vector<1x1x56x384xf32>
    %swap3A_556 = vector.shape_cast %swap3A_555 : vector<1x1x56x384xf32> to vector<56x384xf32>
    %swap3A_557 = vector.shape_cast %slice3A_550 : vector<56x384xf32> to vector<1x1x56x384xf32>
    tpu.vector_store %arg6[%swap3A_551, %swap3A_552, %swap3A_553, %swap3A_554], %swap3A_557 {strides = array<i32>} : memref<4x4x56x384xf32, #tpu.memory_space<vmem>>, vector<1x1x56x384xf32>,
    %slice3A_558 = vector.extract_strided_slice %convert_element_type3A_429 {offsets = [56, 1], sizes = [56, 1], strides = [1, 1]} : vector<224x4xi32> to vector<56x1xi32>
    %eq3A_559 = vector.broadcast %slice3A_558 : vector<56x1xi32> to vector<56x56xi32>
    %eq3A_560 = arith.cmpi eq, %eq3A_559, %iota3A_244 : vector<56x56xi32>
    %convert_element_type3A_561 = arith.extui %eq3A_560 : vector<56x56xi1> to vector<56x56xi32>
    %convert_element_type3A_562 = arith.sitofp %convert_element_type3A_561 : vector<56x56xi32> to vector<56x56xf32>
    %dot_general3A_563 = arith.constant dense<0.000000e+00> : vector<56x576xf32>
    %dot_general3A_564 = tpu.matmul %convert_element_type3A_562, %add3A_266, %dot_general3A_563 {dimension_numbers = #tpu.dot_dimension_numbers<[0], [0], [1], [1], [0, 1, 1, 1], [], []>, transpose_lhs_hint = false} : vector<56x56xf32>, vector<56x576xf32>, vector<56x576xf32> -> vector<56x576xf32>
    %slice3A_565 = vector.extract_strided_slice %dot_general3A_564 {offsets = [0, 0], sizes = [56, 192], strides = [1, 1]} : vector<56x576xf32> to vector<56x192xf32>
    %swap3A_566 = arith.constant 1 : index
    %swap3A_567 = arith.constant 1 : index
    %swap3A_568 = arith.constant 0 : index
    %swap3A_569 = arith.constant 0 : index
    %swap3A_570 = vector.load %arg5[%swap3A_566, %swap3A_567, %swap3A_568, %swap3A_569] : memref<4x4x56x192xf32, #tpu.memory_space<vmem>>, vector<1x1x56x192xf32>
    %swap3A_571 = vector.shape_cast %swap3A_570 : vector<1x1x56x192xf32> to vector<56x192xf32>
    %swap3A_572 = vector.shape_cast %slice3A_565 : vector<56x192xf32> to vector<1x1x56x192xf32>
    tpu.vector_store %arg5[%swap3A_566, %swap3A_567, %swap3A_568, %swap3A_569], %swap3A_572 {strides = array<i32>} : memref<4x4x56x192xf32, #tpu.memory_space<vmem>>, vector<1x1x56x192xf32>,
    %slice3A_573 = vector.extract_strided_slice %dot_general3A_564 {offsets = [0, 192], sizes = [56, 384], strides = [1, 1]} : vector<56x576xf32> to vector<56x384xf32>
    %swap3A_574 = arith.constant 1 : index
    %swap3A_575 = arith.constant 1 : index
    %swap3A_576 = arith.constant 0 : index
    %swap3A_577 = arith.constant 0 : index
    %swap3A_578 = vector.load %arg6[%swap3A_574, %swap3A_575, %swap3A_576, %swap3A_577] : memref<4x4x56x384xf32, #tpu.memory_space<vmem>>, vector<1x1x56x384xf32>
    %swap3A_579 = vector.shape_cast %swap3A_578 : vector<1x1x56x384xf32> to vector<56x384xf32>
    %swap3A_580 = vector.shape_cast %slice3A_573 : vector<56x384xf32> to vector<1x1x56x384xf32>
    tpu.vector_store %arg6[%swap3A_574, %swap3A_575, %swap3A_576, %swap3A_577], %swap3A_580 {strides = array<i32>} : memref<4x4x56x384xf32, #tpu.memory_space<vmem>>, vector<1x1x56x384xf32>,
    %slice3A_581 = vector.extract_strided_slice %convert_element_type3A_429 {offsets = [56, 2], sizes = [56, 1], strides = [1, 1]} : vector<224x4xi32> to vector<56x1xi32>
    %eq3A_582 = vector.broadcast %slice3A_581 : vector<56x1xi32> to vector<56x56xi32>
    %eq3A_583 = arith.cmpi eq, %eq3A_582, %iota3A_244 : vector<56x56xi32>
    %convert_element_type3A_584 = arith.extui %eq3A_583 : vector<56x56xi1> to vector<56x56xi32>
    %convert_element_type3A_585 = arith.sitofp %convert_element_type3A_584 : vector<56x56xi32> to vector<56x56xf32>
    %dot_general3A_586 = arith.constant dense<0.000000e+00> : vector<56x576xf32>
    %dot_general3A_587 = tpu.matmul %convert_element_type3A_585, %add3A_266, %dot_general3A_586 {dimension_numbers = #tpu.dot_dimension_numbers<[0], [0], [1], [1], [0, 1, 1, 1], [], []>, transpose_lhs_hint = false} : vector<56x56xf32>, vector<56x576xf32>, vector<56x576xf32> -> vector<56x576xf32>
    %slice3A_588 = vector.extract_strided_slice %dot_general3A_587 {offsets = [0, 0], sizes = [56, 192], strides = [1, 1]} : vector<56x576xf32> to vector<56x192xf32>
    %swap3A_589 = arith.constant 1 : index
    %swap3A_590 = arith.constant 2 : index
    %swap3A_591 = arith.constant 0 : index
    %swap3A_592 = arith.constant 0 : index
    %swap3A_593 = vector.load %arg5[%swap3A_589, %swap3A_590, %swap3A_591, %swap3A_592] : memref<4x4x56x192xf32, #tpu.memory_space<vmem>>, vector<1x1x56x192xf32>
    %swap3A_594 = vector.shape_cast %swap3A_593 : vector<1x1x56x192xf32> to vector<56x192xf32>
    %swap3A_595 = vector.shape_cast %slice3A_588 : vector<56x192xf32> to vector<1x1x56x192xf32>
    tpu.vector_store %arg5[%swap3A_589, %swap3A_590, %swap3A_591, %swap3A_592], %swap3A_595 {strides = array<i32>} : memref<4x4x56x192xf32, #tpu.memory_space<vmem>>, vector<1x1x56x192xf32>,
    %slice3A_596 = vector.extract_strided_slice %dot_general3A_587 {offsets = [0, 192], sizes = [56, 384], strides = [1, 1]} : vector<56x576xf32> to vector<56x384xf32>
    %swap3A_597 = arith.constant 1 : index
    %swap3A_598 = arith.constant 2 : index
    %swap3A_599 = arith.constant 0 : index
    %swap3A_600 = arith.constant 0 : index
    %swap3A_601 = vector.load %arg6[%swap3A_597, %swap3A_598, %swap3A_599, %swap3A_600] : memref<4x4x56x384xf32, #tpu.memory_space<vmem>>, vector<1x1x56x384xf32>
    %swap3A_602 = vector.shape_cast %swap3A_601 : vector<1x1x56x384xf32> to vector<56x384xf32>
    %swap3A_603 = vector.shape_cast %slice3A_596 : vector<56x384xf32> to vector<1x1x56x384xf32>
    tpu.vector_store %arg6[%swap3A_597, %swap3A_598, %swap3A_599, %swap3A_600], %swap3A_603 {strides = array<i32>} : memref<4x4x56x384xf32, #tpu.memory_space<vmem>>, vector<1x1x56x384xf32>,
    %slice3A_604 = vector.extract_strided_slice %convert_element_type3A_429 {offsets = [56, 3], sizes = [56, 1], strides = [1, 1]} : vector<224x4xi32> to vector<56x1xi32>
    %eq3A_605 = vector.broadcast %slice3A_604 : vector<56x1xi32> to vector<56x56xi32>
    %eq3A_606 = arith.cmpi eq, %eq3A_605, %iota3A_244 : vector<56x56xi32>
    %convert_element_type3A_607 = arith.extui %eq3A_606 : vector<56x56xi1> to vector<56x56xi32>
    %convert_element_type3A_608 = arith.sitofp %convert_element_type3A_607 : vector<56x56xi32> to vector<56x56xf32>
    %dot_general3A_609 = arith.constant dense<0.000000e+00> : vector<56x576xf32>
    %dot_general3A_610 = tpu.matmul %convert_element_type3A_608, %add3A_266, %dot_general3A_609 {dimension_numbers = #tpu.dot_dimension_numbers<[0], [0], [1], [1], [0, 1, 1, 1], [], []>, transpose_lhs_hint = false} : vector<56x56xf32>, vector<56x576xf32>, vector<56x576xf32> -> vector<56x576xf32>
    %slice3A_611 = vector.extract_strided_slice %dot_general3A_610 {offsets = [0, 0], sizes = [56, 192], strides = [1, 1]} : vector<56x576xf32> to vector<56x192xf32>
    %swap3A_612 = arith.constant 1 : index
    %swap3A_613 = arith.constant 3 : index
    %swap3A_614 = arith.constant 0 : index
    %swap3A_615 = arith.constant 0 : index
    %swap3A_616 = vector.load %arg5[%swap3A_612, %swap3A_613, %swap3A_614, %swap3A_615] : memref<4x4x56x192xf32, #tpu.memory_space<vmem>>, vector<1x1x56x192xf32>
    %swap3A_617 = vector.shape_cast %swap3A_616 : vector<1x1x56x192xf32> to vector<56x192xf32>
    %swap3A_618 = vector.shape_cast %slice3A_611 : vector<56x192xf32> to vector<1x1x56x192xf32>
    tpu.vector_store %arg5[%swap3A_612, %swap3A_613, %swap3A_614, %swap3A_615], %swap3A_618 {strides = array<i32>} : memref<4x4x56x192xf32, #tpu.memory_space<vmem>>, vector<1x1x56x192xf32>,
    %slice3A_619 = vector.extract_strided_slice %dot_general3A_610 {offsets = [0, 192], sizes = [56, 384], strides = [1, 1]} : vector<56x576xf32> to vector<56x384xf32>
    %swap3A_620 = arith.constant 1 : index
    %swap3A_621 = arith.constant 3 : index
    %swap3A_622 = arith.constant 0 : index
    %swap3A_623 = arith.constant 0 : index
    %swap3A_624 = vector.load %arg6[%swap3A_620, %swap3A_621, %swap3A_622, %swap3A_623] : memref<4x4x56x384xf32, #tpu.memory_space<vmem>>, vector<1x1x56x384xf32>
    %swap3A_625 = vector.shape_cast %swap3A_624 : vector<1x1x56x384xf32> to vector<56x384xf32>
    %swap3A_626 = vector.shape_cast %slice3A_619 : vector<56x384xf32> to vector<1x1x56x384xf32>
    tpu.vector_store %arg6[%swap3A_620, %swap3A_621, %swap3A_622, %swap3A_623], %swap3A_626 {strides = array<i32>} : memref<4x4x56x384xf32, #tpu.memory_space<vmem>>, vector<1x1x56x384xf32>,
    %slice3A_627 = vector.extract_strided_slice %convert_element_type3A_429 {offsets = [112, 0], sizes = [56, 4], strides = [1, 1]} : vector<224x4xi32> to vector<56x4xi32>
    %swap3A_628 = arith.constant 2 : index
    %swap3A_629 = arith.constant 0 : index
    %swap3A_630 = arith.constant 0 : index
    %swap3A_631 = vector.load %arg7[%swap3A_628, %swap3A_629, %swap3A_630] : memref<4x56x4xi32, #tpu.memory_space<vmem>>, vector<1x56x4xi32>
    %swap3A_632 = vector.shape_cast %swap3A_631 : vector<1x56x4xi32> to vector<56x4xi32>
    %swap3A_633 = vector.shape_cast %slice3A_627 : vector<56x4xi32> to vector<1x56x4xi32>
    tpu.vector_store %arg7[%swap3A_628, %swap3A_629, %swap3A_630], %swap3A_633 {strides = array<i32>} : memref<4x56x4xi32, #tpu.memory_space<vmem>>, vector<1x56x4xi32>,
    %slice3A_634 = vector.extract_strided_slice %convert_element_type3A_429 {offsets = [112, 0], sizes = [56, 1], strides = [1, 1]} : vector<224x4xi32> to vector<56x1xi32>
    %eq3A_635 = vector.broadcast %slice3A_634 : vector<56x1xi32> to vector<56x56xi32>
    %eq3A_636 = arith.cmpi eq, %eq3A_635, %iota3A_244 : vector<56x56xi32>
    %convert_element_type3A_637 = arith.extui %eq3A_636 : vector<56x56xi1> to vector<56x56xi32>
    %convert_element_type3A_638 = arith.sitofp %convert_element_type3A_637 : vector<56x56xi32> to vector<56x56xf32>
    %dot_general3A_639 = arith.constant dense<0.000000e+00> : vector<56x576xf32>
    %dot_general3A_640 = tpu.matmul %convert_element_type3A_638, %add3A_273, %dot_general3A_639 {dimension_numbers = #tpu.dot_dimension_numbers<[0], [0], [1], [1], [0, 1, 1, 1], [], []>, transpose_lhs_hint = false} : vector<56x56xf32>, vector<56x576xf32>, vector<56x576xf32> -> vector<56x576xf32>
    %slice3A_641 = vector.extract_strided_slice %dot_general3A_640 {offsets = [0, 0], sizes = [56, 192], strides = [1, 1]} : vector<56x576xf32> to vector<56x192xf32>
    %swap3A_642 = arith.constant 2 : index
    %swap3A_643 = arith.constant 0 : index
    %swap3A_644 = arith.constant 0 : index
    %swap3A_645 = arith.constant 0 : index
    %swap3A_646 = vector.load %arg5[%swap3A_642, %swap3A_643, %swap3A_644, %swap3A_645] : memref<4x4x56x192xf32, #tpu.memory_space<vmem>>, vector<1x1x56x192xf32>
    %swap3A_647 = vector.shape_cast %swap3A_646 : vector<1x1x56x192xf32> to vector<56x192xf32>
    %swap3A_648 = vector.shape_cast %slice3A_641 : vector<56x192xf32> to vector<1x1x56x192xf32>
    tpu.vector_store %arg5[%swap3A_642, %swap3A_643, %swap3A_644, %swap3A_645], %swap3A_648 {strides = array<i32>} : memref<4x4x56x192xf32, #tpu.memory_space<vmem>>, vector<1x1x56x192xf32>,
    %slice3A_649 = vector.extract_strided_slice %dot_general3A_640 {offsets = [0, 192], sizes = [56, 384], strides = [1, 1]} : vector<56x576xf32> to vector<56x384xf32>
    %swap3A_650 = arith.constant 2 : index
    %swap3A_651 = arith.constant 0 : index
    %swap3A_652 = arith.constant 0 : index
    %swap3A_653 = arith.constant 0 : index
    %swap3A_654 = vector.load %arg6[%swap3A_650, %swap3A_651, %swap3A_652, %swap3A_653] : memref<4x4x56x384xf32, #tpu.memory_space<vmem>>, vector<1x1x56x384xf32>
    %swap3A_655 = vector.shape_cast %swap3A_654 : vector<1x1x56x384xf32> to vector<56x384xf32>
    %swap3A_656 = vector.shape_cast %slice3A_649 : vector<56x384xf32> to vector<1x1x56x384xf32>
    tpu.vector_store %arg6[%swap3A_650, %swap3A_651, %swap3A_652, %swap3A_653], %swap3A_656 {strides = array<i32>} : memref<4x4x56x384xf32, #tpu.memory_space<vmem>>, vector<1x1x56x384xf32>,
    %slice3A_657 = vector.extract_strided_slice %convert_element_type3A_429 {offsets = [112, 1], sizes = [56, 1], strides = [1, 1]} : vector<224x4xi32> to vector<56x1xi32>
    %eq3A_658 = vector.broadcast %slice3A_657 : vector<56x1xi32> to vector<56x56xi32>
    %eq3A_659 = arith.cmpi eq, %eq3A_658, %iota3A_244 : vector<56x56xi32>
    %convert_element_type3A_660 = arith.extui %eq3A_659 : vector<56x56xi1> to vector<56x56xi32>
    %convert_element_type3A_661 = arith.sitofp %convert_element_type3A_660 : vector<56x56xi32> to vector<56x56xf32>
    %dot_general3A_662 = arith.constant dense<0.000000e+00> : vector<56x576xf32>
    %dot_general3A_663 = tpu.matmul %convert_element_type3A_661, %add3A_273, %dot_general3A_662 {dimension_numbers = #tpu.dot_dimension_numbers<[0], [0], [1], [1], [0, 1, 1, 1], [], []>, transpose_lhs_hint = false} : vector<56x56xf32>, vector<56x576xf32>, vector<56x576xf32> -> vector<56x576xf32>
    %slice3A_664 = vector.extract_strided_slice %dot_general3A_663 {offsets = [0, 0], sizes = [56, 192], strides = [1, 1]} : vector<56x576xf32> to vector<56x192xf32>
    %swap3A_665 = arith.constant 2 : index
    %swap3A_666 = arith.constant 1 : index
    %swap3A_667 = arith.constant 0 : index
    %swap3A_668 = arith.constant 0 : index
    %swap3A_669 = vector.load %arg5[%swap3A_665, %swap3A_666, %swap3A_667, %swap3A_668] : memref<4x4x56x192xf32, #tpu.memory_space<vmem>>, vector<1x1x56x192xf32>
    %swap3A_670 = vector.shape_cast %swap3A_669 : vector<1x1x56x192xf32> to vector<56x192xf32>
    %swap3A_671 = vector.shape_cast %slice3A_664 : vector<56x192xf32> to vector<1x1x56x192xf32>
    tpu.vector_store %arg5[%swap3A_665, %swap3A_666, %swap3A_667, %swap3A_668], %swap3A_671 {strides = array<i32>} : memref<4x4x56x192xf32, #tpu.memory_space<vmem>>, vector<1x1x56x192xf32>,
    %slice3A_672 = vector.extract_strided_slice %dot_general3A_663 {offsets = [0, 192], sizes = [56, 384], strides = [1, 1]} : vector<56x576xf32> to vector<56x384xf32>
    %swap3A_673 = arith.constant 2 : index
    %swap3A_674 = arith.constant 1 : index
    %swap3A_675 = arith.constant 0 : index
    %swap3A_676 = arith.constant 0 : index
    %swap3A_677 = vector.load %arg6[%swap3A_673, %swap3A_674, %swap3A_675, %swap3A_676] : memref<4x4x56x384xf32, #tpu.memory_space<vmem>>, vector<1x1x56x384xf32>
    %swap3A_678 = vector.shape_cast %swap3A_677 : vector<1x1x56x384xf32> to vector<56x384xf32>
    %swap3A_679 = vector.shape_cast %slice3A_672 : vector<56x384xf32> to vector<1x1x56x384xf32>
    tpu.vector_store %arg6[%swap3A_673, %swap3A_674, %swap3A_675, %swap3A_676], %swap3A_679 {strides = array<i32>} : memref<4x4x56x384xf32, #tpu.memory_space<vmem>>, vector<1x1x56x384xf32>,
    %slice3A_680 = vector.extract_strided_slice %convert_element_type3A_429 {offsets = [112, 2], sizes = [56, 1], strides = [1, 1]} : vector<224x4xi32> to vector<56x1xi32>
    %eq3A_681 = vector.broadcast %slice3A_680 : vector<56x1xi32> to vector<56x56xi32>
    %eq3A_682 = arith.cmpi eq, %eq3A_681, %iota3A_244 : vector<56x56xi32>
    %convert_element_type3A_683 = arith.extui %eq3A_682 : vector<56x56xi1> to vector<56x56xi32>
    %convert_element_type3A_684 = arith.sitofp %convert_element_type3A_683 : vector<56x56xi32> to vector<56x56xf32>
    %dot_general3A_685 = arith.constant dense<0.000000e+00> : vector<56x576xf32>
    %dot_general3A_686 = tpu.matmul %convert_element_type3A_684, %add3A_273, %dot_general3A_685 {dimension_numbers = #tpu.dot_dimension_numbers<[0], [0], [1], [1], [0, 1, 1, 1], [], []>, transpose_lhs_hint = false} : vector<56x56xf32>, vector<56x576xf32>, vector<56x576xf32> -> vector<56x576xf32>
    %slice3A_687 = vector.extract_strided_slice %dot_general3A_686 {offsets = [0, 0], sizes = [56, 192], strides = [1, 1]} : vector<56x576xf32> to vector<56x192xf32>
    %swap3A_688 = arith.constant 2 : index
    %swap3A_689 = arith.constant 2 : index
    %swap3A_690 = arith.constant 0 : index
    %swap3A_691 = arith.constant 0 : index
    %swap3A_692 = vector.load %arg5[%swap3A_688, %swap3A_689, %swap3A_690, %swap3A_691] : memref<4x4x56x192xf32, #tpu.memory_space<vmem>>, vector<1x1x56x192xf32>
    %swap3A_693 = vector.shape_cast %swap3A_692 : vector<1x1x56x192xf32> to vector<56x192xf32>
    %swap3A_694 = vector.shape_cast %slice3A_687 : vector<56x192xf32> to vector<1x1x56x192xf32>
    tpu.vector_store %arg5[%swap3A_688, %swap3A_689, %swap3A_690, %swap3A_691], %swap3A_694 {strides = array<i32>} : memref<4x4x56x192xf32, #tpu.memory_space<vmem>>, vector<1x1x56x192xf32>,
    %slice3A_695 = vector.extract_strided_slice %dot_general3A_686 {offsets = [0, 192], sizes = [56, 384], strides = [1, 1]} : vector<56x576xf32> to vector<56x384xf32>
    %swap3A_696 = arith.constant 2 : index
    %swap3A_697 = arith.constant 2 : index
    %swap3A_698 = arith.constant 0 : index
    %swap3A_699 = arith.constant 0 : index
    %swap3A_700 = vector.load %arg6[%swap3A_696, %swap3A_697, %swap3A_698, %swap3A_699] : memref<4x4x56x384xf32, #tpu.memory_space<vmem>>, vector<1x1x56x384xf32>
    %swap3A_701 = vector.shape_cast %swap3A_700 : vector<1x1x56x384xf32> to vector<56x384xf32>
    %swap3A_702 = vector.shape_cast %slice3A_695 : vector<56x384xf32> to vector<1x1x56x384xf32>
    tpu.vector_store %arg6[%swap3A_696, %swap3A_697, %swap3A_698, %swap3A_699], %swap3A_702 {strides = array<i32>} : memref<4x4x56x384xf32, #tpu.memory_space<vmem>>, vector<1x1x56x384xf32>,
    %slice3A_703 = vector.extract_strided_slice %convert_element_type3A_429 {offsets = [112, 3], sizes = [56, 1], strides = [1, 1]} : vector<224x4xi32> to vector<56x1xi32>
    %eq3A_704 = vector.broadcast %slice3A_703 : vector<56x1xi32> to vector<56x56xi32>
    %eq3A_705 = arith.cmpi eq, %eq3A_704, %iota3A_244 : vector<56x56xi32>
    %convert_element_type3A_706 = arith.extui %eq3A_705 : vector<56x56xi1> to vector<56x56xi32>
    %convert_element_type3A_707 = arith.sitofp %convert_element_type3A_706 : vector<56x56xi32> to vector<56x56xf32>
    %dot_general3A_708 = arith.constant dense<0.000000e+00> : vector<56x576xf32>
    %dot_general3A_709 = tpu.matmul %convert_element_type3A_707, %add3A_273, %dot_general3A_708 {dimension_numbers = #tpu.dot_dimension_numbers<[0], [0], [1], [1], [0, 1, 1, 1], [], []>, transpose_lhs_hint = false} : vector<56x56xf32>, vector<56x576xf32>, vector<56x576xf32> -> vector<56x576xf32>
    %slice3A_710 = vector.extract_strided_slice %dot_general3A_709 {offsets = [0, 0], sizes = [56, 192], strides = [1, 1]} : vector<56x576xf32> to vector<56x192xf32>
    %swap3A_711 = arith.constant 2 : index
    %swap3A_712 = arith.constant 3 : index
    %swap3A_713 = arith.constant 0 : index
    %swap3A_714 = arith.constant 0 : index
    %swap3A_715 = vector.load %arg5[%swap3A_711, %swap3A_712, %swap3A_713, %swap3A_714] : memref<4x4x56x192xf32, #tpu.memory_space<vmem>>, vector<1x1x56x192xf32>
    %swap3A_716 = vector.shape_cast %swap3A_715 : vector<1x1x56x192xf32> to vector<56x192xf32>
    %swap3A_717 = vector.shape_cast %slice3A_710 : vector<56x192xf32> to vector<1x1x56x192xf32>
    tpu.vector_store %arg5[%swap3A_711, %swap3A_712, %swap3A_713, %swap3A_714], %swap3A_717 {strides = array<i32>} : memref<4x4x56x192xf32, #tpu.memory_space<vmem>>, vector<1x1x56x192xf32>,
    %slice3A_718 = vector.extract_strided_slice %dot_general3A_709 {offsets = [0, 192], sizes = [56, 384], strides = [1, 1]} : vector<56x576xf32> to vector<56x384xf32>
    %swap3A_719 = arith.constant 2 : index
    %swap3A_720 = arith.constant 3 : index
    %swap3A_721 = arith.constant 0 : index
    %swap3A_722 = arith.constant 0 : index
    %swap3A_723 = vector.load %arg6[%swap3A_719, %swap3A_720, %swap3A_721, %swap3A_722] : memref<4x4x56x384xf32, #tpu.memory_space<vmem>>, vector<1x1x56x384xf32>
    %swap3A_724 = vector.shape_cast %swap3A_723 : vector<1x1x56x384xf32> to vector<56x384xf32>
    %swap3A_725 = vector.shape_cast %slice3A_718 : vector<56x384xf32> to vector<1x1x56x384xf32>
    tpu.vector_store %arg6[%swap3A_719, %swap3A_720, %swap3A_721, %swap3A_722], %swap3A_725 {strides = array<i32>} : memref<4x4x56x384xf32, #tpu.memory_space<vmem>>, vector<1x1x56x384xf32>,
    %slice3A_726 = vector.extract_strided_slice %convert_element_type3A_429 {offsets = [168, 0], sizes = [56, 4], strides = [1, 1]} : vector<224x4xi32> to vector<56x4xi32>
    %swap3A_727 = arith.constant 3 : index
    %swap3A_728 = arith.constant 0 : index
    %swap3A_729 = arith.constant 0 : index
    %swap3A_730 = vector.load %arg7[%swap3A_727, %swap3A_728, %swap3A_729] : memref<4x56x4xi32, #tpu.memory_space<vmem>>, vector<1x56x4xi32>
    %swap3A_731 = vector.shape_cast %swap3A_730 : vector<1x56x4xi32> to vector<56x4xi32>
    %swap3A_732 = vector.shape_cast %slice3A_726 : vector<56x4xi32> to vector<1x56x4xi32>
    tpu.vector_store %arg7[%swap3A_727, %swap3A_728, %swap3A_729], %swap3A_732 {strides = array<i32>} : memref<4x56x4xi32, #tpu.memory_space<vmem>>, vector<1x56x4xi32>,
    %slice3A_733 = vector.extract_strided_slice %convert_element_type3A_429 {offsets = [168, 0], sizes = [56, 1], strides = [1, 1]} : vector<224x4xi32> to vector<56x1xi32>
    %eq3A_734 = vector.broadcast %slice3A_733 : vector<56x1xi32> to vector<56x56xi32>
    %eq3A_735 = arith.cmpi eq, %eq3A_734, %iota3A_244 : vector<56x56xi32>
    %convert_element_type3A_736 = arith.extui %eq3A_735 : vector<56x56xi1> to vector<56x56xi32>
    %convert_element_type3A_737 = arith.sitofp %convert_element_type3A_736 : vector<56x56xi32> to vector<56x56xf32>
    %dot_general3A_738 = arith.constant dense<0.000000e+00> : vector<56x576xf32>
    %dot_general3A_739 = tpu.matmul %convert_element_type3A_737, %add3A_280, %dot_general3A_738 {dimension_numbers = #tpu.dot_dimension_numbers<[0], [0], [1], [1], [0, 1, 1, 1], [], []>, transpose_lhs_hint = false} : vector<56x56xf32>, vector<56x576xf32>, vector<56x576xf32> -> vector<56x576xf32>
    %slice3A_740 = vector.extract_strided_slice %dot_general3A_739 {offsets = [0, 0], sizes = [56, 192], strides = [1, 1]} : vector<56x576xf32> to vector<56x192xf32>
    %swap3A_741 = arith.constant 3 : index
    %swap3A_742 = arith.constant 0 : index
    %swap3A_743 = arith.constant 0 : index
    %swap3A_744 = arith.constant 0 : index
    %swap3A_745 = vector.load %arg5[%swap3A_741, %swap3A_742, %swap3A_743, %swap3A_744] : memref<4x4x56x192xf32, #tpu.memory_space<vmem>>, vector<1x1x56x192xf32>
    %swap3A_746 = vector.shape_cast %swap3A_745 : vector<1x1x56x192xf32> to vector<56x192xf32>
    %swap3A_747 = vector.shape_cast %slice3A_740 : vector<56x192xf32> to vector<1x1x56x192xf32>
    tpu.vector_store %arg5[%swap3A_741, %swap3A_742, %swap3A_743, %swap3A_744], %swap3A_747 {strides = array<i32>} : memref<4x4x56x192xf32, #tpu.memory_space<vmem>>, vector<1x1x56x192xf32>,
    %slice3A_748 = vector.extract_strided_slice %dot_general3A_739 {offsets = [0, 192], sizes = [56, 384], strides = [1, 1]} : vector<56x576xf32> to vector<56x384xf32>
    %swap3A_749 = arith.constant 3 : index
    %swap3A_750 = arith.constant 0 : index
    %swap3A_751 = arith.constant 0 : index
    %swap3A_752 = arith.constant 0 : index
    %swap3A_753 = vector.load %arg6[%swap3A_749, %swap3A_750, %swap3A_751, %swap3A_752] : memref<4x4x56x384xf32, #tpu.memory_space<vmem>>, vector<1x1x56x384xf32>
    %swap3A_754 = vector.shape_cast %swap3A_753 : vector<1x1x56x384xf32> to vector<56x384xf32>
    %swap3A_755 = vector.shape_cast %slice3A_748 : vector<56x384xf32> to vector<1x1x56x384xf32>
    tpu.vector_store %arg6[%swap3A_749, %swap3A_750, %swap3A_751, %swap3A_752], %swap3A_755 {strides = array<i32>} : memref<4x4x56x384xf32, #tpu.memory_space<vmem>>, vector<1x1x56x384xf32>,
    %slice3A_756 = vector.extract_strided_slice %convert_element_type3A_429 {offsets = [168, 1], sizes = [56, 1], strides = [1, 1]} : vector<224x4xi32> to vector<56x1xi32>
    %eq3A_757 = vector.broadcast %slice3A_756 : vector<56x1xi32> to vector<56x56xi32>
    %eq3A_758 = arith.cmpi eq, %eq3A_757, %iota3A_244 : vector<56x56xi32>
    %convert_element_type3A_759 = arith.extui %eq3A_758 : vector<56x56xi1> to vector<56x56xi32>
    %convert_element_type3A_760 = arith.sitofp %convert_element_type3A_759 : vector<56x56xi32> to vector<56x56xf32>
    %dot_general3A_761 = arith.constant dense<0.000000e+00> : vector<56x576xf32>
    %dot_general3A_762 = tpu.matmul %convert_element_type3A_760, %add3A_280, %dot_general3A_761 {dimension_numbers = #tpu.dot_dimension_numbers<[0], [0], [1], [1], [0, 1, 1, 1], [], []>, transpose_lhs_hint = false} : vector<56x56xf32>, vector<56x576xf32>, vector<56x576xf32> -> vector<56x576xf32>
    %slice3A_763 = vector.extract_strided_slice %dot_general3A_762 {offsets = [0, 0], sizes = [56, 192], strides = [1, 1]} : vector<56x576xf32> to vector<56x192xf32>
    %swap3A_764 = arith.constant 3 : index
    %swap3A_765 = arith.constant 1 : index
    %swap3A_766 = arith.constant 0 : index
    %swap3A_767 = arith.constant 0 : index
    %swap3A_768 = vector.load %arg5[%swap3A_764, %swap3A_765, %swap3A_766, %swap3A_767] : memref<4x4x56x192xf32, #tpu.memory_space<vmem>>, vector<1x1x56x192xf32>
    %swap3A_769 = vector.shape_cast %swap3A_768 : vector<1x1x56x192xf32> to vector<56x192xf32>
    %swap3A_770 = vector.shape_cast %slice3A_763 : vector<56x192xf32> to vector<1x1x56x192xf32>
    tpu.vector_store %arg5[%swap3A_764, %swap3A_765, %swap3A_766, %swap3A_767], %swap3A_770 {strides = array<i32>} : memref<4x4x56x192xf32, #tpu.memory_space<vmem>>, vector<1x1x56x192xf32>,
    %slice3A_771 = vector.extract_strided_slice %dot_general3A_762 {offsets = [0, 192], sizes = [56, 384], strides = [1, 1]} : vector<56x576xf32> to vector<56x384xf32>
    %swap3A_772 = arith.constant 3 : index
    %swap3A_773 = arith.constant 1 : index
    %swap3A_774 = arith.constant 0 : index
    %swap3A_775 = arith.constant 0 : index
    %swap3A_776 = vector.load %arg6[%swap3A_772, %swap3A_773, %swap3A_774, %swap3A_775] : memref<4x4x56x384xf32, #tpu.memory_space<vmem>>, vector<1x1x56x384xf32>
    %swap3A_777 = vector.shape_cast %swap3A_776 : vector<1x1x56x384xf32> to vector<56x384xf32>
    %swap3A_778 = vector.shape_cast %slice3A_771 : vector<56x384xf32> to vector<1x1x56x384xf32>
    tpu.vector_store %arg6[%swap3A_772, %swap3A_773, %swap3A_774, %swap3A_775], %swap3A_778 {strides = array<i32>} : memref<4x4x56x384xf32, #tpu.memory_space<vmem>>, vector<1x1x56x384xf32>,
    %slice3A_779 = vector.extract_strided_slice %convert_element_type3A_429 {offsets = [168, 2], sizes = [56, 1], strides = [1, 1]} : vector<224x4xi32> to vector<56x1xi32>
    %eq3A_780 = vector.broadcast %slice3A_779 : vector<56x1xi32> to vector<56x56xi32>
    %eq3A_781 = arith.cmpi eq, %eq3A_780, %iota3A_244 : vector<56x56xi32>
    %convert_element_type3A_782 = arith.extui %eq3A_781 : vector<56x56xi1> to vector<56x56xi32>
    %convert_element_type3A_783 = arith.sitofp %convert_element_type3A_782 : vector<56x56xi32> to vector<56x56xf32>
    %dot_general3A_784 = arith.constant dense<0.000000e+00> : vector<56x576xf32>
    %dot_general3A_785 = tpu.matmul %convert_element_type3A_783, %add3A_280, %dot_general3A_784 {dimension_numbers = #tpu.dot_dimension_numbers<[0], [0], [1], [1], [0, 1, 1, 1], [], []>, transpose_lhs_hint = false} : vector<56x56xf32>, vector<56x576xf32>, vector<56x576xf32> -> vector<56x576xf32>
    %slice3A_786 = vector.extract_strided_slice %dot_general3A_785 {offsets = [0, 0], sizes = [56, 192], strides = [1, 1]} : vector<56x576xf32> to vector<56x192xf32>
    %swap3A_787 = arith.constant 3 : index
    %swap3A_788 = arith.constant 2 : index
    %swap3A_789 = arith.constant 0 : index
    %swap3A_790 = arith.constant 0 : index
    %swap3A_791 = vector.load %arg5[%swap3A_787, %swap3A_788, %swap3A_789, %swap3A_790] : memref<4x4x56x192xf32, #tpu.memory_space<vmem>>, vector<1x1x56x192xf32>
    %swap3A_792 = vector.shape_cast %swap3A_791 : vector<1x1x56x192xf32> to vector<56x192xf32>
    %swap3A_793 = vector.shape_cast %slice3A_786 : vector<56x192xf32> to vector<1x1x56x192xf32>
    tpu.vector_store %arg5[%swap3A_787, %swap3A_788, %swap3A_789, %swap3A_790], %swap3A_793 {strides = array<i32>} : memref<4x4x56x192xf32, #tpu.memory_space<vmem>>, vector<1x1x56x192xf32>,
    %slice3A_794 = vector.extract_strided_slice %dot_general3A_785 {offsets = [0, 192], sizes = [56, 384], strides = [1, 1]} : vector<56x576xf32> to vector<56x384xf32>
    %swap3A_795 = arith.constant 3 : index
    %swap3A_796 = arith.constant 2 : index
    %swap3A_797 = arith.constant 0 : index
    %swap3A_798 = arith.constant 0 : index
    %swap3A_799 = vector.load %arg6[%swap3A_795, %swap3A_796, %swap3A_797, %swap3A_798] : memref<4x4x56x384xf32, #tpu.memory_space<vmem>>, vector<1x1x56x384xf32>
    %swap3A_800 = vector.shape_cast %swap3A_799 : vector<1x1x56x384xf32> to vector<56x384xf32>
    %swap3A_801 = vector.shape_cast %slice3A_794 : vector<56x384xf32> to vector<1x1x56x384xf32>
    tpu.vector_store %arg6[%swap3A_795, %swap3A_796, %swap3A_797, %swap3A_798], %swap3A_801 {strides = array<i32>} : memref<4x4x56x384xf32, #tpu.memory_space<vmem>>, vector<1x1x56x384xf32>,
    %slice3A_802 = vector.extract_strided_slice %convert_element_type3A_429 {offsets = [168, 3], sizes = [56, 1], strides = [1, 1]} : vector<224x4xi32> to vector<56x1xi32>
    %eq3A_803 = vector.broadcast %slice3A_802 : vector<56x1xi32> to vector<56x56xi32>
    %eq3A_804 = arith.cmpi eq, %eq3A_803, %iota3A_244 : vector<56x56xi32>
    %convert_element_type3A_805 = arith.extui %eq3A_804 : vector<56x56xi1> to vector<56x56xi32>
    %convert_element_type3A_806 = arith.sitofp %convert_element_type3A_805 : vector<56x56xi32> to vector<56x56xf32>
    %dot_general3A_807 = arith.constant dense<0.000000e+00> : vector<56x576xf32>
    %dot_general3A_808 = tpu.matmul %convert_element_type3A_806, %add3A_280, %dot_general3A_807 {dimension_numbers = #tpu.dot_dimension_numbers<[0], [0], [1], [1], [0, 1, 1, 1], [], []>, transpose_lhs_hint = false} : vector<56x56xf32>, vector<56x576xf32>, vector<56x576xf32> -> vector<56x576xf32>
    %slice3A_809 = vector.extract_strided_slice %dot_general3A_808 {offsets = [0, 0], sizes = [56, 192], strides = [1, 1]} : vector<56x576xf32> to vector<56x192xf32>
    %swap3A_810 = arith.constant 3 : index
    %swap3A_811 = arith.constant 3 : index
    %swap3A_812 = arith.constant 0 : index
    %swap3A_813 = arith.constant 0 : index
    %swap3A_814 = vector.load %arg5[%swap3A_810, %swap3A_811, %swap3A_812, %swap3A_813] : memref<4x4x56x192xf32, #tpu.memory_space<vmem>>, vector<1x1x56x192xf32>
    %swap3A_815 = vector.shape_cast %swap3A_814 : vector<1x1x56x192xf32> to vector<56x192xf32>
    %swap3A_816 = vector.shape_cast %slice3A_809 : vector<56x192xf32> to vector<1x1x56x192xf32>
    tpu.vector_store %arg5[%swap3A_810, %swap3A_811, %swap3A_812, %swap3A_813], %swap3A_816 {strides = array<i32>} : memref<4x4x56x192xf32, #tpu.memory_space<vmem>>, vector<1x1x56x192xf32>,
    %slice3A_817 = vector.extract_strided_slice %dot_general3A_808 {offsets = [0, 192], sizes = [56, 384], strides = [1, 1]} : vector<56x576xf32> to vector<56x384xf32>
    %swap3A_818 = arith.constant 3 : index
    %swap3A_819 = arith.constant 3 : index
    %swap3A_820 = arith.constant 0 : index
    %swap3A_821 = arith.constant 0 : index
    %swap3A_822 = vector.load %arg6[%swap3A_818, %swap3A_819, %swap3A_820, %swap3A_821] : memref<4x4x56x384xf32, #tpu.memory_space<vmem>>, vector<1x1x56x384xf32>
    %swap3A_823 = vector.shape_cast %swap3A_822 : vector<1x1x56x384xf32> to vector<56x384xf32>
    %swap3A_824 = vector.shape_cast %slice3A_817 : vector<56x384xf32> to vector<1x1x56x384xf32>
    tpu.vector_store %arg6[%swap3A_818, %swap3A_819, %swap3A_820, %swap3A_821], %swap3A_824 {strides = array<i32>} : memref<4x4x56x384xf32, #tpu.memory_space<vmem>>, vector<1x1x56x384xf32>,
    return
  }
  func.func @transform_0(%arg0: i32) -> (i32, i32, i32) {
    %c0_i32 = arith.constant 0 : i32
    %c0_i32_0 = arith.constant 0 : i32
    %c0_i32_1 = arith.constant 0 : i32
    return %arg0, %c0_i32, %c0_i32_0 : i32, i32, i32
  }
  func.func @transform_1(%arg0: i32) -> (i32, i32) {
    %c0_i32 = arith.constant 0 : i32
    %c0_i32_0 = arith.constant 0 : i32
    %c0_i32_1 = arith.constant 0 : i32
    return %c0_i32, %c0_i32_0 : i32, i32
  }
  func.func @transform_2(%arg0: i32) -> (i32, i32) {
    %c0_i32 = arith.constant 0 : i32
    %c0_i32_0 = arith.constant 0 : i32
    %c0_i32_1 = arith.constant 0 : i32
    return %c0_i32, %c0_i32_0 : i32, i32
  }
  func.func @transform_3(%arg0: i32) -> (i32, i32) {
    %c0_i32 = arith.constant 0 : i32
    %c0_i32_0 = arith.constant 0 : i32
    %c0_i32_1 = arith.constant 0 : i32
    return %c0_i32, %c0_i32_0 : i32, i32
  }
  func.func @transform_4(%arg0: i32) -> (i32, i32, i32, i32) {
    %c0_i32 = arith.constant 0 : i32
    %c0_i32_0 = arith.constant 0 : i32
    %c0_i32_1 = arith.constant 0 : i32
    %c0_i32_2 = arith.constant 0 : i32
    return %arg0, %c0_i32, %c0_i32_0, %c0_i32_1 : i32, i32, i32, i32
  }
  func.func @transform_5(%arg0: i32) -> (i32, i32, i32, i32) {
    %c0_i32 = arith.constant 0 : i32
    %c0_i32_0 = arith.constant 0 : i32
    %c0_i32_1 = arith.constant 0 : i32
    %c0_i32_2 = arith.constant 0 : i32
    return %arg0, %c0_i32, %c0_i32_0, %c0_i32_1 : i32, i32, i32, i32
  }
  func.func @transform_6(%arg0: i32) -> (i32, i32, i32) {
    %c0_i32 = arith.constant 0 : i32
    %c0_i32_0 = arith.constant 0 : i32
    %c0_i32_1 = arith.constant 0 : i32
    return %arg0, %c0_i32, %c0_i32_0 : i32, i32, i32
  }
}

module attributes {stable_mosaic.version = 14 : i64} {
  func.func @_attn_kernel(%arg0: i32, %arg1: memref<1x4x448x24xf32, #tpu.memory_space<vmem>>, %arg2: memref<1x4x448x48xf32, #tpu.memory_space<vmem>>, %arg3: memref<56x24xf32, #tpu.memory_space<vmem>>, %arg4: memref<56x48xf32, #tpu.memory_space<vmem>>, %arg5: memref<8x1792xf32, #tpu.memory_space<vmem>>, %arg6: memref<7x96x224xf32, #tpu.memory_space<vmem>>, %arg7: memref<7x224x96xf32, #tpu.memory_space<vmem>>, %arg8: memref<1x1792x96xf32, #tpu.memory_space<vmem>>, %arg9: memref<1x56x4xf32, #tpu.memory_space<vmem>>) attributes {dimension_semantics = [#tpu.dimension_semantics<arbitrary>], iteration_bounds = array<i64: 448>, scalar_prefetch = 0 : i64, scratch_operands = 0 : i64, tpu.core_type = #tpu.core_type<tc>, window_params = [{transform_indices = @transform_0, window_bounds = array<i64: 1, 4, 448, 24>}, {transform_indices = @transform_1, window_bounds = array<i64: 1, 4, 448, 48>}, {pipeline_mode = #tpu.pipeline_mode<synchronous>, transform_indices = @transform_2, window_bounds = array<i64: 56, 24>}, {pipeline_mode = #tpu.pipeline_mode<synchronous>, transform_indices = @transform_3, window_bounds = array<i64: 56, 48>}, {pipeline_mode = #tpu.pipeline_mode<synchronous>, transform_indices = @transform_4, window_bounds = array<i64: 8, 1792>}, {pipeline_mode = #tpu.pipeline_mode<synchronous>, transform_indices = @transform_5, window_bounds = array<i64: 7, 96, 224>}, {pipeline_mode = #tpu.pipeline_mode<synchronous>, transform_indices = @transform_6, window_bounds = array<i64: 7, 224, 96>}, {transform_indices = @transform_7, window_bounds = array<i64: 1, 1792, 96>}, {transform_indices = @transform_8, window_bounds = array<i64: 1, 56, 4>}]} {
    %get3A = arith.constant 0 : index
    %get3A_0 = arith.constant 0 : index
    %get3A_1 = vector.load %arg3[%get3A, %get3A_0] : memref<56x24xf32, #tpu.memory_space<vmem>>, vector<56x24xf32>
    %mul3A = arith.constant 1.000000e-01 : f32
    %mul3A_2 = vector.broadcast %mul3A : f32 to vector<56x24xf32>
    %mul3A_3 = arith.mulf %get3A_1, %mul3A_2 : vector<56x24xf32>
    %get3A_4 = arith.constant 0 : index
    %get3A_5 = arith.constant 0 : index
    %get3A_6 = vector.load %arg4[%get3A_4, %get3A_5] : memref<56x48xf32, #tpu.memory_space<vmem>>, vector<56x48xf32>
    %mul3A_7 = arith.constant 1.000000e-01 : f32
    %mul3A_8 = vector.broadcast %mul3A_7 : f32 to vector<56x48xf32>
    %mul3A_9 = arith.mulf %get3A_6, %mul3A_8 : vector<56x48xf32>
    %iota3A = tpu.iota {dimensions = array<i32: 0>} : vector<56x56xi32>
    %jit3A = arith.constant 14 : i32
    %div3A = vector.broadcast %jit3A : i32 to vector<56x56xi32>
    %div3A_10 = arith.divsi %iota3A, %div3A : vector<56x56xi32>
    %sign3A = arith.constant 0 : i32
    %sign3A_11 = vector.broadcast %sign3A : i32 to vector<56x56xi32>
    %sign3A_12 = arith.cmpi sgt, %iota3A, %sign3A_11 : vector<56x56xi32>
    %sign3A_13 = arith.extui %sign3A_12 : vector<56x56xi1> to vector<56x56xi32>
    %sign3A_14 = arith.constant 0 : i32
    %sign3A_15 = vector.broadcast %sign3A_14 : i32 to vector<56x56xi32>
    %sign3A_16 = arith.cmpi slt, %iota3A, %sign3A_15 : vector<56x56xi32>
    %sign3A_17 = arith.extui %sign3A_16 : vector<56x56xi1> to vector<56x56xi32>
    %sign3A_18 = arith.subi %sign3A_13, %sign3A_17 : vector<56x56xi32>
    %sign3A_19 = arith.constant 0 : i32
    %sign3A_20 = arith.cmpi sgt, %jit3A, %sign3A_19 : i32
    %sign3A_21 = arith.extui %sign3A_20 : i1 to i32
    %sign3A_22 = arith.constant 0 : i32
    %sign3A_23 = arith.cmpi slt, %jit3A, %sign3A_22 : i32
    %sign3A_24 = arith.extui %sign3A_23 : i1 to i32
    %sign3A_25 = arith.subi %sign3A_21, %sign3A_24 : i32
    %ne3A = vector.broadcast %sign3A_25 : i32 to vector<56x56xi32>
    %ne3A_26 = arith.cmpi ne, %sign3A_18, %ne3A : vector<56x56xi32>
    %rem3A = vector.broadcast %jit3A : i32 to vector<56x56xi32>
    %rem3A_27 = arith.remsi %iota3A, %rem3A : vector<56x56xi32>
    %ne3A_28 = arith.constant 0 : i32
    %ne3A_29 = vector.broadcast %ne3A_28 : i32 to vector<56x56xi32>
    %ne3A_30 = arith.cmpi ne, %rem3A_27, %ne3A_29 : vector<56x56xi32>
    %and3A = arith.andi %ne3A_26, %ne3A_30 : vector<56x56xi1>
    %sub3A = arith.constant 1 : i32
    %sub3A_31 = vector.broadcast %sub3A : i32 to vector<56x56xi32>
    %sub3A_32 = arith.subi %div3A_10, %sub3A_31 : vector<56x56xi32>
    %select_n3A = arith.select %and3A, %sub3A_32, %div3A_10 : vector<56x56xi1>, vector<56x56xi32>
    %iota3A_33 = tpu.iota {dimensions = array<i32: 1>} : vector<56x56xi32>
    %jit3A_34 = arith.constant 14 : i32
    %div3A_35 = vector.broadcast %jit3A_34 : i32 to vector<56x56xi32>
    %div3A_36 = arith.divsi %iota3A_33, %div3A_35 : vector<56x56xi32>
    %sign3A_37 = arith.constant 0 : i32
    %sign3A_38 = vector.broadcast %sign3A_37 : i32 to vector<56x56xi32>
    %sign3A_39 = arith.cmpi sgt, %iota3A_33, %sign3A_38 : vector<56x56xi32>
    %sign3A_40 = arith.extui %sign3A_39 : vector<56x56xi1> to vector<56x56xi32>
    %sign3A_41 = arith.constant 0 : i32
    %sign3A_42 = vector.broadcast %sign3A_41 : i32 to vector<56x56xi32>
    %sign3A_43 = arith.cmpi slt, %iota3A_33, %sign3A_42 : vector<56x56xi32>
    %sign3A_44 = arith.extui %sign3A_43 : vector<56x56xi1> to vector<56x56xi32>
    %sign3A_45 = arith.subi %sign3A_40, %sign3A_44 : vector<56x56xi32>
    %sign3A_46 = arith.constant 0 : i32
    %sign3A_47 = arith.cmpi sgt, %jit3A_34, %sign3A_46 : i32
    %sign3A_48 = arith.extui %sign3A_47 : i1 to i32
    %sign3A_49 = arith.constant 0 : i32
    %sign3A_50 = arith.cmpi slt, %jit3A_34, %sign3A_49 : i32
    %sign3A_51 = arith.extui %sign3A_50 : i1 to i32
    %sign3A_52 = arith.subi %sign3A_48, %sign3A_51 : i32
    %ne3A_53 = vector.broadcast %sign3A_52 : i32 to vector<56x56xi32>
    %ne3A_54 = arith.cmpi ne, %sign3A_45, %ne3A_53 : vector<56x56xi32>
    %rem3A_55 = vector.broadcast %jit3A_34 : i32 to vector<56x56xi32>
    %rem3A_56 = arith.remsi %iota3A_33, %rem3A_55 : vector<56x56xi32>
    %ne3A_57 = arith.constant 0 : i32
    %ne3A_58 = vector.broadcast %ne3A_57 : i32 to vector<56x56xi32>
    %ne3A_59 = arith.cmpi ne, %rem3A_56, %ne3A_58 : vector<56x56xi32>
    %and3A_60 = arith.andi %ne3A_54, %ne3A_59 : vector<56x56xi1>
    %sub3A_61 = arith.constant 1 : i32
    %sub3A_62 = vector.broadcast %sub3A_61 : i32 to vector<56x56xi32>
    %sub3A_63 = arith.subi %div3A_36, %sub3A_62 : vector<56x56xi32>
    %select_n3A_64 = arith.select %and3A_60, %sub3A_63, %div3A_36 : vector<56x56xi1>, vector<56x56xi32>
    %add3A = arith.constant 2 : i32
    %add3A_65 = vector.broadcast %add3A : i32 to vector<56x56xi32>
    %add3A_66 = arith.addi %select_n3A, %add3A_65 : vector<56x56xi32>
    %and3A_67 = arith.constant 3 : i32
    %and3A_68 = vector.broadcast %and3A_67 : i32 to vector<56x56xi32>
    %and3A_69 = arith.andi %add3A_66, %and3A_68 : vector<56x56xi32>
    %ne3A_70 = arith.cmpi ne, %select_n3A_64, %and3A_69 : vector<56x56xi32>
    %get3A_71 = arith.constant 0 : index
    %get3A_72 = arith.constant 0 : index
    %get3A_73 = arith.constant 0 : index
    %get3A_74 = arith.constant 0 : index
    %get3A_75 = vector.load %arg1[%get3A_71, %get3A_72, %get3A_73, %get3A_74] : memref<1x4x448x24xf32, #tpu.memory_space<vmem>>, vector<1x4x448x24xf32>
    %get3A_76 = vector.shape_cast %get3A_75 : vector<1x4x448x24xf32> to vector<4x448x24xf32>
    %reshape3A = vector.shape_cast %get3A_76 : vector<4x448x24xf32> to vector<1792x24xf32>
    %mul3A_77 = arith.mulf %reshape3A, %reshape3A : vector<1792x24xf32>
    %reduce_sum3A = arith.constant dense<0.000000e+00> : vector<1792xf32>
    %reduce_sum3A_78 = vector.multi_reduction <add>, %mul3A_77, %reduce_sum3A [1] : vector<1792x24xf32> to vector<1792xf32>
    %broadcast_in_dim3A = vector.shape_cast %reduce_sum3A_78 : vector<1792xf32> to vector<1792x1xf32>
    %sqrt3A = math.sqrt %broadcast_in_dim3A : vector<1792x1xf32>
    %max3A = arith.constant 5.000000e-05 : f32
    %max3A_79 = vector.broadcast %max3A : f32 to vector<1792x1xf32>
    %max3A_80 = arith.maximumf %sqrt3A, %max3A_79 : vector<1792x1xf32>
    %div3A_81 = vector.broadcast %max3A_80 : vector<1792x1xf32> to vector<1792x24xf32>
    %div3A_82 = arith.divf %reshape3A, %div3A_81 : vector<1792x24xf32>
    %slice3A = vector.extract_strided_slice %reshape3A {offsets = [0, 0], sizes = [56, 24], strides = [1, 1]} : vector<1792x24xf32> to vector<56x24xf32>
    %slice3A_83 = vector.extract_strided_slice %div3A_82 {offsets = [0, 0], sizes = [56, 24], strides = [1, 1]} : vector<1792x24xf32> to vector<56x24xf32>
    %concatenate3A = tpu.concatenate %slice3A_83, %mul3A_3 in 0 : vector<56x24xf32>, vector<56x24xf32> -> vector<112x24xf32>
    %dot_general3A = arith.constant dense<0.000000e+00> : vector<56x112xf32>
    %dot_general3A_84 = tpu.matmul %slice3A, %concatenate3A, %dot_general3A {dimension_numbers = #tpu.dot_dimension_numbers<[1], [1], [0], [0], [0, 0, 1, 0], [], []>, transpose_lhs_hint = false} : vector<56x24xf32>, vector<112x24xf32>, vector<56x112xf32> -> vector<56x112xf32>
    %slice3A_85 = vector.extract_strided_slice %reshape3A {offsets = [56, 0], sizes = [56, 24], strides = [1, 1]} : vector<1792x24xf32> to vector<56x24xf32>
    %slice3A_86 = vector.extract_strided_slice %div3A_82 {offsets = [56, 0], sizes = [56, 24], strides = [1, 1]} : vector<1792x24xf32> to vector<56x24xf32>
    %concatenate3A_87 = tpu.concatenate %slice3A_86, %mul3A_3 in 0 : vector<56x24xf32>, vector<56x24xf32> -> vector<112x24xf32>
    %dot_general3A_88 = arith.constant dense<0.000000e+00> : vector<56x112xf32>
    %dot_general3A_89 = tpu.matmul %slice3A_85, %concatenate3A_87, %dot_general3A_88 {dimension_numbers = #tpu.dot_dimension_numbers<[1], [1], [0], [0], [0, 0, 1, 0], [], []>, transpose_lhs_hint = false} : vector<56x24xf32>, vector<112x24xf32>, vector<56x112xf32> -> vector<56x112xf32>
    %slice3A_90 = vector.extract_strided_slice %reshape3A {offsets = [112, 0], sizes = [56, 24], strides = [1, 1]} : vector<1792x24xf32> to vector<56x24xf32>
    %slice3A_91 = vector.extract_strided_slice %div3A_82 {offsets = [112, 0], sizes = [56, 24], strides = [1, 1]} : vector<1792x24xf32> to vector<56x24xf32>
    %concatenate3A_92 = tpu.concatenate %slice3A_91, %mul3A_3 in 0 : vector<56x24xf32>, vector<56x24xf32> -> vector<112x24xf32>
    %dot_general3A_93 = arith.constant dense<0.000000e+00> : vector<56x112xf32>
    %dot_general3A_94 = tpu.matmul %slice3A_90, %concatenate3A_92, %dot_general3A_93 {dimension_numbers = #tpu.dot_dimension_numbers<[1], [1], [0], [0], [0, 0, 1, 0], [], []>, transpose_lhs_hint = false} : vector<56x24xf32>, vector<112x24xf32>, vector<56x112xf32> -> vector<56x112xf32>
    %slice3A_95 = vector.extract_strided_slice %reshape3A {offsets = [168, 0], sizes = [56, 24], strides = [1, 1]} : vector<1792x24xf32> to vector<56x24xf32>
    %slice3A_96 = vector.extract_strided_slice %div3A_82 {offsets = [168, 0], sizes = [56, 24], strides = [1, 1]} : vector<1792x24xf32> to vector<56x24xf32>
    %concatenate3A_97 = tpu.concatenate %slice3A_96, %mul3A_3 in 0 : vector<56x24xf32>, vector<56x24xf32> -> vector<112x24xf32>
    %dot_general3A_98 = arith.constant dense<0.000000e+00> : vector<56x112xf32>
    %dot_general3A_99 = tpu.matmul %slice3A_95, %concatenate3A_97, %dot_general3A_98 {dimension_numbers = #tpu.dot_dimension_numbers<[1], [1], [0], [0], [0, 0, 1, 0], [], []>, transpose_lhs_hint = false} : vector<56x24xf32>, vector<112x24xf32>, vector<56x112xf32> -> vector<56x112xf32>
    %slice3A_100 = vector.extract_strided_slice %reshape3A {offsets = [224, 0], sizes = [56, 24], strides = [1, 1]} : vector<1792x24xf32> to vector<56x24xf32>
    %slice3A_101 = vector.extract_strided_slice %div3A_82 {offsets = [224, 0], sizes = [56, 24], strides = [1, 1]} : vector<1792x24xf32> to vector<56x24xf32>
    %concatenate3A_102 = tpu.concatenate %slice3A_101, %mul3A_3 in 0 : vector<56x24xf32>, vector<56x24xf32> -> vector<112x24xf32>
    %dot_general3A_103 = arith.constant dense<0.000000e+00> : vector<56x112xf32>
    %dot_general3A_104 = tpu.matmul %slice3A_100, %concatenate3A_102, %dot_general3A_103 {dimension_numbers = #tpu.dot_dimension_numbers<[1], [1], [0], [0], [0, 0, 1, 0], [], []>, transpose_lhs_hint = false} : vector<56x24xf32>, vector<112x24xf32>, vector<56x112xf32> -> vector<56x112xf32>
    %slice3A_105 = vector.extract_strided_slice %reshape3A {offsets = [280, 0], sizes = [56, 24], strides = [1, 1]} : vector<1792x24xf32> to vector<56x24xf32>
    %slice3A_106 = vector.extract_strided_slice %div3A_82 {offsets = [280, 0], sizes = [56, 24], strides = [1, 1]} : vector<1792x24xf32> to vector<56x24xf32>
    %concatenate3A_107 = tpu.concatenate %slice3A_106, %mul3A_3 in 0 : vector<56x24xf32>, vector<56x24xf32> -> vector<112x24xf32>
    %dot_general3A_108 = arith.constant dense<0.000000e+00> : vector<56x112xf32>
    %dot_general3A_109 = tpu.matmul %slice3A_105, %concatenate3A_107, %dot_general3A_108 {dimension_numbers = #tpu.dot_dimension_numbers<[1], [1], [0], [0], [0, 0, 1, 0], [], []>, transpose_lhs_hint = false} : vector<56x24xf32>, vector<112x24xf32>, vector<56x112xf32> -> vector<56x112xf32>
    %slice3A_110 = vector.extract_strided_slice %reshape3A {offsets = [336, 0], sizes = [56, 24], strides = [1, 1]} : vector<1792x24xf32> to vector<56x24xf32>
    %slice3A_111 = vector.extract_strided_slice %div3A_82 {offsets = [336, 0], sizes = [56, 24], strides = [1, 1]} : vector<1792x24xf32> to vector<56x24xf32>
    %concatenate3A_112 = tpu.concatenate %slice3A_111, %mul3A_3 in 0 : vector<56x24xf32>, vector<56x24xf32> -> vector<112x24xf32>
    %dot_general3A_113 = arith.constant dense<0.000000e+00> : vector<56x112xf32>
    %dot_general3A_114 = tpu.matmul %slice3A_110, %concatenate3A_112, %dot_general3A_113 {dimension_numbers = #tpu.dot_dimension_numbers<[1], [1], [0], [0], [0, 0, 1, 0], [], []>, transpose_lhs_hint = false} : vector<56x24xf32>, vector<112x24xf32>, vector<56x112xf32> -> vector<56x112xf32>
    %slice3A_115 = vector.extract_strided_slice %reshape3A {offsets = [392, 0], sizes = [56, 24], strides = [1, 1]} : vector<1792x24xf32> to vector<56x24xf32>
    %slice3A_116 = vector.extract_strided_slice %div3A_82 {offsets = [392, 0], sizes = [56, 24], strides = [1, 1]} : vector<1792x24xf32> to vector<56x24xf32>
    %concatenate3A_117 = tpu.concatenate %slice3A_116, %mul3A_3 in 0 : vector<56x24xf32>, vector<56x24xf32> -> vector<112x24xf32>
    %dot_general3A_118 = arith.constant dense<0.000000e+00> : vector<56x112xf32>
    %dot_general3A_119 = tpu.matmul %slice3A_115, %concatenate3A_117, %dot_general3A_118 {dimension_numbers = #tpu.dot_dimension_numbers<[1], [1], [0], [0], [0, 0, 1, 0], [], []>, transpose_lhs_hint = false} : vector<56x24xf32>, vector<112x24xf32>, vector<56x112xf32> -> vector<56x112xf32>
    %slice3A_120 = vector.extract_strided_slice %reshape3A {offsets = [448, 0], sizes = [56, 24], strides = [1, 1]} : vector<1792x24xf32> to vector<56x24xf32>
    %slice3A_121 = vector.extract_strided_slice %div3A_82 {offsets = [448, 0], sizes = [56, 24], strides = [1, 1]} : vector<1792x24xf32> to vector<56x24xf32>
    %concatenate3A_122 = tpu.concatenate %slice3A_121, %mul3A_3 in 0 : vector<56x24xf32>, vector<56x24xf32> -> vector<112x24xf32>
    %dot_general3A_123 = arith.constant dense<0.000000e+00> : vector<56x112xf32>
    %dot_general3A_124 = tpu.matmul %slice3A_120, %concatenate3A_122, %dot_general3A_123 {dimension_numbers = #tpu.dot_dimension_numbers<[1], [1], [0], [0], [0, 0, 1, 0], [], []>, transpose_lhs_hint = false} : vector<56x24xf32>, vector<112x24xf32>, vector<56x112xf32> -> vector<56x112xf32>
    %slice3A_125 = vector.extract_strided_slice %reshape3A {offsets = [504, 0], sizes = [56, 24], strides = [1, 1]} : vector<1792x24xf32> to vector<56x24xf32>
    %slice3A_126 = vector.extract_strided_slice %div3A_82 {offsets = [504, 0], sizes = [56, 24], strides = [1, 1]} : vector<1792x24xf32> to vector<56x24xf32>
    %concatenate3A_127 = tpu.concatenate %slice3A_126, %mul3A_3 in 0 : vector<56x24xf32>, vector<56x24xf32> -> vector<112x24xf32>
    %dot_general3A_128 = arith.constant dense<0.000000e+00> : vector<56x112xf32>
    %dot_general3A_129 = tpu.matmul %slice3A_125, %concatenate3A_127, %dot_general3A_128 {dimension_numbers = #tpu.dot_dimension_numbers<[1], [1], [0], [0], [0, 0, 1, 0], [], []>, transpose_lhs_hint = false} : vector<56x24xf32>, vector<112x24xf32>, vector<56x112xf32> -> vector<56x112xf32>
    %slice3A_130 = vector.extract_strided_slice %reshape3A {offsets = [560, 0], sizes = [56, 24], strides = [1, 1]} : vector<1792x24xf32> to vector<56x24xf32>
    %slice3A_131 = vector.extract_strided_slice %div3A_82 {offsets = [560, 0], sizes = [56, 24], strides = [1, 1]} : vector<1792x24xf32> to vector<56x24xf32>
    %concatenate3A_132 = tpu.concatenate %slice3A_131, %mul3A_3 in 0 : vector<56x24xf32>, vector<56x24xf32> -> vector<112x24xf32>
    %dot_general3A_133 = arith.constant dense<0.000000e+00> : vector<56x112xf32>
    %dot_general3A_134 = tpu.matmul %slice3A_130, %concatenate3A_132, %dot_general3A_133 {dimension_numbers = #tpu.dot_dimension_numbers<[1], [1], [0], [0], [0, 0, 1, 0], [], []>, transpose_lhs_hint = false} : vector<56x24xf32>, vector<112x24xf32>, vector<56x112xf32> -> vector<56x112xf32>
    %slice3A_135 = vector.extract_strided_slice %reshape3A {offsets = [616, 0], sizes = [56, 24], strides = [1, 1]} : vector<1792x24xf32> to vector<56x24xf32>
    %slice3A_136 = vector.extract_strided_slice %div3A_82 {offsets = [616, 0], sizes = [56, 24], strides = [1, 1]} : vector<1792x24xf32> to vector<56x24xf32>
    %concatenate3A_137 = tpu.concatenate %slice3A_136, %mul3A_3 in 0 : vector<56x24xf32>, vector<56x24xf32> -> vector<112x24xf32>
    %dot_general3A_138 = arith.constant dense<0.000000e+00> : vector<56x112xf32>
    %dot_general3A_139 = tpu.matmul %slice3A_135, %concatenate3A_137, %dot_general3A_138 {dimension_numbers = #tpu.dot_dimension_numbers<[1], [1], [0], [0], [0, 0, 1, 0], [], []>, transpose_lhs_hint = false} : vector<56x24xf32>, vector<112x24xf32>, vector<56x112xf32> -> vector<56x112xf32>
    %slice3A_140 = vector.extract_strided_slice %reshape3A {offsets = [672, 0], sizes = [56, 24], strides = [1, 1]} : vector<1792x24xf32> to vector<56x24xf32>
    %slice3A_141 = vector.extract_strided_slice %div3A_82 {offsets = [672, 0], sizes = [56, 24], strides = [1, 1]} : vector<1792x24xf32> to vector<56x24xf32>
    %concatenate3A_142 = tpu.concatenate %slice3A_141, %mul3A_3 in 0 : vector<56x24xf32>, vector<56x24xf32> -> vector<112x24xf32>
    %dot_general3A_143 = arith.constant dense<0.000000e+00> : vector<56x112xf32>
    %dot_general3A_144 = tpu.matmul %slice3A_140, %concatenate3A_142, %dot_general3A_143 {dimension_numbers = #tpu.dot_dimension_numbers<[1], [1], [0], [0], [0, 0, 1, 0], [], []>, transpose_lhs_hint = false} : vector<56x24xf32>, vector<112x24xf32>, vector<56x112xf32> -> vector<56x112xf32>
    %slice3A_145 = vector.extract_strided_slice %reshape3A {offsets = [728, 0], sizes = [56, 24], strides = [1, 1]} : vector<1792x24xf32> to vector<56x24xf32>
    %slice3A_146 = vector.extract_strided_slice %div3A_82 {offsets = [728, 0], sizes = [56, 24], strides = [1, 1]} : vector<1792x24xf32> to vector<56x24xf32>
    %concatenate3A_147 = tpu.concatenate %slice3A_146, %mul3A_3 in 0 : vector<56x24xf32>, vector<56x24xf32> -> vector<112x24xf32>
    %dot_general3A_148 = arith.constant dense<0.000000e+00> : vector<56x112xf32>
    %dot_general3A_149 = tpu.matmul %slice3A_145, %concatenate3A_147, %dot_general3A_148 {dimension_numbers = #tpu.dot_dimension_numbers<[1], [1], [0], [0], [0, 0, 1, 0], [], []>, transpose_lhs_hint = false} : vector<56x24xf32>, vector<112x24xf32>, vector<56x112xf32> -> vector<56x112xf32>
    %slice3A_150 = vector.extract_strided_slice %reshape3A {offsets = [784, 0], sizes = [56, 24], strides = [1, 1]} : vector<1792x24xf32> to vector<56x24xf32>
    %slice3A_151 = vector.extract_strided_slice %div3A_82 {offsets = [784, 0], sizes = [56, 24], strides = [1, 1]} : vector<1792x24xf32> to vector<56x24xf32>
    %concatenate3A_152 = tpu.concatenate %slice3A_151, %mul3A_3 in 0 : vector<56x24xf32>, vector<56x24xf32> -> vector<112x24xf32>
    %dot_general3A_153 = arith.constant dense<0.000000e+00> : vector<56x112xf32>
    %dot_general3A_154 = tpu.matmul %slice3A_150, %concatenate3A_152, %dot_general3A_153 {dimension_numbers = #tpu.dot_dimension_numbers<[1], [1], [0], [0], [0, 0, 1, 0], [], []>, transpose_lhs_hint = false} : vector<56x24xf32>, vector<112x24xf32>, vector<56x112xf32> -> vector<56x112xf32>
    %slice3A_155 = vector.extract_strided_slice %reshape3A {offsets = [840, 0], sizes = [56, 24], strides = [1, 1]} : vector<1792x24xf32> to vector<56x24xf32>
    %slice3A_156 = vector.extract_strided_slice %div3A_82 {offsets = [840, 0], sizes = [56, 24], strides = [1, 1]} : vector<1792x24xf32> to vector<56x24xf32>
    %concatenate3A_157 = tpu.concatenate %slice3A_156, %mul3A_3 in 0 : vector<56x24xf32>, vector<56x24xf32> -> vector<112x24xf32>
    %dot_general3A_158 = arith.constant dense<0.000000e+00> : vector<56x112xf32>
    %dot_general3A_159 = tpu.matmul %slice3A_155, %concatenate3A_157, %dot_general3A_158 {dimension_numbers = #tpu.dot_dimension_numbers<[1], [1], [0], [0], [0, 0, 1, 0], [], []>, transpose_lhs_hint = false} : vector<56x24xf32>, vector<112x24xf32>, vector<56x112xf32> -> vector<56x112xf32>
    %slice3A_160 = vector.extract_strided_slice %reshape3A {offsets = [896, 0], sizes = [56, 24], strides = [1, 1]} : vector<1792x24xf32> to vector<56x24xf32>
    %slice3A_161 = vector.extract_strided_slice %div3A_82 {offsets = [896, 0], sizes = [56, 24], strides = [1, 1]} : vector<1792x24xf32> to vector<56x24xf32>
    %concatenate3A_162 = tpu.concatenate %slice3A_161, %mul3A_3 in 0 : vector<56x24xf32>, vector<56x24xf32> -> vector<112x24xf32>
    %dot_general3A_163 = arith.constant dense<0.000000e+00> : vector<56x112xf32>
    %dot_general3A_164 = tpu.matmul %slice3A_160, %concatenate3A_162, %dot_general3A_163 {dimension_numbers = #tpu.dot_dimension_numbers<[1], [1], [0], [0], [0, 0, 1, 0], [], []>, transpose_lhs_hint = false} : vector<56x24xf32>, vector<112x24xf32>, vector<56x112xf32> -> vector<56x112xf32>
    %slice3A_165 = vector.extract_strided_slice %reshape3A {offsets = [952, 0], sizes = [56, 24], strides = [1, 1]} : vector<1792x24xf32> to vector<56x24xf32>
    %slice3A_166 = vector.extract_strided_slice %div3A_82 {offsets = [952, 0], sizes = [56, 24], strides = [1, 1]} : vector<1792x24xf32> to vector<56x24xf32>
    %concatenate3A_167 = tpu.concatenate %slice3A_166, %mul3A_3 in 0 : vector<56x24xf32>, vector<56x24xf32> -> vector<112x24xf32>
    %dot_general3A_168 = arith.constant dense<0.000000e+00> : vector<56x112xf32>
    %dot_general3A_169 = tpu.matmul %slice3A_165, %concatenate3A_167, %dot_general3A_168 {dimension_numbers = #tpu.dot_dimension_numbers<[1], [1], [0], [0], [0, 0, 1, 0], [], []>, transpose_lhs_hint = false} : vector<56x24xf32>, vector<112x24xf32>, vector<56x112xf32> -> vector<56x112xf32>
    %slice3A_170 = vector.extract_strided_slice %reshape3A {offsets = [1008, 0], sizes = [56, 24], strides = [1, 1]} : vector<1792x24xf32> to vector<56x24xf32>
    %slice3A_171 = vector.extract_strided_slice %div3A_82 {offsets = [1008, 0], sizes = [56, 24], strides = [1, 1]} : vector<1792x24xf32> to vector<56x24xf32>
    %concatenate3A_172 = tpu.concatenate %slice3A_171, %mul3A_3 in 0 : vector<56x24xf32>, vector<56x24xf32> -> vector<112x24xf32>
    %dot_general3A_173 = arith.constant dense<0.000000e+00> : vector<56x112xf32>
    %dot_general3A_174 = tpu.matmul %slice3A_170, %concatenate3A_172, %dot_general3A_173 {dimension_numbers = #tpu.dot_dimension_numbers<[1], [1], [0], [0], [0, 0, 1, 0], [], []>, transpose_lhs_hint = false} : vector<56x24xf32>, vector<112x24xf32>, vector<56x112xf32> -> vector<56x112xf32>
    %slice3A_175 = vector.extract_strided_slice %reshape3A {offsets = [1064, 0], sizes = [56, 24], strides = [1, 1]} : vector<1792x24xf32> to vector<56x24xf32>
    %slice3A_176 = vector.extract_strided_slice %div3A_82 {offsets = [1064, 0], sizes = [56, 24], strides = [1, 1]} : vector<1792x24xf32> to vector<56x24xf32>
    %concatenate3A_177 = tpu.concatenate %slice3A_176, %mul3A_3 in 0 : vector<56x24xf32>, vector<56x24xf32> -> vector<112x24xf32>
    %dot_general3A_178 = arith.constant dense<0.000000e+00> : vector<56x112xf32>
    %dot_general3A_179 = tpu.matmul %slice3A_175, %concatenate3A_177, %dot_general3A_178 {dimension_numbers = #tpu.dot_dimension_numbers<[1], [1], [0], [0], [0, 0, 1, 0], [], []>, transpose_lhs_hint = false} : vector<56x24xf32>, vector<112x24xf32>, vector<56x112xf32> -> vector<56x112xf32>
    %slice3A_180 = vector.extract_strided_slice %reshape3A {offsets = [1120, 0], sizes = [56, 24], strides = [1, 1]} : vector<1792x24xf32> to vector<56x24xf32>
    %slice3A_181 = vector.extract_strided_slice %div3A_82 {offsets = [1120, 0], sizes = [56, 24], strides = [1, 1]} : vector<1792x24xf32> to vector<56x24xf32>
    %concatenate3A_182 = tpu.concatenate %slice3A_181, %mul3A_3 in 0 : vector<56x24xf32>, vector<56x24xf32> -> vector<112x24xf32>
    %dot_general3A_183 = arith.constant dense<0.000000e+00> : vector<56x112xf32>
    %dot_general3A_184 = tpu.matmul %slice3A_180, %concatenate3A_182, %dot_general3A_183 {dimension_numbers = #tpu.dot_dimension_numbers<[1], [1], [0], [0], [0, 0, 1, 0], [], []>, transpose_lhs_hint = false} : vector<56x24xf32>, vector<112x24xf32>, vector<56x112xf32> -> vector<56x112xf32>
    %slice3A_185 = vector.extract_strided_slice %reshape3A {offsets = [1176, 0], sizes = [56, 24], strides = [1, 1]} : vector<1792x24xf32> to vector<56x24xf32>
    %slice3A_186 = vector.extract_strided_slice %div3A_82 {offsets = [1176, 0], sizes = [56, 24], strides = [1, 1]} : vector<1792x24xf32> to vector<56x24xf32>
    %concatenate3A_187 = tpu.concatenate %slice3A_186, %mul3A_3 in 0 : vector<56x24xf32>, vector<56x24xf32> -> vector<112x24xf32>
    %dot_general3A_188 = arith.constant dense<0.000000e+00> : vector<56x112xf32>
    %dot_general3A_189 = tpu.matmul %slice3A_185, %concatenate3A_187, %dot_general3A_188 {dimension_numbers = #tpu.dot_dimension_numbers<[1], [1], [0], [0], [0, 0, 1, 0], [], []>, transpose_lhs_hint = false} : vector<56x24xf32>, vector<112x24xf32>, vector<56x112xf32> -> vector<56x112xf32>
    %slice3A_190 = vector.extract_strided_slice %reshape3A {offsets = [1232, 0], sizes = [56, 24], strides = [1, 1]} : vector<1792x24xf32> to vector<56x24xf32>
    %slice3A_191 = vector.extract_strided_slice %div3A_82 {offsets = [1232, 0], sizes = [56, 24], strides = [1, 1]} : vector<1792x24xf32> to vector<56x24xf32>
    %concatenate3A_192 = tpu.concatenate %slice3A_191, %mul3A_3 in 0 : vector<56x24xf32>, vector<56x24xf32> -> vector<112x24xf32>
    %dot_general3A_193 = arith.constant dense<0.000000e+00> : vector<56x112xf32>
    %dot_general3A_194 = tpu.matmul %slice3A_190, %concatenate3A_192, %dot_general3A_193 {dimension_numbers = #tpu.dot_dimension_numbers<[1], [1], [0], [0], [0, 0, 1, 0], [], []>, transpose_lhs_hint = false} : vector<56x24xf32>, vector<112x24xf32>, vector<56x112xf32> -> vector<56x112xf32>
    %slice3A_195 = vector.extract_strided_slice %reshape3A {offsets = [1288, 0], sizes = [56, 24], strides = [1, 1]} : vector<1792x24xf32> to vector<56x24xf32>
    %slice3A_196 = vector.extract_strided_slice %div3A_82 {offsets = [1288, 0], sizes = [56, 24], strides = [1, 1]} : vector<1792x24xf32> to vector<56x24xf32>
    %concatenate3A_197 = tpu.concatenate %slice3A_196, %mul3A_3 in 0 : vector<56x24xf32>, vector<56x24xf32> -> vector<112x24xf32>
    %dot_general3A_198 = arith.constant dense<0.000000e+00> : vector<56x112xf32>
    %dot_general3A_199 = tpu.matmul %slice3A_195, %concatenate3A_197, %dot_general3A_198 {dimension_numbers = #tpu.dot_dimension_numbers<[1], [1], [0], [0], [0, 0, 1, 0], [], []>, transpose_lhs_hint = false} : vector<56x24xf32>, vector<112x24xf32>, vector<56x112xf32> -> vector<56x112xf32>
    %slice3A_200 = vector.extract_strided_slice %reshape3A {offsets = [1344, 0], sizes = [56, 24], strides = [1, 1]} : vector<1792x24xf32> to vector<56x24xf32>
    %slice3A_201 = vector.extract_strided_slice %div3A_82 {offsets = [1344, 0], sizes = [56, 24], strides = [1, 1]} : vector<1792x24xf32> to vector<56x24xf32>
    %concatenate3A_202 = tpu.concatenate %slice3A_201, %mul3A_3 in 0 : vector<56x24xf32>, vector<56x24xf32> -> vector<112x24xf32>
    %dot_general3A_203 = arith.constant dense<0.000000e+00> : vector<56x112xf32>
    %dot_general3A_204 = tpu.matmul %slice3A_200, %concatenate3A_202, %dot_general3A_203 {dimension_numbers = #tpu.dot_dimension_numbers<[1], [1], [0], [0], [0, 0, 1, 0], [], []>, transpose_lhs_hint = false} : vector<56x24xf32>, vector<112x24xf32>, vector<56x112xf32> -> vector<56x112xf32>
    %slice3A_205 = vector.extract_strided_slice %reshape3A {offsets = [1400, 0], sizes = [56, 24], strides = [1, 1]} : vector<1792x24xf32> to vector<56x24xf32>
    %slice3A_206 = vector.extract_strided_slice %div3A_82 {offsets = [1400, 0], sizes = [56, 24], strides = [1, 1]} : vector<1792x24xf32> to vector<56x24xf32>
    %concatenate3A_207 = tpu.concatenate %slice3A_206, %mul3A_3 in 0 : vector<56x24xf32>, vector<56x24xf32> -> vector<112x24xf32>
    %dot_general3A_208 = arith.constant dense<0.000000e+00> : vector<56x112xf32>
    %dot_general3A_209 = tpu.matmul %slice3A_205, %concatenate3A_207, %dot_general3A_208 {dimension_numbers = #tpu.dot_dimension_numbers<[1], [1], [0], [0], [0, 0, 1, 0], [], []>, transpose_lhs_hint = false} : vector<56x24xf32>, vector<112x24xf32>, vector<56x112xf32> -> vector<56x112xf32>
    %slice3A_210 = vector.extract_strided_slice %reshape3A {offsets = [1456, 0], sizes = [56, 24], strides = [1, 1]} : vector<1792x24xf32> to vector<56x24xf32>
    %slice3A_211 = vector.extract_strided_slice %div3A_82 {offsets = [1456, 0], sizes = [56, 24], strides = [1, 1]} : vector<1792x24xf32> to vector<56x24xf32>
    %concatenate3A_212 = tpu.concatenate %slice3A_211, %mul3A_3 in 0 : vector<56x24xf32>, vector<56x24xf32> -> vector<112x24xf32>
    %dot_general3A_213 = arith.constant dense<0.000000e+00> : vector<56x112xf32>
    %dot_general3A_214 = tpu.matmul %slice3A_210, %concatenate3A_212, %dot_general3A_213 {dimension_numbers = #tpu.dot_dimension_numbers<[1], [1], [0], [0], [0, 0, 1, 0], [], []>, transpose_lhs_hint = false} : vector<56x24xf32>, vector<112x24xf32>, vector<56x112xf32> -> vector<56x112xf32>
    %slice3A_215 = vector.extract_strided_slice %reshape3A {offsets = [1512, 0], sizes = [56, 24], strides = [1, 1]} : vector<1792x24xf32> to vector<56x24xf32>
    %slice3A_216 = vector.extract_strided_slice %div3A_82 {offsets = [1512, 0], sizes = [56, 24], strides = [1, 1]} : vector<1792x24xf32> to vector<56x24xf32>
    %concatenate3A_217 = tpu.concatenate %slice3A_216, %mul3A_3 in 0 : vector<56x24xf32>, vector<56x24xf32> -> vector<112x24xf32>
    %dot_general3A_218 = arith.constant dense<0.000000e+00> : vector<56x112xf32>
    %dot_general3A_219 = tpu.matmul %slice3A_215, %concatenate3A_217, %dot_general3A_218 {dimension_numbers = #tpu.dot_dimension_numbers<[1], [1], [0], [0], [0, 0, 1, 0], [], []>, transpose_lhs_hint = false} : vector<56x24xf32>, vector<112x24xf32>, vector<56x112xf32> -> vector<56x112xf32>
    %slice3A_220 = vector.extract_strided_slice %reshape3A {offsets = [1568, 0], sizes = [56, 24], strides = [1, 1]} : vector<1792x24xf32> to vector<56x24xf32>
    %slice3A_221 = vector.extract_strided_slice %div3A_82 {offsets = [1568, 0], sizes = [56, 24], strides = [1, 1]} : vector<1792x24xf32> to vector<56x24xf32>
    %concatenate3A_222 = tpu.concatenate %slice3A_221, %mul3A_3 in 0 : vector<56x24xf32>, vector<56x24xf32> -> vector<112x24xf32>
    %dot_general3A_223 = arith.constant dense<0.000000e+00> : vector<56x112xf32>
    %dot_general3A_224 = tpu.matmul %slice3A_220, %concatenate3A_222, %dot_general3A_223 {dimension_numbers = #tpu.dot_dimension_numbers<[1], [1], [0], [0], [0, 0, 1, 0], [], []>, transpose_lhs_hint = false} : vector<56x24xf32>, vector<112x24xf32>, vector<56x112xf32> -> vector<56x112xf32>
    %slice3A_225 = vector.extract_strided_slice %reshape3A {offsets = [1624, 0], sizes = [56, 24], strides = [1, 1]} : vector<1792x24xf32> to vector<56x24xf32>
    %slice3A_226 = vector.extract_strided_slice %div3A_82 {offsets = [1624, 0], sizes = [56, 24], strides = [1, 1]} : vector<1792x24xf32> to vector<56x24xf32>
    %concatenate3A_227 = tpu.concatenate %slice3A_226, %mul3A_3 in 0 : vector<56x24xf32>, vector<56x24xf32> -> vector<112x24xf32>
    %dot_general3A_228 = arith.constant dense<0.000000e+00> : vector<56x112xf32>
    %dot_general3A_229 = tpu.matmul %slice3A_225, %concatenate3A_227, %dot_general3A_228 {dimension_numbers = #tpu.dot_dimension_numbers<[1], [1], [0], [0], [0, 0, 1, 0], [], []>, transpose_lhs_hint = false} : vector<56x24xf32>, vector<112x24xf32>, vector<56x112xf32> -> vector<56x112xf32>
    %slice3A_230 = vector.extract_strided_slice %reshape3A {offsets = [1680, 0], sizes = [56, 24], strides = [1, 1]} : vector<1792x24xf32> to vector<56x24xf32>
    %slice3A_231 = vector.extract_strided_slice %div3A_82 {offsets = [1680, 0], sizes = [56, 24], strides = [1, 1]} : vector<1792x24xf32> to vector<56x24xf32>
    %concatenate3A_232 = tpu.concatenate %slice3A_231, %mul3A_3 in 0 : vector<56x24xf32>, vector<56x24xf32> -> vector<112x24xf32>
    %dot_general3A_233 = arith.constant dense<0.000000e+00> : vector<56x112xf32>
    %dot_general3A_234 = tpu.matmul %slice3A_230, %concatenate3A_232, %dot_general3A_233 {dimension_numbers = #tpu.dot_dimension_numbers<[1], [1], [0], [0], [0, 0, 1, 0], [], []>, transpose_lhs_hint = false} : vector<56x24xf32>, vector<112x24xf32>, vector<56x112xf32> -> vector<56x112xf32>
    %slice3A_235 = vector.extract_strided_slice %reshape3A {offsets = [1736, 0], sizes = [56, 24], strides = [1, 1]} : vector<1792x24xf32> to vector<56x24xf32>
    %slice3A_236 = vector.extract_strided_slice %div3A_82 {offsets = [1736, 0], sizes = [56, 24], strides = [1, 1]} : vector<1792x24xf32> to vector<56x24xf32>
    %concatenate3A_237 = tpu.concatenate %slice3A_236, %mul3A_3 in 0 : vector<56x24xf32>, vector<56x24xf32> -> vector<112x24xf32>
    %dot_general3A_238 = arith.constant dense<0.000000e+00> : vector<56x112xf32>
    %dot_general3A_239 = tpu.matmul %slice3A_235, %concatenate3A_237, %dot_general3A_238 {dimension_numbers = #tpu.dot_dimension_numbers<[1], [1], [0], [0], [0, 0, 1, 0], [], []>, transpose_lhs_hint = false} : vector<56x24xf32>, vector<112x24xf32>, vector<56x112xf32> -> vector<56x112xf32>
    %concatenate3A_240 = tpu.concatenate %dot_general3A_84, %dot_general3A_89, %dot_general3A_94, %dot_general3A_99, %dot_general3A_104, %dot_general3A_109, %dot_general3A_114, %dot_general3A_119, %dot_general3A_124, %dot_general3A_129, %dot_general3A_134, %dot_general3A_139, %dot_general3A_144, %dot_general3A_149, %dot_general3A_154, %dot_general3A_159, %dot_general3A_164, %dot_general3A_169, %dot_general3A_174, %dot_general3A_179, %dot_general3A_184, %dot_general3A_189, %dot_general3A_194, %dot_general3A_199, %dot_general3A_204, %dot_general3A_209, %dot_general3A_214, %dot_general3A_219, %dot_general3A_224, %dot_general3A_229, %dot_general3A_234, %dot_general3A_239 in 0 : vector<56x112xf32>, vector<56x112xf32>, vector<56x112xf32>, vector<56x112xf32>, vector<56x112xf32>, vector<56x112xf32>, vector<56x112xf32>, vector<56x112xf32>, vector<56x112xf32>, vector<56x112xf32>, vector<56x112xf32>, vector<56x112xf32>, vector<56x112xf32>, vector<56x112xf32>, vector<56x112xf32>, vector<56x112xf32>, vector<56x112xf32>, vector<56x112xf32>, vector<56x112xf32>, vector<56x112xf32>, vector<56x112xf32>, vector<56x112xf32>, vector<56x112xf32>, vector<56x112xf32>, vector<56x112xf32>, vector<56x112xf32>, vector<56x112xf32>, vector<56x112xf32>, vector<56x112xf32>, vector<56x112xf32>, vector<56x112xf32>, vector<56x112xf32> -> vector<1792x112xf32>
    %reshape3A_241 = vector.shape_cast %concatenate3A_240 : vector<1792x112xf32> to vector<8x4x56x112xf32>
    %mul3A_242 = arith.mulf %reshape3A_241, %reshape3A_241 : vector<8x4x56x112xf32>
    %reduce_sum3A_243 = arith.constant dense<0.000000e+00> : vector<4x56x112xf32>
    %reduce_sum3A_244 = vector.multi_reduction <add>, %mul3A_242, %reduce_sum3A_243 [0] : vector<8x4x56x112xf32> to vector<4x56x112xf32>
    %slice3A_245 = vector.extract_strided_slice %reduce_sum3A_244 {offsets = [0, 0, 0], sizes = [4, 56, 56], strides = [1, 1, 1]} : vector<4x56x112xf32> to vector<4x56x56xf32>
    %slice3A_246 = vector.extract_strided_slice %reduce_sum3A_244 {offsets = [0, 0, 56], sizes = [4, 56, 56], strides = [1, 1, 1]} : vector<4x56x112xf32> to vector<4x56x56xf32>
    %add3A_247 = arith.addf %slice3A_245, %slice3A_246 : vector<4x56x56xf32>
    %sqrt3A_248 = math.sqrt %add3A_247 : vector<4x56x56xf32>
    %max3A_249 = arith.constant 5.000000e-05 : f32
    %max3A_250 = vector.broadcast %max3A_249 : f32 to vector<4x56x56xf32>
    %max3A_251 = arith.maximumf %sqrt3A_248, %max3A_250 : vector<4x56x56xf32>
    %slice3A_252 = vector.extract_strided_slice %reshape3A_241 {offsets = [0, 0, 0, 0], sizes = [8, 4, 56, 56], strides = [1, 1, 1, 1]} : vector<8x4x56x112xf32> to vector<8x4x56x56xf32>
    %slice3A_253 = vector.extract_strided_slice %reshape3A_241 {offsets = [0, 0, 0, 56], sizes = [8, 4, 56, 56], strides = [1, 1, 1, 1]} : vector<8x4x56x112xf32> to vector<8x4x56x56xf32>
    %add3A_254 = arith.addf %slice3A_252, %slice3A_253 : vector<8x4x56x56xf32>
    %broadcast_in_dim3A_255 = vector.shape_cast %max3A_251 : vector<4x56x56xf32> to vector<1x4x56x56xf32>
    %div3A_256 = vector.broadcast %broadcast_in_dim3A_255 : vector<1x4x56x56xf32> to vector<8x4x56x56xf32>
    %div3A_257 = arith.divf %add3A_254, %div3A_256 : vector<8x4x56x56xf32>
    %broadcast_in_dim3A_258 = vector.shape_cast %ne3A_70 : vector<56x56xi1> to vector<1x1x56x56xi1>
    %jit3A_259 = arith.constant -1.000000e+30 : f32
    %broadcast_in_dim3A_260 = vector.shape_cast %broadcast_in_dim3A_258 : vector<1x1x56x56xi1> to vector<1x1x56x56xi1>
    %broadcast_in_dim3A_261 = vector.broadcast %broadcast_in_dim3A_260 : vector<1x1x56x56xi1> to vector<8x4x56x56xi1>
    %broadcast_in_dim3A_262 = vector.broadcast %jit3A_259 : f32 to vector<8x4x56x56xf32>
    %select_n3A_263 = arith.select %broadcast_in_dim3A_261, %div3A_257, %broadcast_in_dim3A_262 : vector<8x4x56x56xi1>, vector<8x4x56x56xf32>
    %reduce_max3A = arith.constant dense<0xFF800000> : vector<8x4x56xf32>
    %reduce_max3A_264 = vector.multi_reduction <maximumf>, %select_n3A_263, %reduce_max3A [3] : vector<8x4x56x56xf32> to vector<8x4x56xf32>
    %broadcast_in_dim3A_265 = vector.shape_cast %reduce_max3A_264 : vector<8x4x56xf32> to vector<8x4x56x1xf32>
    %sub3A_266 = vector.broadcast %broadcast_in_dim3A_265 : vector<8x4x56x1xf32> to vector<8x4x56x56xf32>
    %sub3A_267 = arith.subf %select_n3A_263, %sub3A_266 : vector<8x4x56x56xf32>
    %exp3A = math.exp %sub3A_267 : vector<8x4x56x56xf32>
    %reduce_sum3A_268 = arith.constant dense<0.000000e+00> : vector<8x4x56xf32>
    %reduce_sum3A_269 = vector.multi_reduction <add>, %exp3A, %reduce_sum3A_268 [3] : vector<8x4x56x56xf32> to vector<8x4x56xf32>
    %broadcast_in_dim3A_270 = vector.shape_cast %reduce_sum3A_269 : vector<8x4x56xf32> to vector<8x4x56x1xf32>
    %log3A = math.log %broadcast_in_dim3A_270 : vector<8x4x56x1xf32>
    %add3A_271 = arith.addf %broadcast_in_dim3A_265, %log3A : vector<8x4x56x1xf32>
    %div3A_272 = vector.broadcast %broadcast_in_dim3A_270 : vector<8x4x56x1xf32> to vector<8x4x56x56xf32>
    %div3A_273 = arith.divf %exp3A, %div3A_272 : vector<8x4x56x56xf32>
    %get3A_274 = arith.constant 0 : index
    %get3A_275 = arith.constant 0 : index
    %get3A_276 = arith.constant 0 : index
    %get3A_277 = arith.constant 0 : index
    %get3A_278 = vector.load %arg2[%get3A_274, %get3A_275, %get3A_276, %get3A_277] : memref<1x4x448x48xf32, #tpu.memory_space<vmem>>, vector<1x1x448x48xf32>
    %get3A_279 = vector.shape_cast %get3A_278 : vector<1x1x448x48xf32> to vector<448x48xf32>
    %slice3A_280 = vector.extract_strided_slice %get3A_279 {offsets = [0, 0], sizes = [56, 48], strides = [1, 1]} : vector<448x48xf32> to vector<56x48xf32>
    %concatenate3A_281 = tpu.concatenate %slice3A_280, %mul3A_9 in 1 : vector<56x48xf32>, vector<56x48xf32> -> vector<56x96xf32>
    %slice3A_282 = vector.extract_strided_slice %div3A_273 {offsets = [0, 0, 0, 0], sizes = [1, 1, 56, 56], strides = [1, 1, 1, 1]} : vector<8x4x56x56xf32> to vector<1x1x56x56xf32>
    %squeeze3A = vector.shape_cast %slice3A_282 : vector<1x1x56x56xf32> to vector<56x56xf32>
    %dot_general3A_283 = arith.constant dense<0.000000e+00> : vector<56x96xf32>
    %dot_general3A_284 = tpu.matmul %squeeze3A, %concatenate3A_281, %dot_general3A_283 {dimension_numbers = #tpu.dot_dimension_numbers<[1], [0], [0], [1], [0, 0, 1, 1], [], []>, transpose_lhs_hint = false} : vector<56x56xf32>, vector<56x96xf32>, vector<56x96xf32> -> vector<56x96xf32>
    %get3A_285 = arith.constant 0 : index
    %get3A_286 = arith.constant 0 : index
    %get3A_287 = arith.constant 0 : index
    %get3A_288 = arith.constant 0 : index
    %get3A_289 = vector.load %arg2[%get3A_285, %get3A_286, %get3A_287, %get3A_288] : memref<1x4x448x48xf32, #tpu.memory_space<vmem>>, vector<1x1x448x48xf32>
    %get3A_290 = vector.shape_cast %get3A_289 : vector<1x1x448x48xf32> to vector<448x48xf32>
    %slice3A_291 = vector.extract_strided_slice %get3A_290 {offsets = [56, 0], sizes = [56, 48], strides = [1, 1]} : vector<448x48xf32> to vector<56x48xf32>
    %concatenate3A_292 = tpu.concatenate %slice3A_291, %mul3A_9 in 1 : vector<56x48xf32>, vector<56x48xf32> -> vector<56x96xf32>
    %slice3A_293 = vector.extract_strided_slice %div3A_273 {offsets = [0, 1, 0, 0], sizes = [1, 1, 56, 56], strides = [1, 1, 1, 1]} : vector<8x4x56x56xf32> to vector<1x1x56x56xf32>
    %squeeze3A_294 = vector.shape_cast %slice3A_293 : vector<1x1x56x56xf32> to vector<56x56xf32>
    %dot_general3A_295 = arith.constant dense<0.000000e+00> : vector<56x96xf32>
    %dot_general3A_296 = tpu.matmul %squeeze3A_294, %concatenate3A_292, %dot_general3A_295 {dimension_numbers = #tpu.dot_dimension_numbers<[1], [0], [0], [1], [0, 0, 1, 1], [], []>, transpose_lhs_hint = false} : vector<56x56xf32>, vector<56x96xf32>, vector<56x96xf32> -> vector<56x96xf32>
    %get3A_297 = arith.constant 0 : index
    %get3A_298 = arith.constant 0 : index
    %get3A_299 = arith.constant 0 : index
    %get3A_300 = arith.constant 0 : index
    %get3A_301 = vector.load %arg2[%get3A_297, %get3A_298, %get3A_299, %get3A_300] : memref<1x4x448x48xf32, #tpu.memory_space<vmem>>, vector<1x1x448x48xf32>
    %get3A_302 = vector.shape_cast %get3A_301 : vector<1x1x448x48xf32> to vector<448x48xf32>
    %slice3A_303 = vector.extract_strided_slice %get3A_302 {offsets = [112, 0], sizes = [56, 48], strides = [1, 1]} : vector<448x48xf32> to vector<56x48xf32>
    %concatenate3A_304 = tpu.concatenate %slice3A_303, %mul3A_9 in 1 : vector<56x48xf32>, vector<56x48xf32> -> vector<56x96xf32>
    %slice3A_305 = vector.extract_strided_slice %div3A_273 {offsets = [0, 2, 0, 0], sizes = [1, 1, 56, 56], strides = [1, 1, 1, 1]} : vector<8x4x56x56xf32> to vector<1x1x56x56xf32>
    %squeeze3A_306 = vector.shape_cast %slice3A_305 : vector<1x1x56x56xf32> to vector<56x56xf32>
    %dot_general3A_307 = arith.constant dense<0.000000e+00> : vector<56x96xf32>
    %dot_general3A_308 = tpu.matmul %squeeze3A_306, %concatenate3A_304, %dot_general3A_307 {dimension_numbers = #tpu.dot_dimension_numbers<[1], [0], [0], [1], [0, 0, 1, 1], [], []>, transpose_lhs_hint = false} : vector<56x56xf32>, vector<56x96xf32>, vector<56x96xf32> -> vector<56x96xf32>
    %get3A_309 = arith.constant 0 : index
    %get3A_310 = arith.constant 0 : index
    %get3A_311 = arith.constant 0 : index
    %get3A_312 = arith.constant 0 : index
    %get3A_313 = vector.load %arg2[%get3A_309, %get3A_310, %get3A_311, %get3A_312] : memref<1x4x448x48xf32, #tpu.memory_space<vmem>>, vector<1x1x448x48xf32>
    %get3A_314 = vector.shape_cast %get3A_313 : vector<1x1x448x48xf32> to vector<448x48xf32>
    %slice3A_315 = vector.extract_strided_slice %get3A_314 {offsets = [168, 0], sizes = [56, 48], strides = [1, 1]} : vector<448x48xf32> to vector<56x48xf32>
    %concatenate3A_316 = tpu.concatenate %slice3A_315, %mul3A_9 in 1 : vector<56x48xf32>, vector<56x48xf32> -> vector<56x96xf32>
    %slice3A_317 = vector.extract_strided_slice %div3A_273 {offsets = [0, 3, 0, 0], sizes = [1, 1, 56, 56], strides = [1, 1, 1, 1]} : vector<8x4x56x56xf32> to vector<1x1x56x56xf32>
    %squeeze3A_318 = vector.shape_cast %slice3A_317 : vector<1x1x56x56xf32> to vector<56x56xf32>
    %dot_general3A_319 = arith.constant dense<0.000000e+00> : vector<56x96xf32>
    %dot_general3A_320 = tpu.matmul %squeeze3A_318, %concatenate3A_316, %dot_general3A_319 {dimension_numbers = #tpu.dot_dimension_numbers<[1], [0], [0], [1], [0, 0, 1, 1], [], []>, transpose_lhs_hint = false} : vector<56x56xf32>, vector<56x96xf32>, vector<56x96xf32> -> vector<56x96xf32>
    %get3A_321 = arith.constant 0 : index
    %get3A_322 = arith.constant 0 : index
    %get3A_323 = arith.constant 0 : index
    %get3A_324 = arith.constant 0 : index
    %get3A_325 = vector.load %arg2[%get3A_321, %get3A_322, %get3A_323, %get3A_324] : memref<1x4x448x48xf32, #tpu.memory_space<vmem>>, vector<1x1x448x48xf32>
    %get3A_326 = vector.shape_cast %get3A_325 : vector<1x1x448x48xf32> to vector<448x48xf32>
    %slice3A_327 = vector.extract_strided_slice %get3A_326 {offsets = [224, 0], sizes = [56, 48], strides = [1, 1]} : vector<448x48xf32> to vector<56x48xf32>
    %concatenate3A_328 = tpu.concatenate %slice3A_327, %mul3A_9 in 1 : vector<56x48xf32>, vector<56x48xf32> -> vector<56x96xf32>
    %slice3A_329 = vector.extract_strided_slice %div3A_273 {offsets = [1, 0, 0, 0], sizes = [1, 1, 56, 56], strides = [1, 1, 1, 1]} : vector<8x4x56x56xf32> to vector<1x1x56x56xf32>
    %squeeze3A_330 = vector.shape_cast %slice3A_329 : vector<1x1x56x56xf32> to vector<56x56xf32>
    %dot_general3A_331 = arith.constant dense<0.000000e+00> : vector<56x96xf32>
    %dot_general3A_332 = tpu.matmul %squeeze3A_330, %concatenate3A_328, %dot_general3A_331 {dimension_numbers = #tpu.dot_dimension_numbers<[1], [0], [0], [1], [0, 0, 1, 1], [], []>, transpose_lhs_hint = false} : vector<56x56xf32>, vector<56x96xf32>, vector<56x96xf32> -> vector<56x96xf32>
    %get3A_333 = arith.constant 0 : index
    %get3A_334 = arith.constant 0 : index
    %get3A_335 = arith.constant 0 : index
    %get3A_336 = arith.constant 0 : index
    %get3A_337 = vector.load %arg2[%get3A_333, %get3A_334, %get3A_335, %get3A_336] : memref<1x4x448x48xf32, #tpu.memory_space<vmem>>, vector<1x1x448x48xf32>
    %get3A_338 = vector.shape_cast %get3A_337 : vector<1x1x448x48xf32> to vector<448x48xf32>
    %slice3A_339 = vector.extract_strided_slice %get3A_338 {offsets = [280, 0], sizes = [56, 48], strides = [1, 1]} : vector<448x48xf32> to vector<56x48xf32>
    %concatenate3A_340 = tpu.concatenate %slice3A_339, %mul3A_9 in 1 : vector<56x48xf32>, vector<56x48xf32> -> vector<56x96xf32>
    %slice3A_341 = vector.extract_strided_slice %div3A_273 {offsets = [1, 1, 0, 0], sizes = [1, 1, 56, 56], strides = [1, 1, 1, 1]} : vector<8x4x56x56xf32> to vector<1x1x56x56xf32>
    %squeeze3A_342 = vector.shape_cast %slice3A_341 : vector<1x1x56x56xf32> to vector<56x56xf32>
    %dot_general3A_343 = arith.constant dense<0.000000e+00> : vector<56x96xf32>
    %dot_general3A_344 = tpu.matmul %squeeze3A_342, %concatenate3A_340, %dot_general3A_343 {dimension_numbers = #tpu.dot_dimension_numbers<[1], [0], [0], [1], [0, 0, 1, 1], [], []>, transpose_lhs_hint = false} : vector<56x56xf32>, vector<56x96xf32>, vector<56x96xf32> -> vector<56x96xf32>
    %get3A_345 = arith.constant 0 : index
    %get3A_346 = arith.constant 0 : index
    %get3A_347 = arith.constant 0 : index
    %get3A_348 = arith.constant 0 : index
    %get3A_349 = vector.load %arg2[%get3A_345, %get3A_346, %get3A_347, %get3A_348] : memref<1x4x448x48xf32, #tpu.memory_space<vmem>>, vector<1x1x448x48xf32>
    %get3A_350 = vector.shape_cast %get3A_349 : vector<1x1x448x48xf32> to vector<448x48xf32>
    %slice3A_351 = vector.extract_strided_slice %get3A_350 {offsets = [336, 0], sizes = [56, 48], strides = [1, 1]} : vector<448x48xf32> to vector<56x48xf32>
    %concatenate3A_352 = tpu.concatenate %slice3A_351, %mul3A_9 in 1 : vector<56x48xf32>, vector<56x48xf32> -> vector<56x96xf32>
    %slice3A_353 = vector.extract_strided_slice %div3A_273 {offsets = [1, 2, 0, 0], sizes = [1, 1, 56, 56], strides = [1, 1, 1, 1]} : vector<8x4x56x56xf32> to vector<1x1x56x56xf32>
    %squeeze3A_354 = vector.shape_cast %slice3A_353 : vector<1x1x56x56xf32> to vector<56x56xf32>
    %dot_general3A_355 = arith.constant dense<0.000000e+00> : vector<56x96xf32>
    %dot_general3A_356 = tpu.matmul %squeeze3A_354, %concatenate3A_352, %dot_general3A_355 {dimension_numbers = #tpu.dot_dimension_numbers<[1], [0], [0], [1], [0, 0, 1, 1], [], []>, transpose_lhs_hint = false} : vector<56x56xf32>, vector<56x96xf32>, vector<56x96xf32> -> vector<56x96xf32>
    %get3A_357 = arith.constant 0 : index
    %get3A_358 = arith.constant 0 : index
    %get3A_359 = arith.constant 0 : index
    %get3A_360 = arith.constant 0 : index
    %get3A_361 = vector.load %arg2[%get3A_357, %get3A_358, %get3A_359, %get3A_360] : memref<1x4x448x48xf32, #tpu.memory_space<vmem>>, vector<1x1x448x48xf32>
    %get3A_362 = vector.shape_cast %get3A_361 : vector<1x1x448x48xf32> to vector<448x48xf32>
    %slice3A_363 = vector.extract_strided_slice %get3A_362 {offsets = [392, 0], sizes = [56, 48], strides = [1, 1]} : vector<448x48xf32> to vector<56x48xf32>
    %concatenate3A_364 = tpu.concatenate %slice3A_363, %mul3A_9 in 1 : vector<56x48xf32>, vector<56x48xf32> -> vector<56x96xf32>
    %slice3A_365 = vector.extract_strided_slice %div3A_273 {offsets = [1, 3, 0, 0], sizes = [1, 1, 56, 56], strides = [1, 1, 1, 1]} : vector<8x4x56x56xf32> to vector<1x1x56x56xf32>
    %squeeze3A_366 = vector.shape_cast %slice3A_365 : vector<1x1x56x56xf32> to vector<56x56xf32>
    %dot_general3A_367 = arith.constant dense<0.000000e+00> : vector<56x96xf32>
    %dot_general3A_368 = tpu.matmul %squeeze3A_366, %concatenate3A_364, %dot_general3A_367 {dimension_numbers = #tpu.dot_dimension_numbers<[1], [0], [0], [1], [0, 0, 1, 1], [], []>, transpose_lhs_hint = false} : vector<56x56xf32>, vector<56x96xf32>, vector<56x96xf32> -> vector<56x96xf32>
    %get3A_369 = arith.constant 0 : index
    %get3A_370 = arith.constant 1 : index
    %get3A_371 = arith.constant 0 : index
    %get3A_372 = arith.constant 0 : index
    %get3A_373 = vector.load %arg2[%get3A_369, %get3A_370, %get3A_371, %get3A_372] : memref<1x4x448x48xf32, #tpu.memory_space<vmem>>, vector<1x1x448x48xf32>
    %get3A_374 = vector.shape_cast %get3A_373 : vector<1x1x448x48xf32> to vector<448x48xf32>
    %slice3A_375 = vector.extract_strided_slice %get3A_374 {offsets = [0, 0], sizes = [56, 48], strides = [1, 1]} : vector<448x48xf32> to vector<56x48xf32>
    %concatenate3A_376 = tpu.concatenate %slice3A_375, %mul3A_9 in 1 : vector<56x48xf32>, vector<56x48xf32> -> vector<56x96xf32>
    %slice3A_377 = vector.extract_strided_slice %div3A_273 {offsets = [2, 0, 0, 0], sizes = [1, 1, 56, 56], strides = [1, 1, 1, 1]} : vector<8x4x56x56xf32> to vector<1x1x56x56xf32>
    %squeeze3A_378 = vector.shape_cast %slice3A_377 : vector<1x1x56x56xf32> to vector<56x56xf32>
    %dot_general3A_379 = arith.constant dense<0.000000e+00> : vector<56x96xf32>
    %dot_general3A_380 = tpu.matmul %squeeze3A_378, %concatenate3A_376, %dot_general3A_379 {dimension_numbers = #tpu.dot_dimension_numbers<[1], [0], [0], [1], [0, 0, 1, 1], [], []>, transpose_lhs_hint = false} : vector<56x56xf32>, vector<56x96xf32>, vector<56x96xf32> -> vector<56x96xf32>
    %get3A_381 = arith.constant 0 : index
    %get3A_382 = arith.constant 1 : index
    %get3A_383 = arith.constant 0 : index
    %get3A_384 = arith.constant 0 : index
    %get3A_385 = vector.load %arg2[%get3A_381, %get3A_382, %get3A_383, %get3A_384] : memref<1x4x448x48xf32, #tpu.memory_space<vmem>>, vector<1x1x448x48xf32>
    %get3A_386 = vector.shape_cast %get3A_385 : vector<1x1x448x48xf32> to vector<448x48xf32>
    %slice3A_387 = vector.extract_strided_slice %get3A_386 {offsets = [56, 0], sizes = [56, 48], strides = [1, 1]} : vector<448x48xf32> to vector<56x48xf32>
    %concatenate3A_388 = tpu.concatenate %slice3A_387, %mul3A_9 in 1 : vector<56x48xf32>, vector<56x48xf32> -> vector<56x96xf32>
    %slice3A_389 = vector.extract_strided_slice %div3A_273 {offsets = [2, 1, 0, 0], sizes = [1, 1, 56, 56], strides = [1, 1, 1, 1]} : vector<8x4x56x56xf32> to vector<1x1x56x56xf32>
    %squeeze3A_390 = vector.shape_cast %slice3A_389 : vector<1x1x56x56xf32> to vector<56x56xf32>
    %dot_general3A_391 = arith.constant dense<0.000000e+00> : vector<56x96xf32>
    %dot_general3A_392 = tpu.matmul %squeeze3A_390, %concatenate3A_388, %dot_general3A_391 {dimension_numbers = #tpu.dot_dimension_numbers<[1], [0], [0], [1], [0, 0, 1, 1], [], []>, transpose_lhs_hint = false} : vector<56x56xf32>, vector<56x96xf32>, vector<56x96xf32> -> vector<56x96xf32>
    %get3A_393 = arith.constant 0 : index
    %get3A_394 = arith.constant 1 : index
    %get3A_395 = arith.constant 0 : index
    %get3A_396 = arith.constant 0 : index
    %get3A_397 = vector.load %arg2[%get3A_393, %get3A_394, %get3A_395, %get3A_396] : memref<1x4x448x48xf32, #tpu.memory_space<vmem>>, vector<1x1x448x48xf32>
    %get3A_398 = vector.shape_cast %get3A_397 : vector<1x1x448x48xf32> to vector<448x48xf32>
    %slice3A_399 = vector.extract_strided_slice %get3A_398 {offsets = [112, 0], sizes = [56, 48], strides = [1, 1]} : vector<448x48xf32> to vector<56x48xf32>
    %concatenate3A_400 = tpu.concatenate %slice3A_399, %mul3A_9 in 1 : vector<56x48xf32>, vector<56x48xf32> -> vector<56x96xf32>
    %slice3A_401 = vector.extract_strided_slice %div3A_273 {offsets = [2, 2, 0, 0], sizes = [1, 1, 56, 56], strides = [1, 1, 1, 1]} : vector<8x4x56x56xf32> to vector<1x1x56x56xf32>
    %squeeze3A_402 = vector.shape_cast %slice3A_401 : vector<1x1x56x56xf32> to vector<56x56xf32>
    %dot_general3A_403 = arith.constant dense<0.000000e+00> : vector<56x96xf32>
    %dot_general3A_404 = tpu.matmul %squeeze3A_402, %concatenate3A_400, %dot_general3A_403 {dimension_numbers = #tpu.dot_dimension_numbers<[1], [0], [0], [1], [0, 0, 1, 1], [], []>, transpose_lhs_hint = false} : vector<56x56xf32>, vector<56x96xf32>, vector<56x96xf32> -> vector<56x96xf32>
    %get3A_405 = arith.constant 0 : index
    %get3A_406 = arith.constant 1 : index
    %get3A_407 = arith.constant 0 : index
    %get3A_408 = arith.constant 0 : index
    %get3A_409 = vector.load %arg2[%get3A_405, %get3A_406, %get3A_407, %get3A_408] : memref<1x4x448x48xf32, #tpu.memory_space<vmem>>, vector<1x1x448x48xf32>
    %get3A_410 = vector.shape_cast %get3A_409 : vector<1x1x448x48xf32> to vector<448x48xf32>
    %slice3A_411 = vector.extract_strided_slice %get3A_410 {offsets = [168, 0], sizes = [56, 48], strides = [1, 1]} : vector<448x48xf32> to vector<56x48xf32>
    %concatenate3A_412 = tpu.concatenate %slice3A_411, %mul3A_9 in 1 : vector<56x48xf32>, vector<56x48xf32> -> vector<56x96xf32>
    %slice3A_413 = vector.extract_strided_slice %div3A_273 {offsets = [2, 3, 0, 0], sizes = [1, 1, 56, 56], strides = [1, 1, 1, 1]} : vector<8x4x56x56xf32> to vector<1x1x56x56xf32>
    %squeeze3A_414 = vector.shape_cast %slice3A_413 : vector<1x1x56x56xf32> to vector<56x56xf32>
    %dot_general3A_415 = arith.constant dense<0.000000e+00> : vector<56x96xf32>
    %dot_general3A_416 = tpu.matmul %squeeze3A_414, %concatenate3A_412, %dot_general3A_415 {dimension_numbers = #tpu.dot_dimension_numbers<[1], [0], [0], [1], [0, 0, 1, 1], [], []>, transpose_lhs_hint = false} : vector<56x56xf32>, vector<56x96xf32>, vector<56x96xf32> -> vector<56x96xf32>
    %get3A_417 = arith.constant 0 : index
    %get3A_418 = arith.constant 1 : index
    %get3A_419 = arith.constant 0 : index
    %get3A_420 = arith.constant 0 : index
    %get3A_421 = vector.load %arg2[%get3A_417, %get3A_418, %get3A_419, %get3A_420] : memref<1x4x448x48xf32, #tpu.memory_space<vmem>>, vector<1x1x448x48xf32>
    %get3A_422 = vector.shape_cast %get3A_421 : vector<1x1x448x48xf32> to vector<448x48xf32>
    %slice3A_423 = vector.extract_strided_slice %get3A_422 {offsets = [224, 0], sizes = [56, 48], strides = [1, 1]} : vector<448x48xf32> to vector<56x48xf32>
    %concatenate3A_424 = tpu.concatenate %slice3A_423, %mul3A_9 in 1 : vector<56x48xf32>, vector<56x48xf32> -> vector<56x96xf32>
    %slice3A_425 = vector.extract_strided_slice %div3A_273 {offsets = [3, 0, 0, 0], sizes = [1, 1, 56, 56], strides = [1, 1, 1, 1]} : vector<8x4x56x56xf32> to vector<1x1x56x56xf32>
    %squeeze3A_426 = vector.shape_cast %slice3A_425 : vector<1x1x56x56xf32> to vector<56x56xf32>
    %dot_general3A_427 = arith.constant dense<0.000000e+00> : vector<56x96xf32>
    %dot_general3A_428 = tpu.matmul %squeeze3A_426, %concatenate3A_424, %dot_general3A_427 {dimension_numbers = #tpu.dot_dimension_numbers<[1], [0], [0], [1], [0, 0, 1, 1], [], []>, transpose_lhs_hint = false} : vector<56x56xf32>, vector<56x96xf32>, vector<56x96xf32> -> vector<56x96xf32>
    %get3A_429 = arith.constant 0 : index
    %get3A_430 = arith.constant 1 : index
    %get3A_431 = arith.constant 0 : index
    %get3A_432 = arith.constant 0 : index
    %get3A_433 = vector.load %arg2[%get3A_429, %get3A_430, %get3A_431, %get3A_432] : memref<1x4x448x48xf32, #tpu.memory_space<vmem>>, vector<1x1x448x48xf32>
    %get3A_434 = vector.shape_cast %get3A_433 : vector<1x1x448x48xf32> to vector<448x48xf32>
    %slice3A_435 = vector.extract_strided_slice %get3A_434 {offsets = [280, 0], sizes = [56, 48], strides = [1, 1]} : vector<448x48xf32> to vector<56x48xf32>
    %concatenate3A_436 = tpu.concatenate %slice3A_435, %mul3A_9 in 1 : vector<56x48xf32>, vector<56x48xf32> -> vector<56x96xf32>
    %slice3A_437 = vector.extract_strided_slice %div3A_273 {offsets = [3, 1, 0, 0], sizes = [1, 1, 56, 56], strides = [1, 1, 1, 1]} : vector<8x4x56x56xf32> to vector<1x1x56x56xf32>
    %squeeze3A_438 = vector.shape_cast %slice3A_437 : vector<1x1x56x56xf32> to vector<56x56xf32>
    %dot_general3A_439 = arith.constant dense<0.000000e+00> : vector<56x96xf32>
    %dot_general3A_440 = tpu.matmul %squeeze3A_438, %concatenate3A_436, %dot_general3A_439 {dimension_numbers = #tpu.dot_dimension_numbers<[1], [0], [0], [1], [0, 0, 1, 1], [], []>, transpose_lhs_hint = false} : vector<56x56xf32>, vector<56x96xf32>, vector<56x96xf32> -> vector<56x96xf32>
    %get3A_441 = arith.constant 0 : index
    %get3A_442 = arith.constant 1 : index
    %get3A_443 = arith.constant 0 : index
    %get3A_444 = arith.constant 0 : index
    %get3A_445 = vector.load %arg2[%get3A_441, %get3A_442, %get3A_443, %get3A_444] : memref<1x4x448x48xf32, #tpu.memory_space<vmem>>, vector<1x1x448x48xf32>
    %get3A_446 = vector.shape_cast %get3A_445 : vector<1x1x448x48xf32> to vector<448x48xf32>
    %slice3A_447 = vector.extract_strided_slice %get3A_446 {offsets = [336, 0], sizes = [56, 48], strides = [1, 1]} : vector<448x48xf32> to vector<56x48xf32>
    %concatenate3A_448 = tpu.concatenate %slice3A_447, %mul3A_9 in 1 : vector<56x48xf32>, vector<56x48xf32> -> vector<56x96xf32>
    %slice3A_449 = vector.extract_strided_slice %div3A_273 {offsets = [3, 2, 0, 0], sizes = [1, 1, 56, 56], strides = [1, 1, 1, 1]} : vector<8x4x56x56xf32> to vector<1x1x56x56xf32>
    %squeeze3A_450 = vector.shape_cast %slice3A_449 : vector<1x1x56x56xf32> to vector<56x56xf32>
    %dot_general3A_451 = arith.constant dense<0.000000e+00> : vector<56x96xf32>
    %dot_general3A_452 = tpu.matmul %squeeze3A_450, %concatenate3A_448, %dot_general3A_451 {dimension_numbers = #tpu.dot_dimension_numbers<[1], [0], [0], [1], [0, 0, 1, 1], [], []>, transpose_lhs_hint = false} : vector<56x56xf32>, vector<56x96xf32>, vector<56x96xf32> -> vector<56x96xf32>
    %get3A_453 = arith.constant 0 : index
    %get3A_454 = arith.constant 1 : index
    %get3A_455 = arith.constant 0 : index
    %get3A_456 = arith.constant 0 : index
    %get3A_457 = vector.load %arg2[%get3A_453, %get3A_454, %get3A_455, %get3A_456] : memref<1x4x448x48xf32, #tpu.memory_space<vmem>>, vector<1x1x448x48xf32>
    %get3A_458 = vector.shape_cast %get3A_457 : vector<1x1x448x48xf32> to vector<448x48xf32>
    %slice3A_459 = vector.extract_strided_slice %get3A_458 {offsets = [392, 0], sizes = [56, 48], strides = [1, 1]} : vector<448x48xf32> to vector<56x48xf32>
    %concatenate3A_460 = tpu.concatenate %slice3A_459, %mul3A_9 in 1 : vector<56x48xf32>, vector<56x48xf32> -> vector<56x96xf32>
    %slice3A_461 = vector.extract_strided_slice %div3A_273 {offsets = [3, 3, 0, 0], sizes = [1, 1, 56, 56], strides = [1, 1, 1, 1]} : vector<8x4x56x56xf32> to vector<1x1x56x56xf32>
    %squeeze3A_462 = vector.shape_cast %slice3A_461 : vector<1x1x56x56xf32> to vector<56x56xf32>
    %dot_general3A_463 = arith.constant dense<0.000000e+00> : vector<56x96xf32>
    %dot_general3A_464 = tpu.matmul %squeeze3A_462, %concatenate3A_460, %dot_general3A_463 {dimension_numbers = #tpu.dot_dimension_numbers<[1], [0], [0], [1], [0, 0, 1, 1], [], []>, transpose_lhs_hint = false} : vector<56x56xf32>, vector<56x96xf32>, vector<56x96xf32> -> vector<56x96xf32>
    %get3A_465 = arith.constant 0 : index
    %get3A_466 = arith.constant 2 : index
    %get3A_467 = arith.constant 0 : index
    %get3A_468 = arith.constant 0 : index
    %get3A_469 = vector.load %arg2[%get3A_465, %get3A_466, %get3A_467, %get3A_468] : memref<1x4x448x48xf32, #tpu.memory_space<vmem>>, vector<1x1x448x48xf32>
    %get3A_470 = vector.shape_cast %get3A_469 : vector<1x1x448x48xf32> to vector<448x48xf32>
    %slice3A_471 = vector.extract_strided_slice %get3A_470 {offsets = [0, 0], sizes = [56, 48], strides = [1, 1]} : vector<448x48xf32> to vector<56x48xf32>
    %concatenate3A_472 = tpu.concatenate %slice3A_471, %mul3A_9 in 1 : vector<56x48xf32>, vector<56x48xf32> -> vector<56x96xf32>
    %slice3A_473 = vector.extract_strided_slice %div3A_273 {offsets = [4, 0, 0, 0], sizes = [1, 1, 56, 56], strides = [1, 1, 1, 1]} : vector<8x4x56x56xf32> to vector<1x1x56x56xf32>
    %squeeze3A_474 = vector.shape_cast %slice3A_473 : vector<1x1x56x56xf32> to vector<56x56xf32>
    %dot_general3A_475 = arith.constant dense<0.000000e+00> : vector<56x96xf32>
    %dot_general3A_476 = tpu.matmul %squeeze3A_474, %concatenate3A_472, %dot_general3A_475 {dimension_numbers = #tpu.dot_dimension_numbers<[1], [0], [0], [1], [0, 0, 1, 1], [], []>, transpose_lhs_hint = false} : vector<56x56xf32>, vector<56x96xf32>, vector<56x96xf32> -> vector<56x96xf32>
    %get3A_477 = arith.constant 0 : index
    %get3A_478 = arith.constant 2 : index
    %get3A_479 = arith.constant 0 : index
    %get3A_480 = arith.constant 0 : index
    %get3A_481 = vector.load %arg2[%get3A_477, %get3A_478, %get3A_479, %get3A_480] : memref<1x4x448x48xf32, #tpu.memory_space<vmem>>, vector<1x1x448x48xf32>
    %get3A_482 = vector.shape_cast %get3A_481 : vector<1x1x448x48xf32> to vector<448x48xf32>
    %slice3A_483 = vector.extract_strided_slice %get3A_482 {offsets = [56, 0], sizes = [56, 48], strides = [1, 1]} : vector<448x48xf32> to vector<56x48xf32>
    %concatenate3A_484 = tpu.concatenate %slice3A_483, %mul3A_9 in 1 : vector<56x48xf32>, vector<56x48xf32> -> vector<56x96xf32>
    %slice3A_485 = vector.extract_strided_slice %div3A_273 {offsets = [4, 1, 0, 0], sizes = [1, 1, 56, 56], strides = [1, 1, 1, 1]} : vector<8x4x56x56xf32> to vector<1x1x56x56xf32>
    %squeeze3A_486 = vector.shape_cast %slice3A_485 : vector<1x1x56x56xf32> to vector<56x56xf32>
    %dot_general3A_487 = arith.constant dense<0.000000e+00> : vector<56x96xf32>
    %dot_general3A_488 = tpu.matmul %squeeze3A_486, %concatenate3A_484, %dot_general3A_487 {dimension_numbers = #tpu.dot_dimension_numbers<[1], [0], [0], [1], [0, 0, 1, 1], [], []>, transpose_lhs_hint = false} : vector<56x56xf32>, vector<56x96xf32>, vector<56x96xf32> -> vector<56x96xf32>
    %get3A_489 = arith.constant 0 : index
    %get3A_490 = arith.constant 2 : index
    %get3A_491 = arith.constant 0 : index
    %get3A_492 = arith.constant 0 : index
    %get3A_493 = vector.load %arg2[%get3A_489, %get3A_490, %get3A_491, %get3A_492] : memref<1x4x448x48xf32, #tpu.memory_space<vmem>>, vector<1x1x448x48xf32>
    %get3A_494 = vector.shape_cast %get3A_493 : vector<1x1x448x48xf32> to vector<448x48xf32>
    %slice3A_495 = vector.extract_strided_slice %get3A_494 {offsets = [112, 0], sizes = [56, 48], strides = [1, 1]} : vector<448x48xf32> to vector<56x48xf32>
    %concatenate3A_496 = tpu.concatenate %slice3A_495, %mul3A_9 in 1 : vector<56x48xf32>, vector<56x48xf32> -> vector<56x96xf32>
    %slice3A_497 = vector.extract_strided_slice %div3A_273 {offsets = [4, 2, 0, 0], sizes = [1, 1, 56, 56], strides = [1, 1, 1, 1]} : vector<8x4x56x56xf32> to vector<1x1x56x56xf32>
    %squeeze3A_498 = vector.shape_cast %slice3A_497 : vector<1x1x56x56xf32> to vector<56x56xf32>
    %dot_general3A_499 = arith.constant dense<0.000000e+00> : vector<56x96xf32>
    %dot_general3A_500 = tpu.matmul %squeeze3A_498, %concatenate3A_496, %dot_general3A_499 {dimension_numbers = #tpu.dot_dimension_numbers<[1], [0], [0], [1], [0, 0, 1, 1], [], []>, transpose_lhs_hint = false} : vector<56x56xf32>, vector<56x96xf32>, vector<56x96xf32> -> vector<56x96xf32>
    %get3A_501 = arith.constant 0 : index
    %get3A_502 = arith.constant 2 : index
    %get3A_503 = arith.constant 0 : index
    %get3A_504 = arith.constant 0 : index
    %get3A_505 = vector.load %arg2[%get3A_501, %get3A_502, %get3A_503, %get3A_504] : memref<1x4x448x48xf32, #tpu.memory_space<vmem>>, vector<1x1x448x48xf32>
    %get3A_506 = vector.shape_cast %get3A_505 : vector<1x1x448x48xf32> to vector<448x48xf32>
    %slice3A_507 = vector.extract_strided_slice %get3A_506 {offsets = [168, 0], sizes = [56, 48], strides = [1, 1]} : vector<448x48xf32> to vector<56x48xf32>
    %concatenate3A_508 = tpu.concatenate %slice3A_507, %mul3A_9 in 1 : vector<56x48xf32>, vector<56x48xf32> -> vector<56x96xf32>
    %slice3A_509 = vector.extract_strided_slice %div3A_273 {offsets = [4, 3, 0, 0], sizes = [1, 1, 56, 56], strides = [1, 1, 1, 1]} : vector<8x4x56x56xf32> to vector<1x1x56x56xf32>
    %squeeze3A_510 = vector.shape_cast %slice3A_509 : vector<1x1x56x56xf32> to vector<56x56xf32>
    %dot_general3A_511 = arith.constant dense<0.000000e+00> : vector<56x96xf32>
    %dot_general3A_512 = tpu.matmul %squeeze3A_510, %concatenate3A_508, %dot_general3A_511 {dimension_numbers = #tpu.dot_dimension_numbers<[1], [0], [0], [1], [0, 0, 1, 1], [], []>, transpose_lhs_hint = false} : vector<56x56xf32>, vector<56x96xf32>, vector<56x96xf32> -> vector<56x96xf32>
    %get3A_513 = arith.constant 0 : index
    %get3A_514 = arith.constant 2 : index
    %get3A_515 = arith.constant 0 : index
    %get3A_516 = arith.constant 0 : index
    %get3A_517 = vector.load %arg2[%get3A_513, %get3A_514, %get3A_515, %get3A_516] : memref<1x4x448x48xf32, #tpu.memory_space<vmem>>, vector<1x1x448x48xf32>
    %get3A_518 = vector.shape_cast %get3A_517 : vector<1x1x448x48xf32> to vector<448x48xf32>
    %slice3A_519 = vector.extract_strided_slice %get3A_518 {offsets = [224, 0], sizes = [56, 48], strides = [1, 1]} : vector<448x48xf32> to vector<56x48xf32>
    %concatenate3A_520 = tpu.concatenate %slice3A_519, %mul3A_9 in 1 : vector<56x48xf32>, vector<56x48xf32> -> vector<56x96xf32>
    %slice3A_521 = vector.extract_strided_slice %div3A_273 {offsets = [5, 0, 0, 0], sizes = [1, 1, 56, 56], strides = [1, 1, 1, 1]} : vector<8x4x56x56xf32> to vector<1x1x56x56xf32>
    %squeeze3A_522 = vector.shape_cast %slice3A_521 : vector<1x1x56x56xf32> to vector<56x56xf32>
    %dot_general3A_523 = arith.constant dense<0.000000e+00> : vector<56x96xf32>
    %dot_general3A_524 = tpu.matmul %squeeze3A_522, %concatenate3A_520, %dot_general3A_523 {dimension_numbers = #tpu.dot_dimension_numbers<[1], [0], [0], [1], [0, 0, 1, 1], [], []>, transpose_lhs_hint = false} : vector<56x56xf32>, vector<56x96xf32>, vector<56x96xf32> -> vector<56x96xf32>
    %get3A_525 = arith.constant 0 : index
    %get3A_526 = arith.constant 2 : index
    %get3A_527 = arith.constant 0 : index
    %get3A_528 = arith.constant 0 : index
    %get3A_529 = vector.load %arg2[%get3A_525, %get3A_526, %get3A_527, %get3A_528] : memref<1x4x448x48xf32, #tpu.memory_space<vmem>>, vector<1x1x448x48xf32>
    %get3A_530 = vector.shape_cast %get3A_529 : vector<1x1x448x48xf32> to vector<448x48xf32>
    %slice3A_531 = vector.extract_strided_slice %get3A_530 {offsets = [280, 0], sizes = [56, 48], strides = [1, 1]} : vector<448x48xf32> to vector<56x48xf32>
    %concatenate3A_532 = tpu.concatenate %slice3A_531, %mul3A_9 in 1 : vector<56x48xf32>, vector<56x48xf32> -> vector<56x96xf32>
    %slice3A_533 = vector.extract_strided_slice %div3A_273 {offsets = [5, 1, 0, 0], sizes = [1, 1, 56, 56], strides = [1, 1, 1, 1]} : vector<8x4x56x56xf32> to vector<1x1x56x56xf32>
    %squeeze3A_534 = vector.shape_cast %slice3A_533 : vector<1x1x56x56xf32> to vector<56x56xf32>
    %dot_general3A_535 = arith.constant dense<0.000000e+00> : vector<56x96xf32>
    %dot_general3A_536 = tpu.matmul %squeeze3A_534, %concatenate3A_532, %dot_general3A_535 {dimension_numbers = #tpu.dot_dimension_numbers<[1], [0], [0], [1], [0, 0, 1, 1], [], []>, transpose_lhs_hint = false} : vector<56x56xf32>, vector<56x96xf32>, vector<56x96xf32> -> vector<56x96xf32>
    %get3A_537 = arith.constant 0 : index
    %get3A_538 = arith.constant 2 : index
    %get3A_539 = arith.constant 0 : index
    %get3A_540 = arith.constant 0 : index
    %get3A_541 = vector.load %arg2[%get3A_537, %get3A_538, %get3A_539, %get3A_540] : memref<1x4x448x48xf32, #tpu.memory_space<vmem>>, vector<1x1x448x48xf32>
    %get3A_542 = vector.shape_cast %get3A_541 : vector<1x1x448x48xf32> to vector<448x48xf32>
    %slice3A_543 = vector.extract_strided_slice %get3A_542 {offsets = [336, 0], sizes = [56, 48], strides = [1, 1]} : vector<448x48xf32> to vector<56x48xf32>
    %concatenate3A_544 = tpu.concatenate %slice3A_543, %mul3A_9 in 1 : vector<56x48xf32>, vector<56x48xf32> -> vector<56x96xf32>
    %slice3A_545 = vector.extract_strided_slice %div3A_273 {offsets = [5, 2, 0, 0], sizes = [1, 1, 56, 56], strides = [1, 1, 1, 1]} : vector<8x4x56x56xf32> to vector<1x1x56x56xf32>
    %squeeze3A_546 = vector.shape_cast %slice3A_545 : vector<1x1x56x56xf32> to vector<56x56xf32>
    %dot_general3A_547 = arith.constant dense<0.000000e+00> : vector<56x96xf32>
    %dot_general3A_548 = tpu.matmul %squeeze3A_546, %concatenate3A_544, %dot_general3A_547 {dimension_numbers = #tpu.dot_dimension_numbers<[1], [0], [0], [1], [0, 0, 1, 1], [], []>, transpose_lhs_hint = false} : vector<56x56xf32>, vector<56x96xf32>, vector<56x96xf32> -> vector<56x96xf32>
    %get3A_549 = arith.constant 0 : index
    %get3A_550 = arith.constant 2 : index
    %get3A_551 = arith.constant 0 : index
    %get3A_552 = arith.constant 0 : index
    %get3A_553 = vector.load %arg2[%get3A_549, %get3A_550, %get3A_551, %get3A_552] : memref<1x4x448x48xf32, #tpu.memory_space<vmem>>, vector<1x1x448x48xf32>
    %get3A_554 = vector.shape_cast %get3A_553 : vector<1x1x448x48xf32> to vector<448x48xf32>
    %slice3A_555 = vector.extract_strided_slice %get3A_554 {offsets = [392, 0], sizes = [56, 48], strides = [1, 1]} : vector<448x48xf32> to vector<56x48xf32>
    %concatenate3A_556 = tpu.concatenate %slice3A_555, %mul3A_9 in 1 : vector<56x48xf32>, vector<56x48xf32> -> vector<56x96xf32>
    %slice3A_557 = vector.extract_strided_slice %div3A_273 {offsets = [5, 3, 0, 0], sizes = [1, 1, 56, 56], strides = [1, 1, 1, 1]} : vector<8x4x56x56xf32> to vector<1x1x56x56xf32>
    %squeeze3A_558 = vector.shape_cast %slice3A_557 : vector<1x1x56x56xf32> to vector<56x56xf32>
    %dot_general3A_559 = arith.constant dense<0.000000e+00> : vector<56x96xf32>
    %dot_general3A_560 = tpu.matmul %squeeze3A_558, %concatenate3A_556, %dot_general3A_559 {dimension_numbers = #tpu.dot_dimension_numbers<[1], [0], [0], [1], [0, 0, 1, 1], [], []>, transpose_lhs_hint = false} : vector<56x56xf32>, vector<56x96xf32>, vector<56x96xf32> -> vector<56x96xf32>
    %get3A_561 = arith.constant 0 : index
    %get3A_562 = arith.constant 3 : index
    %get3A_563 = arith.constant 0 : index
    %get3A_564 = arith.constant 0 : index
    %get3A_565 = vector.load %arg2[%get3A_561, %get3A_562, %get3A_563, %get3A_564] : memref<1x4x448x48xf32, #tpu.memory_space<vmem>>, vector<1x1x448x48xf32>
    %get3A_566 = vector.shape_cast %get3A_565 : vector<1x1x448x48xf32> to vector<448x48xf32>
    %slice3A_567 = vector.extract_strided_slice %get3A_566 {offsets = [0, 0], sizes = [56, 48], strides = [1, 1]} : vector<448x48xf32> to vector<56x48xf32>
    %concatenate3A_568 = tpu.concatenate %slice3A_567, %mul3A_9 in 1 : vector<56x48xf32>, vector<56x48xf32> -> vector<56x96xf32>
    %slice3A_569 = vector.extract_strided_slice %div3A_273 {offsets = [6, 0, 0, 0], sizes = [1, 1, 56, 56], strides = [1, 1, 1, 1]} : vector<8x4x56x56xf32> to vector<1x1x56x56xf32>
    %squeeze3A_570 = vector.shape_cast %slice3A_569 : vector<1x1x56x56xf32> to vector<56x56xf32>
    %dot_general3A_571 = arith.constant dense<0.000000e+00> : vector<56x96xf32>
    %dot_general3A_572 = tpu.matmul %squeeze3A_570, %concatenate3A_568, %dot_general3A_571 {dimension_numbers = #tpu.dot_dimension_numbers<[1], [0], [0], [1], [0, 0, 1, 1], [], []>, transpose_lhs_hint = false} : vector<56x56xf32>, vector<56x96xf32>, vector<56x96xf32> -> vector<56x96xf32>
    %get3A_573 = arith.constant 0 : index
    %get3A_574 = arith.constant 3 : index
    %get3A_575 = arith.constant 0 : index
    %get3A_576 = arith.constant 0 : index
    %get3A_577 = vector.load %arg2[%get3A_573, %get3A_574, %get3A_575, %get3A_576] : memref<1x4x448x48xf32, #tpu.memory_space<vmem>>, vector<1x1x448x48xf32>
    %get3A_578 = vector.shape_cast %get3A_577 : vector<1x1x448x48xf32> to vector<448x48xf32>
    %slice3A_579 = vector.extract_strided_slice %get3A_578 {offsets = [56, 0], sizes = [56, 48], strides = [1, 1]} : vector<448x48xf32> to vector<56x48xf32>
    %concatenate3A_580 = tpu.concatenate %slice3A_579, %mul3A_9 in 1 : vector<56x48xf32>, vector<56x48xf32> -> vector<56x96xf32>
    %slice3A_581 = vector.extract_strided_slice %div3A_273 {offsets = [6, 1, 0, 0], sizes = [1, 1, 56, 56], strides = [1, 1, 1, 1]} : vector<8x4x56x56xf32> to vector<1x1x56x56xf32>
    %squeeze3A_582 = vector.shape_cast %slice3A_581 : vector<1x1x56x56xf32> to vector<56x56xf32>
    %dot_general3A_583 = arith.constant dense<0.000000e+00> : vector<56x96xf32>
    %dot_general3A_584 = tpu.matmul %squeeze3A_582, %concatenate3A_580, %dot_general3A_583 {dimension_numbers = #tpu.dot_dimension_numbers<[1], [0], [0], [1], [0, 0, 1, 1], [], []>, transpose_lhs_hint = false} : vector<56x56xf32>, vector<56x96xf32>, vector<56x96xf32> -> vector<56x96xf32>
    %get3A_585 = arith.constant 0 : index
    %get3A_586 = arith.constant 3 : index
    %get3A_587 = arith.constant 0 : index
    %get3A_588 = arith.constant 0 : index
    %get3A_589 = vector.load %arg2[%get3A_585, %get3A_586, %get3A_587, %get3A_588] : memref<1x4x448x48xf32, #tpu.memory_space<vmem>>, vector<1x1x448x48xf32>
    %get3A_590 = vector.shape_cast %get3A_589 : vector<1x1x448x48xf32> to vector<448x48xf32>
    %slice3A_591 = vector.extract_strided_slice %get3A_590 {offsets = [112, 0], sizes = [56, 48], strides = [1, 1]} : vector<448x48xf32> to vector<56x48xf32>
    %concatenate3A_592 = tpu.concatenate %slice3A_591, %mul3A_9 in 1 : vector<56x48xf32>, vector<56x48xf32> -> vector<56x96xf32>
    %slice3A_593 = vector.extract_strided_slice %div3A_273 {offsets = [6, 2, 0, 0], sizes = [1, 1, 56, 56], strides = [1, 1, 1, 1]} : vector<8x4x56x56xf32> to vector<1x1x56x56xf32>
    %squeeze3A_594 = vector.shape_cast %slice3A_593 : vector<1x1x56x56xf32> to vector<56x56xf32>
    %dot_general3A_595 = arith.constant dense<0.000000e+00> : vector<56x96xf32>
    %dot_general3A_596 = tpu.matmul %squeeze3A_594, %concatenate3A_592, %dot_general3A_595 {dimension_numbers = #tpu.dot_dimension_numbers<[1], [0], [0], [1], [0, 0, 1, 1], [], []>, transpose_lhs_hint = false} : vector<56x56xf32>, vector<56x96xf32>, vector<56x96xf32> -> vector<56x96xf32>
    %get3A_597 = arith.constant 0 : index
    %get3A_598 = arith.constant 3 : index
    %get3A_599 = arith.constant 0 : index
    %get3A_600 = arith.constant 0 : index
    %get3A_601 = vector.load %arg2[%get3A_597, %get3A_598, %get3A_599, %get3A_600] : memref<1x4x448x48xf32, #tpu.memory_space<vmem>>, vector<1x1x448x48xf32>
    %get3A_602 = vector.shape_cast %get3A_601 : vector<1x1x448x48xf32> to vector<448x48xf32>
    %slice3A_603 = vector.extract_strided_slice %get3A_602 {offsets = [168, 0], sizes = [56, 48], strides = [1, 1]} : vector<448x48xf32> to vector<56x48xf32>
    %concatenate3A_604 = tpu.concatenate %slice3A_603, %mul3A_9 in 1 : vector<56x48xf32>, vector<56x48xf32> -> vector<56x96xf32>
    %slice3A_605 = vector.extract_strided_slice %div3A_273 {offsets = [6, 3, 0, 0], sizes = [1, 1, 56, 56], strides = [1, 1, 1, 1]} : vector<8x4x56x56xf32> to vector<1x1x56x56xf32>
    %squeeze3A_606 = vector.shape_cast %slice3A_605 : vector<1x1x56x56xf32> to vector<56x56xf32>
    %dot_general3A_607 = arith.constant dense<0.000000e+00> : vector<56x96xf32>
    %dot_general3A_608 = tpu.matmul %squeeze3A_606, %concatenate3A_604, %dot_general3A_607 {dimension_numbers = #tpu.dot_dimension_numbers<[1], [0], [0], [1], [0, 0, 1, 1], [], []>, transpose_lhs_hint = false} : vector<56x56xf32>, vector<56x96xf32>, vector<56x96xf32> -> vector<56x96xf32>
    %get3A_609 = arith.constant 0 : index
    %get3A_610 = arith.constant 3 : index
    %get3A_611 = arith.constant 0 : index
    %get3A_612 = arith.constant 0 : index
    %get3A_613 = vector.load %arg2[%get3A_609, %get3A_610, %get3A_611, %get3A_612] : memref<1x4x448x48xf32, #tpu.memory_space<vmem>>, vector<1x1x448x48xf32>
    %get3A_614 = vector.shape_cast %get3A_613 : vector<1x1x448x48xf32> to vector<448x48xf32>
    %slice3A_615 = vector.extract_strided_slice %get3A_614 {offsets = [224, 0], sizes = [56, 48], strides = [1, 1]} : vector<448x48xf32> to vector<56x48xf32>
    %concatenate3A_616 = tpu.concatenate %slice3A_615, %mul3A_9 in 1 : vector<56x48xf32>, vector<56x48xf32> -> vector<56x96xf32>
    %slice3A_617 = vector.extract_strided_slice %div3A_273 {offsets = [7, 0, 0, 0], sizes = [1, 1, 56, 56], strides = [1, 1, 1, 1]} : vector<8x4x56x56xf32> to vector<1x1x56x56xf32>
    %squeeze3A_618 = vector.shape_cast %slice3A_617 : vector<1x1x56x56xf32> to vector<56x56xf32>
    %dot_general3A_619 = arith.constant dense<0.000000e+00> : vector<56x96xf32>
    %dot_general3A_620 = tpu.matmul %squeeze3A_618, %concatenate3A_616, %dot_general3A_619 {dimension_numbers = #tpu.dot_dimension_numbers<[1], [0], [0], [1], [0, 0, 1, 1], [], []>, transpose_lhs_hint = false} : vector<56x56xf32>, vector<56x96xf32>, vector<56x96xf32> -> vector<56x96xf32>
    %get3A_621 = arith.constant 0 : index
    %get3A_622 = arith.constant 3 : index
    %get3A_623 = arith.constant 0 : index
    %get3A_624 = arith.constant 0 : index
    %get3A_625 = vector.load %arg2[%get3A_621, %get3A_622, %get3A_623, %get3A_624] : memref<1x4x448x48xf32, #tpu.memory_space<vmem>>, vector<1x1x448x48xf32>
    %get3A_626 = vector.shape_cast %get3A_625 : vector<1x1x448x48xf32> to vector<448x48xf32>
    %slice3A_627 = vector.extract_strided_slice %get3A_626 {offsets = [280, 0], sizes = [56, 48], strides = [1, 1]} : vector<448x48xf32> to vector<56x48xf32>
    %concatenate3A_628 = tpu.concatenate %slice3A_627, %mul3A_9 in 1 : vector<56x48xf32>, vector<56x48xf32> -> vector<56x96xf32>
    %slice3A_629 = vector.extract_strided_slice %div3A_273 {offsets = [7, 1, 0, 0], sizes = [1, 1, 56, 56], strides = [1, 1, 1, 1]} : vector<8x4x56x56xf32> to vector<1x1x56x56xf32>
    %squeeze3A_630 = vector.shape_cast %slice3A_629 : vector<1x1x56x56xf32> to vector<56x56xf32>
    %dot_general3A_631 = arith.constant dense<0.000000e+00> : vector<56x96xf32>
    %dot_general3A_632 = tpu.matmul %squeeze3A_630, %concatenate3A_628, %dot_general3A_631 {dimension_numbers = #tpu.dot_dimension_numbers<[1], [0], [0], [1], [0, 0, 1, 1], [], []>, transpose_lhs_hint = false} : vector<56x56xf32>, vector<56x96xf32>, vector<56x96xf32> -> vector<56x96xf32>
    %get3A_633 = arith.constant 0 : index
    %get3A_634 = arith.constant 3 : index
    %get3A_635 = arith.constant 0 : index
    %get3A_636 = arith.constant 0 : index
    %get3A_637 = vector.load %arg2[%get3A_633, %get3A_634, %get3A_635, %get3A_636] : memref<1x4x448x48xf32, #tpu.memory_space<vmem>>, vector<1x1x448x48xf32>
    %get3A_638 = vector.shape_cast %get3A_637 : vector<1x1x448x48xf32> to vector<448x48xf32>
    %slice3A_639 = vector.extract_strided_slice %get3A_638 {offsets = [336, 0], sizes = [56, 48], strides = [1, 1]} : vector<448x48xf32> to vector<56x48xf32>
    %concatenate3A_640 = tpu.concatenate %slice3A_639, %mul3A_9 in 1 : vector<56x48xf32>, vector<56x48xf32> -> vector<56x96xf32>
    %slice3A_641 = vector.extract_strided_slice %div3A_273 {offsets = [7, 2, 0, 0], sizes = [1, 1, 56, 56], strides = [1, 1, 1, 1]} : vector<8x4x56x56xf32> to vector<1x1x56x56xf32>
    %squeeze3A_642 = vector.shape_cast %slice3A_641 : vector<1x1x56x56xf32> to vector<56x56xf32>
    %dot_general3A_643 = arith.constant dense<0.000000e+00> : vector<56x96xf32>
    %dot_general3A_644 = tpu.matmul %squeeze3A_642, %concatenate3A_640, %dot_general3A_643 {dimension_numbers = #tpu.dot_dimension_numbers<[1], [0], [0], [1], [0, 0, 1, 1], [], []>, transpose_lhs_hint = false} : vector<56x56xf32>, vector<56x96xf32>, vector<56x96xf32> -> vector<56x96xf32>
    %get3A_645 = arith.constant 0 : index
    %get3A_646 = arith.constant 3 : index
    %get3A_647 = arith.constant 0 : index
    %get3A_648 = arith.constant 0 : index
    %get3A_649 = vector.load %arg2[%get3A_645, %get3A_646, %get3A_647, %get3A_648] : memref<1x4x448x48xf32, #tpu.memory_space<vmem>>, vector<1x1x448x48xf32>
    %get3A_650 = vector.shape_cast %get3A_649 : vector<1x1x448x48xf32> to vector<448x48xf32>
    %slice3A_651 = vector.extract_strided_slice %get3A_650 {offsets = [392, 0], sizes = [56, 48], strides = [1, 1]} : vector<448x48xf32> to vector<56x48xf32>
    %concatenate3A_652 = tpu.concatenate %slice3A_651, %mul3A_9 in 1 : vector<56x48xf32>, vector<56x48xf32> -> vector<56x96xf32>
    %slice3A_653 = vector.extract_strided_slice %div3A_273 {offsets = [7, 3, 0, 0], sizes = [1, 1, 56, 56], strides = [1, 1, 1, 1]} : vector<8x4x56x56xf32> to vector<1x1x56x56xf32>
    %squeeze3A_654 = vector.shape_cast %slice3A_653 : vector<1x1x56x56xf32> to vector<56x56xf32>
    %dot_general3A_655 = arith.constant dense<0.000000e+00> : vector<56x96xf32>
    %dot_general3A_656 = tpu.matmul %squeeze3A_654, %concatenate3A_652, %dot_general3A_655 {dimension_numbers = #tpu.dot_dimension_numbers<[1], [0], [0], [1], [0, 0, 1, 1], [], []>, transpose_lhs_hint = false} : vector<56x56xf32>, vector<56x96xf32>, vector<56x96xf32> -> vector<56x96xf32>
    %concatenate3A_657 = tpu.concatenate %dot_general3A_284, %dot_general3A_296, %dot_general3A_308, %dot_general3A_320, %dot_general3A_332, %dot_general3A_344, %dot_general3A_356, %dot_general3A_368, %dot_general3A_380, %dot_general3A_392, %dot_general3A_404, %dot_general3A_416, %dot_general3A_428, %dot_general3A_440, %dot_general3A_452, %dot_general3A_464, %dot_general3A_476, %dot_general3A_488, %dot_general3A_500, %dot_general3A_512, %dot_general3A_524, %dot_general3A_536, %dot_general3A_548, %dot_general3A_560, %dot_general3A_572, %dot_general3A_584, %dot_general3A_596, %dot_general3A_608, %dot_general3A_620, %dot_general3A_632, %dot_general3A_644, %dot_general3A_656 in 0 : vector<56x96xf32>, vector<56x96xf32>, vector<56x96xf32>, vector<56x96xf32>, vector<56x96xf32>, vector<56x96xf32>, vector<56x96xf32>, vector<56x96xf32>, vector<56x96xf32>, vector<56x96xf32>, vector<56x96xf32>, vector<56x96xf32>, vector<56x96xf32>, vector<56x96xf32>, vector<56x96xf32>, vector<56x96xf32>, vector<56x96xf32>, vector<56x96xf32>, vector<56x96xf32>, vector<56x96xf32>, vector<56x96xf32>, vector<56x96xf32>, vector<56x96xf32>, vector<56x96xf32>, vector<56x96xf32>, vector<56x96xf32>, vector<56x96xf32>, vector<56x96xf32>, vector<56x96xf32>, vector<56x96xf32>, vector<56x96xf32>, vector<56x96xf32> -> vector<1792x96xf32>
    %get3A_658 = arith.constant 0 : index
    %get3A_659 = arith.constant 0 : index
    %get3A_660 = vector.load %arg5[%get3A_658, %get3A_659] : memref<8x1792xf32, #tpu.memory_space<vmem>>, vector<8x1792xf32>
    %mul3A_661 = arith.mulf %concatenate3A_657, %concatenate3A_657 : vector<1792x96xf32>
    %dot_general3A_662 = arith.constant dense<0.000000e+00> : vector<8x96xf32>
    %dot_general3A_663 = tpu.matmul %get3A_660, %mul3A_661, %dot_general3A_662 {dimension_numbers = #tpu.dot_dimension_numbers<[1], [0], [0], [1], [0, 0, 1, 1], [], []>, transpose_lhs_hint = false} : vector<8x1792xf32>, vector<1792x96xf32>, vector<8x96xf32> -> vector<8x96xf32>
    %broadcast_in_dim3A_664 = arith.constant 0.000000e+00 : f32
    %broadcast_in_dim3A_665 = vector.broadcast %broadcast_in_dim3A_664 : f32 to vector<1x224xf32>
    %slice3A_666 = vector.extract_strided_slice %dot_general3A_663 {offsets = [0, 0], sizes = [1, 96], strides = [1, 1]} : vector<8x96xf32> to vector<1x96xf32>
    %get3A_667 = arith.constant 0 : index
    %get3A_668 = arith.constant 0 : index
    %get3A_669 = arith.constant 0 : index
    %get3A_670 = vector.load %arg6[%get3A_667, %get3A_668, %get3A_669] : memref<7x96x224xf32, #tpu.memory_space<vmem>>, vector<1x96x224xf32>
    %get3A_671 = vector.shape_cast %get3A_670 : vector<1x96x224xf32> to vector<96x224xf32>
    %dot_general3A_672 = arith.constant dense<0.000000e+00> : vector<1x224xf32>
    %dot_general3A_673 = tpu.matmul %slice3A_666, %get3A_671, %dot_general3A_672 {dimension_numbers = #tpu.dot_dimension_numbers<[1], [0], [0], [1], [0, 0, 1, 1], [], []>, transpose_lhs_hint = false} : vector<1x96xf32>, vector<96x224xf32>, vector<1x224xf32> -> vector<1x224xf32>
    %add3A_674 = arith.addf %broadcast_in_dim3A_665, %dot_general3A_673 : vector<1x224xf32>
    %slice3A_675 = vector.extract_strided_slice %dot_general3A_663 {offsets = [1, 0], sizes = [1, 96], strides = [1, 1]} : vector<8x96xf32> to vector<1x96xf32>
    %get3A_676 = arith.constant 1 : index
    %get3A_677 = arith.constant 0 : index
    %get3A_678 = arith.constant 0 : index
    %get3A_679 = vector.load %arg6[%get3A_676, %get3A_677, %get3A_678] : memref<7x96x224xf32, #tpu.memory_space<vmem>>, vector<1x96x224xf32>
    %get3A_680 = vector.shape_cast %get3A_679 : vector<1x96x224xf32> to vector<96x224xf32>
    %dot_general3A_681 = arith.constant dense<0.000000e+00> : vector<1x224xf32>
    %dot_general3A_682 = tpu.matmul %slice3A_675, %get3A_680, %dot_general3A_681 {dimension_numbers = #tpu.dot_dimension_numbers<[1], [0], [0], [1], [0, 0, 1, 1], [], []>, transpose_lhs_hint = false} : vector<1x96xf32>, vector<96x224xf32>, vector<1x224xf32> -> vector<1x224xf32>
    %add3A_683 = arith.addf %add3A_674, %dot_general3A_682 : vector<1x224xf32>
    %slice3A_684 = vector.extract_strided_slice %dot_general3A_663 {offsets = [2, 0], sizes = [1, 96], strides = [1, 1]} : vector<8x96xf32> to vector<1x96xf32>
    %get3A_685 = arith.constant 2 : index
    %get3A_686 = arith.constant 0 : index
    %get3A_687 = arith.constant 0 : index
    %get3A_688 = vector.load %arg6[%get3A_685, %get3A_686, %get3A_687] : memref<7x96x224xf32, #tpu.memory_space<vmem>>, vector<1x96x224xf32>
    %get3A_689 = vector.shape_cast %get3A_688 : vector<1x96x224xf32> to vector<96x224xf32>
    %dot_general3A_690 = arith.constant dense<0.000000e+00> : vector<1x224xf32>
    %dot_general3A_691 = tpu.matmul %slice3A_684, %get3A_689, %dot_general3A_690 {dimension_numbers = #tpu.dot_dimension_numbers<[1], [0], [0], [1], [0, 0, 1, 1], [], []>, transpose_lhs_hint = false} : vector<1x96xf32>, vector<96x224xf32>, vector<1x224xf32> -> vector<1x224xf32>
    %add3A_692 = arith.addf %add3A_683, %dot_general3A_691 : vector<1x224xf32>
    %slice3A_693 = vector.extract_strided_slice %dot_general3A_663 {offsets = [3, 0], sizes = [1, 96], strides = [1, 1]} : vector<8x96xf32> to vector<1x96xf32>
    %get3A_694 = arith.constant 3 : index
    %get3A_695 = arith.constant 0 : index
    %get3A_696 = arith.constant 0 : index
    %get3A_697 = vector.load %arg6[%get3A_694, %get3A_695, %get3A_696] : memref<7x96x224xf32, #tpu.memory_space<vmem>>, vector<1x96x224xf32>
    %get3A_698 = vector.shape_cast %get3A_697 : vector<1x96x224xf32> to vector<96x224xf32>
    %dot_general3A_699 = arith.constant dense<0.000000e+00> : vector<1x224xf32>
    %dot_general3A_700 = tpu.matmul %slice3A_693, %get3A_698, %dot_general3A_699 {dimension_numbers = #tpu.dot_dimension_numbers<[1], [0], [0], [1], [0, 0, 1, 1], [], []>, transpose_lhs_hint = false} : vector<1x96xf32>, vector<96x224xf32>, vector<1x224xf32> -> vector<1x224xf32>
    %add3A_701 = arith.addf %add3A_692, %dot_general3A_700 : vector<1x224xf32>
    %slice3A_702 = vector.extract_strided_slice %dot_general3A_663 {offsets = [4, 0], sizes = [1, 96], strides = [1, 1]} : vector<8x96xf32> to vector<1x96xf32>
    %get3A_703 = arith.constant 4 : index
    %get3A_704 = arith.constant 0 : index
    %get3A_705 = arith.constant 0 : index
    %get3A_706 = vector.load %arg6[%get3A_703, %get3A_704, %get3A_705] : memref<7x96x224xf32, #tpu.memory_space<vmem>>, vector<1x96x224xf32>
    %get3A_707 = vector.shape_cast %get3A_706 : vector<1x96x224xf32> to vector<96x224xf32>
    %dot_general3A_708 = arith.constant dense<0.000000e+00> : vector<1x224xf32>
    %dot_general3A_709 = tpu.matmul %slice3A_702, %get3A_707, %dot_general3A_708 {dimension_numbers = #tpu.dot_dimension_numbers<[1], [0], [0], [1], [0, 0, 1, 1], [], []>, transpose_lhs_hint = false} : vector<1x96xf32>, vector<96x224xf32>, vector<1x224xf32> -> vector<1x224xf32>
    %add3A_710 = arith.addf %add3A_701, %dot_general3A_709 : vector<1x224xf32>
    %slice3A_711 = vector.extract_strided_slice %dot_general3A_663 {offsets = [5, 0], sizes = [1, 96], strides = [1, 1]} : vector<8x96xf32> to vector<1x96xf32>
    %get3A_712 = arith.constant 5 : index
    %get3A_713 = arith.constant 0 : index
    %get3A_714 = arith.constant 0 : index
    %get3A_715 = vector.load %arg6[%get3A_712, %get3A_713, %get3A_714] : memref<7x96x224xf32, #tpu.memory_space<vmem>>, vector<1x96x224xf32>
    %get3A_716 = vector.shape_cast %get3A_715 : vector<1x96x224xf32> to vector<96x224xf32>
    %dot_general3A_717 = arith.constant dense<0.000000e+00> : vector<1x224xf32>
    %dot_general3A_718 = tpu.matmul %slice3A_711, %get3A_716, %dot_general3A_717 {dimension_numbers = #tpu.dot_dimension_numbers<[1], [0], [0], [1], [0, 0, 1, 1], [], []>, transpose_lhs_hint = false} : vector<1x96xf32>, vector<96x224xf32>, vector<1x224xf32> -> vector<1x224xf32>
    %add3A_719 = arith.addf %add3A_710, %dot_general3A_718 : vector<1x224xf32>
    %slice3A_720 = vector.extract_strided_slice %dot_general3A_663 {offsets = [6, 0], sizes = [1, 96], strides = [1, 1]} : vector<8x96xf32> to vector<1x96xf32>
    %get3A_721 = arith.constant 6 : index
    %get3A_722 = arith.constant 0 : index
    %get3A_723 = arith.constant 0 : index
    %get3A_724 = vector.load %arg6[%get3A_721, %get3A_722, %get3A_723] : memref<7x96x224xf32, #tpu.memory_space<vmem>>, vector<1x96x224xf32>
    %get3A_725 = vector.shape_cast %get3A_724 : vector<1x96x224xf32> to vector<96x224xf32>
    %dot_general3A_726 = arith.constant dense<0.000000e+00> : vector<1x224xf32>
    %dot_general3A_727 = tpu.matmul %slice3A_720, %get3A_725, %dot_general3A_726 {dimension_numbers = #tpu.dot_dimension_numbers<[1], [0], [0], [1], [0, 0, 1, 1], [], []>, transpose_lhs_hint = false} : vector<1x96xf32>, vector<96x224xf32>, vector<1x224xf32> -> vector<1x224xf32>
    %add3A_728 = arith.addf %add3A_719, %dot_general3A_727 : vector<1x224xf32>
    %sqrt3A_729 = math.sqrt %add3A_728 : vector<1x224xf32>
    %max3A_730 = arith.constant 5.000000e-05 : f32
    %max3A_731 = vector.broadcast %max3A_730 : f32 to vector<1x224xf32>
    %max3A_732 = arith.maximumf %sqrt3A_729, %max3A_731 : vector<1x224xf32>
    %div3A_733 = arith.constant 1.000000e+00 : f32
    %div3A_734 = vector.broadcast %div3A_733 : f32 to vector<1x224xf32>
    %div3A_735 = arith.divf %div3A_734, %max3A_732 : vector<1x224xf32>
    %get3A_736 = arith.constant 0 : index
    %get3A_737 = arith.constant 0 : index
    %get3A_738 = arith.constant 0 : index
    %get3A_739 = vector.load %arg7[%get3A_736, %get3A_737, %get3A_738] : memref<7x224x96xf32, #tpu.memory_space<vmem>>, vector<1x224x96xf32>
    %get3A_740 = vector.shape_cast %get3A_739 : vector<1x224x96xf32> to vector<224x96xf32>
    %dot_general3A_741 = arith.constant dense<0.000000e+00> : vector<1x96xf32>
    %dot_general3A_742 = tpu.matmul %div3A_735, %get3A_740, %dot_general3A_741 {dimension_numbers = #tpu.dot_dimension_numbers<[1], [0], [0], [1], [0, 0, 1, 1], [], []>, transpose_lhs_hint = false} : vector<1x224xf32>, vector<224x96xf32>, vector<1x96xf32> -> vector<1x96xf32>
    %get3A_743 = arith.constant 1 : index
    %get3A_744 = arith.constant 0 : index
    %get3A_745 = arith.constant 0 : index
    %get3A_746 = vector.load %arg7[%get3A_743, %get3A_744, %get3A_745] : memref<7x224x96xf32, #tpu.memory_space<vmem>>, vector<1x224x96xf32>
    %get3A_747 = vector.shape_cast %get3A_746 : vector<1x224x96xf32> to vector<224x96xf32>
    %dot_general3A_748 = arith.constant dense<0.000000e+00> : vector<1x96xf32>
    %dot_general3A_749 = tpu.matmul %div3A_735, %get3A_747, %dot_general3A_748 {dimension_numbers = #tpu.dot_dimension_numbers<[1], [0], [0], [1], [0, 0, 1, 1], [], []>, transpose_lhs_hint = false} : vector<1x224xf32>, vector<224x96xf32>, vector<1x96xf32> -> vector<1x96xf32>
    %get3A_750 = arith.constant 2 : index
    %get3A_751 = arith.constant 0 : index
    %get3A_752 = arith.constant 0 : index
    %get3A_753 = vector.load %arg7[%get3A_750, %get3A_751, %get3A_752] : memref<7x224x96xf32, #tpu.memory_space<vmem>>, vector<1x224x96xf32>
    %get3A_754 = vector.shape_cast %get3A_753 : vector<1x224x96xf32> to vector<224x96xf32>
    %dot_general3A_755 = arith.constant dense<0.000000e+00> : vector<1x96xf32>
    %dot_general3A_756 = tpu.matmul %div3A_735, %get3A_754, %dot_general3A_755 {dimension_numbers = #tpu.dot_dimension_numbers<[1], [0], [0], [1], [0, 0, 1, 1], [], []>, transpose_lhs_hint = false} : vector<1x224xf32>, vector<224x96xf32>, vector<1x96xf32> -> vector<1x96xf32>
    %get3A_757 = arith.constant 3 : index
    %get3A_758 = arith.constant 0 : index
    %get3A_759 = arith.constant 0 : index
    %get3A_760 = vector.load %arg7[%get3A_757, %get3A_758, %get3A_759] : memref<7x224x96xf32, #tpu.memory_space<vmem>>, vector<1x224x96xf32>
    %get3A_761 = vector.shape_cast %get3A_760 : vector<1x224x96xf32> to vector<224x96xf32>
    %dot_general3A_762 = arith.constant dense<0.000000e+00> : vector<1x96xf32>
    %dot_general3A_763 = tpu.matmul %div3A_735, %get3A_761, %dot_general3A_762 {dimension_numbers = #tpu.dot_dimension_numbers<[1], [0], [0], [1], [0, 0, 1, 1], [], []>, transpose_lhs_hint = false} : vector<1x224xf32>, vector<224x96xf32>, vector<1x96xf32> -> vector<1x96xf32>
    %get3A_764 = arith.constant 4 : index
    %get3A_765 = arith.constant 0 : index
    %get3A_766 = arith.constant 0 : index
    %get3A_767 = vector.load %arg7[%get3A_764, %get3A_765, %get3A_766] : memref<7x224x96xf32, #tpu.memory_space<vmem>>, vector<1x224x96xf32>
    %get3A_768 = vector.shape_cast %get3A_767 : vector<1x224x96xf32> to vector<224x96xf32>
    %dot_general3A_769 = arith.constant dense<0.000000e+00> : vector<1x96xf32>
    %dot_general3A_770 = tpu.matmul %div3A_735, %get3A_768, %dot_general3A_769 {dimension_numbers = #tpu.dot_dimension_numbers<[1], [0], [0], [1], [0, 0, 1, 1], [], []>, transpose_lhs_hint = false} : vector<1x224xf32>, vector<224x96xf32>, vector<1x96xf32> -> vector<1x96xf32>
    %get3A_771 = arith.constant 5 : index
    %get3A_772 = arith.constant 0 : index
    %get3A_773 = arith.constant 0 : index
    %get3A_774 = vector.load %arg7[%get3A_771, %get3A_772, %get3A_773] : memref<7x224x96xf32, #tpu.memory_space<vmem>>, vector<1x224x96xf32>
    %get3A_775 = vector.shape_cast %get3A_774 : vector<1x224x96xf32> to vector<224x96xf32>
    %dot_general3A_776 = arith.constant dense<0.000000e+00> : vector<1x96xf32>
    %dot_general3A_777 = tpu.matmul %div3A_735, %get3A_775, %dot_general3A_776 {dimension_numbers = #tpu.dot_dimension_numbers<[1], [0], [0], [1], [0, 0, 1, 1], [], []>, transpose_lhs_hint = false} : vector<1x224xf32>, vector<224x96xf32>, vector<1x96xf32> -> vector<1x96xf32>
    %get3A_778 = arith.constant 6 : index
    %get3A_779 = arith.constant 0 : index
    %get3A_780 = arith.constant 0 : index
    %get3A_781 = vector.load %arg7[%get3A_778, %get3A_779, %get3A_780] : memref<7x224x96xf32, #tpu.memory_space<vmem>>, vector<1x224x96xf32>
    %get3A_782 = vector.shape_cast %get3A_781 : vector<1x224x96xf32> to vector<224x96xf32>
    %dot_general3A_783 = arith.constant dense<0.000000e+00> : vector<1x96xf32>
    %dot_general3A_784 = tpu.matmul %div3A_735, %get3A_782, %dot_general3A_783 {dimension_numbers = #tpu.dot_dimension_numbers<[1], [0], [0], [1], [0, 0, 1, 1], [], []>, transpose_lhs_hint = false} : vector<1x224xf32>, vector<224x96xf32>, vector<1x96xf32> -> vector<1x96xf32>
    %broadcast_in_dim3A_785 = arith.constant 0.000000e+00 : f32
    %broadcast_in_dim3A_786 = vector.broadcast %broadcast_in_dim3A_785 : f32 to vector<1x96xf32>
    %concatenate3A_787 = tpu.concatenate %dot_general3A_742, %dot_general3A_749, %dot_general3A_756, %dot_general3A_763, %dot_general3A_770, %dot_general3A_777, %dot_general3A_784, %broadcast_in_dim3A_786 in 0 : vector<1x96xf32>, vector<1x96xf32>, vector<1x96xf32>, vector<1x96xf32>, vector<1x96xf32>, vector<1x96xf32>, vector<1x96xf32>, vector<1x96xf32> -> vector<8x96xf32>
    %dot_general3A_788 = arith.constant dense<0.000000e+00> : vector<1792x96xf32>
    %dot_general3A_789 = tpu.matmul %get3A_660, %concatenate3A_787, %dot_general3A_788 {dimension_numbers = #tpu.dot_dimension_numbers<[0], [0], [1], [1], [0, 1, 1, 1], [], []>, transpose_lhs_hint = false} : vector<8x1792xf32>, vector<8x96xf32>, vector<1792x96xf32> -> vector<1792x96xf32>
    %mul3A_790 = arith.mulf %concatenate3A_657, %dot_general3A_789 : vector<1792x96xf32>
    %swap3A = arith.constant 0 : index
    %swap3A_791 = arith.constant 0 : index
    %swap3A_792 = arith.constant 0 : index
    %swap3A_793 = vector.load %arg8[%swap3A, %swap3A_791, %swap3A_792] : memref<1x1792x96xf32, #tpu.memory_space<vmem>>, vector<1x1792x96xf32>
    %swap3A_794 = vector.shape_cast %swap3A_793 : vector<1x1792x96xf32> to vector<1792x96xf32>
    %swap3A_795 = vector.shape_cast %mul3A_790 : vector<1792x96xf32> to vector<1x1792x96xf32>
    tpu.vector_store %arg8[%swap3A, %swap3A_791, %swap3A_792], %swap3A_795 {strides = array<i32>} : memref<1x1792x96xf32, #tpu.memory_space<vmem>>, vector<1x1792x96xf32>,
    %mul3A_796 = arith.mulf %add3A_271, %add3A_271 : vector<8x4x56x1xf32>
    %reduce_sum3A_797 = arith.constant dense<0.000000e+00> : vector<4x56x1xf32>
    %reduce_sum3A_798 = vector.multi_reduction <add>, %mul3A_796, %reduce_sum3A_797 [0] : vector<8x4x56x1xf32> to vector<4x56x1xf32>
    %sqrt3A_799 = math.sqrt %reduce_sum3A_798 : vector<4x56x1xf32>
    %max3A_800 = arith.constant 5.000000e-05 : f32
    %max3A_801 = vector.broadcast %max3A_800 : f32 to vector<4x56x1xf32>
    %max3A_802 = arith.maximumf %sqrt3A_799, %max3A_801 : vector<4x56x1xf32>
    %reduce_sum3A_803 = arith.constant dense<0.000000e+00> : vector<4x56x1xf32>
    %reduce_sum3A_804 = vector.multi_reduction <add>, %add3A_271, %reduce_sum3A_803 [0] : vector<8x4x56x1xf32> to vector<4x56x1xf32>
    %div3A_805 = arith.divf %reduce_sum3A_804, %max3A_802 : vector<4x56x1xf32>
    %slice3A_806 = vector.extract_strided_slice %div3A_805 {offsets = [0, 0, 0], sizes = [1, 56, 1], strides = [1, 1, 1]} : vector<4x56x1xf32> to vector<1x56x1xf32>
    %squeeze3A_807 = vector.shape_cast %slice3A_806 : vector<1x56x1xf32> to vector<56x1xf32>
    %slice3A_808 = vector.extract_strided_slice %div3A_805 {offsets = [1, 0, 0], sizes = [1, 56, 1], strides = [1, 1, 1]} : vector<4x56x1xf32> to vector<1x56x1xf32>
    %squeeze3A_809 = vector.shape_cast %slice3A_808 : vector<1x56x1xf32> to vector<56x1xf32>
    %slice3A_810 = vector.extract_strided_slice %div3A_805 {offsets = [2, 0, 0], sizes = [1, 56, 1], strides = [1, 1, 1]} : vector<4x56x1xf32> to vector<1x56x1xf32>
    %squeeze3A_811 = vector.shape_cast %slice3A_810 : vector<1x56x1xf32> to vector<56x1xf32>
    %slice3A_812 = vector.extract_strided_slice %div3A_805 {offsets = [3, 0, 0], sizes = [1, 56, 1], strides = [1, 1, 1]} : vector<4x56x1xf32> to vector<1x56x1xf32>
    %squeeze3A_813 = vector.shape_cast %slice3A_812 : vector<1x56x1xf32> to vector<56x1xf32>
    %concatenate3A_814 = tpu.concatenate %squeeze3A_807, %squeeze3A_809, %squeeze3A_811, %squeeze3A_813 in 1 : vector<56x1xf32>, vector<56x1xf32>, vector<56x1xf32>, vector<56x1xf32> -> vector<56x4xf32>
    %swap3A_815 = arith.constant 0 : index
    %swap3A_816 = arith.constant 0 : index
    %swap3A_817 = arith.constant 0 : index
    %swap3A_818 = vector.load %arg9[%swap3A_815, %swap3A_816, %swap3A_817] : memref<1x56x4xf32, #tpu.memory_space<vmem>>, vector<1x56x4xf32>
    %swap3A_819 = vector.shape_cast %swap3A_818 : vector<1x56x4xf32> to vector<56x4xf32>
    %swap3A_820 = vector.shape_cast %concatenate3A_814 : vector<56x4xf32> to vector<1x56x4xf32>
    tpu.vector_store %arg9[%swap3A_815, %swap3A_816, %swap3A_817], %swap3A_820 {strides = array<i32>} : memref<1x56x4xf32, #tpu.memory_space<vmem>>, vector<1x56x4xf32>,
    return
  }
  func.func @transform_0(%arg0: i32) -> (i32, i32, i32, i32) {
    %c0_i32 = arith.constant 0 : i32
    %c0_i32_0 = arith.constant 0 : i32
    %c0_i32_1 = arith.constant 0 : i32
    %c0_i32_2 = arith.constant 0 : i32
    return %arg0, %c0_i32, %c0_i32_0, %c0_i32_1 : i32, i32, i32, i32
  }
  func.func @transform_1(%arg0: i32) -> (i32, i32, i32, i32) {
    %c0_i32 = arith.constant 0 : i32
    %c0_i32_0 = arith.constant 0 : i32
    %c0_i32_1 = arith.constant 0 : i32
    %c0_i32_2 = arith.constant 0 : i32
    return %arg0, %c0_i32, %c0_i32_0, %c0_i32_1 : i32, i32, i32, i32
  }
  func.func @transform_2(%arg0: i32) -> (i32, i32) {
    %c0_i32 = arith.constant 0 : i32
    %c0_i32_0 = arith.constant 0 : i32
    %c0_i32_1 = arith.constant 0 : i32
    return %c0_i32, %c0_i32_0 : i32, i32
  }
  func.func @transform_3(%arg0: i32) -> (i32, i32) {
    %c0_i32 = arith.constant 0 : i32
    %c0_i32_0 = arith.constant 0 : i32
    %c0_i32_1 = arith.constant 0 : i32
    return %c0_i32, %c0_i32_0 : i32, i32
  }
  func.func @transform_4(%arg0: i32) -> (i32, i32) {
    %c0_i32 = arith.constant 0 : i32
    %c0_i32_0 = arith.constant 0 : i32
    %c0_i32_1 = arith.constant 0 : i32
    return %c0_i32, %c0_i32_0 : i32, i32
  }
  func.func @transform_5(%arg0: i32) -> (i32, i32, i32) {
    %c0_i32 = arith.constant 0 : i32
    %c0_i32_0 = arith.constant 0 : i32
    %c0_i32_1 = arith.constant 0 : i32
    %c0_i32_2 = arith.constant 0 : i32
    return %c0_i32, %c0_i32_0, %c0_i32_1 : i32, i32, i32
  }
  func.func @transform_6(%arg0: i32) -> (i32, i32, i32) {
    %c0_i32 = arith.constant 0 : i32
    %c0_i32_0 = arith.constant 0 : i32
    %c0_i32_1 = arith.constant 0 : i32
    %c0_i32_2 = arith.constant 0 : i32
    return %c0_i32, %c0_i32_0, %c0_i32_1 : i32, i32, i32
  }
  func.func @transform_7(%arg0: i32) -> (i32, i32, i32) {
    %c0_i32 = arith.constant 0 : i32
    %c0_i32_0 = arith.constant 0 : i32
    %c0_i32_1 = arith.constant 0 : i32
    return %arg0, %c0_i32, %c0_i32_0 : i32, i32, i32
  }
  func.func @transform_8(%arg0: i32) -> (i32, i32, i32) {
    %c0_i32 = arith.constant 0 : i32
    %c0_i32_0 = arith.constant 0 : i32
    %c0_i32_1 = arith.constant 0 : i32
    return %arg0, %c0_i32, %c0_i32_0 : i32, i32, i32
  }
}

module attributes {stable_mosaic.version = 14 : i64} {
  func.func @_combine_kernel(%arg0: i32, %arg1: memref<4x224x768xf32, #tpu.memory_space<vmem>>, %arg2: memref<4x56x4xf32, #tpu.memory_space<vmem>>, %arg3: memref<4x56x4xi32, #tpu.memory_space<vmem>>, %arg4: memref<4x56x768xf32, #tpu.memory_space<vmem>>) attributes {dimension_semantics = [#tpu.dimension_semantics<arbitrary>], iteration_bounds = array<i64: 112>, scalar_prefetch = 0 : i64, scratch_operands = 0 : i64, tpu.core_type = #tpu.core_type<tc>, window_params = [{transform_indices = @transform_0, window_bounds = array<i64: 4, 224, 768>}, {transform_indices = @transform_1, window_bounds = array<i64: 4, 56, 4>}, {transform_indices = @transform_2, window_bounds = array<i64: 4, 56, 4>}, {transform_indices = @transform_3, window_bounds = array<i64: 4, 56, 768>}]} {
    %iota3A = tpu.iota {dimensions = array<i32: 1>} : vector<56x56xi32>
    %get3A = arith.constant 0 : index
    %get3A_0 = arith.constant 0 : index
    %get3A_1 = arith.constant 0 : index
    %get3A_2 = vector.load %arg3[%get3A, %get3A_0, %get3A_1] : memref<4x56x4xi32, #tpu.memory_space<vmem>>, vector<1x56x4xi32>
    %get3A_3 = vector.shape_cast %get3A_2 : vector<1x56x4xi32> to vector<56x4xi32>
    %slice3A = vector.extract_strided_slice %get3A_3 {offsets = [0, 0], sizes = [56, 1], strides = [1, 1]} : vector<56x4xi32> to vector<56x1xi32>
    %eq3A = vector.broadcast %slice3A : vector<56x1xi32> to vector<56x56xi32>
    %eq3A_4 = arith.cmpi eq, %eq3A, %iota3A : vector<56x56xi32>
    %convert_element_type3A = arith.extui %eq3A_4 : vector<56x56xi1> to vector<56x56xi32>
    %convert_element_type3A_5 = arith.sitofp %convert_element_type3A : vector<56x56xi32> to vector<56x56xf32>
    %get3A_6 = arith.constant 0 : index
    %get3A_7 = arith.constant 0 : index
    %get3A_8 = arith.constant 0 : index
    %get3A_9 = vector.load %arg1[%get3A_6, %get3A_7, %get3A_8] : memref<4x224x768xf32, #tpu.memory_space<vmem>>, vector<1x224x768xf32>
    %get3A_10 = vector.shape_cast %get3A_9 : vector<1x224x768xf32> to vector<224x768xf32>
    %slice3A_11 = vector.extract_strided_slice %get3A_10 {offsets = [0, 0], sizes = [56, 768], strides = [1, 1]} : vector<224x768xf32> to vector<56x768xf32>
    %dot_general3A = arith.constant dense<0.000000e+00> : vector<56x768xf32>
    %dot_general3A_12 = tpu.matmul %convert_element_type3A_5, %slice3A_11, %dot_general3A {dimension_numbers = #tpu.dot_dimension_numbers<[1], [0], [0], [1], [0, 0, 1, 1], [], []>, transpose_lhs_hint = false} : vector<56x56xf32>, vector<56x768xf32>, vector<56x768xf32> -> vector<56x768xf32>
    %get3A_13 = arith.constant 0 : index
    %get3A_14 = arith.constant 0 : index
    %get3A_15 = arith.constant 0 : index
    %get3A_16 = vector.load %arg2[%get3A_13, %get3A_14, %get3A_15] : memref<4x56x4xf32, #tpu.memory_space<vmem>>, vector<1x56x4xf32>
    %get3A_17 = vector.shape_cast %get3A_16 : vector<1x56x4xf32> to vector<56x4xf32>
    %slice3A_18 = vector.extract_strided_slice %get3A_17 {offsets = [0, 0], sizes = [56, 1], strides = [1, 1]} : vector<56x4xf32> to vector<56x1xf32>
    %dot_general3A_19 = arith.constant dense<0.000000e+00> : vector<56x1xf32>
    %dot_general3A_20 = tpu.matmul %convert_element_type3A_5, %slice3A_18, %dot_general3A_19 {dimension_numbers = #tpu.dot_dimension_numbers<[1], [0], [0], [1], [0, 0, 1, 1], [], []>, transpose_lhs_hint = false} : vector<56x56xf32>, vector<56x1xf32>, vector<56x1xf32> -> vector<56x1xf32>
    %get3A_21 = arith.constant 0 : index
    %get3A_22 = arith.constant 0 : index
    %get3A_23 = arith.constant 0 : index
    %get3A_24 = vector.load %arg3[%get3A_21, %get3A_22, %get3A_23] : memref<4x56x4xi32, #tpu.memory_space<vmem>>, vector<1x56x4xi32>
    %get3A_25 = vector.shape_cast %get3A_24 : vector<1x56x4xi32> to vector<56x4xi32>
    %slice3A_26 = vector.extract_strided_slice %get3A_25 {offsets = [0, 1], sizes = [56, 1], strides = [1, 1]} : vector<56x4xi32> to vector<56x1xi32>
    %eq3A_27 = vector.broadcast %slice3A_26 : vector<56x1xi32> to vector<56x56xi32>
    %eq3A_28 = arith.cmpi eq, %eq3A_27, %iota3A : vector<56x56xi32>
    %convert_element_type3A_29 = arith.extui %eq3A_28 : vector<56x56xi1> to vector<56x56xi32>
    %convert_element_type3A_30 = arith.sitofp %convert_element_type3A_29 : vector<56x56xi32> to vector<56x56xf32>
    %get3A_31 = arith.constant 0 : index
    %get3A_32 = arith.constant 0 : index
    %get3A_33 = arith.constant 0 : index
    %get3A_34 = vector.load %arg1[%get3A_31, %get3A_32, %get3A_33] : memref<4x224x768xf32, #tpu.memory_space<vmem>>, vector<1x224x768xf32>
    %get3A_35 = vector.shape_cast %get3A_34 : vector<1x224x768xf32> to vector<224x768xf32>
    %slice3A_36 = vector.extract_strided_slice %get3A_35 {offsets = [56, 0], sizes = [56, 768], strides = [1, 1]} : vector<224x768xf32> to vector<56x768xf32>
    %dot_general3A_37 = arith.constant dense<0.000000e+00> : vector<56x768xf32>
    %dot_general3A_38 = tpu.matmul %convert_element_type3A_30, %slice3A_36, %dot_general3A_37 {dimension_numbers = #tpu.dot_dimension_numbers<[1], [0], [0], [1], [0, 0, 1, 1], [], []>, transpose_lhs_hint = false} : vector<56x56xf32>, vector<56x768xf32>, vector<56x768xf32> -> vector<56x768xf32>
    %get3A_39 = arith.constant 0 : index
    %get3A_40 = arith.constant 0 : index
    %get3A_41 = arith.constant 0 : index
    %get3A_42 = vector.load %arg2[%get3A_39, %get3A_40, %get3A_41] : memref<4x56x4xf32, #tpu.memory_space<vmem>>, vector<1x56x4xf32>
    %get3A_43 = vector.shape_cast %get3A_42 : vector<1x56x4xf32> to vector<56x4xf32>
    %slice3A_44 = vector.extract_strided_slice %get3A_43 {offsets = [0, 1], sizes = [56, 1], strides = [1, 1]} : vector<56x4xf32> to vector<56x1xf32>
    %dot_general3A_45 = arith.constant dense<0.000000e+00> : vector<56x1xf32>
    %dot_general3A_46 = tpu.matmul %convert_element_type3A_30, %slice3A_44, %dot_general3A_45 {dimension_numbers = #tpu.dot_dimension_numbers<[1], [0], [0], [1], [0, 0, 1, 1], [], []>, transpose_lhs_hint = false} : vector<56x56xf32>, vector<56x1xf32>, vector<56x1xf32> -> vector<56x1xf32>
    %get3A_47 = arith.constant 0 : index
    %get3A_48 = arith.constant 0 : index
    %get3A_49 = arith.constant 0 : index
    %get3A_50 = vector.load %arg3[%get3A_47, %get3A_48, %get3A_49] : memref<4x56x4xi32, #tpu.memory_space<vmem>>, vector<1x56x4xi32>
    %get3A_51 = vector.shape_cast %get3A_50 : vector<1x56x4xi32> to vector<56x4xi32>
    %slice3A_52 = vector.extract_strided_slice %get3A_51 {offsets = [0, 2], sizes = [56, 1], strides = [1, 1]} : vector<56x4xi32> to vector<56x1xi32>
    %eq3A_53 = vector.broadcast %slice3A_52 : vector<56x1xi32> to vector<56x56xi32>
    %eq3A_54 = arith.cmpi eq, %eq3A_53, %iota3A : vector<56x56xi32>
    %convert_element_type3A_55 = arith.extui %eq3A_54 : vector<56x56xi1> to vector<56x56xi32>
    %convert_element_type3A_56 = arith.sitofp %convert_element_type3A_55 : vector<56x56xi32> to vector<56x56xf32>
    %get3A_57 = arith.constant 0 : index
    %get3A_58 = arith.constant 0 : index
    %get3A_59 = arith.constant 0 : index
    %get3A_60 = vector.load %arg1[%get3A_57, %get3A_58, %get3A_59] : memref<4x224x768xf32, #tpu.memory_space<vmem>>, vector<1x224x768xf32>
    %get3A_61 = vector.shape_cast %get3A_60 : vector<1x224x768xf32> to vector<224x768xf32>
    %slice3A_62 = vector.extract_strided_slice %get3A_61 {offsets = [112, 0], sizes = [56, 768], strides = [1, 1]} : vector<224x768xf32> to vector<56x768xf32>
    %dot_general3A_63 = arith.constant dense<0.000000e+00> : vector<56x768xf32>
    %dot_general3A_64 = tpu.matmul %convert_element_type3A_56, %slice3A_62, %dot_general3A_63 {dimension_numbers = #tpu.dot_dimension_numbers<[1], [0], [0], [1], [0, 0, 1, 1], [], []>, transpose_lhs_hint = false} : vector<56x56xf32>, vector<56x768xf32>, vector<56x768xf32> -> vector<56x768xf32>
    %get3A_65 = arith.constant 0 : index
    %get3A_66 = arith.constant 0 : index
    %get3A_67 = arith.constant 0 : index
    %get3A_68 = vector.load %arg2[%get3A_65, %get3A_66, %get3A_67] : memref<4x56x4xf32, #tpu.memory_space<vmem>>, vector<1x56x4xf32>
    %get3A_69 = vector.shape_cast %get3A_68 : vector<1x56x4xf32> to vector<56x4xf32>
    %slice3A_70 = vector.extract_strided_slice %get3A_69 {offsets = [0, 2], sizes = [56, 1], strides = [1, 1]} : vector<56x4xf32> to vector<56x1xf32>
    %dot_general3A_71 = arith.constant dense<0.000000e+00> : vector<56x1xf32>
    %dot_general3A_72 = tpu.matmul %convert_element_type3A_56, %slice3A_70, %dot_general3A_71 {dimension_numbers = #tpu.dot_dimension_numbers<[1], [0], [0], [1], [0, 0, 1, 1], [], []>, transpose_lhs_hint = false} : vector<56x56xf32>, vector<56x1xf32>, vector<56x1xf32> -> vector<56x1xf32>
    %get3A_73 = arith.constant 0 : index
    %get3A_74 = arith.constant 0 : index
    %get3A_75 = arith.constant 0 : index
    %get3A_76 = vector.load %arg3[%get3A_73, %get3A_74, %get3A_75] : memref<4x56x4xi32, #tpu.memory_space<vmem>>, vector<1x56x4xi32>
    %get3A_77 = vector.shape_cast %get3A_76 : vector<1x56x4xi32> to vector<56x4xi32>
    %slice3A_78 = vector.extract_strided_slice %get3A_77 {offsets = [0, 3], sizes = [56, 1], strides = [1, 1]} : vector<56x4xi32> to vector<56x1xi32>
    %eq3A_79 = vector.broadcast %slice3A_78 : vector<56x1xi32> to vector<56x56xi32>
    %eq3A_80 = arith.cmpi eq, %eq3A_79, %iota3A : vector<56x56xi32>
    %convert_element_type3A_81 = arith.extui %eq3A_80 : vector<56x56xi1> to vector<56x56xi32>
    %convert_element_type3A_82 = arith.sitofp %convert_element_type3A_81 : vector<56x56xi32> to vector<56x56xf32>
    %get3A_83 = arith.constant 0 : index
    %get3A_84 = arith.constant 0 : index
    %get3A_85 = arith.constant 0 : index
    %get3A_86 = vector.load %arg1[%get3A_83, %get3A_84, %get3A_85] : memref<4x224x768xf32, #tpu.memory_space<vmem>>, vector<1x224x768xf32>
    %get3A_87 = vector.shape_cast %get3A_86 : vector<1x224x768xf32> to vector<224x768xf32>
    %slice3A_88 = vector.extract_strided_slice %get3A_87 {offsets = [168, 0], sizes = [56, 768], strides = [1, 1]} : vector<224x768xf32> to vector<56x768xf32>
    %dot_general3A_89 = arith.constant dense<0.000000e+00> : vector<56x768xf32>
    %dot_general3A_90 = tpu.matmul %convert_element_type3A_82, %slice3A_88, %dot_general3A_89 {dimension_numbers = #tpu.dot_dimension_numbers<[1], [0], [0], [1], [0, 0, 1, 1], [], []>, transpose_lhs_hint = false} : vector<56x56xf32>, vector<56x768xf32>, vector<56x768xf32> -> vector<56x768xf32>
    %get3A_91 = arith.constant 0 : index
    %get3A_92 = arith.constant 0 : index
    %get3A_93 = arith.constant 0 : index
    %get3A_94 = vector.load %arg2[%get3A_91, %get3A_92, %get3A_93] : memref<4x56x4xf32, #tpu.memory_space<vmem>>, vector<1x56x4xf32>
    %get3A_95 = vector.shape_cast %get3A_94 : vector<1x56x4xf32> to vector<56x4xf32>
    %slice3A_96 = vector.extract_strided_slice %get3A_95 {offsets = [0, 3], sizes = [56, 1], strides = [1, 1]} : vector<56x4xf32> to vector<56x1xf32>
    %dot_general3A_97 = arith.constant dense<0.000000e+00> : vector<56x1xf32>
    %dot_general3A_98 = tpu.matmul %convert_element_type3A_82, %slice3A_96, %dot_general3A_97 {dimension_numbers = #tpu.dot_dimension_numbers<[1], [0], [0], [1], [0, 0, 1, 1], [], []>, transpose_lhs_hint = false} : vector<56x56xf32>, vector<56x1xf32>, vector<56x1xf32> -> vector<56x1xf32>
    %concatenate3A = tpu.concatenate %dot_general3A_20, %dot_general3A_46, %dot_general3A_72, %dot_general3A_98 in 1 : vector<56x1xf32>, vector<56x1xf32>, vector<56x1xf32>, vector<56x1xf32> -> vector<56x4xf32>
    %reduce_max3A = arith.constant dense<0xFF800000> : vector<56xf32>
    %reduce_max3A_99 = vector.multi_reduction <maximumf>, %concatenate3A, %reduce_max3A [1] : vector<56x4xf32> to vector<56xf32>
    %broadcast_in_dim3A = vector.shape_cast %reduce_max3A_99 : vector<56xf32> to vector<56x1xf32>
    %sub3A = vector.broadcast %broadcast_in_dim3A : vector<56x1xf32> to vector<56x4xf32>
    %sub3A_100 = arith.subf %concatenate3A, %sub3A : vector<56x4xf32>
    %exp3A = math.exp %sub3A_100 : vector<56x4xf32>
    %reduce_sum3A = arith.constant dense<0.000000e+00> : vector<56xf32>
    %reduce_sum3A_101 = vector.multi_reduction <add>, %exp3A, %reduce_sum3A [1] : vector<56x4xf32> to vector<56xf32>
    %broadcast_in_dim3A_102 = vector.shape_cast %reduce_sum3A_101 : vector<56xf32> to vector<56x1xf32>
    %div3A = vector.broadcast %broadcast_in_dim3A_102 : vector<56x1xf32> to vector<56x4xf32>
    %div3A_103 = arith.divf %exp3A, %div3A : vector<56x4xf32>
    %broadcast_in_dim3A_104 = arith.constant 0.000000e+00 : f32
    %broadcast_in_dim3A_105 = vector.broadcast %broadcast_in_dim3A_104 : f32 to vector<56x768xf32>
    %slice3A_106 = vector.extract_strided_slice %div3A_103 {offsets = [0, 0], sizes = [56, 1], strides = [1, 1]} : vector<56x4xf32> to vector<56x1xf32>
    %mul3A = vector.broadcast %slice3A_106 : vector<56x1xf32> to vector<56x768xf32>
    %mul3A_107 = arith.mulf %mul3A, %dot_general3A_12 : vector<56x768xf32>
    %add3A = arith.addf %broadcast_in_dim3A_105, %mul3A_107 : vector<56x768xf32>
    %slice3A_108 = vector.extract_strided_slice %div3A_103 {offsets = [0, 1], sizes = [56, 1], strides = [1, 1]} : vector<56x4xf32> to vector<56x1xf32>
    %mul3A_109 = vector.broadcast %slice3A_108 : vector<56x1xf32> to vector<56x768xf32>
    %mul3A_110 = arith.mulf %mul3A_109, %dot_general3A_38 : vector<56x768xf32>
    %add3A_111 = arith.addf %add3A, %mul3A_110 : vector<56x768xf32>
    %slice3A_112 = vector.extract_strided_slice %div3A_103 {offsets = [0, 2], sizes = [56, 1], strides = [1, 1]} : vector<56x4xf32> to vector<56x1xf32>
    %mul3A_113 = vector.broadcast %slice3A_112 : vector<56x1xf32> to vector<56x768xf32>
    %mul3A_114 = arith.mulf %mul3A_113, %dot_general3A_64 : vector<56x768xf32>
    %add3A_115 = arith.addf %add3A_111, %mul3A_114 : vector<56x768xf32>
    %slice3A_116 = vector.extract_strided_slice %div3A_103 {offsets = [0, 3], sizes = [56, 1], strides = [1, 1]} : vector<56x4xf32> to vector<56x1xf32>
    %mul3A_117 = vector.broadcast %slice3A_116 : vector<56x1xf32> to vector<56x768xf32>
    %mul3A_118 = arith.mulf %mul3A_117, %dot_general3A_90 : vector<56x768xf32>
    %add3A_119 = arith.addf %add3A_115, %mul3A_118 : vector<56x768xf32>
    %slice3A_120 = vector.extract_strided_slice %add3A_119 {offsets = [0, 1], sizes = [56, 767], strides = [1, 1]} : vector<56x768xf32> to vector<56x767xf32>
    %slice3A_121 = vector.extract_strided_slice %add3A_119 {offsets = [0, 0], sizes = [56, 1], strides = [1, 1]} : vector<56x768xf32> to vector<56x1xf32>
    %concatenate3A_122 = tpu.concatenate %slice3A_120, %slice3A_121 in 1 : vector<56x767xf32>, vector<56x1xf32> -> vector<56x768xf32>
    %add3A_123 = arith.addf %add3A_119, %concatenate3A_122 : vector<56x768xf32>
    %swap3A = arith.constant 0 : index
    %swap3A_124 = arith.constant 0 : index
    %swap3A_125 = arith.constant 0 : index
    %swap3A_126 = vector.load %arg4[%swap3A, %swap3A_124, %swap3A_125] : memref<4x56x768xf32, #tpu.memory_space<vmem>>, vector<1x56x768xf32>
    %swap3A_127 = vector.shape_cast %swap3A_126 : vector<1x56x768xf32> to vector<56x768xf32>
    %swap3A_128 = vector.shape_cast %add3A_123 : vector<56x768xf32> to vector<1x56x768xf32>
    tpu.vector_store %arg4[%swap3A, %swap3A_124, %swap3A_125], %swap3A_128 {strides = array<i32>} : memref<4x56x768xf32, #tpu.memory_space<vmem>>, vector<1x56x768xf32>,
    %get3A_129 = arith.constant 1 : index
    %get3A_130 = arith.constant 0 : index
    %get3A_131 = arith.constant 0 : index
    %get3A_132 = vector.load %arg3[%get3A_129, %get3A_130, %get3A_131] : memref<4x56x4xi32, #tpu.memory_space<vmem>>, vector<1x56x4xi32>
    %get3A_133 = vector.shape_cast %get3A_132 : vector<1x56x4xi32> to vector<56x4xi32>
    %slice3A_134 = vector.extract_strided_slice %get3A_133 {offsets = [0, 0], sizes = [56, 1], strides = [1, 1]} : vector<56x4xi32> to vector<56x1xi32>
    %eq3A_135 = vector.broadcast %slice3A_134 : vector<56x1xi32> to vector<56x56xi32>
    %eq3A_136 = arith.cmpi eq, %eq3A_135, %iota3A : vector<56x56xi32>
    %convert_element_type3A_137 = arith.extui %eq3A_136 : vector<56x56xi1> to vector<56x56xi32>
    %convert_element_type3A_138 = arith.sitofp %convert_element_type3A_137 : vector<56x56xi32> to vector<56x56xf32>
    %get3A_139 = arith.constant 1 : index
    %get3A_140 = arith.constant 0 : index
    %get3A_141 = arith.constant 0 : index
    %get3A_142 = vector.load %arg1[%get3A_139, %get3A_140, %get3A_141] : memref<4x224x768xf32, #tpu.memory_space<vmem>>, vector<1x224x768xf32>
    %get3A_143 = vector.shape_cast %get3A_142 : vector<1x224x768xf32> to vector<224x768xf32>
    %slice3A_144 = vector.extract_strided_slice %get3A_143 {offsets = [0, 0], sizes = [56, 768], strides = [1, 1]} : vector<224x768xf32> to vector<56x768xf32>
    %dot_general3A_145 = arith.constant dense<0.000000e+00> : vector<56x768xf32>
    %dot_general3A_146 = tpu.matmul %convert_element_type3A_138, %slice3A_144, %dot_general3A_145 {dimension_numbers = #tpu.dot_dimension_numbers<[1], [0], [0], [1], [0, 0, 1, 1], [], []>, transpose_lhs_hint = false} : vector<56x56xf32>, vector<56x768xf32>, vector<56x768xf32> -> vector<56x768xf32>
    %get3A_147 = arith.constant 1 : index
    %get3A_148 = arith.constant 0 : index
    %get3A_149 = arith.constant 0 : index
    %get3A_150 = vector.load %arg2[%get3A_147, %get3A_148, %get3A_149] : memref<4x56x4xf32, #tpu.memory_space<vmem>>, vector<1x56x4xf32>
    %get3A_151 = vector.shape_cast %get3A_150 : vector<1x56x4xf32> to vector<56x4xf32>
    %slice3A_152 = vector.extract_strided_slice %get3A_151 {offsets = [0, 0], sizes = [56, 1], strides = [1, 1]} : vector<56x4xf32> to vector<56x1xf32>
    %dot_general3A_153 = arith.constant dense<0.000000e+00> : vector<56x1xf32>
    %dot_general3A_154 = tpu.matmul %convert_element_type3A_138, %slice3A_152, %dot_general3A_153 {dimension_numbers = #tpu.dot_dimension_numbers<[1], [0], [0], [1], [0, 0, 1, 1], [], []>, transpose_lhs_hint = false} : vector<56x56xf32>, vector<56x1xf32>, vector<56x1xf32> -> vector<56x1xf32>
    %get3A_155 = arith.constant 1 : index
    %get3A_156 = arith.constant 0 : index
    %get3A_157 = arith.constant 0 : index
    %get3A_158 = vector.load %arg3[%get3A_155, %get3A_156, %get3A_157] : memref<4x56x4xi32, #tpu.memory_space<vmem>>, vector<1x56x4xi32>
    %get3A_159 = vector.shape_cast %get3A_158 : vector<1x56x4xi32> to vector<56x4xi32>
    %slice3A_160 = vector.extract_strided_slice %get3A_159 {offsets = [0, 1], sizes = [56, 1], strides = [1, 1]} : vector<56x4xi32> to vector<56x1xi32>
    %eq3A_161 = vector.broadcast %slice3A_160 : vector<56x1xi32> to vector<56x56xi32>
    %eq3A_162 = arith.cmpi eq, %eq3A_161, %iota3A : vector<56x56xi32>
    %convert_element_type3A_163 = arith.extui %eq3A_162 : vector<56x56xi1> to vector<56x56xi32>
    %convert_element_type3A_164 = arith.sitofp %convert_element_type3A_163 : vector<56x56xi32> to vector<56x56xf32>
    %get3A_165 = arith.constant 1 : index
    %get3A_166 = arith.constant 0 : index
    %get3A_167 = arith.constant 0 : index
    %get3A_168 = vector.load %arg1[%get3A_165, %get3A_166, %get3A_167] : memref<4x224x768xf32, #tpu.memory_space<vmem>>, vector<1x224x768xf32>
    %get3A_169 = vector.shape_cast %get3A_168 : vector<1x224x768xf32> to vector<224x768xf32>
    %slice3A_170 = vector.extract_strided_slice %get3A_169 {offsets = [56, 0], sizes = [56, 768], strides = [1, 1]} : vector<224x768xf32> to vector<56x768xf32>
    %dot_general3A_171 = arith.constant dense<0.000000e+00> : vector<56x768xf32>
    %dot_general3A_172 = tpu.matmul %convert_element_type3A_164, %slice3A_170, %dot_general3A_171 {dimension_numbers = #tpu.dot_dimension_numbers<[1], [0], [0], [1], [0, 0, 1, 1], [], []>, transpose_lhs_hint = false} : vector<56x56xf32>, vector<56x768xf32>, vector<56x768xf32> -> vector<56x768xf32>
    %get3A_173 = arith.constant 1 : index
    %get3A_174 = arith.constant 0 : index
    %get3A_175 = arith.constant 0 : index
    %get3A_176 = vector.load %arg2[%get3A_173, %get3A_174, %get3A_175] : memref<4x56x4xf32, #tpu.memory_space<vmem>>, vector<1x56x4xf32>
    %get3A_177 = vector.shape_cast %get3A_176 : vector<1x56x4xf32> to vector<56x4xf32>
    %slice3A_178 = vector.extract_strided_slice %get3A_177 {offsets = [0, 1], sizes = [56, 1], strides = [1, 1]} : vector<56x4xf32> to vector<56x1xf32>
    %dot_general3A_179 = arith.constant dense<0.000000e+00> : vector<56x1xf32>
    %dot_general3A_180 = tpu.matmul %convert_element_type3A_164, %slice3A_178, %dot_general3A_179 {dimension_numbers = #tpu.dot_dimension_numbers<[1], [0], [0], [1], [0, 0, 1, 1], [], []>, transpose_lhs_hint = false} : vector<56x56xf32>, vector<56x1xf32>, vector<56x1xf32> -> vector<56x1xf32>
    %get3A_181 = arith.constant 1 : index
    %get3A_182 = arith.constant 0 : index
    %get3A_183 = arith.constant 0 : index
    %get3A_184 = vector.load %arg3[%get3A_181, %get3A_182, %get3A_183] : memref<4x56x4xi32, #tpu.memory_space<vmem>>, vector<1x56x4xi32>
    %get3A_185 = vector.shape_cast %get3A_184 : vector<1x56x4xi32> to vector<56x4xi32>
    %slice3A_186 = vector.extract_strided_slice %get3A_185 {offsets = [0, 2], sizes = [56, 1], strides = [1, 1]} : vector<56x4xi32> to vector<56x1xi32>
    %eq3A_187 = vector.broadcast %slice3A_186 : vector<56x1xi32> to vector<56x56xi32>
    %eq3A_188 = arith.cmpi eq, %eq3A_187, %iota3A : vector<56x56xi32>
    %convert_element_type3A_189 = arith.extui %eq3A_188 : vector<56x56xi1> to vector<56x56xi32>
    %convert_element_type3A_190 = arith.sitofp %convert_element_type3A_189 : vector<56x56xi32> to vector<56x56xf32>
    %get3A_191 = arith.constant 1 : index
    %get3A_192 = arith.constant 0 : index
    %get3A_193 = arith.constant 0 : index
    %get3A_194 = vector.load %arg1[%get3A_191, %get3A_192, %get3A_193] : memref<4x224x768xf32, #tpu.memory_space<vmem>>, vector<1x224x768xf32>
    %get3A_195 = vector.shape_cast %get3A_194 : vector<1x224x768xf32> to vector<224x768xf32>
    %slice3A_196 = vector.extract_strided_slice %get3A_195 {offsets = [112, 0], sizes = [56, 768], strides = [1, 1]} : vector<224x768xf32> to vector<56x768xf32>
    %dot_general3A_197 = arith.constant dense<0.000000e+00> : vector<56x768xf32>
    %dot_general3A_198 = tpu.matmul %convert_element_type3A_190, %slice3A_196, %dot_general3A_197 {dimension_numbers = #tpu.dot_dimension_numbers<[1], [0], [0], [1], [0, 0, 1, 1], [], []>, transpose_lhs_hint = false} : vector<56x56xf32>, vector<56x768xf32>, vector<56x768xf32> -> vector<56x768xf32>
    %get3A_199 = arith.constant 1 : index
    %get3A_200 = arith.constant 0 : index
    %get3A_201 = arith.constant 0 : index
    %get3A_202 = vector.load %arg2[%get3A_199, %get3A_200, %get3A_201] : memref<4x56x4xf32, #tpu.memory_space<vmem>>, vector<1x56x4xf32>
    %get3A_203 = vector.shape_cast %get3A_202 : vector<1x56x4xf32> to vector<56x4xf32>
    %slice3A_204 = vector.extract_strided_slice %get3A_203 {offsets = [0, 2], sizes = [56, 1], strides = [1, 1]} : vector<56x4xf32> to vector<56x1xf32>
    %dot_general3A_205 = arith.constant dense<0.000000e+00> : vector<56x1xf32>
    %dot_general3A_206 = tpu.matmul %convert_element_type3A_190, %slice3A_204, %dot_general3A_205 {dimension_numbers = #tpu.dot_dimension_numbers<[1], [0], [0], [1], [0, 0, 1, 1], [], []>, transpose_lhs_hint = false} : vector<56x56xf32>, vector<56x1xf32>, vector<56x1xf32> -> vector<56x1xf32>
    %get3A_207 = arith.constant 1 : index
    %get3A_208 = arith.constant 0 : index
    %get3A_209 = arith.constant 0 : index
    %get3A_210 = vector.load %arg3[%get3A_207, %get3A_208, %get3A_209] : memref<4x56x4xi32, #tpu.memory_space<vmem>>, vector<1x56x4xi32>
    %get3A_211 = vector.shape_cast %get3A_210 : vector<1x56x4xi32> to vector<56x4xi32>
    %slice3A_212 = vector.extract_strided_slice %get3A_211 {offsets = [0, 3], sizes = [56, 1], strides = [1, 1]} : vector<56x4xi32> to vector<56x1xi32>
    %eq3A_213 = vector.broadcast %slice3A_212 : vector<56x1xi32> to vector<56x56xi32>
    %eq3A_214 = arith.cmpi eq, %eq3A_213, %iota3A : vector<56x56xi32>
    %convert_element_type3A_215 = arith.extui %eq3A_214 : vector<56x56xi1> to vector<56x56xi32>
    %convert_element_type3A_216 = arith.sitofp %convert_element_type3A_215 : vector<56x56xi32> to vector<56x56xf32>
    %get3A_217 = arith.constant 1 : index
    %get3A_218 = arith.constant 0 : index
    %get3A_219 = arith.constant 0 : index
    %get3A_220 = vector.load %arg1[%get3A_217, %get3A_218, %get3A_219] : memref<4x224x768xf32, #tpu.memory_space<vmem>>, vector<1x224x768xf32>
    %get3A_221 = vector.shape_cast %get3A_220 : vector<1x224x768xf32> to vector<224x768xf32>
    %slice3A_222 = vector.extract_strided_slice %get3A_221 {offsets = [168, 0], sizes = [56, 768], strides = [1, 1]} : vector<224x768xf32> to vector<56x768xf32>
    %dot_general3A_223 = arith.constant dense<0.000000e+00> : vector<56x768xf32>
    %dot_general3A_224 = tpu.matmul %convert_element_type3A_216, %slice3A_222, %dot_general3A_223 {dimension_numbers = #tpu.dot_dimension_numbers<[1], [0], [0], [1], [0, 0, 1, 1], [], []>, transpose_lhs_hint = false} : vector<56x56xf32>, vector<56x768xf32>, vector<56x768xf32> -> vector<56x768xf32>
    %get3A_225 = arith.constant 1 : index
    %get3A_226 = arith.constant 0 : index
    %get3A_227 = arith.constant 0 : index
    %get3A_228 = vector.load %arg2[%get3A_225, %get3A_226, %get3A_227] : memref<4x56x4xf32, #tpu.memory_space<vmem>>, vector<1x56x4xf32>
    %get3A_229 = vector.shape_cast %get3A_228 : vector<1x56x4xf32> to vector<56x4xf32>
    %slice3A_230 = vector.extract_strided_slice %get3A_229 {offsets = [0, 3], sizes = [56, 1], strides = [1, 1]} : vector<56x4xf32> to vector<56x1xf32>
    %dot_general3A_231 = arith.constant dense<0.000000e+00> : vector<56x1xf32>
    %dot_general3A_232 = tpu.matmul %convert_element_type3A_216, %slice3A_230, %dot_general3A_231 {dimension_numbers = #tpu.dot_dimension_numbers<[1], [0], [0], [1], [0, 0, 1, 1], [], []>, transpose_lhs_hint = false} : vector<56x56xf32>, vector<56x1xf32>, vector<56x1xf32> -> vector<56x1xf32>
    %concatenate3A_233 = tpu.concatenate %dot_general3A_154, %dot_general3A_180, %dot_general3A_206, %dot_general3A_232 in 1 : vector<56x1xf32>, vector<56x1xf32>, vector<56x1xf32>, vector<56x1xf32> -> vector<56x4xf32>
    %reduce_max3A_234 = arith.constant dense<0xFF800000> : vector<56xf32>
    %reduce_max3A_235 = vector.multi_reduction <maximumf>, %concatenate3A_233, %reduce_max3A_234 [1] : vector<56x4xf32> to vector<56xf32>
    %broadcast_in_dim3A_236 = vector.shape_cast %reduce_max3A_235 : vector<56xf32> to vector<56x1xf32>
    %sub3A_237 = vector.broadcast %broadcast_in_dim3A_236 : vector<56x1xf32> to vector<56x4xf32>
    %sub3A_238 = arith.subf %concatenate3A_233, %sub3A_237 : vector<56x4xf32>
    %exp3A_239 = math.exp %sub3A_238 : vector<56x4xf32>
    %reduce_sum3A_240 = arith.constant dense<0.000000e+00> : vector<56xf32>
    %reduce_sum3A_241 = vector.multi_reduction <add>, %exp3A_239, %reduce_sum3A_240 [1] : vector<56x4xf32> to vector<56xf32>
    %broadcast_in_dim3A_242 = vector.shape_cast %reduce_sum3A_241 : vector<56xf32> to vector<56x1xf32>
    %div3A_243 = vector.broadcast %broadcast_in_dim3A_242 : vector<56x1xf32> to vector<56x4xf32>
    %div3A_244 = arith.divf %exp3A_239, %div3A_243 : vector<56x4xf32>
    %broadcast_in_dim3A_245 = arith.constant 0.000000e+00 : f32
    %broadcast_in_dim3A_246 = vector.broadcast %broadcast_in_dim3A_245 : f32 to vector<56x768xf32>
    %slice3A_247 = vector.extract_strided_slice %div3A_244 {offsets = [0, 0], sizes = [56, 1], strides = [1, 1]} : vector<56x4xf32> to vector<56x1xf32>
    %mul3A_248 = vector.broadcast %slice3A_247 : vector<56x1xf32> to vector<56x768xf32>
    %mul3A_249 = arith.mulf %mul3A_248, %dot_general3A_146 : vector<56x768xf32>
    %add3A_250 = arith.addf %broadcast_in_dim3A_246, %mul3A_249 : vector<56x768xf32>
    %slice3A_251 = vector.extract_strided_slice %div3A_244 {offsets = [0, 1], sizes = [56, 1], strides = [1, 1]} : vector<56x4xf32> to vector<56x1xf32>
    %mul3A_252 = vector.broadcast %slice3A_251 : vector<56x1xf32> to vector<56x768xf32>
    %mul3A_253 = arith.mulf %mul3A_252, %dot_general3A_172 : vector<56x768xf32>
    %add3A_254 = arith.addf %add3A_250, %mul3A_253 : vector<56x768xf32>
    %slice3A_255 = vector.extract_strided_slice %div3A_244 {offsets = [0, 2], sizes = [56, 1], strides = [1, 1]} : vector<56x4xf32> to vector<56x1xf32>
    %mul3A_256 = vector.broadcast %slice3A_255 : vector<56x1xf32> to vector<56x768xf32>
    %mul3A_257 = arith.mulf %mul3A_256, %dot_general3A_198 : vector<56x768xf32>
    %add3A_258 = arith.addf %add3A_254, %mul3A_257 : vector<56x768xf32>
    %slice3A_259 = vector.extract_strided_slice %div3A_244 {offsets = [0, 3], sizes = [56, 1], strides = [1, 1]} : vector<56x4xf32> to vector<56x1xf32>
    %mul3A_260 = vector.broadcast %slice3A_259 : vector<56x1xf32> to vector<56x768xf32>
    %mul3A_261 = arith.mulf %mul3A_260, %dot_general3A_224 : vector<56x768xf32>
    %add3A_262 = arith.addf %add3A_258, %mul3A_261 : vector<56x768xf32>
    %slice3A_263 = vector.extract_strided_slice %add3A_262 {offsets = [0, 1], sizes = [56, 767], strides = [1, 1]} : vector<56x768xf32> to vector<56x767xf32>
    %slice3A_264 = vector.extract_strided_slice %add3A_262 {offsets = [0, 0], sizes = [56, 1], strides = [1, 1]} : vector<56x768xf32> to vector<56x1xf32>
    %concatenate3A_265 = tpu.concatenate %slice3A_263, %slice3A_264 in 1 : vector<56x767xf32>, vector<56x1xf32> -> vector<56x768xf32>
    %add3A_266 = arith.addf %add3A_262, %concatenate3A_265 : vector<56x768xf32>
    %swap3A_267 = arith.constant 1 : index
    %swap3A_268 = arith.constant 0 : index
    %swap3A_269 = arith.constant 0 : index
    %swap3A_270 = vector.load %arg4[%swap3A_267, %swap3A_268, %swap3A_269] : memref<4x56x768xf32, #tpu.memory_space<vmem>>, vector<1x56x768xf32>
    %swap3A_271 = vector.shape_cast %swap3A_270 : vector<1x56x768xf32> to vector<56x768xf32>
    %swap3A_272 = vector.shape_cast %add3A_266 : vector<56x768xf32> to vector<1x56x768xf32>
    tpu.vector_store %arg4[%swap3A_267, %swap3A_268, %swap3A_269], %swap3A_272 {strides = array<i32>} : memref<4x56x768xf32, #tpu.memory_space<vmem>>, vector<1x56x768xf32>,
    %get3A_273 = arith.constant 2 : index
    %get3A_274 = arith.constant 0 : index
    %get3A_275 = arith.constant 0 : index
    %get3A_276 = vector.load %arg3[%get3A_273, %get3A_274, %get3A_275] : memref<4x56x4xi32, #tpu.memory_space<vmem>>, vector<1x56x4xi32>
    %get3A_277 = vector.shape_cast %get3A_276 : vector<1x56x4xi32> to vector<56x4xi32>
    %slice3A_278 = vector.extract_strided_slice %get3A_277 {offsets = [0, 0], sizes = [56, 1], strides = [1, 1]} : vector<56x4xi32> to vector<56x1xi32>
    %eq3A_279 = vector.broadcast %slice3A_278 : vector<56x1xi32> to vector<56x56xi32>
    %eq3A_280 = arith.cmpi eq, %eq3A_279, %iota3A : vector<56x56xi32>
    %convert_element_type3A_281 = arith.extui %eq3A_280 : vector<56x56xi1> to vector<56x56xi32>
    %convert_element_type3A_282 = arith.sitofp %convert_element_type3A_281 : vector<56x56xi32> to vector<56x56xf32>
    %get3A_283 = arith.constant 2 : index
    %get3A_284 = arith.constant 0 : index
    %get3A_285 = arith.constant 0 : index
    %get3A_286 = vector.load %arg1[%get3A_283, %get3A_284, %get3A_285] : memref<4x224x768xf32, #tpu.memory_space<vmem>>, vector<1x224x768xf32>
    %get3A_287 = vector.shape_cast %get3A_286 : vector<1x224x768xf32> to vector<224x768xf32>
    %slice3A_288 = vector.extract_strided_slice %get3A_287 {offsets = [0, 0], sizes = [56, 768], strides = [1, 1]} : vector<224x768xf32> to vector<56x768xf32>
    %dot_general3A_289 = arith.constant dense<0.000000e+00> : vector<56x768xf32>
    %dot_general3A_290 = tpu.matmul %convert_element_type3A_282, %slice3A_288, %dot_general3A_289 {dimension_numbers = #tpu.dot_dimension_numbers<[1], [0], [0], [1], [0, 0, 1, 1], [], []>, transpose_lhs_hint = false} : vector<56x56xf32>, vector<56x768xf32>, vector<56x768xf32> -> vector<56x768xf32>
    %get3A_291 = arith.constant 2 : index
    %get3A_292 = arith.constant 0 : index
    %get3A_293 = arith.constant 0 : index
    %get3A_294 = vector.load %arg2[%get3A_291, %get3A_292, %get3A_293] : memref<4x56x4xf32, #tpu.memory_space<vmem>>, vector<1x56x4xf32>
    %get3A_295 = vector.shape_cast %get3A_294 : vector<1x56x4xf32> to vector<56x4xf32>
    %slice3A_296 = vector.extract_strided_slice %get3A_295 {offsets = [0, 0], sizes = [56, 1], strides = [1, 1]} : vector<56x4xf32> to vector<56x1xf32>
    %dot_general3A_297 = arith.constant dense<0.000000e+00> : vector<56x1xf32>
    %dot_general3A_298 = tpu.matmul %convert_element_type3A_282, %slice3A_296, %dot_general3A_297 {dimension_numbers = #tpu.dot_dimension_numbers<[1], [0], [0], [1], [0, 0, 1, 1], [], []>, transpose_lhs_hint = false} : vector<56x56xf32>, vector<56x1xf32>, vector<56x1xf32> -> vector<56x1xf32>
    %get3A_299 = arith.constant 2 : index
    %get3A_300 = arith.constant 0 : index
    %get3A_301 = arith.constant 0 : index
    %get3A_302 = vector.load %arg3[%get3A_299, %get3A_300, %get3A_301] : memref<4x56x4xi32, #tpu.memory_space<vmem>>, vector<1x56x4xi32>
    %get3A_303 = vector.shape_cast %get3A_302 : vector<1x56x4xi32> to vector<56x4xi32>
    %slice3A_304 = vector.extract_strided_slice %get3A_303 {offsets = [0, 1], sizes = [56, 1], strides = [1, 1]} : vector<56x4xi32> to vector<56x1xi32>
    %eq3A_305 = vector.broadcast %slice3A_304 : vector<56x1xi32> to vector<56x56xi32>
    %eq3A_306 = arith.cmpi eq, %eq3A_305, %iota3A : vector<56x56xi32>
    %convert_element_type3A_307 = arith.extui %eq3A_306 : vector<56x56xi1> to vector<56x56xi32>
    %convert_element_type3A_308 = arith.sitofp %convert_element_type3A_307 : vector<56x56xi32> to vector<56x56xf32>
    %get3A_309 = arith.constant 2 : index
    %get3A_310 = arith.constant 0 : index
    %get3A_311 = arith.constant 0 : index
    %get3A_312 = vector.load %arg1[%get3A_309, %get3A_310, %get3A_311] : memref<4x224x768xf32, #tpu.memory_space<vmem>>, vector<1x224x768xf32>
    %get3A_313 = vector.shape_cast %get3A_312 : vector<1x224x768xf32> to vector<224x768xf32>
    %slice3A_314 = vector.extract_strided_slice %get3A_313 {offsets = [56, 0], sizes = [56, 768], strides = [1, 1]} : vector<224x768xf32> to vector<56x768xf32>
    %dot_general3A_315 = arith.constant dense<0.000000e+00> : vector<56x768xf32>
    %dot_general3A_316 = tpu.matmul %convert_element_type3A_308, %slice3A_314, %dot_general3A_315 {dimension_numbers = #tpu.dot_dimension_numbers<[1], [0], [0], [1], [0, 0, 1, 1], [], []>, transpose_lhs_hint = false} : vector<56x56xf32>, vector<56x768xf32>, vector<56x768xf32> -> vector<56x768xf32>
    %get3A_317 = arith.constant 2 : index
    %get3A_318 = arith.constant 0 : index
    %get3A_319 = arith.constant 0 : index
    %get3A_320 = vector.load %arg2[%get3A_317, %get3A_318, %get3A_319] : memref<4x56x4xf32, #tpu.memory_space<vmem>>, vector<1x56x4xf32>
    %get3A_321 = vector.shape_cast %get3A_320 : vector<1x56x4xf32> to vector<56x4xf32>
    %slice3A_322 = vector.extract_strided_slice %get3A_321 {offsets = [0, 1], sizes = [56, 1], strides = [1, 1]} : vector<56x4xf32> to vector<56x1xf32>
    %dot_general3A_323 = arith.constant dense<0.000000e+00> : vector<56x1xf32>
    %dot_general3A_324 = tpu.matmul %convert_element_type3A_308, %slice3A_322, %dot_general3A_323 {dimension_numbers = #tpu.dot_dimension_numbers<[1], [0], [0], [1], [0, 0, 1, 1], [], []>, transpose_lhs_hint = false} : vector<56x56xf32>, vector<56x1xf32>, vector<56x1xf32> -> vector<56x1xf32>
    %get3A_325 = arith.constant 2 : index
    %get3A_326 = arith.constant 0 : index
    %get3A_327 = arith.constant 0 : index
    %get3A_328 = vector.load %arg3[%get3A_325, %get3A_326, %get3A_327] : memref<4x56x4xi32, #tpu.memory_space<vmem>>, vector<1x56x4xi32>
    %get3A_329 = vector.shape_cast %get3A_328 : vector<1x56x4xi32> to vector<56x4xi32>
    %slice3A_330 = vector.extract_strided_slice %get3A_329 {offsets = [0, 2], sizes = [56, 1], strides = [1, 1]} : vector<56x4xi32> to vector<56x1xi32>
    %eq3A_331 = vector.broadcast %slice3A_330 : vector<56x1xi32> to vector<56x56xi32>
    %eq3A_332 = arith.cmpi eq, %eq3A_331, %iota3A : vector<56x56xi32>
    %convert_element_type3A_333 = arith.extui %eq3A_332 : vector<56x56xi1> to vector<56x56xi32>
    %convert_element_type3A_334 = arith.sitofp %convert_element_type3A_333 : vector<56x56xi32> to vector<56x56xf32>
    %get3A_335 = arith.constant 2 : index
    %get3A_336 = arith.constant 0 : index
    %get3A_337 = arith.constant 0 : index
    %get3A_338 = vector.load %arg1[%get3A_335, %get3A_336, %get3A_337] : memref<4x224x768xf32, #tpu.memory_space<vmem>>, vector<1x224x768xf32>
    %get3A_339 = vector.shape_cast %get3A_338 : vector<1x224x768xf32> to vector<224x768xf32>
    %slice3A_340 = vector.extract_strided_slice %get3A_339 {offsets = [112, 0], sizes = [56, 768], strides = [1, 1]} : vector<224x768xf32> to vector<56x768xf32>
    %dot_general3A_341 = arith.constant dense<0.000000e+00> : vector<56x768xf32>
    %dot_general3A_342 = tpu.matmul %convert_element_type3A_334, %slice3A_340, %dot_general3A_341 {dimension_numbers = #tpu.dot_dimension_numbers<[1], [0], [0], [1], [0, 0, 1, 1], [], []>, transpose_lhs_hint = false} : vector<56x56xf32>, vector<56x768xf32>, vector<56x768xf32> -> vector<56x768xf32>
    %get3A_343 = arith.constant 2 : index
    %get3A_344 = arith.constant 0 : index
    %get3A_345 = arith.constant 0 : index
    %get3A_346 = vector.load %arg2[%get3A_343, %get3A_344, %get3A_345] : memref<4x56x4xf32, #tpu.memory_space<vmem>>, vector<1x56x4xf32>
    %get3A_347 = vector.shape_cast %get3A_346 : vector<1x56x4xf32> to vector<56x4xf32>
    %slice3A_348 = vector.extract_strided_slice %get3A_347 {offsets = [0, 2], sizes = [56, 1], strides = [1, 1]} : vector<56x4xf32> to vector<56x1xf32>
    %dot_general3A_349 = arith.constant dense<0.000000e+00> : vector<56x1xf32>
    %dot_general3A_350 = tpu.matmul %convert_element_type3A_334, %slice3A_348, %dot_general3A_349 {dimension_numbers = #tpu.dot_dimension_numbers<[1], [0], [0], [1], [0, 0, 1, 1], [], []>, transpose_lhs_hint = false} : vector<56x56xf32>, vector<56x1xf32>, vector<56x1xf32> -> vector<56x1xf32>
    %get3A_351 = arith.constant 2 : index
    %get3A_352 = arith.constant 0 : index
    %get3A_353 = arith.constant 0 : index
    %get3A_354 = vector.load %arg3[%get3A_351, %get3A_352, %get3A_353] : memref<4x56x4xi32, #tpu.memory_space<vmem>>, vector<1x56x4xi32>
    %get3A_355 = vector.shape_cast %get3A_354 : vector<1x56x4xi32> to vector<56x4xi32>
    %slice3A_356 = vector.extract_strided_slice %get3A_355 {offsets = [0, 3], sizes = [56, 1], strides = [1, 1]} : vector<56x4xi32> to vector<56x1xi32>
    %eq3A_357 = vector.broadcast %slice3A_356 : vector<56x1xi32> to vector<56x56xi32>
    %eq3A_358 = arith.cmpi eq, %eq3A_357, %iota3A : vector<56x56xi32>
    %convert_element_type3A_359 = arith.extui %eq3A_358 : vector<56x56xi1> to vector<56x56xi32>
    %convert_element_type3A_360 = arith.sitofp %convert_element_type3A_359 : vector<56x56xi32> to vector<56x56xf32>
    %get3A_361 = arith.constant 2 : index
    %get3A_362 = arith.constant 0 : index
    %get3A_363 = arith.constant 0 : index
    %get3A_364 = vector.load %arg1[%get3A_361, %get3A_362, %get3A_363] : memref<4x224x768xf32, #tpu.memory_space<vmem>>, vector<1x224x768xf32>
    %get3A_365 = vector.shape_cast %get3A_364 : vector<1x224x768xf32> to vector<224x768xf32>
    %slice3A_366 = vector.extract_strided_slice %get3A_365 {offsets = [168, 0], sizes = [56, 768], strides = [1, 1]} : vector<224x768xf32> to vector<56x768xf32>
    %dot_general3A_367 = arith.constant dense<0.000000e+00> : vector<56x768xf32>
    %dot_general3A_368 = tpu.matmul %convert_element_type3A_360, %slice3A_366, %dot_general3A_367 {dimension_numbers = #tpu.dot_dimension_numbers<[1], [0], [0], [1], [0, 0, 1, 1], [], []>, transpose_lhs_hint = false} : vector<56x56xf32>, vector<56x768xf32>, vector<56x768xf32> -> vector<56x768xf32>
    %get3A_369 = arith.constant 2 : index
    %get3A_370 = arith.constant 0 : index
    %get3A_371 = arith.constant 0 : index
    %get3A_372 = vector.load %arg2[%get3A_369, %get3A_370, %get3A_371] : memref<4x56x4xf32, #tpu.memory_space<vmem>>, vector<1x56x4xf32>
    %get3A_373 = vector.shape_cast %get3A_372 : vector<1x56x4xf32> to vector<56x4xf32>
    %slice3A_374 = vector.extract_strided_slice %get3A_373 {offsets = [0, 3], sizes = [56, 1], strides = [1, 1]} : vector<56x4xf32> to vector<56x1xf32>
    %dot_general3A_375 = arith.constant dense<0.000000e+00> : vector<56x1xf32>
    %dot_general3A_376 = tpu.matmul %convert_element_type3A_360, %slice3A_374, %dot_general3A_375 {dimension_numbers = #tpu.dot_dimension_numbers<[1], [0], [0], [1], [0, 0, 1, 1], [], []>, transpose_lhs_hint = false} : vector<56x56xf32>, vector<56x1xf32>, vector<56x1xf32> -> vector<56x1xf32>
    %concatenate3A_377 = tpu.concatenate %dot_general3A_298, %dot_general3A_324, %dot_general3A_350, %dot_general3A_376 in 1 : vector<56x1xf32>, vector<56x1xf32>, vector<56x1xf32>, vector<56x1xf32> -> vector<56x4xf32>
    %reduce_max3A_378 = arith.constant dense<0xFF800000> : vector<56xf32>
    %reduce_max3A_379 = vector.multi_reduction <maximumf>, %concatenate3A_377, %reduce_max3A_378 [1] : vector<56x4xf32> to vector<56xf32>
    %broadcast_in_dim3A_380 = vector.shape_cast %reduce_max3A_379 : vector<56xf32> to vector<56x1xf32>
    %sub3A_381 = vector.broadcast %broadcast_in_dim3A_380 : vector<56x1xf32> to vector<56x4xf32>
    %sub3A_382 = arith.subf %concatenate3A_377, %sub3A_381 : vector<56x4xf32>
    %exp3A_383 = math.exp %sub3A_382 : vector<56x4xf32>
    %reduce_sum3A_384 = arith.constant dense<0.000000e+00> : vector<56xf32>
    %reduce_sum3A_385 = vector.multi_reduction <add>, %exp3A_383, %reduce_sum3A_384 [1] : vector<56x4xf32> to vector<56xf32>
    %broadcast_in_dim3A_386 = vector.shape_cast %reduce_sum3A_385 : vector<56xf32> to vector<56x1xf32>
    %div3A_387 = vector.broadcast %broadcast_in_dim3A_386 : vector<56x1xf32> to vector<56x4xf32>
    %div3A_388 = arith.divf %exp3A_383, %div3A_387 : vector<56x4xf32>
    %broadcast_in_dim3A_389 = arith.constant 0.000000e+00 : f32
    %broadcast_in_dim3A_390 = vector.broadcast %broadcast_in_dim3A_389 : f32 to vector<56x768xf32>
    %slice3A_391 = vector.extract_strided_slice %div3A_388 {offsets = [0, 0], sizes = [56, 1], strides = [1, 1]} : vector<56x4xf32> to vector<56x1xf32>
    %mul3A_392 = vector.broadcast %slice3A_391 : vector<56x1xf32> to vector<56x768xf32>
    %mul3A_393 = arith.mulf %mul3A_392, %dot_general3A_290 : vector<56x768xf32>
    %add3A_394 = arith.addf %broadcast_in_dim3A_390, %mul3A_393 : vector<56x768xf32>
    %slice3A_395 = vector.extract_strided_slice %div3A_388 {offsets = [0, 1], sizes = [56, 1], strides = [1, 1]} : vector<56x4xf32> to vector<56x1xf32>
    %mul3A_396 = vector.broadcast %slice3A_395 : vector<56x1xf32> to vector<56x768xf32>
    %mul3A_397 = arith.mulf %mul3A_396, %dot_general3A_316 : vector<56x768xf32>
    %add3A_398 = arith.addf %add3A_394, %mul3A_397 : vector<56x768xf32>
    %slice3A_399 = vector.extract_strided_slice %div3A_388 {offsets = [0, 2], sizes = [56, 1], strides = [1, 1]} : vector<56x4xf32> to vector<56x1xf32>
    %mul3A_400 = vector.broadcast %slice3A_399 : vector<56x1xf32> to vector<56x768xf32>
    %mul3A_401 = arith.mulf %mul3A_400, %dot_general3A_342 : vector<56x768xf32>
    %add3A_402 = arith.addf %add3A_398, %mul3A_401 : vector<56x768xf32>
    %slice3A_403 = vector.extract_strided_slice %div3A_388 {offsets = [0, 3], sizes = [56, 1], strides = [1, 1]} : vector<56x4xf32> to vector<56x1xf32>
    %mul3A_404 = vector.broadcast %slice3A_403 : vector<56x1xf32> to vector<56x768xf32>
    %mul3A_405 = arith.mulf %mul3A_404, %dot_general3A_368 : vector<56x768xf32>
    %add3A_406 = arith.addf %add3A_402, %mul3A_405 : vector<56x768xf32>
    %slice3A_407 = vector.extract_strided_slice %add3A_406 {offsets = [0, 1], sizes = [56, 767], strides = [1, 1]} : vector<56x768xf32> to vector<56x767xf32>
    %slice3A_408 = vector.extract_strided_slice %add3A_406 {offsets = [0, 0], sizes = [56, 1], strides = [1, 1]} : vector<56x768xf32> to vector<56x1xf32>
    %concatenate3A_409 = tpu.concatenate %slice3A_407, %slice3A_408 in 1 : vector<56x767xf32>, vector<56x1xf32> -> vector<56x768xf32>
    %add3A_410 = arith.addf %add3A_406, %concatenate3A_409 : vector<56x768xf32>
    %swap3A_411 = arith.constant 2 : index
    %swap3A_412 = arith.constant 0 : index
    %swap3A_413 = arith.constant 0 : index
    %swap3A_414 = vector.load %arg4[%swap3A_411, %swap3A_412, %swap3A_413] : memref<4x56x768xf32, #tpu.memory_space<vmem>>, vector<1x56x768xf32>
    %swap3A_415 = vector.shape_cast %swap3A_414 : vector<1x56x768xf32> to vector<56x768xf32>
    %swap3A_416 = vector.shape_cast %add3A_410 : vector<56x768xf32> to vector<1x56x768xf32>
    tpu.vector_store %arg4[%swap3A_411, %swap3A_412, %swap3A_413], %swap3A_416 {strides = array<i32>} : memref<4x56x768xf32, #tpu.memory_space<vmem>>, vector<1x56x768xf32>,
    %get3A_417 = arith.constant 3 : index
    %get3A_418 = arith.constant 0 : index
    %get3A_419 = arith.constant 0 : index
    %get3A_420 = vector.load %arg3[%get3A_417, %get3A_418, %get3A_419] : memref<4x56x4xi32, #tpu.memory_space<vmem>>, vector<1x56x4xi32>
    %get3A_421 = vector.shape_cast %get3A_420 : vector<1x56x4xi32> to vector<56x4xi32>
    %slice3A_422 = vector.extract_strided_slice %get3A_421 {offsets = [0, 0], sizes = [56, 1], strides = [1, 1]} : vector<56x4xi32> to vector<56x1xi32>
    %eq3A_423 = vector.broadcast %slice3A_422 : vector<56x1xi32> to vector<56x56xi32>
    %eq3A_424 = arith.cmpi eq, %eq3A_423, %iota3A : vector<56x56xi32>
    %convert_element_type3A_425 = arith.extui %eq3A_424 : vector<56x56xi1> to vector<56x56xi32>
    %convert_element_type3A_426 = arith.sitofp %convert_element_type3A_425 : vector<56x56xi32> to vector<56x56xf32>
    %get3A_427 = arith.constant 3 : index
    %get3A_428 = arith.constant 0 : index
    %get3A_429 = arith.constant 0 : index
    %get3A_430 = vector.load %arg1[%get3A_427, %get3A_428, %get3A_429] : memref<4x224x768xf32, #tpu.memory_space<vmem>>, vector<1x224x768xf32>
    %get3A_431 = vector.shape_cast %get3A_430 : vector<1x224x768xf32> to vector<224x768xf32>
    %slice3A_432 = vector.extract_strided_slice %get3A_431 {offsets = [0, 0], sizes = [56, 768], strides = [1, 1]} : vector<224x768xf32> to vector<56x768xf32>
    %dot_general3A_433 = arith.constant dense<0.000000e+00> : vector<56x768xf32>
    %dot_general3A_434 = tpu.matmul %convert_element_type3A_426, %slice3A_432, %dot_general3A_433 {dimension_numbers = #tpu.dot_dimension_numbers<[1], [0], [0], [1], [0, 0, 1, 1], [], []>, transpose_lhs_hint = false} : vector<56x56xf32>, vector<56x768xf32>, vector<56x768xf32> -> vector<56x768xf32>
    %get3A_435 = arith.constant 3 : index
    %get3A_436 = arith.constant 0 : index
    %get3A_437 = arith.constant 0 : index
    %get3A_438 = vector.load %arg2[%get3A_435, %get3A_436, %get3A_437] : memref<4x56x4xf32, #tpu.memory_space<vmem>>, vector<1x56x4xf32>
    %get3A_439 = vector.shape_cast %get3A_438 : vector<1x56x4xf32> to vector<56x4xf32>
    %slice3A_440 = vector.extract_strided_slice %get3A_439 {offsets = [0, 0], sizes = [56, 1], strides = [1, 1]} : vector<56x4xf32> to vector<56x1xf32>
    %dot_general3A_441 = arith.constant dense<0.000000e+00> : vector<56x1xf32>
    %dot_general3A_442 = tpu.matmul %convert_element_type3A_426, %slice3A_440, %dot_general3A_441 {dimension_numbers = #tpu.dot_dimension_numbers<[1], [0], [0], [1], [0, 0, 1, 1], [], []>, transpose_lhs_hint = false} : vector<56x56xf32>, vector<56x1xf32>, vector<56x1xf32> -> vector<56x1xf32>
    %get3A_443 = arith.constant 3 : index
    %get3A_444 = arith.constant 0 : index
    %get3A_445 = arith.constant 0 : index
    %get3A_446 = vector.load %arg3[%get3A_443, %get3A_444, %get3A_445] : memref<4x56x4xi32, #tpu.memory_space<vmem>>, vector<1x56x4xi32>
    %get3A_447 = vector.shape_cast %get3A_446 : vector<1x56x4xi32> to vector<56x4xi32>
    %slice3A_448 = vector.extract_strided_slice %get3A_447 {offsets = [0, 1], sizes = [56, 1], strides = [1, 1]} : vector<56x4xi32> to vector<56x1xi32>
    %eq3A_449 = vector.broadcast %slice3A_448 : vector<56x1xi32> to vector<56x56xi32>
    %eq3A_450 = arith.cmpi eq, %eq3A_449, %iota3A : vector<56x56xi32>
    %convert_element_type3A_451 = arith.extui %eq3A_450 : vector<56x56xi1> to vector<56x56xi32>
    %convert_element_type3A_452 = arith.sitofp %convert_element_type3A_451 : vector<56x56xi32> to vector<56x56xf32>
    %get3A_453 = arith.constant 3 : index
    %get3A_454 = arith.constant 0 : index
    %get3A_455 = arith.constant 0 : index
    %get3A_456 = vector.load %arg1[%get3A_453, %get3A_454, %get3A_455] : memref<4x224x768xf32, #tpu.memory_space<vmem>>, vector<1x224x768xf32>
    %get3A_457 = vector.shape_cast %get3A_456 : vector<1x224x768xf32> to vector<224x768xf32>
    %slice3A_458 = vector.extract_strided_slice %get3A_457 {offsets = [56, 0], sizes = [56, 768], strides = [1, 1]} : vector<224x768xf32> to vector<56x768xf32>
    %dot_general3A_459 = arith.constant dense<0.000000e+00> : vector<56x768xf32>
    %dot_general3A_460 = tpu.matmul %convert_element_type3A_452, %slice3A_458, %dot_general3A_459 {dimension_numbers = #tpu.dot_dimension_numbers<[1], [0], [0], [1], [0, 0, 1, 1], [], []>, transpose_lhs_hint = false} : vector<56x56xf32>, vector<56x768xf32>, vector<56x768xf32> -> vector<56x768xf32>
    %get3A_461 = arith.constant 3 : index
    %get3A_462 = arith.constant 0 : index
    %get3A_463 = arith.constant 0 : index
    %get3A_464 = vector.load %arg2[%get3A_461, %get3A_462, %get3A_463] : memref<4x56x4xf32, #tpu.memory_space<vmem>>, vector<1x56x4xf32>
    %get3A_465 = vector.shape_cast %get3A_464 : vector<1x56x4xf32> to vector<56x4xf32>
    %slice3A_466 = vector.extract_strided_slice %get3A_465 {offsets = [0, 1], sizes = [56, 1], strides = [1, 1]} : vector<56x4xf32> to vector<56x1xf32>
    %dot_general3A_467 = arith.constant dense<0.000000e+00> : vector<56x1xf32>
    %dot_general3A_468 = tpu.matmul %convert_element_type3A_452, %slice3A_466, %dot_general3A_467 {dimension_numbers = #tpu.dot_dimension_numbers<[1], [0], [0], [1], [0, 0, 1, 1], [], []>, transpose_lhs_hint = false} : vector<56x56xf32>, vector<56x1xf32>, vector<56x1xf32> -> vector<56x1xf32>
    %get3A_469 = arith.constant 3 : index
    %get3A_470 = arith.constant 0 : index
    %get3A_471 = arith.constant 0 : index
    %get3A_472 = vector.load %arg3[%get3A_469, %get3A_470, %get3A_471] : memref<4x56x4xi32, #tpu.memory_space<vmem>>, vector<1x56x4xi32>
    %get3A_473 = vector.shape_cast %get3A_472 : vector<1x56x4xi32> to vector<56x4xi32>
    %slice3A_474 = vector.extract_strided_slice %get3A_473 {offsets = [0, 2], sizes = [56, 1], strides = [1, 1]} : vector<56x4xi32> to vector<56x1xi32>
    %eq3A_475 = vector.broadcast %slice3A_474 : vector<56x1xi32> to vector<56x56xi32>
    %eq3A_476 = arith.cmpi eq, %eq3A_475, %iota3A : vector<56x56xi32>
    %convert_element_type3A_477 = arith.extui %eq3A_476 : vector<56x56xi1> to vector<56x56xi32>
    %convert_element_type3A_478 = arith.sitofp %convert_element_type3A_477 : vector<56x56xi32> to vector<56x56xf32>
    %get3A_479 = arith.constant 3 : index
    %get3A_480 = arith.constant 0 : index
    %get3A_481 = arith.constant 0 : index
    %get3A_482 = vector.load %arg1[%get3A_479, %get3A_480, %get3A_481] : memref<4x224x768xf32, #tpu.memory_space<vmem>>, vector<1x224x768xf32>
    %get3A_483 = vector.shape_cast %get3A_482 : vector<1x224x768xf32> to vector<224x768xf32>
    %slice3A_484 = vector.extract_strided_slice %get3A_483 {offsets = [112, 0], sizes = [56, 768], strides = [1, 1]} : vector<224x768xf32> to vector<56x768xf32>
    %dot_general3A_485 = arith.constant dense<0.000000e+00> : vector<56x768xf32>
    %dot_general3A_486 = tpu.matmul %convert_element_type3A_478, %slice3A_484, %dot_general3A_485 {dimension_numbers = #tpu.dot_dimension_numbers<[1], [0], [0], [1], [0, 0, 1, 1], [], []>, transpose_lhs_hint = false} : vector<56x56xf32>, vector<56x768xf32>, vector<56x768xf32> -> vector<56x768xf32>
    %get3A_487 = arith.constant 3 : index
    %get3A_488 = arith.constant 0 : index
    %get3A_489 = arith.constant 0 : index
    %get3A_490 = vector.load %arg2[%get3A_487, %get3A_488, %get3A_489] : memref<4x56x4xf32, #tpu.memory_space<vmem>>, vector<1x56x4xf32>
    %get3A_491 = vector.shape_cast %get3A_490 : vector<1x56x4xf32> to vector<56x4xf32>
    %slice3A_492 = vector.extract_strided_slice %get3A_491 {offsets = [0, 2], sizes = [56, 1], strides = [1, 1]} : vector<56x4xf32> to vector<56x1xf32>
    %dot_general3A_493 = arith.constant dense<0.000000e+00> : vector<56x1xf32>
    %dot_general3A_494 = tpu.matmul %convert_element_type3A_478, %slice3A_492, %dot_general3A_493 {dimension_numbers = #tpu.dot_dimension_numbers<[1], [0], [0], [1], [0, 0, 1, 1], [], []>, transpose_lhs_hint = false} : vector<56x56xf32>, vector<56x1xf32>, vector<56x1xf32> -> vector<56x1xf32>
    %get3A_495 = arith.constant 3 : index
    %get3A_496 = arith.constant 0 : index
    %get3A_497 = arith.constant 0 : index
    %get3A_498 = vector.load %arg3[%get3A_495, %get3A_496, %get3A_497] : memref<4x56x4xi32, #tpu.memory_space<vmem>>, vector<1x56x4xi32>
    %get3A_499 = vector.shape_cast %get3A_498 : vector<1x56x4xi32> to vector<56x4xi32>
    %slice3A_500 = vector.extract_strided_slice %get3A_499 {offsets = [0, 3], sizes = [56, 1], strides = [1, 1]} : vector<56x4xi32> to vector<56x1xi32>
    %eq3A_501 = vector.broadcast %slice3A_500 : vector<56x1xi32> to vector<56x56xi32>
    %eq3A_502 = arith.cmpi eq, %eq3A_501, %iota3A : vector<56x56xi32>
    %convert_element_type3A_503 = arith.extui %eq3A_502 : vector<56x56xi1> to vector<56x56xi32>
    %convert_element_type3A_504 = arith.sitofp %convert_element_type3A_503 : vector<56x56xi32> to vector<56x56xf32>
    %get3A_505 = arith.constant 3 : index
    %get3A_506 = arith.constant 0 : index
    %get3A_507 = arith.constant 0 : index
    %get3A_508 = vector.load %arg1[%get3A_505, %get3A_506, %get3A_507] : memref<4x224x768xf32, #tpu.memory_space<vmem>>, vector<1x224x768xf32>
    %get3A_509 = vector.shape_cast %get3A_508 : vector<1x224x768xf32> to vector<224x768xf32>
    %slice3A_510 = vector.extract_strided_slice %get3A_509 {offsets = [168, 0], sizes = [56, 768], strides = [1, 1]} : vector<224x768xf32> to vector<56x768xf32>
    %dot_general3A_511 = arith.constant dense<0.000000e+00> : vector<56x768xf32>
    %dot_general3A_512 = tpu.matmul %convert_element_type3A_504, %slice3A_510, %dot_general3A_511 {dimension_numbers = #tpu.dot_dimension_numbers<[1], [0], [0], [1], [0, 0, 1, 1], [], []>, transpose_lhs_hint = false} : vector<56x56xf32>, vector<56x768xf32>, vector<56x768xf32> -> vector<56x768xf32>
    %get3A_513 = arith.constant 3 : index
    %get3A_514 = arith.constant 0 : index
    %get3A_515 = arith.constant 0 : index
    %get3A_516 = vector.load %arg2[%get3A_513, %get3A_514, %get3A_515] : memref<4x56x4xf32, #tpu.memory_space<vmem>>, vector<1x56x4xf32>
    %get3A_517 = vector.shape_cast %get3A_516 : vector<1x56x4xf32> to vector<56x4xf32>
    %slice3A_518 = vector.extract_strided_slice %get3A_517 {offsets = [0, 3], sizes = [56, 1], strides = [1, 1]} : vector<56x4xf32> to vector<56x1xf32>
    %dot_general3A_519 = arith.constant dense<0.000000e+00> : vector<56x1xf32>
    %dot_general3A_520 = tpu.matmul %convert_element_type3A_504, %slice3A_518, %dot_general3A_519 {dimension_numbers = #tpu.dot_dimension_numbers<[1], [0], [0], [1], [0, 0, 1, 1], [], []>, transpose_lhs_hint = false} : vector<56x56xf32>, vector<56x1xf32>, vector<56x1xf32> -> vector<56x1xf32>
    %concatenate3A_521 = tpu.concatenate %dot_general3A_442, %dot_general3A_468, %dot_general3A_494, %dot_general3A_520 in 1 : vector<56x1xf32>, vector<56x1xf32>, vector<56x1xf32>, vector<56x1xf32> -> vector<56x4xf32>
    %reduce_max3A_522 = arith.constant dense<0xFF800000> : vector<56xf32>
    %reduce_max3A_523 = vector.multi_reduction <maximumf>, %concatenate3A_521, %reduce_max3A_522 [1] : vector<56x4xf32> to vector<56xf32>
    %broadcast_in_dim3A_524 = vector.shape_cast %reduce_max3A_523 : vector<56xf32> to vector<56x1xf32>
    %sub3A_525 = vector.broadcast %broadcast_in_dim3A_524 : vector<56x1xf32> to vector<56x4xf32>
    %sub3A_526 = arith.subf %concatenate3A_521, %sub3A_525 : vector<56x4xf32>
    %exp3A_527 = math.exp %sub3A_526 : vector<56x4xf32>
    %reduce_sum3A_528 = arith.constant dense<0.000000e+00> : vector<56xf32>
    %reduce_sum3A_529 = vector.multi_reduction <add>, %exp3A_527, %reduce_sum3A_528 [1] : vector<56x4xf32> to vector<56xf32>
    %broadcast_in_dim3A_530 = vector.shape_cast %reduce_sum3A_529 : vector<56xf32> to vector<56x1xf32>
    %div3A_531 = vector.broadcast %broadcast_in_dim3A_530 : vector<56x1xf32> to vector<56x4xf32>
    %div3A_532 = arith.divf %exp3A_527, %div3A_531 : vector<56x4xf32>
    %broadcast_in_dim3A_533 = arith.constant 0.000000e+00 : f32
    %broadcast_in_dim3A_534 = vector.broadcast %broadcast_in_dim3A_533 : f32 to vector<56x768xf32>
    %slice3A_535 = vector.extract_strided_slice %div3A_532 {offsets = [0, 0], sizes = [56, 1], strides = [1, 1]} : vector<56x4xf32> to vector<56x1xf32>
    %mul3A_536 = vector.broadcast %slice3A_535 : vector<56x1xf32> to vector<56x768xf32>
    %mul3A_537 = arith.mulf %mul3A_536, %dot_general3A_434 : vector<56x768xf32>
    %add3A_538 = arith.addf %broadcast_in_dim3A_534, %mul3A_537 : vector<56x768xf32>
    %slice3A_539 = vector.extract_strided_slice %div3A_532 {offsets = [0, 1], sizes = [56, 1], strides = [1, 1]} : vector<56x4xf32> to vector<56x1xf32>
    %mul3A_540 = vector.broadcast %slice3A_539 : vector<56x1xf32> to vector<56x768xf32>
    %mul3A_541 = arith.mulf %mul3A_540, %dot_general3A_460 : vector<56x768xf32>
    %add3A_542 = arith.addf %add3A_538, %mul3A_541 : vector<56x768xf32>
    %slice3A_543 = vector.extract_strided_slice %div3A_532 {offsets = [0, 2], sizes = [56, 1], strides = [1, 1]} : vector<56x4xf32> to vector<56x1xf32>
    %mul3A_544 = vector.broadcast %slice3A_543 : vector<56x1xf32> to vector<56x768xf32>
    %mul3A_545 = arith.mulf %mul3A_544, %dot_general3A_486 : vector<56x768xf32>
    %add3A_546 = arith.addf %add3A_542, %mul3A_545 : vector<56x768xf32>
    %slice3A_547 = vector.extract_strided_slice %div3A_532 {offsets = [0, 3], sizes = [56, 1], strides = [1, 1]} : vector<56x4xf32> to vector<56x1xf32>
    %mul3A_548 = vector.broadcast %slice3A_547 : vector<56x1xf32> to vector<56x768xf32>
    %mul3A_549 = arith.mulf %mul3A_548, %dot_general3A_512 : vector<56x768xf32>
    %add3A_550 = arith.addf %add3A_546, %mul3A_549 : vector<56x768xf32>
    %slice3A_551 = vector.extract_strided_slice %add3A_550 {offsets = [0, 1], sizes = [56, 767], strides = [1, 1]} : vector<56x768xf32> to vector<56x767xf32>
    %slice3A_552 = vector.extract_strided_slice %add3A_550 {offsets = [0, 0], sizes = [56, 1], strides = [1, 1]} : vector<56x768xf32> to vector<56x1xf32>
    %concatenate3A_553 = tpu.concatenate %slice3A_551, %slice3A_552 in 1 : vector<56x767xf32>, vector<56x1xf32> -> vector<56x768xf32>
    %add3A_554 = arith.addf %add3A_550, %concatenate3A_553 : vector<56x768xf32>
    %swap3A_555 = arith.constant 3 : index
    %swap3A_556 = arith.constant 0 : index
    %swap3A_557 = arith.constant 0 : index
    %swap3A_558 = vector.load %arg4[%swap3A_555, %swap3A_556, %swap3A_557] : memref<4x56x768xf32, #tpu.memory_space<vmem>>, vector<1x56x768xf32>
    %swap3A_559 = vector.shape_cast %swap3A_558 : vector<1x56x768xf32> to vector<56x768xf32>
    %swap3A_560 = vector.shape_cast %add3A_554 : vector<56x768xf32> to vector<1x56x768xf32>
    tpu.vector_store %arg4[%swap3A_555, %swap3A_556, %swap3A_557], %swap3A_560 {strides = array<i32>} : memref<4x56x768xf32, #tpu.memory_space<vmem>>, vector<1x56x768xf32>,
    return
  }
  func.func @transform_0(%arg0: i32) -> (i32, i32, i32) {
    %c0_i32 = arith.constant 0 : i32
    %c0_i32_0 = arith.constant 0 : i32
    %c0_i32_1 = arith.constant 0 : i32
    return %arg0, %c0_i32, %c0_i32_0 : i32, i32, i32
  }
  func.func @transform_1(%arg0: i32) -> (i32, i32, i32) {
    %c0_i32 = arith.constant 0 : i32
    %c0_i32_0 = arith.constant 0 : i32
    %c0_i32_1 = arith.constant 0 : i32
    return %arg0, %c0_i32, %c0_i32_0 : i32, i32, i32
  }
  func.func @transform_2(%arg0: i32) -> (i32, i32, i32) {
    %c0_i32 = arith.constant 0 : i32
    %c0_i32_0 = arith.constant 0 : i32
    %c0_i32_1 = arith.constant 0 : i32
    return %arg0, %c0_i32, %c0_i32_0 : i32, i32, i32
  }
  func.func @transform_3(%arg0: i32) -> (i32, i32, i32) {
    %c0_i32 = arith.constant 0 : i32
    %c0_i32_0 = arith.constant 0 : i32
    %c0_i32_1 = arith.constant 0 : i32
    return %arg0, %c0_i32, %c0_i32_0 : i32, i32, i32
  }
}

</mosaic_0001>

<sc_bundles>
// kernel: sparse-core-data-format-call.1.cloned.1.call-start
scs
called_computation.1_lowered:
.L_overlay_start_0:
0x0: {  	s1 =	sld [smem:$0x3FD9]  }
0x1: {  	s2 =	sld [smem:$0x3FFE];
	_ =	sdelay $0x1  }
0x2: {  	s3 =	srdreg.scid  }
0x3: {  	s0 =	sand.u32 $0x1, s3  }
0x4: {  	s17 =	sshll.u32 s0, $0xA;
	s1 =	sadd.s32 s2, s1  }
0x5: {  	s1 =	sadd.s32 s1, s17  }
0x6: {  	[smem:$0x3FC3] =	sst s1  }
0x7: {  	_ = 	snop  }
0x8: {  	(tm) =	ssettm $0x1  }
0x9: {  	s18 =	sld [smem:$0x3FFB];
	_ =	sdelay $0x3  }
0xa: {  	_ =	strace s18  }
0xb: {  	s1 =	sld [smem:$0x3FFC];
	_ =	sdelay $0x3  }
0xc: {  	_ =	strace s1  }
0xd: {  	s1 =	sld [smem:$0x3FFD];
	_ =	sdelay $0x3  }
0xe: {  	_ =	strace s1  }
0xf: {  	_ =	strace $0x8FFFFFFF  }
0x10: {  	s19 =	sld [smem:$0x3FDB];
	_ =	sdelay $0x1  }
0x11: {  	s20 =	simm.s32 $_scs_section_size  }
0x12: {  	s4 =	simm.s32 $_size__tile_overlayer_lowered;
	s5 =	simm.s32 $_tile_overlayer_lowered  }
0x13: {  	s23 =	simm.s32 $0x1BFF;
	s22 =	sshll.u32 s5, $0x1;
	s1 =	sadd.s32 s20, s19  }
0x14: {  	s6 =	simm.s32 $0x0;
	s21 =	sshll.u32 s4, $0x1;
	s4 =	sadd.s32 s22, s1  }
0x15: {  	[timem:s6], [sflag:s23] =	dma.local [hbm:s4], s21  }
0x16: {  	_ =	swait.ge [sflag:s23], s21  }
0x17: {  	s2 =	ssub.s32 $0x0, s21;
	[sflag:s23] =	ssyncset.done $0x0  }
0x18: {  	[sflag:s23] =	ssyncadd.s32 s2;
	_ =	sdelay $0x1  }
0x19: {  	s24 =	simm.s32 $0x1B8B  }
0x1a: {  	_ =	swait.ge [sflag:s24], $0x1  }
0x1b: {  	[sflag:s24] =	ssyncset.done $0x0  }
0x1c: {  	s26 =	simm.s32 $0x1B8E;
	s25 =	sld [smem:$0x3FFE];
	[sflag:s24] =	ssyncadd.s32 $0xFFFFFFFF  }
0x1d: {  	s27 =	simm.s32 $execute0_lowered;
	[smem:$0x3FD2] =	sst s26  }
0x1e: {  	s4 =	sshll.u32 s27, $0x1;
	_ =	strace $0x80000049;
	[dreg:$0x1] =	wrdreg $0xFFFFFFFF  }
0x1f: {  	s28 =	simm.s32 $_size_execute0_lowered;
	s1 =	sadd.s32 s1, s4;
	[dreg:$0x0] =	wrdreg $0x0  }
0x20: {  	s4 =	sshll.u32 s28, $0x1;
	[dreg:$0x2] =	wrdreg s1  }
0x21: {  	[dreg:$0x3] =	wrdreg s4  }
0x22: {  	[dreg:$0x4] =	wrdreg $0xC0  }
0x23: {  	_ =	task [dreg:s6], $0x5FFFF  }
0x24: {  	[dreg:$0x1] =	wrdreg $0xFFFFFFFF  }
0x25: {  	[dreg:$0x0] =	wrdreg $0x60  }
0x26: {  	[dreg:$0x2] =	wrdreg s25  }
0x27: {  	[dreg:$0x3] =	wrdreg $0x9  }
0x28: {  	_ =	task.clear_ibuf [dreg:s6], $0x4FFFF;
	_ =	strace $0x90000049  }
0x29: {  	s29 =	simm.s32 $0x9;
	_ =	strace $0x8000004B  }
0x2a: {  	_ =	swait.ge [sflag:s29], $0x1  }
0x2b: {  	[sflag:s29] =	ssyncadd.s32 $0xFFFFFFFF  }
0x2c: {  	_ =	strace $0x9000004B  }
0x2d: {  	_ =	sfence  }
0x2e: {  	s30 =	sld [smem:$0x0];
	_ =	sdelay $0x2  }
0x2f: {  	s31 =	sshll.u32 s3, $0xD;
	s3 =	sshrl.u32 s3, $0x2  }
0x30: {  	s2 =	sand.u32 $0x4000, s31;
	s1 =	sadd.s32 s3, s30  }
0x31: {  	s0 =	sor.u32 s2, s0;
	s1 =	sshll.u32 s1, $0x11  }
0x32: {  	s0 =	sor.u32 s1, s0  }
0x33: {  	s0 =	sadd.s32 $0x8F2B, s0  }
0x34: {  	[sflag:s0] =	ssyncadd.remote.s32 $0x1  }
0x35: {  	_ =	sfence.sel $0xFFFF  }
0x36: {  	[dreg:$0x0] =	wrdreg $0xFFFFFFFF;
	(pc) =	sbr.abs _section_cstart, $3  }
0x37: {  	[dreg:$0x1] =	wrdreg $0xFFFFFFFF  }
0x38: {  	_ =	task.clear_ibuf [dreg:s6], $0x2FFFF;
	_ =	strace $0x9FFFFFFF  }
0x39: {  	(tm) =	ssettm $0x7FFFFFFF  }
tec
execute0_lowered:
.L_overlay_start_1:
0x0: {  	(tag) =	ssettag $0x1  }
0x1: {  	s0 =	srdreg.scid  }
0x2: {  	s3 =	rddreg [dreg:$0x0];
	s1 =	stileid.u32;
	s6 =	simm.s32 $0x1  }
0x3: {  	s8 =	simm.s32 $0x2;
	s15 =	simm.s32 $0x0;
	p0 =	por $0x0, $0x0  }
0x4: {  	s16 =	simm.s32 $0x0;
	s17 =	simm.s32 $0x0;
	s9 =	simm.s32 $0x0  }
0x5: {  	s11 =	simm.s32 $0x0;
	s12 =	simm.s32 $0x0;
	s14 =	simm.s32 $0x0  }
0x6: {  	s10 =	simm.s32 $0x0;
	s2 =	sshll.u32 s0, $0x4;
	s0 =	rddreg [dreg:$0x1]  }
.Ltmp0:
0x7: {  	_ =	strace $0x8000004A;
	s4 =	sand.u32 $0x7, s1;
	(pc) =	sbr.rel .LBB1_1-.Ltmp0, $4  }
0x8: {  	s2 =	sand.u32 $0x10, s2;
	[sflag:s6] =	ssyncpa.u1 $0x0;
	s13 =	smov.u32 s4  }
0x9: {  	s7 =	sor.u32 s1, s2;
	s2 =	sadd.s32 $0x2A2A00, s3;
	s3 =	sadd.s32 $0x2A00, s3  }
0xa: {  	[sflag:s8] =	ssyncpa.u1 $0x0;
	s5 =	sshll.u32 s7, $0x4;
	s7 =	sshll.u32 s7, $0x7  }
0xb: {  	s8 =	simm.s32 $0x5400;
	s5 =	sand.u32 $0x180, s5;
	s7 =	sand.u32 $0xC00, s7  }
.LBB1_5:
0xc: {  	p1 =	slt.u32 s10, $0x2;
	s18 =	smov.u32 s16  }
0xd: {  	s19 =	smov.u32 s17;
	p2 =	sgt.s32 @!p1 s16, $0x37;
	p3 =	sgt.s32 @!p1 s17, $0x100  }
0xe: {  	s20 =	sshra.s32 @!p1 s17, $0x1F;
	p2 =	por !p2, p1;
	p3 =	por !p3, p1  }
0xf: {  	s17 =	sand.u32 @!p1 s20, s17;
	s18 =	simm.s32 @p2 $0x37;
	s19 =	simm.s32 @p3 $0x100  }
0x10: {  	p2 =	sgt.s32 @!p1 s15, $0x140;
	s17 =	ssub.s32 @!p1 s19, s17;
	s19 =	sshra.s32 @!p1 s16, $0x1F  }
0x11: {  	p2 =	por !p2, p1;
	s16 =	sand.u32 @!p1 s19, s16;
	s19 =	sadd.s32 @!p1 $0xFFFFFF00, s17  }
0x12: {  	s15 =	simm.s32 @p2 $0x140;
	s16 =	ssub.s32 @!p1 s18, s16;
	p2 =	sgt.s32 @!p1 s19, $0x7F  }
0x13: {  	s17 =	ssub.s32 @!p1 $0x180, s17;
	s18 =	sadd.s32 @!p1 $0xFFFFFFC9, s16;
	p2 =	por !p2, p1  }
0x14: {  	s15 =	ssub.s32 @!p1 $0x1C0, s15;
	s17 =	simm.s32 @!p2 $0x0;
	p2 =	sgt.s32 @!p1 s18, $0x0  }
0x15: {  	s16 =	ssub.s32 @!p1 $0x38, s16;
	p2 =	por !p2, p1;
	s15 =	smul.u32 @!p1 s15, s17  }
0x16: {  	s20 =	smov.u32 s14;
	s18 =	sadd.s32 $0x8, s13;
	s16 =	simm.s32 @!p2 $0x0  }
0x17: {  	p2 =	sgt.s32 s18, $0x37;
	s15 =	smul.u32 @!p1 s16, s15;
	s16 =	sadd.s32 $0x80, s14  }
0x18: {  	s20 =	smov.u32 @p2 s16  }
0x19: {  	s10 =	sadd.s32 $0x1, s10;
	s18 =	smov.u32 @p2 s4;
	p2 =	sgt.s32 s20, $0x17F  }
0x1a: {  	p0 =	por !p0, !p0;
	s20 =	simm.s32 @p2 $0x0;
	p2 =	sne.s32 s10, $0x17  }
.Ltmp1:
0x1b: {  	s19 =	simm.s32 @!p1 $0x2;
	s17 =	smov.u32 s12;
	(pc) =	sbr.rel @!p2 .LBB1_6-.Ltmp1, $4  }
0x1c: {  	s12 =	smov.u32 s14;
	s16 =	smov.u32 s11;
	s15 =	sand.u32 @!p1 $0x3FFFFFFF, s15  }
0x1d: {  	s11 =	smov.u32 s13;
	s13 =	smov.u32 s18;
	_ =	swait.ge @!p1 [sflag:s19], s15  }
0x1e: {  	s21 =	ssub.s32 @!p1 $0x0, s15;
	s15 =	smov.u32 s9;
	[sflag:s19] =	ssyncset.done @!p1 $0x0  }
0x1f: {  	s9 =	smov.u32 s5;
	s14 =	smov.u32 s20;
	[sflag:s19] =	ssyncadd.s32 @!p1 s21  }
.LBB1_1:
0x20: {  	p1 =	sgt.u32 s10, $0x14  }
0x21: {  	s18 =	sshll.u32 @!p1 s13, $0x9  }
0x22: {  	s19 =	sshll.u32 @!p1 s13, $0x7;
	s18 =	sand.u32 @!p1 $0xFFFFF000, s18  }
0x23: {  	s19 =	sand.u32 @!p1 $0x200, s19;
	s18 =	sor.u32 @!p1 s7, s18  }
0x24: {  	s18 =	sor.u32 @!p1 s19, s18  }
0x25: {  	s18 =	sshrl.u32 @!p1 s18, $0x9  }
0x26: {  	s19 =	smulhi.u32 @!p1 $0x4924925, s18;
	_ =	sdelay $0x1  }
0x27: {  	s19 =	smul.u32 @!p1 $0x38, s19  }
0x28: {  	s20 =	smul.u32 @!p1 $0xE00, s14  }
0x29: {  	s21 =	sxor.u32 @!p1 $0xFFFFFFFF, s10;
	s18 =	ssub.s32 @!p1 s18, s19;
	s19 =	sshll.u32 @!p1 s13, $0x4  }
0x2a: {  	s21 =	sshll.u32 @!p1 s21, $0xE;
	s20 =	sadd.s32 @!p1 s2, s20;
	s19 =	sand.u32 @!p1 $0x30, s19  }
0x2b: {  	s21 =	sand.u32 @!p1 $0x4000, s21;
	s18 =	sshll.u32 @!p1 s18, $0x6;
	s19 =	sadd.s32 @!p1 s19, s20  }
0x2c: {  	s20 =	simm.s32 @!p1 $0x7000;
	s18 =	sadd.s32 @!p1 s18, s19;
	s19 =	simm.s32 @!p1 $0x80  }
0x2d: {  	[tilespmem:s21], [sflag:$0x1] =	stream.strided.gather @!p1 [hbm4b:s18+s19], $0x4000, s20, s19, $0x38;
	[tilespmem:$0x10100] =	vst v63  }
0x2e: {  	p1 =	seq.s32 s10, $0x0  }
0x2f: {  	p2 =	seq.s32 @!p1 s10, $0x16  }
0x30: {  	p1 =	por p1, p2  }
.Ltmp2:
0x31: {  	_ = 	snop;
	(pc) =	sbr.rel @p1 .LBB1_5-.Ltmp2, $1  }
0x32: {  	_ =	sdelay $0x3  }
0x33: {  	s18 =	simm.s32 $0x1  }
0x34: {  	_ =	swait.ge [sflag:s6], $0x4000;
	s18 =	simm.s32 @!p0 $0x0  }
0x35: {  	[sflag:s6] =	ssyncset.done $0x0;
	s19 =	sshll.u32 s18, $0xE  }
0x36: {  	[sflag:s6] =	ssyncadd.s32 $0xFFFFC000;
	s19 =	sor.u32 $0x40, s19  }
0x37: {  	s18 =	smul.u32 $0x10200, s18;
	v0 =	vld [tilespmem:s19+$0x30]  }
0x38: {  	v1 =	vld [tilespmem:s19+$0xFFFFFFD0]  }
0x39: {  	s18 =	sshrl.u32 s18, $0x2;
	v5 =	vld [tilespmem:s19+$0xFFFFFFE0]  }
0x3a: {  	v6 =	vld [tilespmem:s19+$0xFFFFFFF0];
	s21 =	sor.u32 $0x8000, s18  }
0x3b: {  	s31 =	sand.u32 $0x1, s10;
	v4 =	vld [tilespmem:s19+$0x0];
	s20 =	sadd.s32 $0x0, s21  }
0x3c: {  	v3 =	vld [tilespmem:s19+$0x10];
	s18 =	smul.u32 $0x10200, s31;
	[tilespmem:s20+$0x3870 ss:$0x81] =	vst.msk $0xffff, v0  }
0x3d: {  	v2 =	vld [tilespmem:s19+$0x20];
	[tilespmem:s20+$0x810 ss:$0x81] =	vst.msk $0xffff, v1  }
0x3e: {  	s18 =	sshrl.u32 s18, $0x2;
	v1 =	vld [tilespmem:s19+$0xFFFFFFC0];
	[tilespmem:s20+$0x1020 ss:$0x81] =	vst.msk $0xffff, v5;
	s19 =	sadd.s32 $0x80, s19  }
0x3f: {  	s22 =	simm.s32 $0x4;
	s23 =	simm.s32 $0x8;
	s18 =	sor.u32 $0x8000, s18;
	[tilespmem:s20+$0x1830 ss:$0x81] =	vst.msk $0xffff, v6;
	v0 =	vld [tilespmem:s19+$0x30]  }
.LBB1_3:
0x40: {  	p1 =	sne.s32 s23, $0x1FC;
	v5 =	vld [tilespmem:s19+$0xFFFFFFD0];
	[tilespmem:s20+$0x2040 ss:$0x81] =	vst.msk $0xffff, v4  }
0x41: {  	v6 =	vld [tilespmem:s19+$0xFFFFFFE0];
	[tilespmem:s20+$0x2850 ss:$0x81] =	vst.msk $0xffff, v3  }
0x42: {  	s24 =	sshra.s32 s22, $0x2;
	s22 =	smov.u32 s23;
	v7 =	vld [tilespmem:s19+$0xFFFFFFF0];
	[tilespmem:s20+$0x3060 ss:$0x81] =	vst.msk $0xffff, v2  }
.Ltmp3:
0x43: {  	v4 =	vld [tilespmem:s19+$0x0];
	[tilespmem:s20+$0x0 ss:$0x81] =	vst.msk $0xffff, v1;
	s20 =	sadd.s32 s24, s21;
	(pc) =	sbr.rel @p1 .LBB1_3-.Ltmp3, $4  }
0x44: {  	v3 =	vld [tilespmem:s19+$0x10];
	[tilespmem:s20+$0x3870 ss:$0x81] =	vst.msk $0xffff, v0  }
0x45: {  	[tilespmem:s20+$0x810 ss:$0x81] =	vst.msk $0xffff, v5;
	v2 =	vld [tilespmem:s19+$0x20]  }
0x46: {  	v1 =	vld [tilespmem:s19+$0xFFFFFFC0];
	[tilespmem:s20+$0x1020 ss:$0x81] =	vst.msk $0xffff, v6;
	s19 =	sadd.s32 $0x80, s19  }
0x47: {  	s23 =	sadd.s32 $0x4, s23;
	v0 =	vld [tilespmem:s19+$0x30];
	[tilespmem:s20+$0x1830 ss:$0x81] =	vst.msk $0xffff, v7  }
0x48: {  	s23 =	sshrl.u32 s11, $0x3;
	s24 =	sshll.u32 s12, $0x3  }
0x49: {  	s25 =	sshll.u32 s11, $0x7;
	s30 =	sand.u32 $0x7F, s12;
	s22 =	sshra.s32 s22, $0x2  }
0x4a: {  	p2 =	sgt.s32 s12, $0x100;
	s26 =	smov.u32 s12;
	s23 =	smul.u32 $0xC00, s23  }
0x4b: {  	s27 =	sshra.s32 s12, $0x1F;
	p1 =	sgt.s32 s9, $0x140;
	s24 =	sand.u32 $0xFFFFFC00, s24  }
0x4c: {  	s28 =	smov.u32 s11;
	s29 =	sand.u32 $0x380, s25;
	s23 =	sadd.s32 s24, s23  }
0x4d: {  	s21 =	sadd.s32 s22, s21;
	s26 =	simm.s32 @!p2 $0x100;
	s23 =	sor.u32 s29, s23  }
0x4e: {  	s27 =	sand.u32 s27, s12;
	p2 =	sgt.s32 s11, $0x37;
	s31 =	smulhi.u32 $0xAAAAAAAB, s23  }
0x4f: {  	v5 =	vld [tilespmem:s19+$0xFFFFFFD0];
	s26 =	ssub.s32 s26, s27;
	s27 =	smov.u32 s9;
	s23 =	sor.u32 s30, s23  }
0x50: {  	[tilespmem:s20+$0x2040 ss:$0x81] =	vst.msk $0xffff, v4;
	v58 =	vld [tilespmem:s19+$0xFFFFFFE0];
	s28 =	simm.s32 @!p2 $0x37;
	s24 =	smulhi.u32 $0xAAAAAAAB, s23;
	s31 =	sshrl.u32 s31, $0x8  }
0x51: {  	[tilespmem:s20+$0x2850 ss:$0x81] =	vst.msk $0xffff, v3;
	s27 =	simm.s32 @!p1 $0x140;
	s29 =	sshra.s32 s11, $0x1F;
	s25 =	smulhi.u32 $0x4924925, s31  }
0x52: {  	v59 =	vld [tilespmem:s19+$0xFFFFFFF0];
	[tilespmem:s20+$0x3060 ss:$0x81] =	vst.msk $0xffff, v2;
	s27 =	ssub.s32 $0x1C0, s27;
	s30 =	sadd.s32 $0xFFFFFF00, s26;
	s26 =	ssub.s32 $0x180, s26  }
0x53: {  	v60 =	vld [tilespmem:s19+$0x0];
	[tilespmem:s20+$0x0 ss:$0x81] =	vst.msk $0xffff, v1;
	p2 =	sgt.s32 s30, $0x7F;
	s22 =	sshrl.u32 s24, $0x8;
	s25 =	smul.u32 $0x38, s25  }
0x54: {  	v61 =	vld [tilespmem:s19+$0x10];
	[tilespmem:s21+$0x3870 ss:$0x81] =	vst.msk $0xffff, v0;
	s29 =	sand.u32 s29, s11;
	s26 =	simm.s32 @p2 $0x0;
	s22 =	smul.u32 $0x180, s22  }
0x55: {  	v62 =	vld [tilespmem:s19+$0x20];
	[tilespmem:s21+$0x810 ss:$0x81] =	vst.msk $0xffff, v5;
	s29 =	ssub.s32 s28, s29;
	s30 =	ssub.s32 s31, s25;
	s31 =	smul.u32 s27, s26  }
0x56: {  	v63 =	vld [tilespmem:s19+$0xFFFFFFC0];
	[tilespmem:s21+$0x1020 ss:$0x81] =	vst.msk $0xffff, v58;
	s26 =	sadd.s32 $0xFFFFFFC9, s29;
	s27 =	smul.u32 $0xA80, s9  }
0x57: {  	[tilespmem:s21+$0x1830 ss:$0x81] =	vst.msk $0xffff, v59;
	s20 =	ssub.s32 $0x38, s29;
	p1 =	sgt.s32 s26, $0x0;
	s19 =	smul.u32 $0x30, s30  }
.Ltmp4:
0x58: {  	[tilespmem:s21+$0x2040 ss:$0x81] =	vst.msk $0xffff, v60;
	s22 =	ssub.s32 s23, s22;
	s20 =	simm.s32 @p1 $0x0;
	(pc) =	sbr.rel .LBB1_5-.Ltmp4, $4  }
0x59: {  	[tilespmem:s21+$0x2850 ss:$0x81] =	vst.msk $0xffff, v61;
	s29 =	sand.u32 $0x7, s22;
	s28 =	sadd.s32 s3, s27;
	s20 =	smul.u32 s20, s31  }
0x5a: {  	[tilespmem:s21+$0x3060 ss:$0x81] =	vst.msk $0xffff, v62;
	s22 =	sshrl.u32 s22, $0x3;
	s30 =	sshll.u32 s29, $0x12;
	s19 =	sadd.s32 s19, s28  }
0x5b: {  	[tilespmem:s21+$0x0 ss:$0x81] =	vst.msk $0xffff, v63;
	s31 =	sor.u32 $0x80, s30;
	s19 =	sadd.s32 s22, s19;
	s20 =	sand.u32 $0x3FFFFFFF, s20  }
0x5c: {  	[hbm4b:s19+s31] =	stream.strided.scatter [tilespmem:s18], [sflag:$0x2], s20, s8, s31, $0x20;
	[tilespmem:$0x10100] =	vst v63  }
.LBB1_6:
0x5d: {  	_ =	sfence.sel $0x180000  }
0x5e: {  	s2 =	simm.s32 $0x1;
	[bflag:$0x0] =	sbarrier.arrive $0xFFFF  }
0x5f: {  	s31 =	simm.s32 $0x2;
	[sflag:s2] =	ssyncpa.u1 $0x1  }
0x60: {  	[sflag:s31] =	ssyncpa.u1 $0x1  }
0x61: {  	p0 =	sne.s32 s1, $0x0;
	_ =	strace $0x9000004A  }
0x62: {  	s0 =	sadd.s32 @!p0 $0x100000, s0;
	[bflag:$0x2] =	sbarrier.arrive $0xFFFF  }
0x63: {  	[sflag:s0] =	ssyncadd.tile.s32 @!p0 $0x1;
	_ =	shalt  }
.Lfunc_end1:
_tile_overlayer_lowered:
.L_overlay_start_2:
0x64: {  	(tag) =	ssettag $0x2  }
0x65: {  	s0 =	rddreg [dreg:$0x0];
	s2 =	stileid.u32  }
0x66: {  	s1 =	rddreg [dreg:$0x1];
	p0 =	sne.s32 s2, $0x0  }
0x67: {  	s3 =	rddreg [dreg:$0x2];
	[bflag:$0x3] =	sbarrier.arrive $0xFFFF;
	s2 =	simm.s32 @!p0 $0x1C01  }
0x68: {  	[timem:s3], [sflag:s2] =	dma.local @!p0 [hbm:s0], s1  }
0x69: {  	s0 =	simm.s32 @!p0 $0x1  }
0x6a: {  	_ =	swait.ge @!p0 [sflag:s0], s1  }
0x6b: {  	s1 =	ssub.s32 @!p0 $0x0, s1;
	[sflag:s0] =	ssyncset.done @!p0 $0x0  }
0x6c: {  	[sflag:s0] =	ssyncadd.s32 @!p0 s1  }
0x6d: {  	[bflag:$0x3] =	sbarrier.arrive $0xFFFF  }
0x6e: {  	_ =	shalt  }

// kernel: sparse-core-data-format-call.2.cloned.1.call-start
scs
called_computation.2_lowered:
.L_overlay_start_0:
0x0: {  	s1 =	sld [smem:$0x3FD9]  }
0x1: {  	s2 =	sld [smem:$0x3FFE];
	_ =	sdelay $0x1  }
0x2: {  	s3 =	srdreg.scid  }
0x3: {  	s0 =	sand.u32 $0x1, s3  }
0x4: {  	s17 =	sshll.u32 s0, $0xA;
	s1 =	sadd.s32 s2, s1  }
0x5: {  	s1 =	sadd.s32 s1, s17  }
0x6: {  	[smem:$0x3FC3] =	sst s1  }
0x7: {  	_ = 	snop  }
0x8: {  	(tm) =	ssettm $0x1  }
0x9: {  	s18 =	sld [smem:$0x3FFB];
	_ =	sdelay $0x3  }
0xa: {  	_ =	strace s18  }
0xb: {  	s1 =	sld [smem:$0x3FFC];
	_ =	sdelay $0x3  }
0xc: {  	_ =	strace s1  }
0xd: {  	s1 =	sld [smem:$0x3FFD];
	_ =	sdelay $0x3  }
0xe: {  	_ =	strace s1  }
0xf: {  	_ =	strace $0x8FFFFFFF  }
0x10: {  	s19 =	sld [smem:$0x3FDB];
	_ =	sdelay $0x1  }
0x11: {  	s20 =	simm.s32 $_scs_section_size  }
0x12: {  	s4 =	simm.s32 $_size__tile_overlayer_lowered;
	s5 =	simm.s32 $_tile_overlayer_lowered  }
0x13: {  	s23 =	simm.s32 $0x1BFF;
	s22 =	sshll.u32 s5, $0x1;
	s1 =	sadd.s32 s20, s19  }
0x14: {  	s6 =	simm.s32 $0x0;
	s21 =	sshll.u32 s4, $0x1;
	s4 =	sadd.s32 s22, s1  }
0x15: {  	[timem:s6], [sflag:s23] =	dma.local [hbm:s4], s21  }
0x16: {  	_ =	swait.ge [sflag:s23], s21  }
0x17: {  	s2 =	ssub.s32 $0x0, s21;
	[sflag:s23] =	ssyncset.done $0x0  }
0x18: {  	[sflag:s23] =	ssyncadd.s32 s2;
	_ =	sdelay $0x1  }
0x19: {  	s24 =	simm.s32 $0x1B8B  }
0x1a: {  	_ =	swait.ge [sflag:s24], $0x1  }
0x1b: {  	[sflag:s24] =	ssyncset.done $0x0  }
0x1c: {  	s26 =	simm.s32 $0x1B8E;
	s25 =	sld [smem:$0x3FFE];
	[sflag:s24] =	ssyncadd.s32 $0xFFFFFFFF  }
0x1d: {  	s27 =	simm.s32 $execute0_lowered;
	[smem:$0x3FD2] =	sst s26  }
0x1e: {  	s4 =	sshll.u32 s27, $0x1;
	_ =	strace $0x80000046;
	[dreg:$0x1] =	wrdreg $0xFFFFFFFF  }
0x1f: {  	s28 =	simm.s32 $_size_execute0_lowered;
	s1 =	sadd.s32 s1, s4;
	[dreg:$0x0] =	wrdreg $0x0  }
0x20: {  	s4 =	sshll.u32 s28, $0x1;
	[dreg:$0x2] =	wrdreg s1  }
0x21: {  	[dreg:$0x3] =	wrdreg s4  }
0x22: {  	[dreg:$0x4] =	wrdreg $0xC0  }
0x23: {  	_ =	task [dreg:s6], $0x5FFFF  }
0x24: {  	[dreg:$0x1] =	wrdreg $0xFFFFFFFF  }
0x25: {  	[dreg:$0x0] =	wrdreg $0x60  }
0x26: {  	[dreg:$0x2] =	wrdreg s25  }
0x27: {  	[dreg:$0x3] =	wrdreg $0x9  }
0x28: {  	_ =	task.clear_ibuf [dreg:s6], $0x4FFFF;
	_ =	strace $0x90000046  }
0x29: {  	s29 =	simm.s32 $0x9;
	_ =	strace $0x80000048  }
0x2a: {  	_ =	swait.ge [sflag:s29], $0x1  }
0x2b: {  	[sflag:s29] =	ssyncadd.s32 $0xFFFFFFFF  }
0x2c: {  	_ =	strace $0x90000048  }
0x2d: {  	_ =	sfence  }
0x2e: {  	s30 =	sld [smem:$0x0];
	_ =	sdelay $0x2  }
0x2f: {  	s31 =	sshll.u32 s3, $0xD;
	s3 =	sshrl.u32 s3, $0x2  }
0x30: {  	s2 =	sand.u32 $0x4000, s31;
	s1 =	sadd.s32 s3, s30  }
0x31: {  	s0 =	sor.u32 s2, s0;
	s1 =	sshll.u32 s1, $0x11  }
0x32: {  	s0 =	sor.u32 s1, s0  }
0x33: {  	s0 =	sadd.s32 $0x8F2B, s0  }
0x34: {  	[sflag:s0] =	ssyncadd.remote.s32 $0x1  }
0x35: {  	_ =	sfence.sel $0xFFFF  }
0x36: {  	[dreg:$0x0] =	wrdreg $0xFFFFFFFF;
	(pc) =	sbr.abs _section_cstart, $3  }
0x37: {  	[dreg:$0x1] =	wrdreg $0xFFFFFFFF  }
0x38: {  	_ =	task.clear_ibuf [dreg:s6], $0x2FFFF;
	_ =	strace $0x9FFFFFFF  }
0x39: {  	(tm) =	ssettm $0x7FFFFFFF  }
tec
execute0_lowered:
.L_overlay_start_1:
0x0: {  	(tag) =	ssettag $0x1  }
0x1: {  	s0 =	srdreg.scid;
	s1 =	rddreg [dreg:$0x0]  }
0x2: {  	s2 =	stileid.u32;
	_ =	strace $0x80000047;
	s29 =	simm.s32 $0x1  }
0x3: {  	s31 =	simm.s32 $0x2;
	s15 =	simm.s32 $0x0;
	p0 =	por $0x0, $0x0  }
0x4: {  	s17 =	simm.s32 $0x0;
	s16 =	simm.s32 $0x0;
	s8 =	simm.s32 $0x0  }
0x5: {  	s10 =	simm.s32 $0x0;
	s11 =	simm.s32 $0x0;
	s12 =	simm.s32 $0x0  }
0x6: {  	s9 =	simm.s32 $0x0;
	s0 =	sshll.u32 s0, $0x4;
	s6 =	sadd.s32 $0x2E1A00, s1  }
.Ltmp0:
0x7: {  	s1 =	sadd.s32 $0x4E00, s1;
	s30 =	sshll.u32 s2, $0x7;
	(pc) =	sbr.rel .LBB1_1-.Ltmp0, $4  }
0x8: {  	[sflag:s29] =	ssyncpa.u1 $0x0;
	s0 =	sand.u32 $0x10, s0;
	[dreg:$0x3] =	wrdreg s1  }
0x9: {  	s18 =	sand.u32 $0x180, s30;
	[dreg:$0x2] =	wrdreg s6;
	s0 =	sor.u32 s2, s0  }
0xa: {  	[sflag:s31] =	ssyncpa.u1 $0x0;
	[dreg:$0x5] =	wrdreg s18;
	s7 =	sshrl.u32 s0, $0x2  }
0xb: {  	s14 =	smov.u32 s18;
	s13 =	smov.u32 s7;
	[dreg:$0x4] =	wrdreg s7  }
.LBB1_14:
0xc: {  	s0 =	sshll.u32 s10, $0x9;
	s1 =	smul.u32 $0x4080, s23  }
0xd: {  	s2 =	sshll.u32 s11, $0x3;
	s3 =	sshll.u32 s10, $0x7;
	p1 =	sgt.s32 s11, $0x180  }
0xe: {  	s4 =	smov.u32 s11;
	s25 =	sand.u32 $0x78, s11;
	s26 =	smul.u32 $0xE00, s8  }
0xf: {  	s27 =	rddreg [dreg:$0x3];
	s28 =	sand.u32 $0x7, s11;
	s31 =	simm.s32 $0x7000  }
0x10: {  	s7 =	rddreg [dreg:$0x4];
	s0 =	sand.u32 $0xFFFFF000, s0;
	s2 =	sand.u32 $0xFFFFFC00, s2  }
0x11: {  	s23 =	sand.u32 $0x200, s3;
	s4 =	simm.s32 @!p1 $0x180;
	p1 =	sgt.s32 s8, $0x1C0  }
0x12: {  	s3 =	sand.u32 $0x180, s3;
	s29 =	sshll.u32 s28, $0x12;
	s0 =	sadd.s32 s2, s0  }
0x13: {  	s2 =	smov.u32 s8;
	s4 =	sadd.s32 s18, s4;
	s3 =	sor.u32 s25, s3  }
0x14: {  	s0 =	sor.u32 s23, s0;
	s2 =	simm.s32 @!p1 $0x1C0;
	s5 =	sadd.s32 $0xFFFFFE80, s4  }
0x15: {  	s4 =	ssub.s32 $0x200, s4;
	s0 =	sshrl.u32 s0, $0x9;
	p1 =	sgt.s32 s5, $0x7F  }
0x16: {  	s2 =	sadd.s32 s20, s2;
	s24 =	smulhi.u32 $0x4924925, s0;
	s4 =	simm.s32 @p1 $0x0  }
0x17: {  	s1 =	sor.u32 $0x8000, s1;
	s6 =	sadd.s32 $0xFFFFFE40, s2;
	s4 =	smul.u32 s4, s19  }
0x18: {  	s2 =	ssub.s32 $0x240, s2;
	p1 =	sgt.s32 s6, $0x7F;
	s5 =	smul.u32 $0x38, s24  }
0x19: {  	s30 =	sor.u32 $0x80, s29;
	s3 =	sshrl.u32 s3, $0x3;
	s2 =	simm.s32 @p1 $0x0  }
0x1a: {  	s2 =	smul.u32 s2, s4;
	s4 =	sadd.s32 s27, s26;
	s0 =	ssub.s32 s0, s5  }
0x1b: {  	s18 =	rddreg [dreg:$0x5];
	s3 =	sadd.s32 s3, s4;
	s0 =	sshll.u32 s0, $0x6  }
0x1c: {  	s6 =	rddreg [dreg:$0x2];
	s2 =	sand.u32 $0x3FFFFFFF, s2;
	s0 =	sadd.s32 s0, s3  }
0x1d: {  	[hbm4b:s0+s30] =	stream.strided.scatter [tilespmem:s1], [sflag:$0x2], s2, s31, s30, $0x20;
	[tilespmem:$0x10100] =	vst v63  }
.LBB1_15:
0x1e: {  	p1 =	slt.u32 s9, $0x2;
	s1 =	smov.u32 s17  }
0x1f: {  	p2 =	sgt.s32 @!p1 s15, $0x1C0;
	s0 =	sshra.s32 @!p1 s15, $0x1F;
	p3 =	sgt.s32 @!p1 s17, $0x37  }
0x20: {  	s2 =	sshra.s32 @!p1 s17, $0x1F;
	s3 =	sshra.s32 @!p1 s16, $0x1F;
	p2 =	por !p2, p1  }
0x21: {  	s0 =	sand.u32 @!p1 s0, s15;
	p3 =	por !p3, p1;
	s2 =	sand.u32 @!p1 s2, s17  }
0x22: {  	s1 =	simm.s32 @p3 $0x37;
	p3 =	sgt.s32 @!p1 s16, $0x180;
	s15 =	simm.s32 @p2 $0x1C0  }
0x23: {  	s1 =	ssub.s32 @!p1 s1, s2;
	p3 =	por !p3, p1;
	s2 =	smov.u32 s16  }
0x24: {  	s3 =	sand.u32 @!p1 s3, s16;
	s0 =	ssub.s32 @!p1 s15, s0;
	s2 =	simm.s32 @p3 $0x180  }
0x25: {  	s4 =	sadd.s32 @!p1 $0xFFFFFFC9, s1;
	s1 =	ssub.s32 @!p1 $0x38, s1;
	s2 =	ssub.s32 @!p1 s2, s3  }
0x26: {  	s3 =	sadd.s32 @!p1 $0xFFFFFE40, s0;
	p2 =	sgt.s32 @!p1 s4, $0x0;
	s4 =	sadd.s32 @!p1 $0xFFFFFE80, s2  }
0x27: {  	s0 =	ssub.s32 @!p1 $0x240, s0;
	p2 =	por !p2, p1;
	p3 =	sgt.s32 @!p1 s4, $0x7F  }
0x28: {  	s2 =	ssub.s32 @!p1 $0x200, s2;
	s1 =	simm.s32 @!p2 $0x0;
	p2 =	por !p3, p1  }
0x29: {  	s4 =	smov.u32 s13;
	p3 =	sgt.s32 @!p1 s3, $0x7F;
	s2 =	simm.s32 @!p2 $0x0  }
0x2a: {  	p2 =	por !p3, p1;
	s1 =	smul.u32 @!p1 s2, s1;
	s2 =	sadd.s32 $0x80, s12  }
0x2b: {  	s3 =	sadd.s32 $0x8, s13;
	s0 =	simm.s32 @!p2 $0x0;
	p2 =	sgt.s32 s2, $0x23F  }
0x2c: {  	s0 =	smul.u32 @!p1 s0, s1;
	s4 =	smov.u32 @p2 s3  }
0x2d: {  	s1 =	sadd.s32 $0x200, s14;
	s3 =	smov.u32 s14;
	p3 =	sgt.s32 s4, $0x37  }
0x2e: {  	s9 =	sadd.s32 $0x1, s9;
	p0 =	por !p0, !p0;
	s3 =	smov.u32 @p3 s1  }
0x2f: {  	s17 =	smov.u32 s10;
	s2 =	simm.s32 @p2 $0x0;
	p2 =	sgt.s32 s3, $0x1BF  }
0x30: {  	s10 =	smov.u32 s13;
	s3 =	smov.u32 @p2 s18;
	p2 =	sne.s32 s9, $0x25  }
.Ltmp1:
0x31: {  	s15 =	smov.u32 s8;
	s16 =	smov.u32 s11;
	(pc) =	sbr.rel @!p2 .LBB1_16-.Ltmp1, $4  }
0x32: {  	s8 =	smov.u32 s12;
	s0 =	sand.u32 @!p1 $0x3FFFFFFF, s0;
	s1 =	simm.s32 @!p1 $0x2  }
0x33: {  	s11 =	smov.u32 s14;
	s12 =	smov.u32 s2;
	_ =	swait.ge @!p1 [sflag:s1], s0  }
0x34: {  	s4 =	smov.u32 @p3 s7;
	s0 =	ssub.s32 @!p1 $0x0, s0;
	[sflag:s1] =	ssyncset.done @!p1 $0x0  }
0x35: {  	s13 =	smov.u32 s4;
	[sflag:s1] =	ssyncadd.s32 @!p1 s0;
	s14 =	smov.u32 s3  }
.LBB1_1:
0x36: {  	p1 =	sgt.u32 s9, $0x22  }
0x37: {  	s5 =	smov.u32 s12;
	s0 =	sshrl.u32 @!p1 s13, $0x3  }
0x38: {  	s1 =	sshll.u32 @!p1 s12, $0x3;
	p2 =	sgt.s32 @!p1 s14, $0x140;
	s0 =	smul.u32 @!p1 $0x1400, s0  }
0x39: {  	s2 =	sshra.s32 @!p1 s14, $0x1F;
	s3 =	sshll.u32 @!p1 s13, $0x7;
	s1 =	sand.u32 @!p1 $0xFFFFFC00, s1  }
0x3a: {  	p2 =	por !p2, p1;
	s0 =	sadd.s32 @!p1 s0, s1;
	s1 =	smov.u32 s14  }
0x3b: {  	s2 =	sand.u32 @!p1 s2, s14;
	s3 =	sand.u32 @!p1 $0x380, s3;
	s1 =	simm.s32 @p2 $0x140  }
0x3c: {  	p2 =	sgt.s32 @!p1 s13, $0x37;
	s0 =	sor.u32 @!p1 s3, s0;
	s1 =	ssub.s32 @!p1 s1, s2  }
0x3d: {  	s3 =	smov.u32 s13;
	p2 =	por !p2, p1;
	s2 =	sadd.s32 @!p1 $0xFFFFFEC0, s1  }
0x3e: {  	s3 =	simm.s32 @p2 $0x37;
	p2 =	sgt.s32 @!p1 s2, $0x7F;
	s2 =	sshra.s32 @!p1 s13, $0x1F  }
0x3f: {  	s1 =	ssub.s32 @!p1 $0x1C0, s1;
	p2 =	por !p2, p1;
	s2 =	sand.u32 @!p1 s2, s13  }
0x40: {  	s1 =	simm.s32 @!p2 $0x0;
	s2 =	ssub.s32 @!p1 s3, s2;
	p2 =	sgt.s32 @!p1 s12, $0x200  }
0x41: {  	s3 =	smulhi.u32 @!p1 $0xCCCCCCCD, s0;
	s4 =	sadd.s32 @!p1 $0xFFFFFFC9, s2;
	p2 =	por !p2, p1  }
0x42: {  	s5 =	simm.s32 @p2 $0x200;
	p2 =	sgt.s32 @!p1 s4, $0x0;
	s4 =	sshra.s32 @!p1 s12, $0x1F  }
0x43: {  	s2 =	ssub.s32 @!p1 $0x38, s2;
	p2 =	por !p2, p1;
	s4 =	sand.u32 @!p1 s4, s12  }
0x44: {  	s3 =	sshrl.u32 @!p1 s3, $0x9;
	s4 =	ssub.s32 @!p1 s5, s4;
	s2 =	simm.s32 @!p2 $0x0  }
0x45: {  	s5 =	sand.u32 @!p1 $0x7F, s12;
	s1 =	smul.u32 @!p1 s1, s2;
	s2 =	sadd.s32 @!p1 $0xFFFFFE00, s4  }
0x46: {  	s0 =	sor.u32 @!p1 s5, s0;
	s5 =	smulhi.u32 @!p1 $0x4924925, s3;
	p2 =	sgt.s32 @!p1 s2, $0x7F  }
0x47: {  	s4 =	ssub.s32 @!p1 $0x280, s4;
	s2 =	smulhi.u32 @!p1 $0xCCCCCCCD, s0;
	p2 =	por !p2, p1  }
0x48: {  	s5 =	smul.u32 @!p1 $0x38, s5;
	s4 =	simm.s32 @!p2 $0x0  }
0x49: {  	s2 =	sshrl.u32 @!p1 s2, $0x9;
	s1 =	smul.u32 @!p1 s4, s1  }
0x4a: {  	s4 =	sxor.u32 @!p1 $0xFFFFFFFF, s9;
	s2 =	smul.u32 @!p1 $0x280, s2  }
0x4b: {  	s3 =	ssub.s32 @!p1 s3, s5;
	s5 =	smul.u32 @!p1 $0x1180, s14;
	s4 =	sshll.u32 @!p1 s4, $0xE  }
0x4c: {  	s4 =	sand.u32 @!p1 $0x4000, s4;
	s0 =	ssub.s32 @!p1 s0, s2;
	s2 =	smul.u32 @!p1 $0x50, s3  }
0x4d: {  	s1 =	sand.u32 @!p1 $0x3FFFFFFF, s1;
	s3 =	sadd.s32 @!p1 s6, s5;
	s5 =	sand.u32 @!p1 $0x7, s0  }
0x4e: {  	s0 =	sshrl.u32 @!p1 s0, $0x3;
	s2 =	sadd.s32 @!p1 s2, s3;
	s3 =	sshll.u32 @!p1 s5, $0x12  }
0x4f: {  	s0 =	sadd.s32 @!p1 s0, s2;
	s2 =	sor.u32 @!p1 $0x80, s3;
	s3 =	simm.s32 @!p1 $0x8C00  }
0x50: {  	[tilespmem:s4], [sflag:$0x1] =	stream.strided.gather @!p1 [hbm4b:s0+s2], s1, s3, s2, $0x38;
	[tilespmem:$0x10100] =	vst v63  }
0x51: {  	p1 =	seq.s32 s9, $0x0  }
0x52: {  	p2 =	seq.s32 @!p1 s9, $0x24  }
0x53: {  	p1 =	por p1, p2  }
.Ltmp2:
0x54: {  	_ = 	snop;
	(pc) =	sbr.rel @p1 .LBB1_15-.Ltmp2, $1  }
0x55: {  	_ =	sdelay $0x3  }
0x56: {  	s0 =	ssub.s32 $0x0, s11  }
0x57: {  	s1 =	sshra.s32 s11, $0x1F;
	p1 =	sgt.s32 s11, $0x140;
	s2 =	smov.u32 s11  }
0x58: {  	s28 =	sshra.s32 s10, $0x1F;
	p2 =	sgt.s32 s8, $0x200;
	s4 =	ssub.s32 $0x0, s8  }
0x59: {  	s5 =	sshra.s32 s8, $0x1F;
	s18 =	sand.u32 s0, s1;
	s2 =	simm.s32 @!p1 $0x140  }
0x5a: {  	p1 =	sgt.s32 s10, $0x37;
	s1 =	smov.u32 s10;
	s0 =	sadd.s32 s18, s2  }
0x5b: {  	s20 =	sand.u32 s4, s5;
	s1 =	simm.s32 @!p1 $0x37;
	s3 =	sadd.s32 $0xFFFFFEC0, s0  }
0x5c: {  	s2 =	sand.u32 s28, s10;
	p1 =	sgt.s32 s3, $0x7F;
	s3 =	smov.u32 s8  }
0x5d: {  	s1 =	ssub.s32 s1, s2;
	s0 =	ssub.s32 $0x1C0, s0;
	s3 =	simm.s32 @!p2 $0x200  }
0x5e: {  	s2 =	sadd.s32 $0xFFFFFFC9, s1;
	s19 =	ssub.s32 $0x38, s1;
	s29 =	sadd.s32 s20, s3  }
0x5f: {  	p2 =	sgt.s32 s2, $0x0;
	s0 =	simm.s32 @p1 $0x0;
	s30 =	sadd.s32 $0xFFFFFE00, s29  }
0x60: {  	s2 =	sadd.s32 $0x80, s11;
	s1 =	ssub.s32 $0x280, s29;
	p1 =	sgt.s32 s30, $0x7F  }
0x61: {  	s3 =	sadd.s32 $0x1, s10;
	s1 =	simm.s32 @p1 $0x0;
	p1 =	slt.s32 s2, $0x1C0  }
0x62: {  	s2 =	simm.s32 @!p1 $0x1C0;
	p1 =	slt.s32 s3, $0x38  }
0x63: {  	s19 =	simm.s32 @p2 $0x0;
	s21 =	ssub.s32 s2, s11;
	s3 =	simm.s32 @!p1 $0x38  }
0x64: {  	s0 =	smul.u32 s0, s19;
	s22 =	ssub.s32 s3, s10;
	p1 =	slt.s32 s21, $0x1  }
0x65: {  	p2 =	slt.s32 @!p1 s22, $0x1  }
0x66: {  	s0 =	smul.u32 s1, s0;
	p2 =	por p1, p2  }
.Ltmp3:
0x67: {  	_ = 	snop;
	(pc) =	sbr.rel @p2 .LBB1_14-.Ltmp3, $4  }
0x68: {  	s31 =	simm.s32 $0x1;
	s0 =	sand.u32 $0x3FFFFFFF, s0  }
0x69: {  	_ =	swait.ge [sflag:s31], s0  }
0x6a: {  	s0 =	ssub.s32 $0x0, s0;
	[sflag:s31] =	ssyncset.done $0x0  }
0x6b: {  	s23 =	sand.u32 $0x1, s9;
	[sflag:s31] =	ssyncadd.s32 s0  }
0x6c: {  	s0 =	sadd.s32 $0x80, s8  }
0x6d: {  	p2 =	slt.s32 s0, $0x240  }
0x6e: {  	s0 =	simm.s32 @!p2 $0x240  }
0x6f: {  	s1 =	simm.s32 $0x1;
	s0 =	ssub.s32 s0, s8  }
0x70: {  	s1 =	simm.s32 @!p0 $0x0;
	s0 =	sadd.s32 $0xF, s0  }
0x71: {  	s1 =	smul.u32 $0x10200, s1;
	s2 =	sshrl.u32 s0, $0x8  }
0x72: {  	s2 =	smul.u32 $0x20400, s2  }
.Ltmp4:
0x73: {  	_ = 	snop;
	(pc) =	sbr.rel .LBB1_4-.Ltmp4, $4  }
0x74: {  	s26 =	sshll.u32 @!p1 s23, $0xE;
	s29 =	simm.s32 $0x0;
	s30 =	simm.s32 $0x0  }
0x75: {  	s24 =	sand.u32 $0xFFFFFFF0, s0;
	s25 =	sand.u32 @!p1 $0xFFFFFF00, s0;
	s2 =	sadd.s32 s1, s2  }
0x76: {  	p1 =	slt.s32 s0, $0x100;
	s1 =	sshrl.u32 s1, $0x2;
	s2 =	sshra.s32 s2, $0x2  }
0x77: {  	p2 =	sge.s32 s25, s24;
	s27 =	sor.u32 $0x8000, s1;
	s28 =	sadd.s32 $0x8000, s2  }
.LBB1_13:
0x78: {  	s30 =	sadd.s32 $0x1, s30  }
0x79: {  	p3 =	sne.s32 s30, s21  }
.Ltmp5:
0x7a: {  	_ = 	snop;
	(pc) =	sbr.rel @!p3 .LBB1_14-.Ltmp5, $2  }
0x7b: {  	_ =	sdelay $0x2  }
0x7c: {  	s29 =	sadd.s32 $0x1, s29  }
.LBB1_4:
.Ltmp6:
0x7d: {  	(pc) =	sbr.rel .LBB1_5-.Ltmp6, $4  }
0x7e: {  	_ = 	snop  }
0x7f: {  	s0 =	sshll.u32 s30, $0x9;
	s1 =	sand.u32 $0x7F, s29  }
0x80: {  	s7 =	simm.s32 $0x0;
	s3 =	simm.s32 $0x0;
	s0 =	sshra.s32 s0, $0x2  }
0x81: {  	s31 =	sadd.s32 s0, s26;
	s0 =	sadd.s32 s1, s27;
	s1 =	sadd.s32 s1, s28  }
.LBB1_12:
0x82: {  	s3 =	sadd.s32 $0x1, s3  }
0x83: {  	p3 =	sne.s32 s3, s22  }
.Ltmp7:
0x84: {  	_ = 	snop;
	(pc) =	sbr.rel @!p3 .LBB1_13-.Ltmp7, $2  }
0x85: {  	_ =	sdelay $0x2  }
0x86: {  	s7 =	sadd.s32 $0x1, s7  }
.LBB1_5:
.Ltmp8:
0x87: {  	(pc) =	sbr.rel @p1 .LBB1_9-.Ltmp8, $3  }
0x88: {  	s2 =	sand.u32 $0x7, s7  }
0x89: {  	s2 =	smul.u32 $0x204, s2;
	_ =	sdelay $0x1  }
0x8a: {  	s5 =	sshrl.u32 s2, $0x2  }
0x8b: {  	s2 =	sshll.u32 s3, $0x7  }
0x8c: {  	s4 =	sand.u32 $0x380, s2  }
0x8d: {  	s4 =	sadd.s32 s4, s31  }
0x8e: {  	v5 =	vld [tilespmem:s4+$0x70]  }
0x8f: {  	v6 =	vld [tilespmem:s4+$0x0]  }
0x90: {  	v7 =	vld [tilespmem:s4+$0x10]  }
0x91: {  	v1 =	vld [tilespmem:s4+$0x20]  }
0x92: {  	s2 =	sadd.s32 s5, s0;
	v0 =	vld [tilespmem:s4+$0x30]  }
0x93: {  	v2 =	vld [tilespmem:s4+$0x40];
	[tilespmem:s2+$0x78F0 ss:$0x81] =	vst.msk $0xffff, v5  }
0x94: {  	v3 =	vld [tilespmem:s4+$0x50];
	[tilespmem:s2+$0x0 ss:$0x81] =	vst.msk $0xffff, v6  }
0x95: {  	v4 =	vld [tilespmem:s4+$0x60];
	[tilespmem:s2+$0x810 ss:$0x81] =	vst.msk $0xffff, v7  }
0x96: {  	[tilespmem:s2+$0x1020 ss:$0x81] =	vst.msk $0xffff, v1  }
0x97: {  	[tilespmem:s2+$0x1830 ss:$0x81] =	vst.msk $0xffff, v0  }
0x98: {  	p3 =	sgt.s32 s25, $0x100;
	[tilespmem:s2+$0x2040 ss:$0x81] =	vst.msk $0xffff, v2  }
.Ltmp9:
0x99: {  	[tilespmem:s2+$0x2850 ss:$0x81] =	vst.msk $0xffff, v3;
	(pc) =	sbr.rel @!p3 .LBB1_8-.Ltmp9, $4  }
0x9a: {  	[tilespmem:s2+$0x3060 ss:$0x81] =	vst.msk $0xffff, v4  }
0x9b: {  	[tilespmem:s2+$0x3870 ss:$0x81] =	vst.msk $0xffff, v5  }
0x9c: {  	[tilespmem:s2+$0x4080 ss:$0x81] =	vst.msk $0xffff, v6  }
0x9d: {  	s6 =	simm.s32 $0x100;
	[tilespmem:s2+$0x4890 ss:$0x81] =	vst.msk $0xffff, v7  }
.LBB1_7:
0x9e: {  	v5 =	vld [tilespmem:s4+$0x70];
	s6 =	sadd.s32 $0x100, s6;
	[tilespmem:s2+$0x50A0 ss:$0x81] =	vst.msk $0xffff, v1  }
0x9f: {  	v6 =	vld [tilespmem:s4+$0x0];
	p3 =	slt.s32 s6, s25;
	[tilespmem:s2+$0x58B0 ss:$0x81] =	vst.msk $0xffff, v0  }
0xa0: {  	v7 =	vld [tilespmem:s4+$0x10];
	[tilespmem:s2+$0x60C0 ss:$0x81] =	vst.msk $0xffff, v2  }
0xa1: {  	v1 =	vld [tilespmem:s4+$0x20];
	[tilespmem:s2+$0x68D0 ss:$0x81] =	vst.msk $0xffff, v3  }
0xa2: {  	v0 =	vld [tilespmem:s4+$0x30];
	[tilespmem:s2+$0x70E0 ss:$0x81] =	vst.msk $0xffff, v4;
	s2 =	sadd.s32 $0x8100, s2  }
0xa3: {  	v2 =	vld [tilespmem:s4+$0x40];
	[tilespmem:s2+$0x78F0 ss:$0x81] =	vst.msk $0xffff, v5  }
0xa4: {  	[tilespmem:s2+$0x0 ss:$0x81] =	vst.msk $0xffff, v6;
	v3 =	vld [tilespmem:s4+$0x50]  }
0xa5: {  	[tilespmem:s2+$0x810 ss:$0x81] =	vst.msk $0xffff, v7;
	v4 =	vld [tilespmem:s4+$0x60]  }
0xa6: {  	[tilespmem:s2+$0x1020 ss:$0x81] =	vst.msk $0xffff, v1  }
0xa7: {  	[tilespmem:s2+$0x1830 ss:$0x81] =	vst.msk $0xffff, v0  }
0xa8: {  	[tilespmem:s2+$0x2040 ss:$0x81] =	vst.msk $0xffff, v2  }
.Ltmp10:
0xa9: {  	[tilespmem:s2+$0x2850 ss:$0x81] =	vst.msk $0xffff, v3;
	(pc) =	sbr.rel @p3 .LBB1_7-.Ltmp10, $4  }
0xaa: {  	[tilespmem:s2+$0x3060 ss:$0x81] =	vst.msk $0xffff, v4  }
0xab: {  	[tilespmem:s2+$0x3870 ss:$0x81] =	vst.msk $0xffff, v5  }
0xac: {  	[tilespmem:s2+$0x4080 ss:$0x81] =	vst.msk $0xffff, v6  }
0xad: {  	[tilespmem:s2+$0x4890 ss:$0x81] =	vst.msk $0xffff, v7  }
.LBB1_8:
0xae: {  	[tilespmem:s2+$0x50A0 ss:$0x81] =	vst.msk $0xffff, v1  }
0xaf: {  	[tilespmem:s2+$0x58B0 ss:$0x81] =	vst.msk $0xffff, v0  }
0xb0: {  	[tilespmem:s2+$0x60C0 ss:$0x81] =	vst.msk $0xffff, v2  }
0xb1: {  	[tilespmem:s2+$0x68D0 ss:$0x81] =	vst.msk $0xffff, v3  }
0xb2: {  	[tilespmem:s2+$0x70E0 ss:$0x81] =	vst.msk $0xffff, v4  }
.LBB1_9:
.Ltmp11:
0xb3: {  	(pc) =	sbr.rel @p2 .LBB1_12-.Ltmp11, $1  }
0xb4: {  	_ =	sdelay $0x3  }
0xb5: {  	s2 =	sand.u32 $0x7, s3  }
0xb6: {  	s2 =	sadd.s32 s30, s2  }
0xb7: {  	s2 =	sshll.u32 s2, $0x9  }
0xb8: {  	s2 =	sshra.s32 s2, $0x2  }
0xb9: {  	s4 =	sadd.s32 s2, s26  }
0xba: {  	v0 =	vmov s4;
	_ =	sdelay $0x2  }
0xbb: {  	s2 =	sadd.s32 s5, s1;
	s4 =	smov.u32 s25  }
.LBB1_11:
0xbc: {  	s5 =	sand.u32 $0x70, s4;
	s4 =	sadd.s32 $0x10, s4  }
0xbd: {  	v1 =	vld.idx.msk [tilespmem:v0+s5+$0x0 ss:$0x1], $0xffff;
	p3 =	slt.s32 s4, s24  }
.Ltmp12:
0xbe: {  	_ = 	snop;
	(pc) =	sbr.rel @p3 .LBB1_11-.Ltmp12, $2  }
0xbf: {  	_ =	sdelay $0x2  }
0xc0: {  	[tilespmem:s2+$0x0 ss:$0x81] =	vst.msk $0xffff, v1;
	s2 =	sadd.s32 $0x810, s2  }
.Ltmp13:
0xc1: {  	_ = 	snop;
	(pc) =	sbr.rel .LBB1_12-.Ltmp13, $1  }
0xc2: {  	_ =	sdelay $0x3  }
.LBB1_16:
0xc3: {  	_ =	sfence.sel $0x180000  }
0xc4: {  	s0 =	simm.s32 $0x1;
	[bflag:$0x0] =	sbarrier.arrive $0xFFFF  }
0xc5: {  	s30 =	simm.s32 $0x2;
	[sflag:s0] =	ssyncpa.u1 $0x1  }
0xc6: {  	[sflag:s30] =	ssyncpa.u1 $0x1  }
0xc7: {  	_ =	strace $0x90000047  }
0xc8: {  	s31 =	stileid.u32;
	[bflag:$0x2] =	sbarrier.arrive $0xFFFF  }
0xc9: {  	p0 =	sne.s32 s31, $0x0;
	s0 =	rddreg [dreg:$0x1]  }
0xca: {  	s0 =	sadd.s32 @!p0 $0x100000, s0  }
0xcb: {  	[sflag:s0] =	ssyncadd.tile.s32 @!p0 $0x1;
	_ =	shalt  }
.Lfunc_end1:
_tile_overlayer_lowered:
.L_overlay_start_2:
0xcc: {  	(tag) =	ssettag $0x2  }
0xcd: {  	s0 =	rddreg [dreg:$0x0];
	s2 =	stileid.u32  }
0xce: {  	s1 =	rddreg [dreg:$0x1];
	p0 =	sne.s32 s2, $0x0  }
0xcf: {  	s3 =	rddreg [dreg:$0x2];
	[bflag:$0x3] =	sbarrier.arrive $0xFFFF;
	s2 =	simm.s32 @!p0 $0x1C01  }
0xd0: {  	[timem:s3], [sflag:s2] =	dma.local @!p0 [hbm:s0], s1  }
0xd1: {  	s0 =	simm.s32 @!p0 $0x1  }
0xd2: {  	_ =	swait.ge @!p0 [sflag:s0], s1  }
0xd3: {  	s1 =	ssub.s32 @!p0 $0x0, s1;
	[sflag:s0] =	ssyncset.done @!p0 $0x0  }
0xd4: {  	[sflag:s0] =	ssyncadd.s32 @!p0 s1  }
0xd5: {  	[bflag:$0x3] =	sbarrier.arrive $0xFFFF  }
0xd6: {  	_ =	shalt  }

// kernel: sparse-core-data-format-call.cloned.1.call-start
scs
called_computation_lowered:
.L_overlay_start_0:
0x0: {  	s2 =	sld [smem:$0x3FD9]  }
0x1: {  	s3 =	sld [smem:$0x3FFE];
	_ =	sdelay $0x1  }
0x2: {  	s1 =	srdreg.scid  }
0x3: {  	s0 =	sand.u32 $0x1, s1  }
0x4: {  	s18 =	sshll.u32 s0, $0xA;
	s2 =	sadd.s32 s3, s2  }
0x5: {  	s2 =	sadd.s32 s2, s18  }
0x6: {  	[smem:$0x3FC3] =	sst s2  }
0x7: {  	_ = 	snop  }
0x8: {  	s2 =	sld [smem:$0x3FD0];
	(tm) =	ssettm $0x1  }
0x9: {  	s19 =	sld [smem:$0x3FFB];
	_ =	sdelay $0x3  }
0xa: {  	_ =	strace s19  }
0xb: {  	s3 =	sld [smem:$0x3FFC];
	_ =	sdelay $0x3  }
0xc: {  	_ =	strace s3  }
0xd: {  	s3 =	sld [smem:$0x3FFD];
	_ =	sdelay $0x3  }
0xe: {  	_ =	strace s3  }
0xf: {  	_ =	strace $0x8FFFFFFF  }
0x10: {  	s20 =	sld [smem:$0x3FDB];
	_ =	sdelay $0x1  }
0x11: {  	s4 =	simm.s32 $_scs_section_size  }
0x12: {  	s5 =	simm.s32 $_size__tile_overlayer_lowered;
	s6 =	simm.s32 $_tile_overlayer_lowered  }
0x13: {  	s23 =	simm.s32 $0x1BFF;
	s22 =	sshll.u32 s6, $0x1;
	s3 =	sadd.s32 s4, s20  }
0x14: {  	s7 =	simm.s32 $0x0;
	s21 =	sshll.u32 s5, $0x1;
	s5 =	sadd.s32 s22, s3  }
0x15: {  	[timem:s7], [sflag:s23] =	dma.local [hbm:s5], s21  }
0x16: {  	_ =	swait.ge [sflag:s23], s21  }
0x17: {  	s4 =	ssub.s32 $0x0, s21;
	[sflag:s23] =	ssyncset.done $0x0  }
0x18: {  	[sflag:s23] =	ssyncadd.s32 s4;
	_ =	sdelay $0x1  }
0x19: {  	s24 =	simm.s32 $0x1B8B  }
0x1a: {  	_ =	swait.ge [sflag:s24], $0x1  }
0x1b: {  	[sflag:s24] =	ssyncset.done $0x0  }
0x1c: {  	s26 =	simm.s32 $0x1B8E;
	s25 =	sld [smem:$0x3FFE];
	[sflag:s24] =	ssyncadd.s32 $0xFFFFFFFF  }
0x1d: {  	s27 =	simm.s32 $execute0_lowered;
	[smem:$0x3FD2] =	sst s26  }
0x1e: {  	s5 =	sshll.u32 s27, $0x1;
	_ =	strace $0x8000004C;
	[dreg:$0x1] =	wrdreg $0xFFFFFFFF  }
0x1f: {  	s28 =	simm.s32 $_size_execute0_lowered;
	s3 =	sadd.s32 s3, s5;
	[dreg:$0x0] =	wrdreg $0x0  }
0x20: {  	s5 =	sshll.u32 s28, $0x1;
	[dreg:$0x2] =	wrdreg s3  }
0x21: {  	[dreg:$0x3] =	wrdreg s5  }
0x22: {  	[dreg:$0x4] =	wrdreg $0xC0  }
0x23: {  	_ =	task [dreg:s7], $0x5FFFF  }
0x24: {  	[dreg:$0x1] =	wrdreg $0xFFFFFFFF  }
0x25: {  	[dreg:$0x0] =	wrdreg $0x60  }
0x26: {  	[dreg:$0x2] =	wrdreg s25  }
0x27: {  	[dreg:$0x3] =	wrdreg s2  }
0x28: {  	[dreg:$0x4] =	wrdreg $0x9  }
0x29: {  	_ =	task.clear_ibuf [dreg:s7], $0x5FFFF;
	_ =	strace $0x9000004C  }
0x2a: {  	s29 =	simm.s32 $0x9;
	_ =	strace $0x8000004E  }
0x2b: {  	_ =	swait.ge [sflag:s29], $0x1  }
0x2c: {  	[sflag:s29] =	ssyncadd.s32 $0xFFFFFFFF  }
0x2d: {  	_ =	strace $0x9000004E  }
0x2e: {  	_ =	sfence  }
0x2f: {  	s30 =	sld [smem:$0x0];
	_ =	sdelay $0x2  }
0x30: {  	s31 =	sshll.u32 s1, $0xD;
	s1 =	sshrl.u32 s1, $0x2  }
0x31: {  	s3 =	sand.u32 $0x4000, s31;
	s1 =	sadd.s32 s1, s30  }
0x32: {  	s0 =	sor.u32 s3, s0;
	s1 =	sshll.u32 s1, $0x11  }
0x33: {  	s0 =	sor.u32 s1, s0  }
0x34: {  	s0 =	sadd.s32 $0x8F2B, s0  }
0x35: {  	[sflag:s0] =	ssyncadd.remote.s32 $0x1  }
0x36: {  	_ =	sfence.sel $0xFFFF  }
0x37: {  	[dreg:$0x0] =	wrdreg $0xFFFFFFFF;
	(pc) =	sbr.abs _section_cstart, $3  }
0x38: {  	[dreg:$0x1] =	wrdreg $0xFFFFFFFF  }
0x39: {  	_ =	task.clear_ibuf [dreg:s7], $0x2FFFF;
	_ =	strace $0x9FFFFFFF  }
0x3a: {  	(tm) =	ssettm $0x7FFFFFFF  }
0x3b: {  	_ =	shalt  }
tec
execute0_lowered:
.L_overlay_start_1:
0x0: {  	(tag) =	ssettag $0x1  }
0x1: {  	s3 =	rddreg [dreg:$0x0];
	s0 =	srdreg.scid  }
0x2: {  	s2 =	rddreg [dreg:$0x1];
	s1 =	stileid.u32  }
0x3: {  	s5 =	simm.s32 $0x1;
	s6 =	simm.s32 $0x15;
	s8 =	simm.s32 $0x2  }
0x4: {  	s17 =	simm.s32 $0x0;
	s9 =	simm.s32 $0x5400;
	s15 =	simm.s32 $0x0  }
0x5: {  	s18 =	simm.s32 $0x0;
	s16 =	simm.s32 $0x0;
	s10 =	simm.s32 $0x0  }
0x6: {  	s11 =	simm.s32 $0x0;
	s14 =	simm.s32 $0x0;
	s4 =	sshll.u32 s0, $0x4  }
.Ltmp0:
0x7: {  	s0 =	rddreg [dreg:$0x2];
	s4 =	sor.u32 s1, s4;
	(pc) =	sbr.rel .LBB1_1-.Ltmp0, $4  }
0x8: {  	_ =	strace $0x8000004D;
	s3 =	sadd.s32 $0x2A00, s3;
	s4 =	sand.u32 $0x18, s4  }
0x9: {  	s7 =	sand.u32 $0x7, s1;
	[sflag:s5] =	ssyncpa.u1 $0x0;
	p0 =	seq.s32 s4, $0x18  }
0xa: {  	s13 =	smov.u32 s7;
	[sflag:s8] =	ssyncpa.u1 $0x0;
	s6 =	simm.s32 @!p0 $0x2A  }
0xb: {  	s12 =	smov.u32 s4;
	p0 =	por $0x0, $0x0;
	s8 =	sadd.s32 $0x1, s6  }
.LBB1_7:
0xc: {  	s19 =	sadd.s32 $0x80, s10  }
0xd: {  	s15 =	sadd.s32 $0x8, s11;
	s20 =	smov.u32 s11;
	p2 =	sgt.s32 s19, $0x17F  }
0xe: {  	s20 =	smov.u32 @p2 s15  }
0xf: {  	s21 =	smov.u32 s12;
	s15 =	sadd.s32 $0x20, s12;
	p3 =	sgt.s32 s20, $0x37  }
0x10: {  	s21 =	smov.u32 @p3 s15  }
0x11: {  	s22 =	smov.u32 s13;
	s15 =	sadd.s32 $0x8, s13;
	p4 =	sgt.s32 s21, $0x37  }
0x12: {  	p1 =	slt.u32 s14, $0x2;
	s22 =	smov.u32 @p4 s15  }
0x13: {  	s17 =	smov.u32 s10;
	s19 =	simm.s32 @p2 $0x0;
	p2 =	sgt.s32 s22, $0x7  }
0x14: {  	s23 =	simm.s32 @!p1 $0x2;
	s22 =	smov.u32 @p2 s7;
	p2 =	sne.s32 s14, s8  }
.Ltmp1:
0x15: {  	s18 =	smov.u32 s12;
	_ =	swait.ge @!p1 [sflag:s23], $0x2000;
	(pc) =	sbr.rel @!p2 .LBB1_8-.Ltmp1, $4  }
0x16: {  	s16 =	smov.u32 s13;
	p0 =	por !p0, !p0;
	[sflag:s23] =	ssyncset.done @!p1 $0x0  }
0x17: {  	s10 =	smov.u32 s19;
	s20 =	simm.s32 @p3 $0x0;
	[sflag:s23] =	ssyncadd.s32 @!p1 $0xFFFFE000  }
0x18: {  	s21 =	smov.u32 @p4 s4;
	s15 =	smov.u32 s11;
	s11 =	smov.u32 s20  }
0x19: {  	s12 =	smov.u32 s21;
	s14 =	sadd.s32 $0x1, s14;
	s13 =	smov.u32 s22  }
.LBB1_1:
0x1a: {  	p1 =	sge.u32 s14, s6  }
0x1b: {  	s19 =	sshrl.u32 @!p1 s11, $0x3  }
0x1c: {  	s20 =	sshll.u32 @!p1 s10, $0x3;
	s19 =	smul.u32 @!p1 $0xC00, s19  }
0x1d: {  	s21 =	sshll.u32 @!p1 s11, $0x7;
	s20 =	sand.u32 @!p1 $0xFFFFFC00, s20  }
0x1e: {  	s19 =	sadd.s32 @!p1 s19, s20;
	s20 =	sand.u32 @!p1 $0x380, s21  }
0x1f: {  	s21 =	sand.u32 @!p1 $0x7F, s10;
	s19 =	sor.u32 @!p1 s20, s19  }
0x20: {  	s20 =	sor.u32 @!p1 s21, s19;
	s19 =	smulhi.u32 @!p1 $0xAAAAAAAB, s19;
	_ =	sdelay $0x1  }
0x21: {  	s21 =	smulhi.u32 @!p1 $0xAAAAAAAB, s20;
	s19 =	sshrl.u32 @!p1 s19, $0x8  }
0x22: {  	s22 =	smulhi.u32 @!p1 $0x4924925, s19  }
0x23: {  	s24 =	smul.u32 @!p1 $0x24C00, s13  }
0x24: {  	s21 =	sshrl.u32 @!p1 s21, $0x8;
	s22 =	smul.u32 @!p1 $0x38, s22  }
0x25: {  	s31 =	sadd.s32 $0xFFFFFFFF, s14;
	s23 =	sxor.u32 @!p1 $0xFFFFFFFF, s14;
	s21 =	smul.u32 @!p1 $0x180, s21  }
0x26: {  	s23 =	sshll.u32 @!p1 s23, $0xD;
	s19 =	ssub.s32 @!p1 s19, s22;
	s22 =	smul.u32 @!p1 $0xA80, s12  }
0x27: {  	s20 =	ssub.s32 @!p1 s20, s21;
	s21 =	sadd.s32 @!p1 s3, s24;
	s19 =	smul.u32 @!p1 $0x30, s19  }
0x28: {  	s23 =	sand.u32 @!p1 $0x2000, s23;
	s21 =	sadd.s32 @!p1 s22, s21;
	s22 =	sand.u32 @!p1 $0x7, s20  }
0x29: {  	s20 =	sshrl.u32 @!p1 s20, $0x3;
	s19 =	sadd.s32 @!p1 s19, s21;
	s21 =	sshll.u32 @!p1 s22, $0x12  }
0x2a: {  	s19 =	sadd.s32 @!p1 s20, s19;
	s20 =	sor.u32 @!p1 $0x400, s21;
	s21 =	simm.s32 @!p1 $0x5400  }
0x2b: {  	[tilespmem:s23], [sflag:$0x1] =	stream.strided.gather @!p1 [hbm4b:s19+s20], $0x2000, s21, s20, $0x38;
	[tilespmem:$0x8000] =	vst v63  }
0x2c: {  	p1 =	sge.u32 s31, s6  }
.Ltmp2:
0x2d: {  	_ = 	snop;
	(pc) =	sbr.rel @p1 .LBB1_7-.Ltmp2, $1  }
0x2e: {  	_ =	sdelay $0x3  }
0x2f: {  	s19 =	simm.s32 $0x1;
	_ =	swait.ge [sflag:s5], $0x2000;
	s22 =	sshll.u32 s14, $0xD  }
0x30: {  	s19 =	simm.s32 @!p0 $0x0;
	[sflag:s5] =	ssyncset.done $0x0;
	s31 =	sand.u32 $0x2000, s22  }
0x31: {  	s22 =	simm.s32 $0x0;
	s19 =	sshll.u32 s19, $0xD;
	[sflag:s5] =	ssyncadd.s32 $0xFFFFE000  }
0x32: {  	s20 =	sor.u32 $0x4040, s19;
	s21 =	sor.u32 $0x40, s19;
	s19 =	sor.u32 $0x4000, s31  }
.LBB1_3:
0x33: {  	v0 =	vmov s21;
	_ =	sdelay $0x3  }
0x34: {  	s24 =	simm.s32 $0x0  }
0x35: {  	v6 =	vld.idx.msk [tilespmem:v0+s24+$0x30 ss:$0x1], $0xffff  }
0x36: {  	v7 =	vld.idx.msk [tilespmem:v0+s24+$0xFFFFFFC0 ss:$0x1], $0xffff  }
0x37: {  	v5 =	vld.idx.msk [tilespmem:v0+s24+$0xFFFFFFD0 ss:$0x1], $0xffff  }
0x38: {  	v4 =	vld.idx.msk [tilespmem:v0+s24+$0xFFFFFFE0 ss:$0x1], $0xffff  }
0x39: {  	v3 =	vld.idx.msk [tilespmem:v0+s24+$0xFFFFFFF0 ss:$0x1], $0xffff  }
0x3a: {  	v1 =	vld.idx.msk [tilespmem:v0+s24+$0x0 ss:$0x1], $0xffff  }
0x3b: {  	v2 =	vld.idx.msk [tilespmem:v0+s24+$0x10 ss:$0x1], $0xffff;
	[tilespmem:s20+$0x30] =	vst v6  }
0x3c: {  	s23 =	simm.s32 $0x80;
	s25 =	simm.s32 $0x400;
	[tilespmem:s20+$0xFFFFFFC0] =	vst v7;
	v6 =	vld.idx.msk [tilespmem:v0+s24+$0x20 ss:$0x1], $0xffff;
	s24 =	smov.u32 s20  }
.LBB1_4:
0x3d: {  	p1 =	sne.s32 s25, $0xE00;
	v7 =	vld.idx.msk [tilespmem:v0+s23+$0x30 ss:$0x1], $0xffff;
	[tilespmem:s24+$0xFFFFFFD0] =	vst v5  }
0x3e: {  	v8 =	vld.idx.msk [tilespmem:v0+s23+$0xFFFFFFC0 ss:$0x1], $0xffff;
	[tilespmem:s24+$0xFFFFFFE0] =	vst v4  }
0x3f: {  	v5 =	vld.idx.msk [tilespmem:v0+s23+$0xFFFFFFD0 ss:$0x1], $0xffff;
	[tilespmem:s24+$0xFFFFFFF0] =	vst v3  }
.Ltmp3:
0x40: {  	v4 =	vld.idx.msk [tilespmem:v0+s23+$0xFFFFFFE0 ss:$0x1], $0xffff;
	[tilespmem:s24+$0x0] =	vst v1;
	(pc) =	sbr.rel @p1 .LBB1_4-.Ltmp3, $4  }
0x41: {  	v3 =	vld.idx.msk [tilespmem:v0+s23+$0xFFFFFFF0 ss:$0x1], $0xffff;
	[tilespmem:s24+$0x10] =	vst v2  }
0x42: {  	v1 =	vld.idx.msk [tilespmem:v0+s23+$0x0 ss:$0x1], $0xffff;
	[tilespmem:s24+$0x20] =	vst v6;
	s24 =	sadd.s32 $0x400, s24  }
0x43: {  	v2 =	vld.idx.msk [tilespmem:v0+s23+$0x10 ss:$0x1], $0xffff;
	[tilespmem:s24+$0x30] =	vst v7  }
0x44: {  	[tilespmem:s24+$0xFFFFFFC0] =	vst v8;
	v6 =	vld.idx.msk [tilespmem:v0+s23+$0x20 ss:$0x1], $0xffff;
	s23 =	sshra.s32 s25, $0x2;
	s25 =	sadd.s32 $0x200, s25  }
0x45: {  	_ =	sdelay $0x2  }
0x46: {  	[tilespmem:s24+$0xFFFFFFD0] =	vst v5  }
0x47: {  	v56 =	vld.idx.msk [tilespmem:v0+s23+$0x30 ss:$0x1], $0xffff;
	[tilespmem:s24+$0xFFFFFFE0] =	vst v4  }
0x48: {  	v57 =	vld.idx.msk [tilespmem:v0+s23+$0xFFFFFFC0 ss:$0x1], $0xffff;
	[tilespmem:s24+$0xFFFFFFF0] =	vst v3  }
0x49: {  	v58 =	vld.idx.msk [tilespmem:v0+s23+$0xFFFFFFD0 ss:$0x1], $0xffff;
	[tilespmem:s24+$0x0] =	vst v1  }
0x4a: {  	v59 =	vld.idx.msk [tilespmem:v0+s23+$0xFFFFFFE0 ss:$0x1], $0xffff;
	[tilespmem:s24+$0x10] =	vst v2  }
0x4b: {  	v60 =	vld.idx.msk [tilespmem:v0+s23+$0xFFFFFFF0 ss:$0x1], $0xffff;
	s31 =	sadd.s32 $0x400, s24;
	[tilespmem:s24+$0x20] =	vst v6  }
0x4c: {  	v61 =	vld.idx.msk [tilespmem:v0+s23+$0x0 ss:$0x1], $0xffff;
	[tilespmem:s31+$0x30] =	vst v56  }
0x4d: {  	v62 =	vld.idx.msk [tilespmem:v0+s23+$0x10 ss:$0x1], $0xffff;
	s22 =	sadd.s32 $0x1, s22;
	[tilespmem:s31+$0xFFFFFFC0] =	vst v57  }
0x4e: {  	v63 =	vld.idx.msk [tilespmem:v0+s23+$0x20 ss:$0x1], $0xffff;
	p1 =	sne.s32 s22, $0x8;
	[tilespmem:s31+$0xFFFFFFD0] =	vst v58  }
.Ltmp4:
0x4f: {  	[tilespmem:s31+$0xFFFFFFE0] =	vst v59;
	(pc) =	sbr.rel @p1 .LBB1_3-.Ltmp4, $4  }
0x50: {  	[tilespmem:s31+$0xFFFFFFF0] =	vst v60  }
0x51: {  	[tilespmem:s31+$0x0] =	vst v61  }
0x52: {  	[tilespmem:s31+$0x10] =	vst v62  }
0x53: {  	s20 =	sadd.s32 $0x80, s20;
	s21 =	sadd.s32 $0x400, s21;
	[tilespmem:s31+$0x20] =	vst v63  }
0x54: {  	s20 =	sshrl.u32 s18, $0x3  }
0x55: {  	s21 =	sshll.u32 s17, $0x3;
	s20 =	smul.u32 $0xC00, s20  }
0x56: {  	s27 =	sshll.u32 s18, $0x7;
	s21 =	sand.u32 $0xFFFFFC00, s21  }
0x57: {  	s18 =	sand.u32 $0x380, s27;
	s20 =	sadd.s32 s20, s21  }
0x58: {  	s28 =	sand.u32 $0x7F, s17;
	s18 =	sor.u32 s18, s20  }
0x59: {  	s17 =	sor.u32 s28, s18;
	s18 =	smulhi.u32 $0xAAAAAAAB, s18;
	_ =	sdelay $0x1  }
0x5a: {  	s16 =	smul.u32 $0x24C00, s16;
	s18 =	sshrl.u32 s18, $0x8  }
0x5b: {  	s30 =	smulhi.u32 $0x4924925, s18  }
0x5c: {  	s29 =	smulhi.u32 $0xAAAAAAAB, s17  }
0x5d: {  	s21 =	smul.u32 $0x38, s30  }
0x5e: {  	s15 =	smul.u32 $0xA80, s15;
	s20 =	sshrl.u32 s29, $0x8  }
0x5f: {  	s20 =	smul.u32 $0x180, s20;
	s18 =	ssub.s32 s18, s21  }
0x60: {  	s18 =	smul.u32 $0x30, s18  }
.Ltmp5:
0x61: {  	s16 =	sadd.s32 s2, s16;
	s17 =	ssub.s32 s17, s20;
	(pc) =	sbr.rel .LBB1_7-.Ltmp5, $4  }
0x62: {  	s15 =	sadd.s32 s15, s16;
	s31 =	sand.u32 $0x7, s17  }
0x63: {  	s17 =	sshrl.u32 s17, $0x3;
	s16 =	sshll.u32 s31, $0x12;
	s15 =	sadd.s32 s18, s15  }
0x64: {  	s16 =	sor.u32 $0x400, s16;
	s15 =	sadd.s32 s17, s15  }
0x65: {  	[hbm4b:s15+s16] =	stream.strided.scatter [tilespmem:s19], [sflag:$0x2], $0x2000, s9, s16, $0x38;
	[tilespmem:$0x8000] =	vst v63  }
.LBB1_8:
0x66: {  	_ =	sfence.sel $0x180000  }
0x67: {  	s2 =	simm.s32 $0x1;
	[bflag:$0x0] =	sbarrier.arrive $0xFFFF  }
0x68: {  	s31 =	simm.s32 $0x2;
	[sflag:s2] =	ssyncpa.u1 $0x1  }
0x69: {  	[sflag:s31] =	ssyncpa.u1 $0x1  }
0x6a: {  	p0 =	sne.s32 s1, $0x0;
	_ =	strace $0x9000004D  }
0x6b: {  	s0 =	sadd.s32 @!p0 $0x100000, s0;
	[bflag:$0x2] =	sbarrier.arrive $0xFFFF  }
0x6c: {  	[sflag:s0] =	ssyncadd.tile.s32 @!p0 $0x1;
	_ =	shalt  }
.Lfunc_end1:
_tile_overlayer_lowered:
.L_overlay_start_2:
0x6d: {  	(tag) =	ssettag $0x2  }
0x6e: {  	s0 =	rddreg [dreg:$0x0];
	s2 =	stileid.u32  }
0x6f: {  	s1 =	rddreg [dreg:$0x1];
	p0 =	sne.s32 s2, $0x0  }
0x70: {  	s3 =	rddreg [dreg:$0x2];
	[bflag:$0x3] =	sbarrier.arrive $0xFFFF;
	s2 =	simm.s32 @!p0 $0x1C01  }
0x71: {  	[timem:s3], [sflag:s2] =	dma.local @!p0 [hbm:s0], s1  }
0x72: {  	s0 =	simm.s32 @!p0 $0x1  }
0x73: {  	_ =	swait.ge @!p0 [sflag:s0], s1  }
0x74: {  	s1 =	ssub.s32 @!p0 $0x0, s1;
	[sflag:s0] =	ssyncset.done @!p0 $0x0  }
0x75: {  	[sflag:s0] =	ssyncadd.s32 @!p0 s1  }
0x76: {  	[bflag:$0x3] =	sbarrier.arrive $0xFFFF  }
0x77: {  	_ =	shalt  }

</sc_bundles>
